<compile_context>
chip_gen: v7x
topology: tpu7x:2x2x1
jax: 0.10.2.dev20260603
libtpu: 0.0.44.dev20260713+nightly
codegen_flags: <defaults>
</compile_context>

<pallas_src>
import jax
import jax.numpy as jnp
from jax import lax
from jax.experimental import pallas as pl
from jax.experimental.pallas import tpu as pltpu
from jax.experimental.pallas import tpu_sc as plsc

_NC = 2
_NS = 16
_NW = _NC * _NS
_L = 16
_CHUNK_A = 1024
_CHUNK_C = 512

_R_MAX = 6.0
_RHO_MAX = 50.0


def _rsqrt(s):
    i = lax.bitcast_convert_type(s, jnp.int32)
    i = jnp.int32(0x5F3759DF) - (i >> 1)
    y = lax.bitcast_convert_type(i, jnp.float32)
    half = jnp.float32(0.5) * s
    for _ in range(3):
        y = y * (jnp.float32(1.5) - half * y * y)
    return y


def _interp(tab_ref, b0, b1, frac):
    v0 = plsc.load_gather(tab_ref, [b0])
    v1 = plsc.load_gather(tab_ref, [b1])
    return v0 + frac * (v1 - v0)


def _r_to_table(r_vec, n_r):
    inv_dr = jnp.float32((n_r - 1) / _R_MAX)
    rc = jnp.minimum(r_vec, jnp.float32(_R_MAX * (1.0 - 1e-7)))
    rc = jnp.maximum(rc, jnp.float32(0.0))
    idxf = rc * inv_dr
    ii = idxf.astype(jnp.int32)
    fr = idxf - ii.astype(jnp.float32)
    ni = jnp.minimum(ii + 1, jnp.int32(n_r - 1))
    return ii, ni, fr


def _mesh():
    return plsc.VectorSubcoreMesh(core_axis_name="c", subcore_axis_name="s",
                                  num_cores=_NC, num_subcores=_NS)


def _sc_params():
    return pltpu.CompilerParams(use_tc_tiling_on_sc=False,
                                needs_layout_passes=False)


def kernel(coords, edge_index, atom_types, density_table, density_deriv_table,
           pair_table, pair_deriv_table, embed_table, embed_deriv_table):
    N = coords.shape[0]
    E = edge_index.shape[1]
    T, N_R = density_table.shape
    N_RHO = embed_table.shape[1]

    NPAD = -(-(N + 1) // 256) * 256
    EW = -(-(-(-E // _NW)) // _CHUNK_A) * _CHUNK_A
    EPAD = EW * _NW
    SL = NPAD // _NS
    AW = NPAD // _NW

    f32 = jnp.float32
    coords = coords.astype(f32)
    types_i = atom_types.astype(jnp.int32)

    tflt = types_i.astype(f32)
    packed_a = jnp.pad(jnp.concatenate([coords, tflt[:, None]], axis=1),
                       ((0, NPAD - N), (0, 12)))
    esrc = jnp.pad(edge_index[0].astype(jnp.int32), (0, EPAD - E),
                   constant_values=N).reshape(EPAD // 128, 128)
    edst = jnp.pad(edge_index[1].astype(jnp.int32), (0, EPAD - E),
                   constant_values=N).reshape(EPAD // 128, 128)
    tpad = jnp.pad(types_i, (0, NPAD - N))
    zeros_n = jnp.zeros((NPAD,), f32)
    dflat = density_table.reshape(-1).astype(f32)
    ddflat = density_deriv_table.reshape(-1).astype(f32)
    pflat = pair_table.reshape(-1).astype(f32)
    pdflat = pair_deriv_table.reshape(-1).astype(f32)
    eflat = embed_table.reshape(-1).astype(f32)
    edflat = embed_deriv_table.reshape(-1).astype(f32)

    def a_body(esrc_h, edst_h, atoms_h, dtab_h, zeros_h, rho_out,
               idx_s, idx_d, rows_s, rows_d, vals, dtab, rho_sp, sem):
        c0 = jnp.zeros((_L,), jnp.int32)
        c1 = jnp.full((_L,), 1, jnp.int32)
        c2 = jnp.full((_L,), 2, jnp.int32)
        c3 = jnp.full((_L,), 3, jnp.int32)
        c = lax.axis_index("c")
        s = lax.axis_index("s")
        wid = s * _NC + c
        crows = _CHUNK_A // 128
        pltpu.sync_copy(dtab_h, dtab)
        pltpu.sync_copy(zeros_h.at[pl.ds(s * SL, SL)],
                        rho_sp.at[pl.ds(s * SL, SL)])
        plsc.subcore_barrier()

        def chunk(j, carry):
            row0 = wid * (EW // 128) + j * crows
            pltpu.sync_copy(esrc_h.at[pl.ds(row0, crows)], idx_s)
            pltpu.sync_copy(edst_h.at[pl.ds(row0, crows)], idx_d)
            cps = []
            for r in range(crows):
                cps.append(pltpu.async_copy(atoms_h.at[idx_s.at[r]],
                                            rows_s.at[r], sem))
                cps.append(pltpu.async_copy(atoms_h.at[idx_d.at[r]],
                                            rows_d.at[r], sem))
            for cp in cps:
                cp.wait()

            def vec(q, acc):
                rv = jnp.full((_L,), q // 8, jnp.int32)
                lv = (q % 8) * _L + lax.iota(jnp.int32, _L)
                xs = plsc.load_gather(rows_s, [rv, lv, c0])
                ys = plsc.load_gather(rows_s, [rv, lv, c1])
                zs = plsc.load_gather(rows_s, [rv, lv, c2])
                tb = plsc.load_gather(rows_s, [rv, lv, c3])
                xd = plsc.load_gather(rows_d, [rv, lv, c0])
                yd = plsc.load_gather(rows_d, [rv, lv, c1])
                zd = plsc.load_gather(rows_d, [rv, lv, c2])
                dx = xd - xs
                dy = yd - ys
                dz = zd - zs
                s2 = dx * dx + dy * dy + dz * dz + jnp.float32(1e-12)
                rr = s2 * _rsqrt(s2)
                ii, ni, fr = _r_to_table(rr, N_R)
                ts = tb.astype(jnp.int32)
                b = ts * N_R
                vals[pl.ds(q * _L, _L)] = _interp(dtab, b + ii, b + ni, fr)
                return acc
            lax.fori_loop(0, _CHUNK_A // _L, vec, 0)
            for r in range(crows):
                pltpu.sync_copy(vals.at[pl.ds(r * 128, 128)],
                                rho_sp.at[idx_d.at[r]], add=True)
            return carry
        lax.fori_loop(0, EW // _CHUNK_A, chunk, 0)
        plsc.subcore_barrier()
        pltpu.sync_copy(rho_sp.at[pl.ds(s * SL, SL)],
                        rho_out.at[pl.ds(c * NPAD + s * SL, SL)])

    rho_part = pl.kernel(
        a_body,
        out_type=jax.ShapeDtypeStruct((_NC * NPAD,), f32),
        mesh=_mesh(),
        compiler_params=_sc_params(),
        scratch_types=[
            pltpu.VMEM((_CHUNK_A // 128, 128), jnp.int32),
            pltpu.VMEM((_CHUNK_A // 128, 128), jnp.int32),
            pltpu.VMEM((_CHUNK_A // 128, 128, 16), f32),
            pltpu.VMEM((_CHUNK_A // 128, 128, 16), f32),
            pltpu.VMEM((_CHUNK_A,), f32),
            pltpu.VMEM((T * N_R,), f32),
            pltpu.VMEM_SHARED((NPAD,), f32),
            pltpu.SemaphoreType.DMA,
        ],
    )(esrc, edst, packed_a, dflat, zeros_n)

    def b_body(rho_h, t_h, et_h, edt_h, fp_out, fsum_out,
               rho0, rho1, tv, fpv, et, edt, accbuf):
        c = lax.axis_index("c")
        s = lax.axis_index("s")
        wid = s * _NC + c
        base = wid * AW
        pltpu.sync_copy(et_h, et)
        pltpu.sync_copy(edt_h, edt)
        pltpu.sync_copy(rho_h.at[pl.ds(base, AW)], rho0)
        pltpu.sync_copy(rho_h.at[pl.ds(NPAD + base, AW)], rho1)
        pltpu.sync_copy(t_h.at[pl.ds(base, AW)], tv)
        inv_drho = jnp.float32((N_RHO - 1) / _RHO_MAX)

        def vec(q, acc):
            rho = rho0[pl.ds(q * _L, _L)] + rho1[pl.ds(q * _L, _L)]
            rc = jnp.minimum(jnp.maximum(rho, jnp.float32(0.0)),
                             jnp.float32(_RHO_MAX * (1.0 - 1e-7)))
            rf = rc * inv_drho
            ri = rf.astype(jnp.int32)
            fr = rf - ri.astype(jnp.float32)
            ni = jnp.minimum(ri + 1, jnp.int32(N_RHO - 1))
            eb = tv[pl.ds(q * _L, _L)] * N_RHO
            F = _interp(et, eb + ri, eb + ni, fr)
            Fp = _interp(edt, eb + ri, eb + ni, fr)
            fpv[pl.ds(q * _L, _L)] = Fp
            gidx = base + q * _L + lax.iota(jnp.int32, _L)
            return acc + jnp.where(gidx < N, F, jnp.float32(0.0))
        acc = lax.fori_loop(0, AW // _L, vec, jnp.zeros((_L,), f32))
        accbuf[...] = acc
        pltpu.sync_copy(fpv, fp_out.at[pl.ds(base, AW)])
        pltpu.sync_copy(accbuf, fsum_out.at[pl.ds(wid * _L, _L)])

    fp, fsum = pl.kernel(
        b_body,
        out_type=(jax.ShapeDtypeStruct((NPAD,), f32),
                  jax.ShapeDtypeStruct((_NW * _L,), f32)),
        mesh=_mesh(),
        compiler_params=_sc_params(),
        scratch_types=[
            pltpu.VMEM((AW,), f32),
            pltpu.VMEM((AW,), f32),
            pltpu.VMEM((AW,), jnp.int32),
            pltpu.VMEM((AW,), f32),
            pltpu.VMEM((T * N_RHO,), f32),
            pltpu.VMEM((T * N_RHO,), f32),
            pltpu.VMEM((_L,), f32),
        ],
    )(rho_part, tpad, eflat, edflat)

    packed_c = jnp.concatenate(
        [packed_a[:, :4], fp[:, None], jnp.zeros((NPAD, 11), f32)], axis=1)

    def c_body(esrc_h, edst_h, atoms_h, ddtab_h, ptab_h, pdtab_h, zeros_h,
               fx_out, fy_out, fz_out, psum_out,
               idx_s, idx_d, rows_s, rows_d, fxv, fyv, fzv,
               ddtab, ptab, pdtab, accbuf, fx_sp, fy_sp, fz_sp, sem):
        c0 = jnp.zeros((_L,), jnp.int32)
        c1 = jnp.full((_L,), 1, jnp.int32)
        c2 = jnp.full((_L,), 2, jnp.int32)
        c3 = jnp.full((_L,), 3, jnp.int32)
        c4 = jnp.full((_L,), 4, jnp.int32)
        c = lax.axis_index("c")
        s = lax.axis_index("s")
        wid = s * _NC + c
        crows = _CHUNK_C // 128
        pltpu.sync_copy(ddtab_h, ddtab)
        pltpu.sync_copy(ptab_h, ptab)
        pltpu.sync_copy(pdtab_h, pdtab)
        for t in (fx_sp, fy_sp, fz_sp):
            pltpu.sync_copy(zeros_h.at[pl.ds(s * SL, SL)],
                            t.at[pl.ds(s * SL, SL)])
        plsc.subcore_barrier()

        def chunk(j, acc):
            row0 = wid * (EW // 128) + j * crows
            pltpu.sync_copy(esrc_h.at[pl.ds(row0, crows)], idx_s)
            pltpu.sync_copy(edst_h.at[pl.ds(row0, crows)], idx_d)
            cps = []
            for r in range(crows):
                cps.append(pltpu.async_copy(atoms_h.at[idx_s.at[r]],
                                            rows_s.at[r], sem))
                cps.append(pltpu.async_copy(atoms_h.at[idx_d.at[r]],
                                            rows_d.at[r], sem))
            for cp in cps:
                cp.wait()
            ebase = wid * EW + j * _CHUNK_C

            def vec(q, a):
                rv = jnp.full((_L,), q // 8, jnp.int32)
                lv = (q % 8) * _L + lax.iota(jnp.int32, _L)
                xs = plsc.load_gather(rows_s, [rv, lv, c0])
                ys = plsc.load_gather(rows_s, [rv, lv, c1])
                zs = plsc.load_gather(rows_s, [rv, lv, c2])
                tbs = plsc.load_gather(rows_s, [rv, lv, c3])
                fps = plsc.load_gather(rows_s, [rv, lv, c4])
                xd = plsc.load_gather(rows_d, [rv, lv, c0])
                yd = plsc.load_gather(rows_d, [rv, lv, c1])
                zd = plsc.load_gather(rows_d, [rv, lv, c2])
                tbd = plsc.load_gather(rows_d, [rv, lv, c3])
                fpd = plsc.load_gather(rows_d, [rv, lv, c4])
                dx = xd - xs
                dy = yd - ys
                dz = zd - zs
                s2 = dx * dx + dy * dy + dz * dz + jnp.float32(1e-12)
                invr = _rsqrt(s2)
                rr = s2 * invr
                ii, ni, fr = _r_to_table(rr, N_R)
                ts = tbs.astype(jnp.int32)
                td = tbd.astype(jnp.int32)
                bs = ts * N_R
                bd = td * N_R
                rds = _interp(ddtab, bs + ii, bs + ni, fr)
                rdd = _interp(ddtab, bd + ii, bd + ni, fr)
                pb = (td * T + ts) * N_R
                phi = _interp(ptab, pb + ii, pb + ni, fr)
                phip = _interp(pdtab, pb + ii, pb + ni, fr)
                dEdr = fpd * rds + fps * rdd + phip
                coef = -dEdr * invr
                fxv[pl.ds(q * _L, _L)] = coef * dx
                fyv[pl.ds(q * _L, _L)] = coef * dy
                fzv[pl.ds(q * _L, _L)] = coef * dz
                gidx = ebase + q * _L + lax.iota(jnp.int32, _L)
                return a + jnp.where(gidx < E, phi, jnp.float32(0.0))
            acc = lax.fori_loop(0, _CHUNK_C // _L, vec, acc)
            for r in range(crows):
                pltpu.sync_copy(fxv.at[pl.ds(r * 128, 128)],
                                fx_sp.at[idx_d.at[r]], add=True)
                pltpu.sync_copy(fyv.at[pl.ds(r * 128, 128)],
                                fy_sp.at[idx_d.at[r]], add=True)
                pltpu.sync_copy(fzv.at[pl.ds(r * 128, 128)],
                                fz_sp.at[idx_d.at[r]], add=True)
            return acc
        acc = lax.fori_loop(0, EW // _CHUNK_C, chunk, jnp.zeros((_L,), f32))
        accbuf[...] = acc
        plsc.subcore_barrier()
        pltpu.sync_copy(fx_sp.at[pl.ds(s * SL, SL)],
                        fx_out.at[pl.ds(c * NPAD + s * SL, SL)])
        pltpu.sync_copy(fy_sp.at[pl.ds(s * SL, SL)],
                        fy_out.at[pl.ds(c * NPAD + s * SL, SL)])
        pltpu.sync_copy(fz_sp.at[pl.ds(s * SL, SL)],
                        fz_out.at[pl.ds(c * NPAD + s * SL, SL)])
        pltpu.sync_copy(accbuf, psum_out.at[pl.ds(wid * _L, _L)])

    fx_p, fy_p, fz_p, psum = pl.kernel(
        c_body,
        out_type=(jax.ShapeDtypeStruct((_NC * NPAD,), f32),
                  jax.ShapeDtypeStruct((_NC * NPAD,), f32),
                  jax.ShapeDtypeStruct((_NC * NPAD,), f32),
                  jax.ShapeDtypeStruct((_NW * _L,), f32)),
        mesh=_mesh(),
        compiler_params=_sc_params(),
        scratch_types=[
            pltpu.VMEM((_CHUNK_C // 128, 128), jnp.int32),
            pltpu.VMEM((_CHUNK_C // 128, 128), jnp.int32),
            pltpu.VMEM((_CHUNK_C // 128, 128, 16), f32),
            pltpu.VMEM((_CHUNK_C // 128, 128, 16), f32),
            pltpu.VMEM((_CHUNK_C,), f32),
            pltpu.VMEM((_CHUNK_C,), f32),
            pltpu.VMEM((_CHUNK_C,), f32),
            pltpu.VMEM((T * N_R,), f32),
            pltpu.VMEM((T * T * N_R,), f32),
            pltpu.VMEM((T * T * N_R,), f32),
            pltpu.VMEM((_L,), f32),
            pltpu.VMEM_SHARED((NPAD,), f32),
            pltpu.VMEM_SHARED((NPAD,), f32),
            pltpu.VMEM_SHARED((NPAD,), f32),
            pltpu.SemaphoreType.DMA,
        ],
    )(esrc, edst, packed_c, ddflat, pflat, pdflat, zeros_n)

    def d_body(fx_r, fy_r, fz_r, fs_r, ps_r, of_r, oe_r):
        of_r[0:1, :] = fx_r[0:1, :] + fx_r[1:2, :]
        of_r[1:2, :] = fy_r[0:1, :] + fy_r[1:2, :]
        of_r[2:3, :] = fz_r[0:1, :] + fz_r[1:2, :]
        e = jnp.sum(fs_r[...]) + jnp.float32(0.5) * jnp.sum(ps_r[...])
        oe_r[...] = jnp.reshape(e, (1, 1))

    forces_t, e_out = pl.pallas_call(
        d_body,
        out_shape=(jax.ShapeDtypeStruct((3, NPAD), f32),
                   jax.ShapeDtypeStruct((1, 1), f32)),
    )(fx_p.reshape(_NC, NPAD), fy_p.reshape(_NC, NPAD),
      fz_p.reshape(_NC, NPAD), fsum.reshape(4, _NW * _L // 4),
      psum.reshape(4, _NW * _L // 4))

    energy = e_out[0, 0]
    forces = forces_t[:, :N].T
    return energy, forces

# --- scband reference (transcript-rebuilt; emitter-appended) ---
"""Pipeline reference for scband-eamforce-7473243095382 (READ-ONLY COPY).

The authoritative reference and input builder live on the scoring server;
editing this copy changes nothing except your own understanding.
"""

import jax, jax.numpy as jnp
import numpy as np

N = 100000
E = 3200000
T = 2
N_R = 8192
N_RHO = 4096
R_MAX = 6.0
RHO_MAX = 50.0


def setup_inputs(seed: int = 0) -> dict:
    key = jax.random.key(seed)
    ks = jax.random.split(key, 9)
    return {
        "coords": jax.random.normal(ks[0], (N, 3), dtype=jnp.float32) * 10.0,
        "edge_index": jax.random.randint(ks[1], (2, E), 0, N, dtype=jnp.int32),
        "atom_types": jax.random.randint(ks[2], (N,), 0, T, dtype=jnp.int32),
        "density_table": jax.random.uniform(ks[3], (T, N_R), dtype=jnp.float32),
        "density_deriv_table": jax.random.normal(ks[4], (T, N_R), dtype=jnp.float32) * 0.1,
        "pair_table": jax.random.normal(ks[5], (T, T, N_R), dtype=jnp.float32) * 0.1,
        "pair_deriv_table": jax.random.normal(ks[6], (T, T, N_R), dtype=jnp.float32) * 0.1,
        "embed_table": jax.random.normal(ks[7], (T, N_RHO), dtype=jnp.float32) * 0.1,
        "embed_deriv_table": jax.random.normal(ks[8], (T, N_RHO), dtype=jnp.float32) * 0.1,
    }


def _interp_r(table, tvec, idx, nidx, frac):
    # per-edge linear interpolation into a per-type uniform r-table via flat gather
    flat = table.reshape(-1)
    base = tvec * N_R
    v0 = jnp.take(flat, base + idx)
    v1 = jnp.take(flat, base + nidx)
    return v0 + frac * (v1 - v0)


def reference(coords, edge_index, atom_types, density_table, density_deriv_table, pair_table, pair_deriv_table, embed_table, embed_deriv_table):
    src = edge_index[0]
    dst = edge_index[1]
    d = jnp.take(coords, dst, axis=0) - jnp.take(coords, src, axis=0)
    r = jnp.sqrt(jnp.sum(d * d, axis=1) + 1e-12)
    inv_dr = (N_R - 1) / R_MAX
    r_c = jnp.clip(r, 0.0, R_MAX * (1.0 - 1e-7))
    idx_f = r_c * inv_dr
    idx = idx_f.astype(jnp.int32)
    frac = idx_f - idx.astype(jnp.float32)
    nidx = jnp.minimum(idx + 1, N_R - 1)
    t_src = jnp.take(atom_types, src)
    t_dst = jnp.take(atom_types, dst)
    # electron density contributions (binned table lookup) + scatter-add per atom
    rho_contrib = _interp_r(density_table, t_src, idx, nidx, frac)
    rho = jnp.zeros((N,), jnp.float32).at[dst].add(rho_contrib)
    # embedding energy F(rho) via per-type uniform rho-table
    inv_drho = (N_RHO - 1) / RHO_MAX
    rho_c = jnp.clip(rho, 0.0, RHO_MAX * (1.0 - 1e-7))
    ridx_f = rho_c * inv_drho
    ridx = ridx_f.astype(jnp.int32)
    rfrac = ridx_f - ridx.astype(jnp.float32)
    rnidx = jnp.minimum(ridx + 1, N_RHO - 1)
    ebase = atom_types * N_RHO
    eflat = embed_table.reshape(-1)
    e0 = jnp.take(eflat, ebase + ridx)
    e1 = jnp.take(eflat, ebase + rnidx)
    F_i = e0 + rfrac * (e1 - e0)
    edflat = embed_deriv_table.reshape(-1)
    ed0 = jnp.take(edflat, ebase + ridx)
    ed1 = jnp.take(edflat, ebase + rnidx)
    Fp_i = ed0 + rfrac * (ed1 - ed0)
    # pair potential phi(r) and derivative, table indexed by (type_i, type_j)
    pbase = (t_dst * T + t_src) * N_R
    pflat = pair_table.reshape(-1)
    p0 = jnp.take(pflat, pbase + idx)
    p1 = jnp.take(pflat, pbase + nidx)
    phi = p0 + frac * (p1 - p0)
    pdflat = pair_deriv_table.reshape(-1)
    pd0 = jnp.take(pdflat, pbase + idx)
    pd1 = jnp.take(pdflat, pbase + nidx)
    phip = pd0 + frac * (pd1 - pd0)
    # EAM force: dE/dr = F'_i * rho'_j(r) + F'_j * rho'_i(r) + phi'(r)
    rho_deriv_src = _interp_r(density_deriv_table, t_src, idx, nidx, frac)
    rho_deriv_dst = _interp_r(density_deriv_table, t_dst, idx, nidx, frac)
    dEdr = jnp.take(Fp_i, dst) * rho_deriv_src + jnp.take(Fp_i, src) * rho_deriv_dst + phip
    unit = d / r[:, None]
    f_edge = -dEdr[:, None] * unit
    forces = jnp.zeros((N, 3), jnp.float32).at[dst].add(f_edge)
    energy = jnp.sum(F_i) + 0.5 * jnp.sum(phi)
    return energy, forces

if __name__ == "__main__":
    import jax
    _d = setup_inputs()
    print(jax.jit(kernel)(*tuple(_d.values())))

</pallas_src>

<mosaic_0001>
#map = affine_map<(d0, d1) -> (0, 0)>
#map1 = affine_map<(d0, d1) -> (0)>
module attributes {stable_mosaic.version = 14 : i64} {
  func.func @a_body(%arg0: i32, %arg1: i32, %arg2: memref<25088x128xi32, #tpu.memory_space<hbm>>, %arg3: memref<25088x128xi32, #tpu.memory_space<hbm>>, %arg4: memref<100096x16xf32, #tpu.memory_space<hbm>>, %arg5: memref<16384xf32, #tpu.memory_space<hbm>>, %arg6: memref<100096xf32, #tpu.memory_space<hbm>>, %arg7: memref<200192xf32, #tpu.memory_space<hbm>>, %arg8: memref<8x128xi32, #tpu.memory_space<vmem>>, %arg9: memref<8x128xi32, #tpu.memory_space<vmem>>, %arg10: memref<8x128x16xf32, #tpu.memory_space<vmem>>, %arg11: memref<8x128x16xf32, #tpu.memory_space<vmem>>, %arg12: memref<1024xf32, #tpu.memory_space<vmem>>, %arg13: memref<16384xf32, #tpu.memory_space<vmem>>, %arg14: memref<100096xf32, #tpu.memory_space<vmem_shared>>, %arg15: memref<!tpu.dma_semaphore, #tpu.memory_space<semaphore_mem>>) attributes {dimension_semantics = [#tpu.dimension_semantics<core_parallel>, #tpu.dimension_semantics<subcore_parallel>], iteration_bounds = array<i64: 2, 16>, scalar_prefetch = 0 : i64, scratch_operands = 8 : i64, tpu.core_type = #tpu.core_type<sc_vector_subcore>, window_params = [{transform_indices = #map}, {transform_indices = #map}, {transform_indices = #map}, {transform_indices = #map1}, {transform_indices = #map1}, {transform_indices = #map1}]} {
    %broadcast_in_dim3A = arith.constant 0 : i32
    %broadcast_in_dim3A_0 = vector.broadcast %broadcast_in_dim3A : i32 to vector<16xi32>
    %broadcast_in_dim3A_1 = arith.constant 1 : i32
    %broadcast_in_dim3A_2 = vector.broadcast %broadcast_in_dim3A_1 : i32 to vector<16xi32>
    %broadcast_in_dim3A_3 = arith.constant 2 : i32
    %broadcast_in_dim3A_4 = vector.broadcast %broadcast_in_dim3A_3 : i32 to vector<16xi32>
    %broadcast_in_dim3A_5 = arith.constant 3 : i32
    %broadcast_in_dim3A_6 = vector.broadcast %broadcast_in_dim3A_5 : i32 to vector<16xi32>
    %mul3A = arith.constant 2 : i32
    %mul3A_7 = arith.muli %arg1, %mul3A : i32
    %add3A = arith.addi %mul3A_7, %arg0 : i32
    "tpu.region"() ({
      %run_scoped3A = tpu.sem_alloc : memref<!tpu.dma_semaphore, #tpu.memory_space<semaphore_mem>>
      tpu.enqueue_dma source(%arg5 : memref<16384xf32, #tpu.memory_space<hbm>>) target(%arg13 : memref<16384xf32, #tpu.memory_space<vmem>>) target_semaphore(%run_scoped3A : memref<!tpu.dma_semaphore, #tpu.memory_space<semaphore_mem>>)
      tpu.wait_dma2 semaphore(%run_scoped3A : memref<!tpu.dma_semaphore, #tpu.memory_space<semaphore_mem>>) src(%arg5 : memref<16384xf32, #tpu.memory_space<hbm>>) dst(%arg13 : memref<16384xf32, #tpu.memory_space<vmem>>)
      tpu.yield
    }) : () -> ()
    %mul3A_8 = arith.constant 6256 : i32
    %mul3A_9 = arith.muli %arg1, %mul3A_8 : i32
    %mul3A_10 = arith.constant 6256 : i32
    %mul3A_11 = arith.muli %arg1, %mul3A_10 : i32
    "tpu.region"() ({
      %run_scoped3A = tpu.sem_alloc : memref<!tpu.dma_semaphore, #tpu.memory_space<semaphore_mem>>
      %dma_start3A = tpu.memref_slice %arg14[%mul3A_11] : memref<100096xf32, #tpu.memory_space<vmem_shared>> -> memref<6256xf32, #tpu.memory_space<vmem_shared>>
      %dma_start3A_25 = tpu.memref_slice %arg6[%mul3A_9] : memref<100096xf32, #tpu.memory_space<hbm>> -> memref<6256xf32, #tpu.memory_space<hbm>>
      tpu.enqueue_dma source(%dma_start3A_25 : memref<6256xf32, #tpu.memory_space<hbm>>) target(%dma_start3A : memref<6256xf32, #tpu.memory_space<vmem_shared>>) target_semaphore(%run_scoped3A : memref<!tpu.dma_semaphore, #tpu.memory_space<semaphore_mem>>)
      %dma_wait3A = tpu.memref_slice %arg14[%mul3A_11] : memref<100096xf32, #tpu.memory_space<vmem_shared>> -> memref<6256xf32, #tpu.memory_space<vmem_shared>>
      %dma_wait3A_26 = tpu.memref_slice %arg6[%mul3A_9] : memref<100096xf32, #tpu.memory_space<hbm>> -> memref<6256xf32, #tpu.memory_space<hbm>>
      tpu.wait_dma2 semaphore(%run_scoped3A : memref<!tpu.dma_semaphore, #tpu.memory_space<semaphore_mem>>) src(%dma_wait3A_26 : memref<6256xf32, #tpu.memory_space<hbm>>) dst(%dma_wait3A : memref<6256xf32, #tpu.memory_space<vmem_shared>>)
      tpu.yield
    }) : () -> ()
    %barrier3A = arith.constant 0 : index
    tpu.barrier barrier_id(%barrier3A)
    %scan3A = arith.constant 0 : i32
    %scan3A_12 = arith.constant 0 : i32
    %scan3A_13 = arith.constant 98 : i32
    %scan3A_14 = arith.addi %scan3A_12, %scan3A_13 : i32
    %scan3A_15 = arith.constant 1 : i32
    scf.for %scan3A_25 = %scan3A_12 to %scan3A_14 step %scan3A_15  : i32 {
      %mul3A_26 = arith.constant 784 : i32
      %mul3A_27 = arith.muli %add3A, %mul3A_26 : i32
      %mul3A_28 = arith.constant 8 : i32
      %mul3A_29 = arith.muli %scan3A_25, %mul3A_28 : i32
      %add3A_30 = arith.addi %mul3A_27, %mul3A_29 : i32
      "tpu.region"() ({
        %run_scoped3A_426 = tpu.sem_alloc : memref<!tpu.dma_semaphore, #tpu.memory_space<semaphore_mem>>
        %dma_start3A_427 = arith.constant 0 : i32
        %dma_start3A_428 = tpu.memref_slice %arg2[%add3A_30, %dma_start3A_427] : memref<25088x128xi32, #tpu.memory_space<hbm>> -> memref<8x128xi32, #tpu.memory_space<hbm>>
        %dma_start3A_429 = arith.constant 0 : i32
        %dma_start3A_430 = tpu.memref_slice %arg2[%add3A_30, %dma_start3A_429] : memref<25088x128xi32, #tpu.memory_space<hbm>> -> memref<8x128xi32, #tpu.memory_space<hbm>>
        tpu.enqueue_dma source(%dma_start3A_430 : memref<8x128xi32, #tpu.memory_space<hbm>>) target(%arg8 : memref<8x128xi32, #tpu.memory_space<vmem>>) target_semaphore(%run_scoped3A_426 : memref<!tpu.dma_semaphore, #tpu.memory_space<semaphore_mem>>)
        %dma_wait3A_431 = arith.constant 0 : i32
        %dma_wait3A_432 = tpu.memref_slice %arg2[%add3A_30, %dma_wait3A_431] : memref<25088x128xi32, #tpu.memory_space<hbm>> -> memref<8x128xi32, #tpu.memory_space<hbm>>
        %dma_wait3A_433 = arith.constant 0 : i32
        %dma_wait3A_434 = tpu.memref_slice %arg2[%add3A_30, %dma_wait3A_433] : memref<25088x128xi32, #tpu.memory_space<hbm>> -> memref<8x128xi32, #tpu.memory_space<hbm>>
        tpu.wait_dma2 semaphore(%run_scoped3A_426 : memref<!tpu.dma_semaphore, #tpu.memory_space<semaphore_mem>>) src(%dma_wait3A_434 : memref<8x128xi32, #tpu.memory_space<hbm>>) dst(%arg8 : memref<8x128xi32, #tpu.memory_space<vmem>>)
        tpu.yield
      }) : () -> ()
      "tpu.region"() ({
        %run_scoped3A_426 = tpu.sem_alloc : memref<!tpu.dma_semaphore, #tpu.memory_space<semaphore_mem>>
        %dma_start3A_427 = arith.constant 0 : i32
        %dma_start3A_428 = tpu.memref_slice %arg3[%add3A_30, %dma_start3A_427] : memref<25088x128xi32, #tpu.memory_space<hbm>> -> memref<8x128xi32, #tpu.memory_space<hbm>>
        %dma_start3A_429 = arith.constant 0 : i32
        %dma_start3A_430 = tpu.memref_slice %arg3[%add3A_30, %dma_start3A_429] : memref<25088x128xi32, #tpu.memory_space<hbm>> -> memref<8x128xi32, #tpu.memory_space<hbm>>
        tpu.enqueue_dma source(%dma_start3A_430 : memref<8x128xi32, #tpu.memory_space<hbm>>) target(%arg9 : memref<8x128xi32, #tpu.memory_space<vmem>>) target_semaphore(%run_scoped3A_426 : memref<!tpu.dma_semaphore, #tpu.memory_space<semaphore_mem>>)
        %dma_wait3A_431 = arith.constant 0 : i32
        %dma_wait3A_432 = tpu.memref_slice %arg3[%add3A_30, %dma_wait3A_431] : memref<25088x128xi32, #tpu.memory_space<hbm>> -> memref<8x128xi32, #tpu.memory_space<hbm>>
        %dma_wait3A_433 = arith.constant 0 : i32
        %dma_wait3A_434 = tpu.memref_slice %arg3[%add3A_30, %dma_wait3A_433] : memref<25088x128xi32, #tpu.memory_space<hbm>> -> memref<8x128xi32, #tpu.memory_space<hbm>>
        tpu.wait_dma2 semaphore(%run_scoped3A_426 : memref<!tpu.dma_semaphore, #tpu.memory_space<semaphore_mem>>) src(%dma_wait3A_434 : memref<8x128xi32, #tpu.memory_space<hbm>>) dst(%arg9 : memref<8x128xi32, #tpu.memory_space<vmem>>)
        tpu.yield
      }) : () -> ()
      %dma_start3A = arith.constant 0 : i32
      %dma_start3A_31 = arith.constant 0 : i32
      %dma_start3A_32 = arith.constant 0 : i32
      %dma_start3A_33 = arith.constant 0 : i32
      %dma_start3A_34 = tpu.memref_slice %arg10[%dma_start3A_31, %dma_start3A_32, %dma_start3A_33] : memref<8x128x16xf32, #tpu.memory_space<vmem>> -> memref<1x128x16xf32, #tpu.memory_space<vmem>>
      %dma_start3A_35 = tpu.memref_squeeze %dma_start3A_34 : memref<1x128x16xf32, #tpu.memory_space<vmem>> -> memref<128x16xf32, #tpu.memory_space<vmem>>
      %dma_start3A_36 = arith.constant 0 : i32
      %dma_start3A_37 = tpu.memref_slice %arg8[%dma_start3A, %dma_start3A_36] : memref<8x128xi32, #tpu.memory_space<vmem>> -> memref<1x128xi32, #tpu.memory_space<vmem>>
      %dma_start3A_38 = tpu.memref_squeeze %dma_start3A_37 : memref<1x128xi32, #tpu.memory_space<vmem>> -> memref<128xi32, #tpu.memory_space<vmem>>
      %dma_start3A_39 = arith.constant 0 : i32
      %dma_start3A_40 = arith.constant 0 : i32
      %dma_start3A_41 = tpu.memref_slice %arg4[%dma_start3A_39, %dma_start3A_40] : memref<100096x16xf32, #tpu.memory_space<hbm>> -> memref<100096x16xf32, #tpu.memory_space<hbm>>
      tpu.enqueue_indirect_dma source(%dma_start3A_41 : memref<100096x16xf32, #tpu.memory_space<hbm>>) target(%dma_start3A_35 : memref<128x16xf32, #tpu.memory_space<vmem>>) offsets(%dma_start3A_38 : memref<128xi32, #tpu.memory_space<vmem>>) semaphore(%arg15 : memref<!tpu.dma_semaphore, #tpu.memory_space<semaphore_mem>>)
      %dma_start3A_42 = arith.constant 0 : i32
      %dma_start3A_43 = arith.constant 0 : i32
      %dma_start3A_44 = arith.constant 0 : i32
      %dma_start3A_45 = arith.constant 0 : i32
      %dma_start3A_46 = tpu.memref_slice %arg11[%dma_start3A_43, %dma_start3A_44, %dma_start3A_45] : memref<8x128x16xf32, #tpu.memory_space<vmem>> -> memref<1x128x16xf32, #tpu.memory_space<vmem>>
      %dma_start3A_47 = tpu.memref_squeeze %dma_start3A_46 : memref<1x128x16xf32, #tpu.memory_space<vmem>> -> memref<128x16xf32, #tpu.memory_space<vmem>>
      %dma_start3A_48 = arith.constant 0 : i32
      %dma_start3A_49 = tpu.memref_slice %arg9[%dma_start3A_42, %dma_start3A_48] : memref<8x128xi32, #tpu.memory_space<vmem>> -> memref<1x128xi32, #tpu.memory_space<vmem>>
      %dma_start3A_50 = tpu.memref_squeeze %dma_start3A_49 : memref<1x128xi32, #tpu.memory_space<vmem>> -> memref<128xi32, #tpu.memory_space<vmem>>
      %dma_start3A_51 = arith.constant 0 : i32
      %dma_start3A_52 = arith.constant 0 : i32
      %dma_start3A_53 = tpu.memref_slice %arg4[%dma_start3A_51, %dma_start3A_52] : memref<100096x16xf32, #tpu.memory_space<hbm>> -> memref<100096x16xf32, #tpu.memory_space<hbm>>
      tpu.enqueue_indirect_dma source(%dma_start3A_53 : memref<100096x16xf32, #tpu.memory_space<hbm>>) target(%dma_start3A_47 : memref<128x16xf32, #tpu.memory_space<vmem>>) offsets(%dma_start3A_50 : memref<128xi32, #tpu.memory_space<vmem>>) semaphore(%arg15 : memref<!tpu.dma_semaphore, #tpu.memory_space<semaphore_mem>>)
      %dma_start3A_54 = arith.constant 1 : i32
      %dma_start3A_55 = arith.constant 1 : i32
      %dma_start3A_56 = arith.constant 0 : i32
      %dma_start3A_57 = arith.constant 0 : i32
      %dma_start3A_58 = tpu.memref_slice %arg10[%dma_start3A_55, %dma_start3A_56, %dma_start3A_57] : memref<8x128x16xf32, #tpu.memory_space<vmem>> -> memref<1x128x16xf32, #tpu.memory_space<vmem>>
      %dma_start3A_59 = tpu.memref_squeeze %dma_start3A_58 : memref<1x128x16xf32, #tpu.memory_space<vmem>> -> memref<128x16xf32, #tpu.memory_space<vmem>>
      %dma_start3A_60 = arith.constant 0 : i32
      %dma_start3A_61 = tpu.memref_slice %arg8[%dma_start3A_54, %dma_start3A_60] : memref<8x128xi32, #tpu.memory_space<vmem>> -> memref<1x128xi32, #tpu.memory_space<vmem>>
      %dma_start3A_62 = tpu.memref_squeeze %dma_start3A_61 : memref<1x128xi32, #tpu.memory_space<vmem>> -> memref<128xi32, #tpu.memory_space<vmem>>
      %dma_start3A_63 = arith.constant 0 : i32
      %dma_start3A_64 = arith.constant 0 : i32
      %dma_start3A_65 = tpu.memref_slice %arg4[%dma_start3A_63, %dma_start3A_64] : memref<100096x16xf32, #tpu.memory_space<hbm>> -> memref<100096x16xf32, #tpu.memory_space<hbm>>
      tpu.enqueue_indirect_dma source(%dma_start3A_65 : memref<100096x16xf32, #tpu.memory_space<hbm>>) target(%dma_start3A_59 : memref<128x16xf32, #tpu.memory_space<vmem>>) offsets(%dma_start3A_62 : memref<128xi32, #tpu.memory_space<vmem>>) semaphore(%arg15 : memref<!tpu.dma_semaphore, #tpu.memory_space<semaphore_mem>>)
      %dma_start3A_66 = arith.constant 1 : i32
      %dma_start3A_67 = arith.constant 1 : i32
      %dma_start3A_68 = arith.constant 0 : i32
      %dma_start3A_69 = arith.constant 0 : i32
      %dma_start3A_70 = tpu.memref_slice %arg11[%dma_start3A_67, %dma_start3A_68, %dma_start3A_69] : memref<8x128x16xf32, #tpu.memory_space<vmem>> -> memref<1x128x16xf32, #tpu.memory_space<vmem>>
      %dma_start3A_71 = tpu.memref_squeeze %dma_start3A_70 : memref<1x128x16xf32, #tpu.memory_space<vmem>> -> memref<128x16xf32, #tpu.memory_space<vmem>>
      %dma_start3A_72 = arith.constant 0 : i32
      %dma_start3A_73 = tpu.memref_slice %arg9[%dma_start3A_66, %dma_start3A_72] : memref<8x128xi32, #tpu.memory_space<vmem>> -> memref<1x128xi32, #tpu.memory_space<vmem>>
      %dma_start3A_74 = tpu.memref_squeeze %dma_start3A_73 : memref<1x128xi32, #tpu.memory_space<vmem>> -> memref<128xi32, #tpu.memory_space<vmem>>
      %dma_start3A_75 = arith.constant 0 : i32
      %dma_start3A_76 = arith.constant 0 : i32
      %dma_start3A_77 = tpu.memref_slice %arg4[%dma_start3A_75, %dma_start3A_76] : memref<100096x16xf32, #tpu.memory_space<hbm>> -> memref<100096x16xf32, #tpu.memory_space<hbm>>
      tpu.enqueue_indirect_dma source(%dma_start3A_77 : memref<100096x16xf32, #tpu.memory_space<hbm>>) target(%dma_start3A_71 : memref<128x16xf32, #tpu.memory_space<vmem>>) offsets(%dma_start3A_74 : memref<128xi32, #tpu.memory_space<vmem>>) semaphore(%arg15 : memref<!tpu.dma_semaphore, #tpu.memory_space<semaphore_mem>>)
      %dma_start3A_78 = arith.constant 2 : i32
      %dma_start3A_79 = arith.constant 2 : i32
      %dma_start3A_80 = arith.constant 0 : i32
      %dma_start3A_81 = arith.constant 0 : i32
      %dma_start3A_82 = tpu.memref_slice %arg10[%dma_start3A_79, %dma_start3A_80, %dma_start3A_81] : memref<8x128x16xf32, #tpu.memory_space<vmem>> -> memref<1x128x16xf32, #tpu.memory_space<vmem>>
      %dma_start3A_83 = tpu.memref_squeeze %dma_start3A_82 : memref<1x128x16xf32, #tpu.memory_space<vmem>> -> memref<128x16xf32, #tpu.memory_space<vmem>>
      %dma_start3A_84 = arith.constant 0 : i32
      %dma_start3A_85 = tpu.memref_slice %arg8[%dma_start3A_78, %dma_start3A_84] : memref<8x128xi32, #tpu.memory_space<vmem>> -> memref<1x128xi32, #tpu.memory_space<vmem>>
      %dma_start3A_86 = tpu.memref_squeeze %dma_start3A_85 : memref<1x128xi32, #tpu.memory_space<vmem>> -> memref<128xi32, #tpu.memory_space<vmem>>
      %dma_start3A_87 = arith.constant 0 : i32
      %dma_start3A_88 = arith.constant 0 : i32
      %dma_start3A_89 = tpu.memref_slice %arg4[%dma_start3A_87, %dma_start3A_88] : memref<100096x16xf32, #tpu.memory_space<hbm>> -> memref<100096x16xf32, #tpu.memory_space<hbm>>
      tpu.enqueue_indirect_dma source(%dma_start3A_89 : memref<100096x16xf32, #tpu.memory_space<hbm>>) target(%dma_start3A_83 : memref<128x16xf32, #tpu.memory_space<vmem>>) offsets(%dma_start3A_86 : memref<128xi32, #tpu.memory_space<vmem>>) semaphore(%arg15 : memref<!tpu.dma_semaphore, #tpu.memory_space<semaphore_mem>>)
      %dma_start3A_90 = arith.constant 2 : i32
      %dma_start3A_91 = arith.constant 2 : i32
      %dma_start3A_92 = arith.constant 0 : i32
      %dma_start3A_93 = arith.constant 0 : i32
      %dma_start3A_94 = tpu.memref_slice %arg11[%dma_start3A_91, %dma_start3A_92, %dma_start3A_93] : memref<8x128x16xf32, #tpu.memory_space<vmem>> -> memref<1x128x16xf32, #tpu.memory_space<vmem>>
      %dma_start3A_95 = tpu.memref_squeeze %dma_start3A_94 : memref<1x128x16xf32, #tpu.memory_space<vmem>> -> memref<128x16xf32, #tpu.memory_space<vmem>>
      %dma_start3A_96 = arith.constant 0 : i32
      %dma_start3A_97 = tpu.memref_slice %arg9[%dma_start3A_90, %dma_start3A_96] : memref<8x128xi32, #tpu.memory_space<vmem>> -> memref<1x128xi32, #tpu.memory_space<vmem>>
      %dma_start3A_98 = tpu.memref_squeeze %dma_start3A_97 : memref<1x128xi32, #tpu.memory_space<vmem>> -> memref<128xi32, #tpu.memory_space<vmem>>
      %dma_start3A_99 = arith.constant 0 : i32
      %dma_start3A_100 = arith.constant 0 : i32
      %dma_start3A_101 = tpu.memref_slice %arg4[%dma_start3A_99, %dma_start3A_100] : memref<100096x16xf32, #tpu.memory_space<hbm>> -> memref<100096x16xf32, #tpu.memory_space<hbm>>
      tpu.enqueue_indirect_dma source(%dma_start3A_101 : memref<100096x16xf32, #tpu.memory_space<hbm>>) target(%dma_start3A_95 : memref<128x16xf32, #tpu.memory_space<vmem>>) offsets(%dma_start3A_98 : memref<128xi32, #tpu.memory_space<vmem>>) semaphore(%arg15 : memref<!tpu.dma_semaphore, #tpu.memory_space<semaphore_mem>>)
      %dma_start3A_102 = arith.constant 3 : i32
      %dma_start3A_103 = arith.constant 3 : i32
      %dma_start3A_104 = arith.constant 0 : i32
      %dma_start3A_105 = arith.constant 0 : i32
      %dma_start3A_106 = tpu.memref_slice %arg10[%dma_start3A_103, %dma_start3A_104, %dma_start3A_105] : memref<8x128x16xf32, #tpu.memory_space<vmem>> -> memref<1x128x16xf32, #tpu.memory_space<vmem>>
      %dma_start3A_107 = tpu.memref_squeeze %dma_start3A_106 : memref<1x128x16xf32, #tpu.memory_space<vmem>> -> memref<128x16xf32, #tpu.memory_space<vmem>>
      %dma_start3A_108 = arith.constant 0 : i32
      %dma_start3A_109 = tpu.memref_slice %arg8[%dma_start3A_102, %dma_start3A_108] : memref<8x128xi32, #tpu.memory_space<vmem>> -> memref<1x128xi32, #tpu.memory_space<vmem>>
      %dma_start3A_110 = tpu.memref_squeeze %dma_start3A_109 : memref<1x128xi32, #tpu.memory_space<vmem>> -> memref<128xi32, #tpu.memory_space<vmem>>
      %dma_start3A_111 = arith.constant 0 : i32
      %dma_start3A_112 = arith.constant 0 : i32
      %dma_start3A_113 = tpu.memref_slice %arg4[%dma_start3A_111, %dma_start3A_112] : memref<100096x16xf32, #tpu.memory_space<hbm>> -> memref<100096x16xf32, #tpu.memory_space<hbm>>
      tpu.enqueue_indirect_dma source(%dma_start3A_113 : memref<100096x16xf32, #tpu.memory_space<hbm>>) target(%dma_start3A_107 : memref<128x16xf32, #tpu.memory_space<vmem>>) offsets(%dma_start3A_110 : memref<128xi32, #tpu.memory_space<vmem>>) semaphore(%arg15 : memref<!tpu.dma_semaphore, #tpu.memory_space<semaphore_mem>>)
      %dma_start3A_114 = arith.constant 3 : i32
      %dma_start3A_115 = arith.constant 3 : i32
      %dma_start3A_116 = arith.constant 0 : i32
      %dma_start3A_117 = arith.constant 0 : i32
      %dma_start3A_118 = tpu.memref_slice %arg11[%dma_start3A_115, %dma_start3A_116, %dma_start3A_117] : memref<8x128x16xf32, #tpu.memory_space<vmem>> -> memref<1x128x16xf32, #tpu.memory_space<vmem>>
      %dma_start3A_119 = tpu.memref_squeeze %dma_start3A_118 : memref<1x128x16xf32, #tpu.memory_space<vmem>> -> memref<128x16xf32, #tpu.memory_space<vmem>>
      %dma_start3A_120 = arith.constant 0 : i32
      %dma_start3A_121 = tpu.memref_slice %arg9[%dma_start3A_114, %dma_start3A_120] : memref<8x128xi32, #tpu.memory_space<vmem>> -> memref<1x128xi32, #tpu.memory_space<vmem>>
      %dma_start3A_122 = tpu.memref_squeeze %dma_start3A_121 : memref<1x128xi32, #tpu.memory_space<vmem>> -> memref<128xi32, #tpu.memory_space<vmem>>
      %dma_start3A_123 = arith.constant 0 : i32
      %dma_start3A_124 = arith.constant 0 : i32
      %dma_start3A_125 = tpu.memref_slice %arg4[%dma_start3A_123, %dma_start3A_124] : memref<100096x16xf32, #tpu.memory_space<hbm>> -> memref<100096x16xf32, #tpu.memory_space<hbm>>
      tpu.enqueue_indirect_dma source(%dma_start3A_125 : memref<100096x16xf32, #tpu.memory_space<hbm>>) target(%dma_start3A_119 : memref<128x16xf32, #tpu.memory_space<vmem>>) offsets(%dma_start3A_122 : memref<128xi32, #tpu.memory_space<vmem>>) semaphore(%arg15 : memref<!tpu.dma_semaphore, #tpu.memory_space<semaphore_mem>>)
      %dma_start3A_126 = arith.constant 4 : i32
      %dma_start3A_127 = arith.constant 4 : i32
      %dma_start3A_128 = arith.constant 0 : i32
      %dma_start3A_129 = arith.constant 0 : i32
      %dma_start3A_130 = tpu.memref_slice %arg10[%dma_start3A_127, %dma_start3A_128, %dma_start3A_129] : memref<8x128x16xf32, #tpu.memory_space<vmem>> -> memref<1x128x16xf32, #tpu.memory_space<vmem>>
      %dma_start3A_131 = tpu.memref_squeeze %dma_start3A_130 : memref<1x128x16xf32, #tpu.memory_space<vmem>> -> memref<128x16xf32, #tpu.memory_space<vmem>>
      %dma_start3A_132 = arith.constant 0 : i32
      %dma_start3A_133 = tpu.memref_slice %arg8[%dma_start3A_126, %dma_start3A_132] : memref<8x128xi32, #tpu.memory_space<vmem>> -> memref<1x128xi32, #tpu.memory_space<vmem>>
      %dma_start3A_134 = tpu.memref_squeeze %dma_start3A_133 : memref<1x128xi32, #tpu.memory_space<vmem>> -> memref<128xi32, #tpu.memory_space<vmem>>
      %dma_start3A_135 = arith.constant 0 : i32
      %dma_start3A_136 = arith.constant 0 : i32
      %dma_start3A_137 = tpu.memref_slice %arg4[%dma_start3A_135, %dma_start3A_136] : memref<100096x16xf32, #tpu.memory_space<hbm>> -> memref<100096x16xf32, #tpu.memory_space<hbm>>
      tpu.enqueue_indirect_dma source(%dma_start3A_137 : memref<100096x16xf32, #tpu.memory_space<hbm>>) target(%dma_start3A_131 : memref<128x16xf32, #tpu.memory_space<vmem>>) offsets(%dma_start3A_134 : memref<128xi32, #tpu.memory_space<vmem>>) semaphore(%arg15 : memref<!tpu.dma_semaphore, #tpu.memory_space<semaphore_mem>>)
      %dma_start3A_138 = arith.constant 4 : i32
      %dma_start3A_139 = arith.constant 4 : i32
      %dma_start3A_140 = arith.constant 0 : i32
      %dma_start3A_141 = arith.constant 0 : i32
      %dma_start3A_142 = tpu.memref_slice %arg11[%dma_start3A_139, %dma_start3A_140, %dma_start3A_141] : memref<8x128x16xf32, #tpu.memory_space<vmem>> -> memref<1x128x16xf32, #tpu.memory_space<vmem>>
      %dma_start3A_143 = tpu.memref_squeeze %dma_start3A_142 : memref<1x128x16xf32, #tpu.memory_space<vmem>> -> memref<128x16xf32, #tpu.memory_space<vmem>>
      %dma_start3A_144 = arith.constant 0 : i32
      %dma_start3A_145 = tpu.memref_slice %arg9[%dma_start3A_138, %dma_start3A_144] : memref<8x128xi32, #tpu.memory_space<vmem>> -> memref<1x128xi32, #tpu.memory_space<vmem>>
      %dma_start3A_146 = tpu.memref_squeeze %dma_start3A_145 : memref<1x128xi32, #tpu.memory_space<vmem>> -> memref<128xi32, #tpu.memory_space<vmem>>
      %dma_start3A_147 = arith.constant 0 : i32
      %dma_start3A_148 = arith.constant 0 : i32
      %dma_start3A_149 = tpu.memref_slice %arg4[%dma_start3A_147, %dma_start3A_148] : memref<100096x16xf32, #tpu.memory_space<hbm>> -> memref<100096x16xf32, #tpu.memory_space<hbm>>
      tpu.enqueue_indirect_dma source(%dma_start3A_149 : memref<100096x16xf32, #tpu.memory_space<hbm>>) target(%dma_start3A_143 : memref<128x16xf32, #tpu.memory_space<vmem>>) offsets(%dma_start3A_146 : memref<128xi32, #tpu.memory_space<vmem>>) semaphore(%arg15 : memref<!tpu.dma_semaphore, #tpu.memory_space<semaphore_mem>>)
      %dma_start3A_150 = arith.constant 5 : i32
      %dma_start3A_151 = arith.constant 5 : i32
      %dma_start3A_152 = arith.constant 0 : i32
      %dma_start3A_153 = arith.constant 0 : i32
      %dma_start3A_154 = tpu.memref_slice %arg10[%dma_start3A_151, %dma_start3A_152, %dma_start3A_153] : memref<8x128x16xf32, #tpu.memory_space<vmem>> -> memref<1x128x16xf32, #tpu.memory_space<vmem>>
      %dma_start3A_155 = tpu.memref_squeeze %dma_start3A_154 : memref<1x128x16xf32, #tpu.memory_space<vmem>> -> memref<128x16xf32, #tpu.memory_space<vmem>>
      %dma_start3A_156 = arith.constant 0 : i32
      %dma_start3A_157 = tpu.memref_slice %arg8[%dma_start3A_150, %dma_start3A_156] : memref<8x128xi32, #tpu.memory_space<vmem>> -> memref<1x128xi32, #tpu.memory_space<vmem>>
      %dma_start3A_158 = tpu.memref_squeeze %dma_start3A_157 : memref<1x128xi32, #tpu.memory_space<vmem>> -> memref<128xi32, #tpu.memory_space<vmem>>
      %dma_start3A_159 = arith.constant 0 : i32
      %dma_start3A_160 = arith.constant 0 : i32
      %dma_start3A_161 = tpu.memref_slice %arg4[%dma_start3A_159, %dma_start3A_160] : memref<100096x16xf32, #tpu.memory_space<hbm>> -> memref<100096x16xf32, #tpu.memory_space<hbm>>
      tpu.enqueue_indirect_dma source(%dma_start3A_161 : memref<100096x16xf32, #tpu.memory_space<hbm>>) target(%dma_start3A_155 : memref<128x16xf32, #tpu.memory_space<vmem>>) offsets(%dma_start3A_158 : memref<128xi32, #tpu.memory_space<vmem>>) semaphore(%arg15 : memref<!tpu.dma_semaphore, #tpu.memory_space<semaphore_mem>>)
      %dma_start3A_162 = arith.constant 5 : i32
      %dma_start3A_163 = arith.constant 5 : i32
      %dma_start3A_164 = arith.constant 0 : i32
      %dma_start3A_165 = arith.constant 0 : i32
      %dma_start3A_166 = tpu.memref_slice %arg11[%dma_start3A_163, %dma_start3A_164, %dma_start3A_165] : memref<8x128x16xf32, #tpu.memory_space<vmem>> -> memref<1x128x16xf32, #tpu.memory_space<vmem>>
      %dma_start3A_167 = tpu.memref_squeeze %dma_start3A_166 : memref<1x128x16xf32, #tpu.memory_space<vmem>> -> memref<128x16xf32, #tpu.memory_space<vmem>>
      %dma_start3A_168 = arith.constant 0 : i32
      %dma_start3A_169 = tpu.memref_slice %arg9[%dma_start3A_162, %dma_start3A_168] : memref<8x128xi32, #tpu.memory_space<vmem>> -> memref<1x128xi32, #tpu.memory_space<vmem>>
      %dma_start3A_170 = tpu.memref_squeeze %dma_start3A_169 : memref<1x128xi32, #tpu.memory_space<vmem>> -> memref<128xi32, #tpu.memory_space<vmem>>
      %dma_start3A_171 = arith.constant 0 : i32
      %dma_start3A_172 = arith.constant 0 : i32
      %dma_start3A_173 = tpu.memref_slice %arg4[%dma_start3A_171, %dma_start3A_172] : memref<100096x16xf32, #tpu.memory_space<hbm>> -> memref<100096x16xf32, #tpu.memory_space<hbm>>
      tpu.enqueue_indirect_dma source(%dma_start3A_173 : memref<100096x16xf32, #tpu.memory_space<hbm>>) target(%dma_start3A_167 : memref<128x16xf32, #tpu.memory_space<vmem>>) offsets(%dma_start3A_170 : memref<128xi32, #tpu.memory_space<vmem>>) semaphore(%arg15 : memref<!tpu.dma_semaphore, #tpu.memory_space<semaphore_mem>>)
      %dma_start3A_174 = arith.constant 6 : i32
      %dma_start3A_175 = arith.constant 6 : i32
      %dma_start3A_176 = arith.constant 0 : i32
      %dma_start3A_177 = arith.constant 0 : i32
      %dma_start3A_178 = tpu.memref_slice %arg10[%dma_start3A_175, %dma_start3A_176, %dma_start3A_177] : memref<8x128x16xf32, #tpu.memory_space<vmem>> -> memref<1x128x16xf32, #tpu.memory_space<vmem>>
      %dma_start3A_179 = tpu.memref_squeeze %dma_start3A_178 : memref<1x128x16xf32, #tpu.memory_space<vmem>> -> memref<128x16xf32, #tpu.memory_space<vmem>>
      %dma_start3A_180 = arith.constant 0 : i32
      %dma_start3A_181 = tpu.memref_slice %arg8[%dma_start3A_174, %dma_start3A_180] : memref<8x128xi32, #tpu.memory_space<vmem>> -> memref<1x128xi32, #tpu.memory_space<vmem>>
      %dma_start3A_182 = tpu.memref_squeeze %dma_start3A_181 : memref<1x128xi32, #tpu.memory_space<vmem>> -> memref<128xi32, #tpu.memory_space<vmem>>
      %dma_start3A_183 = arith.constant 0 : i32
      %dma_start3A_184 = arith.constant 0 : i32
      %dma_start3A_185 = tpu.memref_slice %arg4[%dma_start3A_183, %dma_start3A_184] : memref<100096x16xf32, #tpu.memory_space<hbm>> -> memref<100096x16xf32, #tpu.memory_space<hbm>>
      tpu.enqueue_indirect_dma source(%dma_start3A_185 : memref<100096x16xf32, #tpu.memory_space<hbm>>) target(%dma_start3A_179 : memref<128x16xf32, #tpu.memory_space<vmem>>) offsets(%dma_start3A_182 : memref<128xi32, #tpu.memory_space<vmem>>) semaphore(%arg15 : memref<!tpu.dma_semaphore, #tpu.memory_space<semaphore_mem>>)
      %dma_start3A_186 = arith.constant 6 : i32
      %dma_start3A_187 = arith.constant 6 : i32
      %dma_start3A_188 = arith.constant 0 : i32
      %dma_start3A_189 = arith.constant 0 : i32
      %dma_start3A_190 = tpu.memref_slice %arg11[%dma_start3A_187, %dma_start3A_188, %dma_start3A_189] : memref<8x128x16xf32, #tpu.memory_space<vmem>> -> memref<1x128x16xf32, #tpu.memory_space<vmem>>
      %dma_start3A_191 = tpu.memref_squeeze %dma_start3A_190 : memref<1x128x16xf32, #tpu.memory_space<vmem>> -> memref<128x16xf32, #tpu.memory_space<vmem>>
      %dma_start3A_192 = arith.constant 0 : i32
      %dma_start3A_193 = tpu.memref_slice %arg9[%dma_start3A_186, %dma_start3A_192] : memref<8x128xi32, #tpu.memory_space<vmem>> -> memref<1x128xi32, #tpu.memory_space<vmem>>
      %dma_start3A_194 = tpu.memref_squeeze %dma_start3A_193 : memref<1x128xi32, #tpu.memory_space<vmem>> -> memref<128xi32, #tpu.memory_space<vmem>>
      %dma_start3A_195 = arith.constant 0 : i32
      %dma_start3A_196 = arith.constant 0 : i32
      %dma_start3A_197 = tpu.memref_slice %arg4[%dma_start3A_195, %dma_start3A_196] : memref<100096x16xf32, #tpu.memory_space<hbm>> -> memref<100096x16xf32, #tpu.memory_space<hbm>>
      tpu.enqueue_indirect_dma source(%dma_start3A_197 : memref<100096x16xf32, #tpu.memory_space<hbm>>) target(%dma_start3A_191 : memref<128x16xf32, #tpu.memory_space<vmem>>) offsets(%dma_start3A_194 : memref<128xi32, #tpu.memory_space<vmem>>) semaphore(%arg15 : memref<!tpu.dma_semaphore, #tpu.memory_space<semaphore_mem>>)
      %dma_start3A_198 = arith.constant 7 : i32
      %dma_start3A_199 = arith.constant 7 : i32
      %dma_start3A_200 = arith.constant 0 : i32
      %dma_start3A_201 = arith.constant 0 : i32
      %dma_start3A_202 = tpu.memref_slice %arg10[%dma_start3A_199, %dma_start3A_200, %dma_start3A_201] : memref<8x128x16xf32, #tpu.memory_space<vmem>> -> memref<1x128x16xf32, #tpu.memory_space<vmem>>
      %dma_start3A_203 = tpu.memref_squeeze %dma_start3A_202 : memref<1x128x16xf32, #tpu.memory_space<vmem>> -> memref<128x16xf32, #tpu.memory_space<vmem>>
      %dma_start3A_204 = arith.constant 0 : i32
      %dma_start3A_205 = tpu.memref_slice %arg8[%dma_start3A_198, %dma_start3A_204] : memref<8x128xi32, #tpu.memory_space<vmem>> -> memref<1x128xi32, #tpu.memory_space<vmem>>
      %dma_start3A_206 = tpu.memref_squeeze %dma_start3A_205 : memref<1x128xi32, #tpu.memory_space<vmem>> -> memref<128xi32, #tpu.memory_space<vmem>>
      %dma_start3A_207 = arith.constant 0 : i32
      %dma_start3A_208 = arith.constant 0 : i32
      %dma_start3A_209 = tpu.memref_slice %arg4[%dma_start3A_207, %dma_start3A_208] : memref<100096x16xf32, #tpu.memory_space<hbm>> -> memref<100096x16xf32, #tpu.memory_space<hbm>>
      tpu.enqueue_indirect_dma source(%dma_start3A_209 : memref<100096x16xf32, #tpu.memory_space<hbm>>) target(%dma_start3A_203 : memref<128x16xf32, #tpu.memory_space<vmem>>) offsets(%dma_start3A_206 : memref<128xi32, #tpu.memory_space<vmem>>) semaphore(%arg15 : memref<!tpu.dma_semaphore, #tpu.memory_space<semaphore_mem>>)
      %dma_start3A_210 = arith.constant 7 : i32
      %dma_start3A_211 = arith.constant 7 : i32
      %dma_start3A_212 = arith.constant 0 : i32
      %dma_start3A_213 = arith.constant 0 : i32
      %dma_start3A_214 = tpu.memref_slice %arg11[%dma_start3A_211, %dma_start3A_212, %dma_start3A_213] : memref<8x128x16xf32, #tpu.memory_space<vmem>> -> memref<1x128x16xf32, #tpu.memory_space<vmem>>
      %dma_start3A_215 = tpu.memref_squeeze %dma_start3A_214 : memref<1x128x16xf32, #tpu.memory_space<vmem>> -> memref<128x16xf32, #tpu.memory_space<vmem>>
      %dma_start3A_216 = arith.constant 0 : i32
      %dma_start3A_217 = tpu.memref_slice %arg9[%dma_start3A_210, %dma_start3A_216] : memref<8x128xi32, #tpu.memory_space<vmem>> -> memref<1x128xi32, #tpu.memory_space<vmem>>
      %dma_start3A_218 = tpu.memref_squeeze %dma_start3A_217 : memref<1x128xi32, #tpu.memory_space<vmem>> -> memref<128xi32, #tpu.memory_space<vmem>>
      %dma_start3A_219 = arith.constant 0 : i32
      %dma_start3A_220 = arith.constant 0 : i32
      %dma_start3A_221 = tpu.memref_slice %arg4[%dma_start3A_219, %dma_start3A_220] : memref<100096x16xf32, #tpu.memory_space<hbm>> -> memref<100096x16xf32, #tpu.memory_space<hbm>>
      tpu.enqueue_indirect_dma source(%dma_start3A_221 : memref<100096x16xf32, #tpu.memory_space<hbm>>) target(%dma_start3A_215 : memref<128x16xf32, #tpu.memory_space<vmem>>) offsets(%dma_start3A_218 : memref<128xi32, #tpu.memory_space<vmem>>) semaphore(%arg15 : memref<!tpu.dma_semaphore, #tpu.memory_space<semaphore_mem>>)
      %dma_wait3A = arith.constant 0 : i32
      %dma_wait3A_222 = arith.constant 0 : i32
      %dma_wait3A_223 = arith.constant 0 : i32
      %dma_wait3A_224 = arith.constant 0 : i32
      %dma_wait3A_225 = tpu.memref_slice %arg10[%dma_wait3A_222, %dma_wait3A_223, %dma_wait3A_224] : memref<8x128x16xf32, #tpu.memory_space<vmem>> -> memref<1x128x16xf32, #tpu.memory_space<vmem>>
      %dma_wait3A_226 = tpu.memref_squeeze %dma_wait3A_225 : memref<1x128x16xf32, #tpu.memory_space<vmem>> -> memref<128x16xf32, #tpu.memory_space<vmem>>
      %dma_wait3A_227 = arith.constant 0 : i32
      %dma_wait3A_228 = tpu.memref_slice %arg8[%dma_wait3A, %dma_wait3A_227] : memref<8x128xi32, #tpu.memory_space<vmem>> -> memref<1x128xi32, #tpu.memory_space<vmem>>
      %dma_wait3A_229 = tpu.memref_squeeze %dma_wait3A_228 : memref<1x128xi32, #tpu.memory_space<vmem>> -> memref<128xi32, #tpu.memory_space<vmem>>
      %dma_wait3A_230 = arith.constant 0 : i32
      %dma_wait3A_231 = arith.constant 0 : i32
      %dma_wait3A_232 = tpu.memref_slice %arg4[%dma_wait3A_230, %dma_wait3A_231] : memref<100096x16xf32, #tpu.memory_space<hbm>> -> memref<100096x16xf32, #tpu.memory_space<hbm>>
      tpu.wait_indirect_dma semaphore(%arg15 : memref<!tpu.dma_semaphore, #tpu.memory_space<semaphore_mem>>) src(%dma_wait3A_232 : memref<100096x16xf32, #tpu.memory_space<hbm>>) dst(%dma_wait3A_226 : memref<128x16xf32, #tpu.memory_space<vmem>>)
      %dma_wait3A_233 = arith.constant 0 : i32
      %dma_wait3A_234 = arith.constant 0 : i32
      %dma_wait3A_235 = arith.constant 0 : i32
      %dma_wait3A_236 = arith.constant 0 : i32
      %dma_wait3A_237 = tpu.memref_slice %arg11[%dma_wait3A_234, %dma_wait3A_235, %dma_wait3A_236] : memref<8x128x16xf32, #tpu.memory_space<vmem>> -> memref<1x128x16xf32, #tpu.memory_space<vmem>>
      %dma_wait3A_238 = tpu.memref_squeeze %dma_wait3A_237 : memref<1x128x16xf32, #tpu.memory_space<vmem>> -> memref<128x16xf32, #tpu.memory_space<vmem>>
      %dma_wait3A_239 = arith.constant 0 : i32
      %dma_wait3A_240 = tpu.memref_slice %arg9[%dma_wait3A_233, %dma_wait3A_239] : memref<8x128xi32, #tpu.memory_space<vmem>> -> memref<1x128xi32, #tpu.memory_space<vmem>>
      %dma_wait3A_241 = tpu.memref_squeeze %dma_wait3A_240 : memref<1x128xi32, #tpu.memory_space<vmem>> -> memref<128xi32, #tpu.memory_space<vmem>>
      %dma_wait3A_242 = arith.constant 0 : i32
      %dma_wait3A_243 = arith.constant 0 : i32
      %dma_wait3A_244 = tpu.memref_slice %arg4[%dma_wait3A_242, %dma_wait3A_243] : memref<100096x16xf32, #tpu.memory_space<hbm>> -> memref<100096x16xf32, #tpu.memory_space<hbm>>
      tpu.wait_indirect_dma semaphore(%arg15 : memref<!tpu.dma_semaphore, #tpu.memory_space<semaphore_mem>>) src(%dma_wait3A_244 : memref<100096x16xf32, #tpu.memory_space<hbm>>) dst(%dma_wait3A_238 : memref<128x16xf32, #tpu.memory_space<vmem>>)
      %dma_wait3A_245 = arith.constant 1 : i32
      %dma_wait3A_246 = arith.constant 1 : i32
      %dma_wait3A_247 = arith.constant 0 : i32
      %dma_wait3A_248 = arith.constant 0 : i32
      %dma_wait3A_249 = tpu.memref_slice %arg10[%dma_wait3A_246, %dma_wait3A_247, %dma_wait3A_248] : memref<8x128x16xf32, #tpu.memory_space<vmem>> -> memref<1x128x16xf32, #tpu.memory_space<vmem>>
      %dma_wait3A_250 = tpu.memref_squeeze %dma_wait3A_249 : memref<1x128x16xf32, #tpu.memory_space<vmem>> -> memref<128x16xf32, #tpu.memory_space<vmem>>
      %dma_wait3A_251 = arith.constant 0 : i32
      %dma_wait3A_252 = tpu.memref_slice %arg8[%dma_wait3A_245, %dma_wait3A_251] : memref<8x128xi32, #tpu.memory_space<vmem>> -> memref<1x128xi32, #tpu.memory_space<vmem>>
      %dma_wait3A_253 = tpu.memref_squeeze %dma_wait3A_252 : memref<1x128xi32, #tpu.memory_space<vmem>> -> memref<128xi32, #tpu.memory_space<vmem>>
      %dma_wait3A_254 = arith.constant 0 : i32
      %dma_wait3A_255 = arith.constant 0 : i32
      %dma_wait3A_256 = tpu.memref_slice %arg4[%dma_wait3A_254, %dma_wait3A_255] : memref<100096x16xf32, #tpu.memory_space<hbm>> -> memref<100096x16xf32, #tpu.memory_space<hbm>>
      tpu.wait_indirect_dma semaphore(%arg15 : memref<!tpu.dma_semaphore, #tpu.memory_space<semaphore_mem>>) src(%dma_wait3A_256 : memref<100096x16xf32, #tpu.memory_space<hbm>>) dst(%dma_wait3A_250 : memref<128x16xf32, #tpu.memory_space<vmem>>)
      %dma_wait3A_257 = arith.constant 1 : i32
      %dma_wait3A_258 = arith.constant 1 : i32
      %dma_wait3A_259 = arith.constant 0 : i32
      %dma_wait3A_260 = arith.constant 0 : i32
      %dma_wait3A_261 = tpu.memref_slice %arg11[%dma_wait3A_258, %dma_wait3A_259, %dma_wait3A_260] : memref<8x128x16xf32, #tpu.memory_space<vmem>> -> memref<1x128x16xf32, #tpu.memory_space<vmem>>
      %dma_wait3A_262 = tpu.memref_squeeze %dma_wait3A_261 : memref<1x128x16xf32, #tpu.memory_space<vmem>> -> memref<128x16xf32, #tpu.memory_space<vmem>>
      %dma_wait3A_263 = arith.constant 0 : i32
      %dma_wait3A_264 = tpu.memref_slice %arg9[%dma_wait3A_257, %dma_wait3A_263] : memref<8x128xi32, #tpu.memory_space<vmem>> -> memref<1x128xi32, #tpu.memory_space<vmem>>
      %dma_wait3A_265 = tpu.memref_squeeze %dma_wait3A_264 : memref<1x128xi32, #tpu.memory_space<vmem>> -> memref<128xi32, #tpu.memory_space<vmem>>
      %dma_wait3A_266 = arith.constant 0 : i32
      %dma_wait3A_267 = arith.constant 0 : i32
      %dma_wait3A_268 = tpu.memref_slice %arg4[%dma_wait3A_266, %dma_wait3A_267] : memref<100096x16xf32, #tpu.memory_space<hbm>> -> memref<100096x16xf32, #tpu.memory_space<hbm>>
      tpu.wait_indirect_dma semaphore(%arg15 : memref<!tpu.dma_semaphore, #tpu.memory_space<semaphore_mem>>) src(%dma_wait3A_268 : memref<100096x16xf32, #tpu.memory_space<hbm>>) dst(%dma_wait3A_262 : memref<128x16xf32, #tpu.memory_space<vmem>>)
      %dma_wait3A_269 = arith.constant 2 : i32
      %dma_wait3A_270 = arith.constant 2 : i32
      %dma_wait3A_271 = arith.constant 0 : i32
      %dma_wait3A_272 = arith.constant 0 : i32
      %dma_wait3A_273 = tpu.memref_slice %arg10[%dma_wait3A_270, %dma_wait3A_271, %dma_wait3A_272] : memref<8x128x16xf32, #tpu.memory_space<vmem>> -> memref<1x128x16xf32, #tpu.memory_space<vmem>>
      %dma_wait3A_274 = tpu.memref_squeeze %dma_wait3A_273 : memref<1x128x16xf32, #tpu.memory_space<vmem>> -> memref<128x16xf32, #tpu.memory_space<vmem>>
      %dma_wait3A_275 = arith.constant 0 : i32
      %dma_wait3A_276 = tpu.memref_slice %arg8[%dma_wait3A_269, %dma_wait3A_275] : memref<8x128xi32, #tpu.memory_space<vmem>> -> memref<1x128xi32, #tpu.memory_space<vmem>>
      %dma_wait3A_277 = tpu.memref_squeeze %dma_wait3A_276 : memref<1x128xi32, #tpu.memory_space<vmem>> -> memref<128xi32, #tpu.memory_space<vmem>>
      %dma_wait3A_278 = arith.constant 0 : i32
      %dma_wait3A_279 = arith.constant 0 : i32
      %dma_wait3A_280 = tpu.memref_slice %arg4[%dma_wait3A_278, %dma_wait3A_279] : memref<100096x16xf32, #tpu.memory_space<hbm>> -> memref<100096x16xf32, #tpu.memory_space<hbm>>
      tpu.wait_indirect_dma semaphore(%arg15 : memref<!tpu.dma_semaphore, #tpu.memory_space<semaphore_mem>>) src(%dma_wait3A_280 : memref<100096x16xf32, #tpu.memory_space<hbm>>) dst(%dma_wait3A_274 : memref<128x16xf32, #tpu.memory_space<vmem>>)
      %dma_wait3A_281 = arith.constant 2 : i32
      %dma_wait3A_282 = arith.constant 2 : i32
      %dma_wait3A_283 = arith.constant 0 : i32
      %dma_wait3A_284 = arith.constant 0 : i32
      %dma_wait3A_285 = tpu.memref_slice %arg11[%dma_wait3A_282, %dma_wait3A_283, %dma_wait3A_284] : memref<8x128x16xf32, #tpu.memory_space<vmem>> -> memref<1x128x16xf32, #tpu.memory_space<vmem>>
      %dma_wait3A_286 = tpu.memref_squeeze %dma_wait3A_285 : memref<1x128x16xf32, #tpu.memory_space<vmem>> -> memref<128x16xf32, #tpu.memory_space<vmem>>
      %dma_wait3A_287 = arith.constant 0 : i32
      %dma_wait3A_288 = tpu.memref_slice %arg9[%dma_wait3A_281, %dma_wait3A_287] : memref<8x128xi32, #tpu.memory_space<vmem>> -> memref<1x128xi32, #tpu.memory_space<vmem>>
      %dma_wait3A_289 = tpu.memref_squeeze %dma_wait3A_288 : memref<1x128xi32, #tpu.memory_space<vmem>> -> memref<128xi32, #tpu.memory_space<vmem>>
      %dma_wait3A_290 = arith.constant 0 : i32
      %dma_wait3A_291 = arith.constant 0 : i32
      %dma_wait3A_292 = tpu.memref_slice %arg4[%dma_wait3A_290, %dma_wait3A_291] : memref<100096x16xf32, #tpu.memory_space<hbm>> -> memref<100096x16xf32, #tpu.memory_space<hbm>>
      tpu.wait_indirect_dma semaphore(%arg15 : memref<!tpu.dma_semaphore, #tpu.memory_space<semaphore_mem>>) src(%dma_wait3A_292 : memref<100096x16xf32, #tpu.memory_space<hbm>>) dst(%dma_wait3A_286 : memref<128x16xf32, #tpu.memory_space<vmem>>)
      %dma_wait3A_293 = arith.constant 3 : i32
      %dma_wait3A_294 = arith.constant 3 : i32
      %dma_wait3A_295 = arith.constant 0 : i32
      %dma_wait3A_296 = arith.constant 0 : i32
      %dma_wait3A_297 = tpu.memref_slice %arg10[%dma_wait3A_294, %dma_wait3A_295, %dma_wait3A_296] : memref<8x128x16xf32, #tpu.memory_space<vmem>> -> memref<1x128x16xf32, #tpu.memory_space<vmem>>
      %dma_wait3A_298 = tpu.memref_squeeze %dma_wait3A_297 : memref<1x128x16xf32, #tpu.memory_space<vmem>> -> memref<128x16xf32, #tpu.memory_space<vmem>>
      %dma_wait3A_299 = arith.constant 0 : i32
      %dma_wait3A_300 = tpu.memref_slice %arg8[%dma_wait3A_293, %dma_wait3A_299] : memref<8x128xi32, #tpu.memory_space<vmem>> -> memref<1x128xi32, #tpu.memory_space<vmem>>
      %dma_wait3A_301 = tpu.memref_squeeze %dma_wait3A_300 : memref<1x128xi32, #tpu.memory_space<vmem>> -> memref<128xi32, #tpu.memory_space<vmem>>
      %dma_wait3A_302 = arith.constant 0 : i32
      %dma_wait3A_303 = arith.constant 0 : i32
      %dma_wait3A_304 = tpu.memref_slice %arg4[%dma_wait3A_302, %dma_wait3A_303] : memref<100096x16xf32, #tpu.memory_space<hbm>> -> memref<100096x16xf32, #tpu.memory_space<hbm>>
      tpu.wait_indirect_dma semaphore(%arg15 : memref<!tpu.dma_semaphore, #tpu.memory_space<semaphore_mem>>) src(%dma_wait3A_304 : memref<100096x16xf32, #tpu.memory_space<hbm>>) dst(%dma_wait3A_298 : memref<128x16xf32, #tpu.memory_space<vmem>>)
      %dma_wait3A_305 = arith.constant 3 : i32
      %dma_wait3A_306 = arith.constant 3 : i32
      %dma_wait3A_307 = arith.constant 0 : i32
      %dma_wait3A_308 = arith.constant 0 : i32
      %dma_wait3A_309 = tpu.memref_slice %arg11[%dma_wait3A_306, %dma_wait3A_307, %dma_wait3A_308] : memref<8x128x16xf32, #tpu.memory_space<vmem>> -> memref<1x128x16xf32, #tpu.memory_space<vmem>>
      %dma_wait3A_310 = tpu.memref_squeeze %dma_wait3A_309 : memref<1x128x16xf32, #tpu.memory_space<vmem>> -> memref<128x16xf32, #tpu.memory_space<vmem>>
      %dma_wait3A_311 = arith.constant 0 : i32
      %dma_wait3A_312 = tpu.memref_slice %arg9[%dma_wait3A_305, %dma_wait3A_311] : memref<8x128xi32, #tpu.memory_space<vmem>> -> memref<1x128xi32, #tpu.memory_space<vmem>>
      %dma_wait3A_313 = tpu.memref_squeeze %dma_wait3A_312 : memref<1x128xi32, #tpu.memory_space<vmem>> -> memref<128xi32, #tpu.memory_space<vmem>>
      %dma_wait3A_314 = arith.constant 0 : i32
      %dma_wait3A_315 = arith.constant 0 : i32
      %dma_wait3A_316 = tpu.memref_slice %arg4[%dma_wait3A_314, %dma_wait3A_315] : memref<100096x16xf32, #tpu.memory_space<hbm>> -> memref<100096x16xf32, #tpu.memory_space<hbm>>
      tpu.wait_indirect_dma semaphore(%arg15 : memref<!tpu.dma_semaphore, #tpu.memory_space<semaphore_mem>>) src(%dma_wait3A_316 : memref<100096x16xf32, #tpu.memory_space<hbm>>) dst(%dma_wait3A_310 : memref<128x16xf32, #tpu.memory_space<vmem>>)
      %dma_wait3A_317 = arith.constant 4 : i32
      %dma_wait3A_318 = arith.constant 4 : i32
      %dma_wait3A_319 = arith.constant 0 : i32
      %dma_wait3A_320 = arith.constant 0 : i32
      %dma_wait3A_321 = tpu.memref_slice %arg10[%dma_wait3A_318, %dma_wait3A_319, %dma_wait3A_320] : memref<8x128x16xf32, #tpu.memory_space<vmem>> -> memref<1x128x16xf32, #tpu.memory_space<vmem>>
      %dma_wait3A_322 = tpu.memref_squeeze %dma_wait3A_321 : memref<1x128x16xf32, #tpu.memory_space<vmem>> -> memref<128x16xf32, #tpu.memory_space<vmem>>
      %dma_wait3A_323 = arith.constant 0 : i32
      %dma_wait3A_324 = tpu.memref_slice %arg8[%dma_wait3A_317, %dma_wait3A_323] : memref<8x128xi32, #tpu.memory_space<vmem>> -> memref<1x128xi32, #tpu.memory_space<vmem>>
      %dma_wait3A_325 = tpu.memref_squeeze %dma_wait3A_324 : memref<1x128xi32, #tpu.memory_space<vmem>> -> memref<128xi32, #tpu.memory_space<vmem>>
      %dma_wait3A_326 = arith.constant 0 : i32
      %dma_wait3A_327 = arith.constant 0 : i32
      %dma_wait3A_328 = tpu.memref_slice %arg4[%dma_wait3A_326, %dma_wait3A_327] : memref<100096x16xf32, #tpu.memory_space<hbm>> -> memref<100096x16xf32, #tpu.memory_space<hbm>>
      tpu.wait_indirect_dma semaphore(%arg15 : memref<!tpu.dma_semaphore, #tpu.memory_space<semaphore_mem>>) src(%dma_wait3A_328 : memref<100096x16xf32, #tpu.memory_space<hbm>>) dst(%dma_wait3A_322 : memref<128x16xf32, #tpu.memory_space<vmem>>)
      %dma_wait3A_329 = arith.constant 4 : i32
      %dma_wait3A_330 = arith.constant 4 : i32
      %dma_wait3A_331 = arith.constant 0 : i32
      %dma_wait3A_332 = arith.constant 0 : i32
      %dma_wait3A_333 = tpu.memref_slice %arg11[%dma_wait3A_330, %dma_wait3A_331, %dma_wait3A_332] : memref<8x128x16xf32, #tpu.memory_space<vmem>> -> memref<1x128x16xf32, #tpu.memory_space<vmem>>
      %dma_wait3A_334 = tpu.memref_squeeze %dma_wait3A_333 : memref<1x128x16xf32, #tpu.memory_space<vmem>> -> memref<128x16xf32, #tpu.memory_space<vmem>>
      %dma_wait3A_335 = arith.constant 0 : i32
      %dma_wait3A_336 = tpu.memref_slice %arg9[%dma_wait3A_329, %dma_wait3A_335] : memref<8x128xi32, #tpu.memory_space<vmem>> -> memref<1x128xi32, #tpu.memory_space<vmem>>
      %dma_wait3A_337 = tpu.memref_squeeze %dma_wait3A_336 : memref<1x128xi32, #tpu.memory_space<vmem>> -> memref<128xi32, #tpu.memory_space<vmem>>
      %dma_wait3A_338 = arith.constant 0 : i32
      %dma_wait3A_339 = arith.constant 0 : i32
      %dma_wait3A_340 = tpu.memref_slice %arg4[%dma_wait3A_338, %dma_wait3A_339] : memref<100096x16xf32, #tpu.memory_space<hbm>> -> memref<100096x16xf32, #tpu.memory_space<hbm>>
      tpu.wait_indirect_dma semaphore(%arg15 : memref<!tpu.dma_semaphore, #tpu.memory_space<semaphore_mem>>) src(%dma_wait3A_340 : memref<100096x16xf32, #tpu.memory_space<hbm>>) dst(%dma_wait3A_334 : memref<128x16xf32, #tpu.memory_space<vmem>>)
      %dma_wait3A_341 = arith.constant 5 : i32
      %dma_wait3A_342 = arith.constant 5 : i32
      %dma_wait3A_343 = arith.constant 0 : i32
      %dma_wait3A_344 = arith.constant 0 : i32
      %dma_wait3A_345 = tpu.memref_slice %arg10[%dma_wait3A_342, %dma_wait3A_343, %dma_wait3A_344] : memref<8x128x16xf32, #tpu.memory_space<vmem>> -> memref<1x128x16xf32, #tpu.memory_space<vmem>>
      %dma_wait3A_346 = tpu.memref_squeeze %dma_wait3A_345 : memref<1x128x16xf32, #tpu.memory_space<vmem>> -> memref<128x16xf32, #tpu.memory_space<vmem>>
      %dma_wait3A_347 = arith.constant 0 : i32
      %dma_wait3A_348 = tpu.memref_slice %arg8[%dma_wait3A_341, %dma_wait3A_347] : memref<8x128xi32, #tpu.memory_space<vmem>> -> memref<1x128xi32, #tpu.memory_space<vmem>>
      %dma_wait3A_349 = tpu.memref_squeeze %dma_wait3A_348 : memref<1x128xi32, #tpu.memory_space<vmem>> -> memref<128xi32, #tpu.memory_space<vmem>>
      %dma_wait3A_350 = arith.constant 0 : i32
      %dma_wait3A_351 = arith.constant 0 : i32
      %dma_wait3A_352 = tpu.memref_slice %arg4[%dma_wait3A_350, %dma_wait3A_351] : memref<100096x16xf32, #tpu.memory_space<hbm>> -> memref<100096x16xf32, #tpu.memory_space<hbm>>
      tpu.wait_indirect_dma semaphore(%arg15 : memref<!tpu.dma_semaphore, #tpu.memory_space<semaphore_mem>>) src(%dma_wait3A_352 : memref<100096x16xf32, #tpu.memory_space<hbm>>) dst(%dma_wait3A_346 : memref<128x16xf32, #tpu.memory_space<vmem>>)
      %dma_wait3A_353 = arith.constant 5 : i32
      %dma_wait3A_354 = arith.constant 5 : i32
      %dma_wait3A_355 = arith.constant 0 : i32
      %dma_wait3A_356 = arith.constant 0 : i32
      %dma_wait3A_357 = tpu.memref_slice %arg11[%dma_wait3A_354, %dma_wait3A_355, %dma_wait3A_356] : memref<8x128x16xf32, #tpu.memory_space<vmem>> -> memref<1x128x16xf32, #tpu.memory_space<vmem>>
      %dma_wait3A_358 = tpu.memref_squeeze %dma_wait3A_357 : memref<1x128x16xf32, #tpu.memory_space<vmem>> -> memref<128x16xf32, #tpu.memory_space<vmem>>
      %dma_wait3A_359 = arith.constant 0 : i32
      %dma_wait3A_360 = tpu.memref_slice %arg9[%dma_wait3A_353, %dma_wait3A_359] : memref<8x128xi32, #tpu.memory_space<vmem>> -> memref<1x128xi32, #tpu.memory_space<vmem>>
      %dma_wait3A_361 = tpu.memref_squeeze %dma_wait3A_360 : memref<1x128xi32, #tpu.memory_space<vmem>> -> memref<128xi32, #tpu.memory_space<vmem>>
      %dma_wait3A_362 = arith.constant 0 : i32
      %dma_wait3A_363 = arith.constant 0 : i32
      %dma_wait3A_364 = tpu.memref_slice %arg4[%dma_wait3A_362, %dma_wait3A_363] : memref<100096x16xf32, #tpu.memory_space<hbm>> -> memref<100096x16xf32, #tpu.memory_space<hbm>>
      tpu.wait_indirect_dma semaphore(%arg15 : memref<!tpu.dma_semaphore, #tpu.memory_space<semaphore_mem>>) src(%dma_wait3A_364 : memref<100096x16xf32, #tpu.memory_space<hbm>>) dst(%dma_wait3A_358 : memref<128x16xf32, #tpu.memory_space<vmem>>)
      %dma_wait3A_365 = arith.constant 6 : i32
      %dma_wait3A_366 = arith.constant 6 : i32
      %dma_wait3A_367 = arith.constant 0 : i32
      %dma_wait3A_368 = arith.constant 0 : i32
      %dma_wait3A_369 = tpu.memref_slice %arg10[%dma_wait3A_366, %dma_wait3A_367, %dma_wait3A_368] : memref<8x128x16xf32, #tpu.memory_space<vmem>> -> memref<1x128x16xf32, #tpu.memory_space<vmem>>
      %dma_wait3A_370 = tpu.memref_squeeze %dma_wait3A_369 : memref<1x128x16xf32, #tpu.memory_space<vmem>> -> memref<128x16xf32, #tpu.memory_space<vmem>>
      %dma_wait3A_371 = arith.constant 0 : i32
      %dma_wait3A_372 = tpu.memref_slice %arg8[%dma_wait3A_365, %dma_wait3A_371] : memref<8x128xi32, #tpu.memory_space<vmem>> -> memref<1x128xi32, #tpu.memory_space<vmem>>
      %dma_wait3A_373 = tpu.memref_squeeze %dma_wait3A_372 : memref<1x128xi32, #tpu.memory_space<vmem>> -> memref<128xi32, #tpu.memory_space<vmem>>
      %dma_wait3A_374 = arith.constant 0 : i32
      %dma_wait3A_375 = arith.constant 0 : i32
      %dma_wait3A_376 = tpu.memref_slice %arg4[%dma_wait3A_374, %dma_wait3A_375] : memref<100096x16xf32, #tpu.memory_space<hbm>> -> memref<100096x16xf32, #tpu.memory_space<hbm>>
      tpu.wait_indirect_dma semaphore(%arg15 : memref<!tpu.dma_semaphore, #tpu.memory_space<semaphore_mem>>) src(%dma_wait3A_376 : memref<100096x16xf32, #tpu.memory_space<hbm>>) dst(%dma_wait3A_370 : memref<128x16xf32, #tpu.memory_space<vmem>>)
      %dma_wait3A_377 = arith.constant 6 : i32
      %dma_wait3A_378 = arith.constant 6 : i32
      %dma_wait3A_379 = arith.constant 0 : i32
      %dma_wait3A_380 = arith.constant 0 : i32
      %dma_wait3A_381 = tpu.memref_slice %arg11[%dma_wait3A_378, %dma_wait3A_379, %dma_wait3A_380] : memref<8x128x16xf32, #tpu.memory_space<vmem>> -> memref<1x128x16xf32, #tpu.memory_space<vmem>>
      %dma_wait3A_382 = tpu.memref_squeeze %dma_wait3A_381 : memref<1x128x16xf32, #tpu.memory_space<vmem>> -> memref<128x16xf32, #tpu.memory_space<vmem>>
      %dma_wait3A_383 = arith.constant 0 : i32
      %dma_wait3A_384 = tpu.memref_slice %arg9[%dma_wait3A_377, %dma_wait3A_383] : memref<8x128xi32, #tpu.memory_space<vmem>> -> memref<1x128xi32, #tpu.memory_space<vmem>>
      %dma_wait3A_385 = tpu.memref_squeeze %dma_wait3A_384 : memref<1x128xi32, #tpu.memory_space<vmem>> -> memref<128xi32, #tpu.memory_space<vmem>>
      %dma_wait3A_386 = arith.constant 0 : i32
      %dma_wait3A_387 = arith.constant 0 : i32
      %dma_wait3A_388 = tpu.memref_slice %arg4[%dma_wait3A_386, %dma_wait3A_387] : memref<100096x16xf32, #tpu.memory_space<hbm>> -> memref<100096x16xf32, #tpu.memory_space<hbm>>
      tpu.wait_indirect_dma semaphore(%arg15 : memref<!tpu.dma_semaphore, #tpu.memory_space<semaphore_mem>>) src(%dma_wait3A_388 : memref<100096x16xf32, #tpu.memory_space<hbm>>) dst(%dma_wait3A_382 : memref<128x16xf32, #tpu.memory_space<vmem>>)
      %dma_wait3A_389 = arith.constant 7 : i32
      %dma_wait3A_390 = arith.constant 7 : i32
      %dma_wait3A_391 = arith.constant 0 : i32
      %dma_wait3A_392 = arith.constant 0 : i32
      %dma_wait3A_393 = tpu.memref_slice %arg10[%dma_wait3A_390, %dma_wait3A_391, %dma_wait3A_392] : memref<8x128x16xf32, #tpu.memory_space<vmem>> -> memref<1x128x16xf32, #tpu.memory_space<vmem>>
      %dma_wait3A_394 = tpu.memref_squeeze %dma_wait3A_393 : memref<1x128x16xf32, #tpu.memory_space<vmem>> -> memref<128x16xf32, #tpu.memory_space<vmem>>
      %dma_wait3A_395 = arith.constant 0 : i32
      %dma_wait3A_396 = tpu.memref_slice %arg8[%dma_wait3A_389, %dma_wait3A_395] : memref<8x128xi32, #tpu.memory_space<vmem>> -> memref<1x128xi32, #tpu.memory_space<vmem>>
      %dma_wait3A_397 = tpu.memref_squeeze %dma_wait3A_396 : memref<1x128xi32, #tpu.memory_space<vmem>> -> memref<128xi32, #tpu.memory_space<vmem>>
      %dma_wait3A_398 = arith.constant 0 : i32
      %dma_wait3A_399 = arith.constant 0 : i32
      %dma_wait3A_400 = tpu.memref_slice %arg4[%dma_wait3A_398, %dma_wait3A_399] : memref<100096x16xf32, #tpu.memory_space<hbm>> -> memref<100096x16xf32, #tpu.memory_space<hbm>>
      tpu.wait_indirect_dma semaphore(%arg15 : memref<!tpu.dma_semaphore, #tpu.memory_space<semaphore_mem>>) src(%dma_wait3A_400 : memref<100096x16xf32, #tpu.memory_space<hbm>>) dst(%dma_wait3A_394 : memref<128x16xf32, #tpu.memory_space<vmem>>)
      %dma_wait3A_401 = arith.constant 7 : i32
      %dma_wait3A_402 = arith.constant 7 : i32
      %dma_wait3A_403 = arith.constant 0 : i32
      %dma_wait3A_404 = arith.constant 0 : i32
      %dma_wait3A_405 = tpu.memref_slice %arg11[%dma_wait3A_402, %dma_wait3A_403, %dma_wait3A_404] : memref<8x128x16xf32, #tpu.memory_space<vmem>> -> memref<1x128x16xf32, #tpu.memory_space<vmem>>
      %dma_wait3A_406 = tpu.memref_squeeze %dma_wait3A_405 : memref<1x128x16xf32, #tpu.memory_space<vmem>> -> memref<128x16xf32, #tpu.memory_space<vmem>>
      %dma_wait3A_407 = arith.constant 0 : i32
      %dma_wait3A_408 = tpu.memref_slice %arg9[%dma_wait3A_401, %dma_wait3A_407] : memref<8x128xi32, #tpu.memory_space<vmem>> -> memref<1x128xi32, #tpu.memory_space<vmem>>
      %dma_wait3A_409 = tpu.memref_squeeze %dma_wait3A_408 : memref<1x128xi32, #tpu.memory_space<vmem>> -> memref<128xi32, #tpu.memory_space<vmem>>
      %dma_wait3A_410 = arith.constant 0 : i32
      %dma_wait3A_411 = arith.constant 0 : i32
      %dma_wait3A_412 = tpu.memref_slice %arg4[%dma_wait3A_410, %dma_wait3A_411] : memref<100096x16xf32, #tpu.memory_space<hbm>> -> memref<100096x16xf32, #tpu.memory_space<hbm>>
      tpu.wait_indirect_dma semaphore(%arg15 : memref<!tpu.dma_semaphore, #tpu.memory_space<semaphore_mem>>) src(%dma_wait3A_412 : memref<100096x16xf32, #tpu.memory_space<hbm>>) dst(%dma_wait3A_406 : memref<128x16xf32, #tpu.memory_space<vmem>>)
      %scan3A_413 = arith.constant 0 : i32
      %scan3A_414 = arith.constant 0 : i32
      %scan3A_415 = arith.constant 64 : i32
      %scan3A_416 = arith.addi %scan3A_414, %scan3A_415 : i32
      %scan3A_417 = arith.constant 1 : i32
      scf.for %scan3A_426 = %scan3A_414 to %scan3A_416 step %scan3A_417  : i32 {
        %jit3A = arith.constant 8 : i32
        %div3A = arith.divsi %scan3A_426, %jit3A : i32
        %sign3A = arith.constant 0 : i32
        %sign3A_427 = arith.cmpi sgt, %scan3A_426, %sign3A : i32
        %sign3A_428 = arith.extui %sign3A_427 : i1 to i32
        %sign3A_429 = arith.constant 0 : i32
        %sign3A_430 = arith.cmpi slt, %scan3A_426, %sign3A_429 : i32
        %sign3A_431 = arith.extui %sign3A_430 : i1 to i32
        %sign3A_432 = arith.subi %sign3A_428, %sign3A_431 : i32
        %sign3A_433 = arith.constant 0 : i32
        %sign3A_434 = arith.cmpi sgt, %jit3A, %sign3A_433 : i32
        %sign3A_435 = arith.extui %sign3A_434 : i1 to i32
        %sign3A_436 = arith.constant 0 : i32
        %sign3A_437 = arith.cmpi slt, %jit3A, %sign3A_436 : i32
        %sign3A_438 = arith.extui %sign3A_437 : i1 to i32
        %sign3A_439 = arith.subi %sign3A_435, %sign3A_438 : i32
        %ne3A = arith.cmpi ne, %sign3A_432, %sign3A_439 : i32
        %rem3A = arith.remsi %scan3A_426, %jit3A : i32
        %ne3A_440 = arith.constant 0 : i32
        %ne3A_441 = arith.cmpi ne, %rem3A, %ne3A_440 : i32
        %and3A = arith.andi %ne3A, %ne3A_441 : i1
        %sub3A = arith.constant 1 : i32
        %sub3A_442 = arith.subi %div3A, %sub3A : i32
        %select_n3A = arith.select %and3A, %sub3A_442, %div3A : i32
        %broadcast_in_dim3A_443 = vector.broadcast %select_n3A : i32 to vector<16xi32>
        %jit3A_444 = arith.constant 8 : i32
        %eq3A = arith.constant 0 : i32
        %eq3A_445 = arith.cmpi eq, %jit3A_444, %eq3A : i32
        %jit3A_446 = arith.constant 1 : i32
        %select_n3A_447 = arith.select %eq3A_445, %jit3A_446, %jit3A_444 : i32
        %rem3A_448 = arith.remsi %scan3A_426, %select_n3A_447 : i32
        %ne3A_449 = arith.constant 0 : i32
        %ne3A_450 = arith.cmpi ne, %rem3A_448, %ne3A_449 : i32
        %lt3A = arith.constant 0 : i32
        %lt3A_451 = arith.cmpi slt, %rem3A_448, %lt3A : i32
        %lt3A_452 = arith.constant 0 : i32
        %lt3A_453 = arith.cmpi slt, %select_n3A_447, %lt3A_452 : i32
        %ne3A_454 = arith.xori %lt3A_451, %lt3A_453 : i1
        %and3A_455 = arith.andi %ne3A_454, %ne3A_450 : i1
        %add3A_456 = arith.addi %rem3A_448, %select_n3A_447 : i32
        %select_n3A_457 = arith.select %and3A_455, %add3A_456, %rem3A_448 : i32
        %mul3A_458 = arith.constant 16 : i32
        %mul3A_459 = arith.muli %select_n3A_457, %mul3A_458 : i32
        %iota3A = tpu.iota {dimensions = array<i32: 0>} : vector<16xi32>
        %add3A_460 = vector.broadcast %mul3A_459 : i32 to vector<16xi32>
        %add3A_461 = arith.addi %add3A_460, %iota3A : vector<16xi32>
        %gather3A = tpu.vector_load_idx %arg10[%broadcast_in_dim3A_443, %add3A_461, %broadcast_in_dim3A_0] : memref<8x128x16xf32, #tpu.memory_space<vmem>>[vector<16xi32>, vector<16xi32>, vector<16xi32>], vector<16xf32>,
        %gather3A_462 = tpu.vector_load_idx %arg10[%broadcast_in_dim3A_443, %add3A_461, %broadcast_in_dim3A_2] : memref<8x128x16xf32, #tpu.memory_space<vmem>>[vector<16xi32>, vector<16xi32>, vector<16xi32>], vector<16xf32>,
        %gather3A_463 = tpu.vector_load_idx %arg10[%broadcast_in_dim3A_443, %add3A_461, %broadcast_in_dim3A_4] : memref<8x128x16xf32, #tpu.memory_space<vmem>>[vector<16xi32>, vector<16xi32>, vector<16xi32>], vector<16xf32>,
        %gather3A_464 = tpu.vector_load_idx %arg10[%broadcast_in_dim3A_443, %add3A_461, %broadcast_in_dim3A_6] : memref<8x128x16xf32, #tpu.memory_space<vmem>>[vector<16xi32>, vector<16xi32>, vector<16xi32>], vector<16xf32>,
        %gather3A_465 = tpu.vector_load_idx %arg11[%broadcast_in_dim3A_443, %add3A_461, %broadcast_in_dim3A_0] : memref<8x128x16xf32, #tpu.memory_space<vmem>>[vector<16xi32>, vector<16xi32>, vector<16xi32>], vector<16xf32>,
        %gather3A_466 = tpu.vector_load_idx %arg11[%broadcast_in_dim3A_443, %add3A_461, %broadcast_in_dim3A_2] : memref<8x128x16xf32, #tpu.memory_space<vmem>>[vector<16xi32>, vector<16xi32>, vector<16xi32>], vector<16xf32>,
        %gather3A_467 = tpu.vector_load_idx %arg11[%broadcast_in_dim3A_443, %add3A_461, %broadcast_in_dim3A_4] : memref<8x128x16xf32, #tpu.memory_space<vmem>>[vector<16xi32>, vector<16xi32>, vector<16xi32>], vector<16xf32>,
        %sub3A_468 = arith.subf %gather3A_465, %gather3A : vector<16xf32>
        %sub3A_469 = arith.subf %gather3A_466, %gather3A_462 : vector<16xf32>
        %sub3A_470 = arith.subf %gather3A_467, %gather3A_463 : vector<16xf32>
        %mul3A_471 = arith.mulf %sub3A_468, %sub3A_468 : vector<16xf32>
        %mul3A_472 = arith.mulf %sub3A_469, %sub3A_469 : vector<16xf32>
        %add3A_473 = arith.addf %mul3A_471, %mul3A_472 : vector<16xf32>
        %mul3A_474 = arith.mulf %sub3A_470, %sub3A_470 : vector<16xf32>
        %add3A_475 = arith.addf %add3A_473, %mul3A_474 : vector<16xf32>
        %add3A_476 = arith.constant 9.99999996E-13 : f32
        %add3A_477 = vector.broadcast %add3A_476 : f32 to vector<16xf32>
        %add3A_478 = arith.addf %add3A_475, %add3A_477 : vector<16xf32>
        %bitcast_convert_type3A = tpu.bitcast %add3A_478 : vector<16xf32> -> vector<16xi32>
        %shift_right_arithmetic3A = arith.constant 1 : i32
        %shift_right_arithmetic3A_479 = vector.broadcast %shift_right_arithmetic3A : i32 to vector<16xi32>
        %shift_right_arithmetic3A_480 = arith.shrsi %bitcast_convert_type3A, %shift_right_arithmetic3A_479 : vector<16xi32>
        %sub3A_481 = arith.constant 1597463007 : i32
        %sub3A_482 = vector.broadcast %sub3A_481 : i32 to vector<16xi32>
        %sub3A_483 = arith.subi %sub3A_482, %shift_right_arithmetic3A_480 : vector<16xi32>
        %bitcast_convert_type3A_484 = tpu.bitcast %sub3A_483 : vector<16xi32> -> vector<16xf32>
        %mul3A_485 = arith.constant 5.000000e-01 : f32
        %mul3A_486 = vector.broadcast %mul3A_485 : f32 to vector<16xf32>
        %mul3A_487 = arith.mulf %mul3A_486, %add3A_478 : vector<16xf32>
        %mul3A_488 = arith.mulf %mul3A_487, %bitcast_convert_type3A_484 : vector<16xf32>
        %mul3A_489 = arith.mulf %mul3A_488, %bitcast_convert_type3A_484 : vector<16xf32>
        %sub3A_490 = arith.constant 1.500000e+00 : f32
        %sub3A_491 = vector.broadcast %sub3A_490 : f32 to vector<16xf32>
        %sub3A_492 = arith.subf %sub3A_491, %mul3A_489 : vector<16xf32>
        %mul3A_493 = arith.mulf %bitcast_convert_type3A_484, %sub3A_492 : vector<16xf32>
        %mul3A_494 = arith.mulf %mul3A_487, %mul3A_493 : vector<16xf32>
        %mul3A_495 = arith.mulf %mul3A_494, %mul3A_493 : vector<16xf32>
        %sub3A_496 = arith.constant 1.500000e+00 : f32
        %sub3A_497 = vector.broadcast %sub3A_496 : f32 to vector<16xf32>
        %sub3A_498 = arith.subf %sub3A_497, %mul3A_495 : vector<16xf32>
        %mul3A_499 = arith.mulf %mul3A_493, %sub3A_498 : vector<16xf32>
        %mul3A_500 = arith.mulf %mul3A_487, %mul3A_499 : vector<16xf32>
        %mul3A_501 = arith.mulf %mul3A_500, %mul3A_499 : vector<16xf32>
        %sub3A_502 = arith.constant 1.500000e+00 : f32
        %sub3A_503 = vector.broadcast %sub3A_502 : f32 to vector<16xf32>
        %sub3A_504 = arith.subf %sub3A_503, %mul3A_501 : vector<16xf32>
        %mul3A_505 = arith.mulf %mul3A_499, %sub3A_504 : vector<16xf32>
        %mul3A_506 = arith.mulf %add3A_478, %mul3A_505 : vector<16xf32>
        %min3A = arith.constant 5.99999952 : f32
        %min3A_507 = vector.broadcast %min3A : f32 to vector<16xf32>
        %min3A_508 = arith.minimumf %mul3A_506, %min3A_507 : vector<16xf32>
        %max3A = arith.constant 0.000000e+00 : f32
        %max3A_509 = vector.broadcast %max3A : f32 to vector<16xf32>
        %max3A_510 = arith.maximumf %min3A_508, %max3A_509 : vector<16xf32>
        %mul3A_511 = arith.constant 1365.16663 : f32
        %mul3A_512 = vector.broadcast %mul3A_511 : f32 to vector<16xf32>
        %mul3A_513 = arith.mulf %max3A_510, %mul3A_512 : vector<16xf32>
        %convert_element_type3A = arith.fptosi %mul3A_513 : vector<16xf32> to vector<16xi32>
        %convert_element_type3A_514 = arith.sitofp %convert_element_type3A : vector<16xi32> to vector<16xf32>
        %sub3A_515 = arith.subf %mul3A_513, %convert_element_type3A_514 : vector<16xf32>
        %add3A_516 = arith.constant 1 : i32
        %add3A_517 = vector.broadcast %add3A_516 : i32 to vector<16xi32>
        %add3A_518 = arith.addi %convert_element_type3A, %add3A_517 : vector<16xi32>
        %min3A_519 = arith.constant 8191 : i32
        %min3A_520 = vector.broadcast %min3A_519 : i32 to vector<16xi32>
        %min3A_521 = arith.minsi %add3A_518, %min3A_520 : vector<16xi32>
        %convert_element_type3A_522 = arith.fptosi %gather3A_464 : vector<16xf32> to vector<16xi32>
        %mul3A_523 = arith.constant 8192 : i32
        %mul3A_524 = vector.broadcast %mul3A_523 : i32 to vector<16xi32>
        %mul3A_525 = arith.muli %convert_element_type3A_522, %mul3A_524 : vector<16xi32>
        %add3A_526 = arith.addi %mul3A_525, %convert_element_type3A : vector<16xi32>
        %add3A_527 = arith.addi %mul3A_525, %min3A_521 : vector<16xi32>
        %gather3A_528 = tpu.vector_load_idx %arg13[%add3A_526] : memref<16384xf32, #tpu.memory_space<vmem>>[vector<16xi32>], vector<16xf32>,
        %gather3A_529 = tpu.vector_load_idx %arg13[%add3A_527] : memref<16384xf32, #tpu.memory_space<vmem>>[vector<16xi32>], vector<16xf32>,
        %sub3A_530 = arith.subf %gather3A_529, %gather3A_528 : vector<16xf32>
        %mul3A_531 = arith.mulf %sub3A_515, %sub3A_530 : vector<16xf32>
        %add3A_532 = arith.addf %gather3A_528, %mul3A_531 : vector<16xf32>
        %mul3A_533 = arith.constant 16 : i32
        %mul3A_534 = arith.muli %scan3A_426, %mul3A_533 : i32
        %swap3A = arith.index_cast %mul3A_534 : i32 to index
        %swap3A_535 = tpu.vector_load %arg12[%swap3A] {strides = array<i32>} : memref<1024xf32, #tpu.memory_space<vmem>>, vector<16xf32>,
        tpu.vector_store %arg12[%swap3A], %add3A_532 {strides = array<i32>} : memref<1024xf32, #tpu.memory_space<vmem>>, vector<16xf32>,
      }
      %scan3A_418 = arith.constant 64 : i32
      %run_scoped3A = arith.constant 0 : i32
      "tpu.region"() ({
        %run_scoped3A_426 = tpu.sem_alloc : memref<!tpu.dma_semaphore, #tpu.memory_space<semaphore_mem>>
        %dma_start3A_427 = arith.constant 0 : i32
        %dma_start3A_428 = tpu.memref_slice %arg12[%dma_start3A_427] : memref<1024xf32, #tpu.memory_space<vmem>> -> memref<128xf32, #tpu.memory_space<vmem>>
        %dma_start3A_429 = arith.constant 0 : i32
        %dma_start3A_430 = tpu.memref_slice %arg9[%run_scoped3A, %dma_start3A_429] : memref<8x128xi32, #tpu.memory_space<vmem>> -> memref<1x128xi32, #tpu.memory_space<vmem>>
        %dma_start3A_431 = tpu.memref_squeeze %dma_start3A_430 : memref<1x128xi32, #tpu.memory_space<vmem>> -> memref<128xi32, #tpu.memory_space<vmem>>
        %dma_start3A_432 = arith.constant 0 : i32
        %dma_start3A_433 = tpu.memref_slice %arg14[%dma_start3A_432] : memref<100096xf32, #tpu.memory_space<vmem_shared>> -> memref<100096xf32, #tpu.memory_space<vmem_shared>>
        tpu.enqueue_indirect_dma source(%dma_start3A_428 : memref<128xf32, #tpu.memory_space<vmem>>) target(%dma_start3A_433 : memref<100096xf32, #tpu.memory_space<vmem_shared>>) offsets(%dma_start3A_431 : memref<128xi32, #tpu.memory_space<vmem>>) semaphore(%run_scoped3A_426 : memref<!tpu.dma_semaphore, #tpu.memory_space<semaphore_mem>>) {add = true}
        %dma_wait3A_434 = arith.constant 0 : i32
        %dma_wait3A_435 = tpu.memref_slice %arg12[%dma_wait3A_434] : memref<1024xf32, #tpu.memory_space<vmem>> -> memref<128xf32, #tpu.memory_space<vmem>>
        %dma_wait3A_436 = arith.constant 0 : i32
        %dma_wait3A_437 = tpu.memref_slice %arg9[%run_scoped3A, %dma_wait3A_436] : memref<8x128xi32, #tpu.memory_space<vmem>> -> memref<1x128xi32, #tpu.memory_space<vmem>>
        %dma_wait3A_438 = tpu.memref_squeeze %dma_wait3A_437 : memref<1x128xi32, #tpu.memory_space<vmem>> -> memref<128xi32, #tpu.memory_space<vmem>>
        %dma_wait3A_439 = arith.constant 0 : i32
        %dma_wait3A_440 = tpu.memref_slice %arg14[%dma_wait3A_439] : memref<100096xf32, #tpu.memory_space<vmem_shared>> -> memref<100096xf32, #tpu.memory_space<vmem_shared>>
        tpu.wait_indirect_dma semaphore(%run_scoped3A_426 : memref<!tpu.dma_semaphore, #tpu.memory_space<semaphore_mem>>) src(%dma_wait3A_435 : memref<128xf32, #tpu.memory_space<vmem>>) dst(%dma_wait3A_440 : memref<100096xf32, #tpu.memory_space<vmem_shared>>)
        tpu.yield
      }) : () -> ()
      %run_scoped3A_419 = arith.constant 1 : i32
      "tpu.region"() ({
        %run_scoped3A_426 = tpu.sem_alloc : memref<!tpu.dma_semaphore, #tpu.memory_space<semaphore_mem>>
        %dma_start3A_427 = arith.constant 128 : i32
        %dma_start3A_428 = tpu.memref_slice %arg12[%dma_start3A_427] : memref<1024xf32, #tpu.memory_space<vmem>> -> memref<128xf32, #tpu.memory_space<vmem>>
        %dma_start3A_429 = arith.constant 0 : i32
        %dma_start3A_430 = tpu.memref_slice %arg9[%run_scoped3A_419, %dma_start3A_429] : memref<8x128xi32, #tpu.memory_space<vmem>> -> memref<1x128xi32, #tpu.memory_space<vmem>>
        %dma_start3A_431 = tpu.memref_squeeze %dma_start3A_430 : memref<1x128xi32, #tpu.memory_space<vmem>> -> memref<128xi32, #tpu.memory_space<vmem>>
        %dma_start3A_432 = arith.constant 0 : i32
        %dma_start3A_433 = tpu.memref_slice %arg14[%dma_start3A_432] : memref<100096xf32, #tpu.memory_space<vmem_shared>> -> memref<100096xf32, #tpu.memory_space<vmem_shared>>
        tpu.enqueue_indirect_dma source(%dma_start3A_428 : memref<128xf32, #tpu.memory_space<vmem>>) target(%dma_start3A_433 : memref<100096xf32, #tpu.memory_space<vmem_shared>>) offsets(%dma_start3A_431 : memref<128xi32, #tpu.memory_space<vmem>>) semaphore(%run_scoped3A_426 : memref<!tpu.dma_semaphore, #tpu.memory_space<semaphore_mem>>) {add = true}
        %dma_wait3A_434 = arith.constant 128 : i32
        %dma_wait3A_435 = tpu.memref_slice %arg12[%dma_wait3A_434] : memref<1024xf32, #tpu.memory_space<vmem>> -> memref<128xf32, #tpu.memory_space<vmem>>
        %dma_wait3A_436 = arith.constant 0 : i32
        %dma_wait3A_437 = tpu.memref_slice %arg9[%run_scoped3A_419, %dma_wait3A_436] : memref<8x128xi32, #tpu.memory_space<vmem>> -> memref<1x128xi32, #tpu.memory_space<vmem>>
        %dma_wait3A_438 = tpu.memref_squeeze %dma_wait3A_437 : memref<1x128xi32, #tpu.memory_space<vmem>> -> memref<128xi32, #tpu.memory_space<vmem>>
        %dma_wait3A_439 = arith.constant 0 : i32
        %dma_wait3A_440 = tpu.memref_slice %arg14[%dma_wait3A_439] : memref<100096xf32, #tpu.memory_space<vmem_shared>> -> memref<100096xf32, #tpu.memory_space<vmem_shared>>
        tpu.wait_indirect_dma semaphore(%run_scoped3A_426 : memref<!tpu.dma_semaphore, #tpu.memory_space<semaphore_mem>>) src(%dma_wait3A_435 : memref<128xf32, #tpu.memory_space<vmem>>) dst(%dma_wait3A_440 : memref<100096xf32, #tpu.memory_space<vmem_shared>>)
        tpu.yield
      }) : () -> ()
      %run_scoped3A_420 = arith.constant 2 : i32
      "tpu.region"() ({
        %run_scoped3A_426 = tpu.sem_alloc : memref<!tpu.dma_semaphore, #tpu.memory_space<semaphore_mem>>
        %dma_start3A_427 = arith.constant 256 : i32
        %dma_start3A_428 = tpu.memref_slice %arg12[%dma_start3A_427] : memref<1024xf32, #tpu.memory_space<vmem>> -> memref<128xf32, #tpu.memory_space<vmem>>
        %dma_start3A_429 = arith.constant 0 : i32
        %dma_start3A_430 = tpu.memref_slice %arg9[%run_scoped3A_420, %dma_start3A_429] : memref<8x128xi32, #tpu.memory_space<vmem>> -> memref<1x128xi32, #tpu.memory_space<vmem>>
        %dma_start3A_431 = tpu.memref_squeeze %dma_start3A_430 : memref<1x128xi32, #tpu.memory_space<vmem>> -> memref<128xi32, #tpu.memory_space<vmem>>
        %dma_start3A_432 = arith.constant 0 : i32
        %dma_start3A_433 = tpu.memref_slice %arg14[%dma_start3A_432] : memref<100096xf32, #tpu.memory_space<vmem_shared>> -> memref<100096xf32, #tpu.memory_space<vmem_shared>>
        tpu.enqueue_indirect_dma source(%dma_start3A_428 : memref<128xf32, #tpu.memory_space<vmem>>) target(%dma_start3A_433 : memref<100096xf32, #tpu.memory_space<vmem_shared>>) offsets(%dma_start3A_431 : memref<128xi32, #tpu.memory_space<vmem>>) semaphore(%run_scoped3A_426 : memref<!tpu.dma_semaphore, #tpu.memory_space<semaphore_mem>>) {add = true}
        %dma_wait3A_434 = arith.constant 256 : i32
        %dma_wait3A_435 = tpu.memref_slice %arg12[%dma_wait3A_434] : memref<1024xf32, #tpu.memory_space<vmem>> -> memref<128xf32, #tpu.memory_space<vmem>>
        %dma_wait3A_436 = arith.constant 0 : i32
        %dma_wait3A_437 = tpu.memref_slice %arg9[%run_scoped3A_420, %dma_wait3A_436] : memref<8x128xi32, #tpu.memory_space<vmem>> -> memref<1x128xi32, #tpu.memory_space<vmem>>
        %dma_wait3A_438 = tpu.memref_squeeze %dma_wait3A_437 : memref<1x128xi32, #tpu.memory_space<vmem>> -> memref<128xi32, #tpu.memory_space<vmem>>
        %dma_wait3A_439 = arith.constant 0 : i32
        %dma_wait3A_440 = tpu.memref_slice %arg14[%dma_wait3A_439] : memref<100096xf32, #tpu.memory_space<vmem_shared>> -> memref<100096xf32, #tpu.memory_space<vmem_shared>>
        tpu.wait_indirect_dma semaphore(%run_scoped3A_426 : memref<!tpu.dma_semaphore, #tpu.memory_space<semaphore_mem>>) src(%dma_wait3A_435 : memref<128xf32, #tpu.memory_space<vmem>>) dst(%dma_wait3A_440 : memref<100096xf32, #tpu.memory_space<vmem_shared>>)
        tpu.yield
      }) : () -> ()
      %run_scoped3A_421 = arith.constant 3 : i32
      "tpu.region"() ({
        %run_scoped3A_426 = tpu.sem_alloc : memref<!tpu.dma_semaphore, #tpu.memory_space<semaphore_mem>>
        %dma_start3A_427 = arith.constant 384 : i32
        %dma_start3A_428 = tpu.memref_slice %arg12[%dma_start3A_427] : memref<1024xf32, #tpu.memory_space<vmem>> -> memref<128xf32, #tpu.memory_space<vmem>>
        %dma_start3A_429 = arith.constant 0 : i32
        %dma_start3A_430 = tpu.memref_slice %arg9[%run_scoped3A_421, %dma_start3A_429] : memref<8x128xi32, #tpu.memory_space<vmem>> -> memref<1x128xi32, #tpu.memory_space<vmem>>
        %dma_start3A_431 = tpu.memref_squeeze %dma_start3A_430 : memref<1x128xi32, #tpu.memory_space<vmem>> -> memref<128xi32, #tpu.memory_space<vmem>>
        %dma_start3A_432 = arith.constant 0 : i32
        %dma_start3A_433 = tpu.memref_slice %arg14[%dma_start3A_432] : memref<100096xf32, #tpu.memory_space<vmem_shared>> -> memref<100096xf32, #tpu.memory_space<vmem_shared>>
        tpu.enqueue_indirect_dma source(%dma_start3A_428 : memref<128xf32, #tpu.memory_space<vmem>>) target(%dma_start3A_433 : memref<100096xf32, #tpu.memory_space<vmem_shared>>) offsets(%dma_start3A_431 : memref<128xi32, #tpu.memory_space<vmem>>) semaphore(%run_scoped3A_426 : memref<!tpu.dma_semaphore, #tpu.memory_space<semaphore_mem>>) {add = true}
        %dma_wait3A_434 = arith.constant 384 : i32
        %dma_wait3A_435 = tpu.memref_slice %arg12[%dma_wait3A_434] : memref<1024xf32, #tpu.memory_space<vmem>> -> memref<128xf32, #tpu.memory_space<vmem>>
        %dma_wait3A_436 = arith.constant 0 : i32
        %dma_wait3A_437 = tpu.memref_slice %arg9[%run_scoped3A_421, %dma_wait3A_436] : memref<8x128xi32, #tpu.memory_space<vmem>> -> memref<1x128xi32, #tpu.memory_space<vmem>>
        %dma_wait3A_438 = tpu.memref_squeeze %dma_wait3A_437 : memref<1x128xi32, #tpu.memory_space<vmem>> -> memref<128xi32, #tpu.memory_space<vmem>>
        %dma_wait3A_439 = arith.constant 0 : i32
        %dma_wait3A_440 = tpu.memref_slice %arg14[%dma_wait3A_439] : memref<100096xf32, #tpu.memory_space<vmem_shared>> -> memref<100096xf32, #tpu.memory_space<vmem_shared>>
        tpu.wait_indirect_dma semaphore(%run_scoped3A_426 : memref<!tpu.dma_semaphore, #tpu.memory_space<semaphore_mem>>) src(%dma_wait3A_435 : memref<128xf32, #tpu.memory_space<vmem>>) dst(%dma_wait3A_440 : memref<100096xf32, #tpu.memory_space<vmem_shared>>)
        tpu.yield
      }) : () -> ()
      %run_scoped3A_422 = arith.constant 4 : i32
      "tpu.region"() ({
        %run_scoped3A_426 = tpu.sem_alloc : memref<!tpu.dma_semaphore, #tpu.memory_space<semaphore_mem>>
        %dma_start3A_427 = arith.constant 512 : i32
        %dma_start3A_428 = tpu.memref_slice %arg12[%dma_start3A_427] : memref<1024xf32, #tpu.memory_space<vmem>> -> memref<128xf32, #tpu.memory_space<vmem>>
        %dma_start3A_429 = arith.constant 0 : i32
        %dma_start3A_430 = tpu.memref_slice %arg9[%run_scoped3A_422, %dma_start3A_429] : memref<8x128xi32, #tpu.memory_space<vmem>> -> memref<1x128xi32, #tpu.memory_space<vmem>>
        %dma_start3A_431 = tpu.memref_squeeze %dma_start3A_430 : memref<1x128xi32, #tpu.memory_space<vmem>> -> memref<128xi32, #tpu.memory_space<vmem>>
        %dma_start3A_432 = arith.constant 0 : i32
        %dma_start3A_433 = tpu.memref_slice %arg14[%dma_start3A_432] : memref<100096xf32, #tpu.memory_space<vmem_shared>> -> memref<100096xf32, #tpu.memory_space<vmem_shared>>
        tpu.enqueue_indirect_dma source(%dma_start3A_428 : memref<128xf32, #tpu.memory_space<vmem>>) target(%dma_start3A_433 : memref<100096xf32, #tpu.memory_space<vmem_shared>>) offsets(%dma_start3A_431 : memref<128xi32, #tpu.memory_space<vmem>>) semaphore(%run_scoped3A_426 : memref<!tpu.dma_semaphore, #tpu.memory_space<semaphore_mem>>) {add = true}
        %dma_wait3A_434 = arith.constant 512 : i32
        %dma_wait3A_435 = tpu.memref_slice %arg12[%dma_wait3A_434] : memref<1024xf32, #tpu.memory_space<vmem>> -> memref<128xf32, #tpu.memory_space<vmem>>
        %dma_wait3A_436 = arith.constant 0 : i32
        %dma_wait3A_437 = tpu.memref_slice %arg9[%run_scoped3A_422, %dma_wait3A_436] : memref<8x128xi32, #tpu.memory_space<vmem>> -> memref<1x128xi32, #tpu.memory_space<vmem>>
        %dma_wait3A_438 = tpu.memref_squeeze %dma_wait3A_437 : memref<1x128xi32, #tpu.memory_space<vmem>> -> memref<128xi32, #tpu.memory_space<vmem>>
        %dma_wait3A_439 = arith.constant 0 : i32
        %dma_wait3A_440 = tpu.memref_slice %arg14[%dma_wait3A_439] : memref<100096xf32, #tpu.memory_space<vmem_shared>> -> memref<100096xf32, #tpu.memory_space<vmem_shared>>
        tpu.wait_indirect_dma semaphore(%run_scoped3A_426 : memref<!tpu.dma_semaphore, #tpu.memory_space<semaphore_mem>>) src(%dma_wait3A_435 : memref<128xf32, #tpu.memory_space<vmem>>) dst(%dma_wait3A_440 : memref<100096xf32, #tpu.memory_space<vmem_shared>>)
        tpu.yield
      }) : () -> ()
      %run_scoped3A_423 = arith.constant 5 : i32
      "tpu.region"() ({
        %run_scoped3A_426 = tpu.sem_alloc : memref<!tpu.dma_semaphore, #tpu.memory_space<semaphore_mem>>
        %dma_start3A_427 = arith.constant 640 : i32
        %dma_start3A_428 = tpu.memref_slice %arg12[%dma_start3A_427] : memref<1024xf32, #tpu.memory_space<vmem>> -> memref<128xf32, #tpu.memory_space<vmem>>
        %dma_start3A_429 = arith.constant 0 : i32
        %dma_start3A_430 = tpu.memref_slice %arg9[%run_scoped3A_423, %dma_start3A_429] : memref<8x128xi32, #tpu.memory_space<vmem>> -> memref<1x128xi32, #tpu.memory_space<vmem>>
        %dma_start3A_431 = tpu.memref_squeeze %dma_start3A_430 : memref<1x128xi32, #tpu.memory_space<vmem>> -> memref<128xi32, #tpu.memory_space<vmem>>
        %dma_start3A_432 = arith.constant 0 : i32
        %dma_start3A_433 = tpu.memref_slice %arg14[%dma_start3A_432] : memref<100096xf32, #tpu.memory_space<vmem_shared>> -> memref<100096xf32, #tpu.memory_space<vmem_shared>>
        tpu.enqueue_indirect_dma source(%dma_start3A_428 : memref<128xf32, #tpu.memory_space<vmem>>) target(%dma_start3A_433 : memref<100096xf32, #tpu.memory_space<vmem_shared>>) offsets(%dma_start3A_431 : memref<128xi32, #tpu.memory_space<vmem>>) semaphore(%run_scoped3A_426 : memref<!tpu.dma_semaphore, #tpu.memory_space<semaphore_mem>>) {add = true}
        %dma_wait3A_434 = arith.constant 640 : i32
        %dma_wait3A_435 = tpu.memref_slice %arg12[%dma_wait3A_434] : memref<1024xf32, #tpu.memory_space<vmem>> -> memref<128xf32, #tpu.memory_space<vmem>>
        %dma_wait3A_436 = arith.constant 0 : i32
        %dma_wait3A_437 = tpu.memref_slice %arg9[%run_scoped3A_423, %dma_wait3A_436] : memref<8x128xi32, #tpu.memory_space<vmem>> -> memref<1x128xi32, #tpu.memory_space<vmem>>
        %dma_wait3A_438 = tpu.memref_squeeze %dma_wait3A_437 : memref<1x128xi32, #tpu.memory_space<vmem>> -> memref<128xi32, #tpu.memory_space<vmem>>
        %dma_wait3A_439 = arith.constant 0 : i32
        %dma_wait3A_440 = tpu.memref_slice %arg14[%dma_wait3A_439] : memref<100096xf32, #tpu.memory_space<vmem_shared>> -> memref<100096xf32, #tpu.memory_space<vmem_shared>>
        tpu.wait_indirect_dma semaphore(%run_scoped3A_426 : memref<!tpu.dma_semaphore, #tpu.memory_space<semaphore_mem>>) src(%dma_wait3A_435 : memref<128xf32, #tpu.memory_space<vmem>>) dst(%dma_wait3A_440 : memref<100096xf32, #tpu.memory_space<vmem_shared>>)
        tpu.yield
      }) : () -> ()
      %run_scoped3A_424 = arith.constant 6 : i32
      "tpu.region"() ({
        %run_scoped3A_426 = tpu.sem_alloc : memref<!tpu.dma_semaphore, #tpu.memory_space<semaphore_mem>>
        %dma_start3A_427 = arith.constant 768 : i32
        %dma_start3A_428 = tpu.memref_slice %arg12[%dma_start3A_427] : memref<1024xf32, #tpu.memory_space<vmem>> -> memref<128xf32, #tpu.memory_space<vmem>>
        %dma_start3A_429 = arith.constant 0 : i32
        %dma_start3A_430 = tpu.memref_slice %arg9[%run_scoped3A_424, %dma_start3A_429] : memref<8x128xi32, #tpu.memory_space<vmem>> -> memref<1x128xi32, #tpu.memory_space<vmem>>
        %dma_start3A_431 = tpu.memref_squeeze %dma_start3A_430 : memref<1x128xi32, #tpu.memory_space<vmem>> -> memref<128xi32, #tpu.memory_space<vmem>>
        %dma_start3A_432 = arith.constant 0 : i32
        %dma_start3A_433 = tpu.memref_slice %arg14[%dma_start3A_432] : memref<100096xf32, #tpu.memory_space<vmem_shared>> -> memref<100096xf32, #tpu.memory_space<vmem_shared>>
        tpu.enqueue_indirect_dma source(%dma_start3A_428 : memref<128xf32, #tpu.memory_space<vmem>>) target(%dma_start3A_433 : memref<100096xf32, #tpu.memory_space<vmem_shared>>) offsets(%dma_start3A_431 : memref<128xi32, #tpu.memory_space<vmem>>) semaphore(%run_scoped3A_426 : memref<!tpu.dma_semaphore, #tpu.memory_space<semaphore_mem>>) {add = true}
        %dma_wait3A_434 = arith.constant 768 : i32
        %dma_wait3A_435 = tpu.memref_slice %arg12[%dma_wait3A_434] : memref<1024xf32, #tpu.memory_space<vmem>> -> memref<128xf32, #tpu.memory_space<vmem>>
        %dma_wait3A_436 = arith.constant 0 : i32
        %dma_wait3A_437 = tpu.memref_slice %arg9[%run_scoped3A_424, %dma_wait3A_436] : memref<8x128xi32, #tpu.memory_space<vmem>> -> memref<1x128xi32, #tpu.memory_space<vmem>>
        %dma_wait3A_438 = tpu.memref_squeeze %dma_wait3A_437 : memref<1x128xi32, #tpu.memory_space<vmem>> -> memref<128xi32, #tpu.memory_space<vmem>>
        %dma_wait3A_439 = arith.constant 0 : i32
        %dma_wait3A_440 = tpu.memref_slice %arg14[%dma_wait3A_439] : memref<100096xf32, #tpu.memory_space<vmem_shared>> -> memref<100096xf32, #tpu.memory_space<vmem_shared>>
        tpu.wait_indirect_dma semaphore(%run_scoped3A_426 : memref<!tpu.dma_semaphore, #tpu.memory_space<semaphore_mem>>) src(%dma_wait3A_435 : memref<128xf32, #tpu.memory_space<vmem>>) dst(%dma_wait3A_440 : memref<100096xf32, #tpu.memory_space<vmem_shared>>)
        tpu.yield
      }) : () -> ()
      %run_scoped3A_425 = arith.constant 7 : i32
      "tpu.region"() ({
        %run_scoped3A_426 = tpu.sem_alloc : memref<!tpu.dma_semaphore, #tpu.memory_space<semaphore_mem>>
        %dma_start3A_427 = arith.constant 896 : i32
        %dma_start3A_428 = tpu.memref_slice %arg12[%dma_start3A_427] : memref<1024xf32, #tpu.memory_space<vmem>> -> memref<128xf32, #tpu.memory_space<vmem>>
        %dma_start3A_429 = arith.constant 0 : i32
        %dma_start3A_430 = tpu.memref_slice %arg9[%run_scoped3A_425, %dma_start3A_429] : memref<8x128xi32, #tpu.memory_space<vmem>> -> memref<1x128xi32, #tpu.memory_space<vmem>>
        %dma_start3A_431 = tpu.memref_squeeze %dma_start3A_430 : memref<1x128xi32, #tpu.memory_space<vmem>> -> memref<128xi32, #tpu.memory_space<vmem>>
        %dma_start3A_432 = arith.constant 0 : i32
        %dma_start3A_433 = tpu.memref_slice %arg14[%dma_start3A_432] : memref<100096xf32, #tpu.memory_space<vmem_shared>> -> memref<100096xf32, #tpu.memory_space<vmem_shared>>
        tpu.enqueue_indirect_dma source(%dma_start3A_428 : memref<128xf32, #tpu.memory_space<vmem>>) target(%dma_start3A_433 : memref<100096xf32, #tpu.memory_space<vmem_shared>>) offsets(%dma_start3A_431 : memref<128xi32, #tpu.memory_space<vmem>>) semaphore(%run_scoped3A_426 : memref<!tpu.dma_semaphore, #tpu.memory_space<semaphore_mem>>) {add = true}
        %dma_wait3A_434 = arith.constant 896 : i32
        %dma_wait3A_435 = tpu.memref_slice %arg12[%dma_wait3A_434] : memref<1024xf32, #tpu.memory_space<vmem>> -> memref<128xf32, #tpu.memory_space<vmem>>
        %dma_wait3A_436 = arith.constant 0 : i32
        %dma_wait3A_437 = tpu.memref_slice %arg9[%run_scoped3A_425, %dma_wait3A_436] : memref<8x128xi32, #tpu.memory_space<vmem>> -> memref<1x128xi32, #tpu.memory_space<vmem>>
        %dma_wait3A_438 = tpu.memref_squeeze %dma_wait3A_437 : memref<1x128xi32, #tpu.memory_space<vmem>> -> memref<128xi32, #tpu.memory_space<vmem>>
        %dma_wait3A_439 = arith.constant 0 : i32
        %dma_wait3A_440 = tpu.memref_slice %arg14[%dma_wait3A_439] : memref<100096xf32, #tpu.memory_space<vmem_shared>> -> memref<100096xf32, #tpu.memory_space<vmem_shared>>
        tpu.wait_indirect_dma semaphore(%run_scoped3A_426 : memref<!tpu.dma_semaphore, #tpu.memory_space<semaphore_mem>>) src(%dma_wait3A_435 : memref<128xf32, #tpu.memory_space<vmem>>) dst(%dma_wait3A_440 : memref<100096xf32, #tpu.memory_space<vmem_shared>>)
        tpu.yield
      }) : () -> ()
    }
    %scan3A_16 = arith.constant 98 : i32
    %barrier3A_17 = arith.constant 0 : index
    tpu.barrier barrier_id(%barrier3A_17)
    %mul3A_18 = arith.constant 6256 : i32
    %mul3A_19 = arith.muli %arg1, %mul3A_18 : i32
    %mul3A_20 = arith.constant 100096 : i32
    %mul3A_21 = arith.muli %arg0, %mul3A_20 : i32
    %mul3A_22 = arith.constant 6256 : i32
    %mul3A_23 = arith.muli %arg1, %mul3A_22 : i32
    %add3A_24 = arith.addi %mul3A_21, %mul3A_23 : i32
    "tpu.region"() ({
      %run_scoped3A = tpu.sem_alloc : memref<!tpu.dma_semaphore, #tpu.memory_space<semaphore_mem>>
      %dma_start3A = tpu.memref_slice %arg7[%add3A_24] : memref<200192xf32, #tpu.memory_space<hbm>> -> memref<6256xf32, #tpu.memory_space<hbm>>
      %dma_start3A_25 = tpu.memref_slice %arg14[%mul3A_19] : memref<100096xf32, #tpu.memory_space<vmem_shared>> -> memref<6256xf32, #tpu.memory_space<vmem_shared>>
      tpu.enqueue_dma source(%dma_start3A_25 : memref<6256xf32, #tpu.memory_space<vmem_shared>>) target(%dma_start3A : memref<6256xf32, #tpu.memory_space<hbm>>) target_semaphore(%run_scoped3A : memref<!tpu.dma_semaphore, #tpu.memory_space<semaphore_mem>>)
      %dma_wait3A = tpu.memref_slice %arg7[%add3A_24] : memref<200192xf32, #tpu.memory_space<hbm>> -> memref<6256xf32, #tpu.memory_space<hbm>>
      %dma_wait3A_26 = tpu.memref_slice %arg14[%mul3A_19] : memref<100096xf32, #tpu.memory_space<vmem_shared>> -> memref<6256xf32, #tpu.memory_space<vmem_shared>>
      tpu.wait_dma2 semaphore(%run_scoped3A : memref<!tpu.dma_semaphore, #tpu.memory_space<semaphore_mem>>) src(%dma_wait3A_26 : memref<6256xf32, #tpu.memory_space<vmem_shared>>) dst(%dma_wait3A : memref<6256xf32, #tpu.memory_space<hbm>>)
      tpu.yield
    }) : () -> ()
    return
  }
}

#map = affine_map<(d0, d1) -> (0, 0)>
#map1 = affine_map<(d0, d1) -> (0)>
module attributes {stable_mosaic.version = 14 : i64} {
  func.func @c_body(%arg0: i32, %arg1: i32, %arg2: memref<25088x128xi32, #tpu.memory_space<hbm>>, %arg3: memref<25088x128xi32, #tpu.memory_space<hbm>>, %arg4: memref<100096x16xf32, #tpu.memory_space<hbm>>, %arg5: memref<16384xf32, #tpu.memory_space<hbm>>, %arg6: memref<32768xf32, #tpu.memory_space<hbm>>, %arg7: memref<32768xf32, #tpu.memory_space<hbm>>, %arg8: memref<100096xf32, #tpu.memory_space<hbm>>, %arg9: memref<200192xf32, #tpu.memory_space<hbm>>, %arg10: memref<200192xf32, #tpu.memory_space<hbm>>, %arg11: memref<200192xf32, #tpu.memory_space<hbm>>, %arg12: memref<512xf32, #tpu.memory_space<hbm>>, %arg13: memref<4x128xi32, #tpu.memory_space<vmem>>, %arg14: memref<4x128xi32, #tpu.memory_space<vmem>>, %arg15: memref<4x128x16xf32, #tpu.memory_space<vmem>>, %arg16: memref<4x128x16xf32, #tpu.memory_space<vmem>>, %arg17: memref<512xf32, #tpu.memory_space<vmem>>, %arg18: memref<512xf32, #tpu.memory_space<vmem>>, %arg19: memref<512xf32, #tpu.memory_space<vmem>>, %arg20: memref<16384xf32, #tpu.memory_space<vmem>>, %arg21: memref<32768xf32, #tpu.memory_space<vmem>>, %arg22: memref<32768xf32, #tpu.memory_space<vmem>>, %arg23: memref<16xf32, #tpu.memory_space<vmem>>, %arg24: memref<100096xf32, #tpu.memory_space<vmem_shared>>, %arg25: memref<100096xf32, #tpu.memory_space<vmem_shared>>, %arg26: memref<100096xf32, #tpu.memory_space<vmem_shared>>, %arg27: memref<!tpu.dma_semaphore, #tpu.memory_space<semaphore_mem>>) attributes {dimension_semantics = [#tpu.dimension_semantics<core_parallel>, #tpu.dimension_semantics<subcore_parallel>], iteration_bounds = array<i64: 2, 16>, scalar_prefetch = 0 : i64, scratch_operands = 15 : i64, tpu.core_type = #tpu.core_type<sc_vector_subcore>, window_params = [{transform_indices = #map}, {transform_indices = #map}, {transform_indices = #map}, {transform_indices = #map1}, {transform_indices = #map1}, {transform_indices = #map1}, {transform_indices = #map1}, {transform_indices = #map1}, {transform_indices = #map1}, {transform_indices = #map1}, {transform_indices = #map1}]} {
    %broadcast_in_dim3A = arith.constant 0 : i32
    %broadcast_in_dim3A_0 = vector.broadcast %broadcast_in_dim3A : i32 to vector<16xi32>
    %broadcast_in_dim3A_1 = arith.constant 1 : i32
    %broadcast_in_dim3A_2 = vector.broadcast %broadcast_in_dim3A_1 : i32 to vector<16xi32>
    %broadcast_in_dim3A_3 = arith.constant 2 : i32
    %broadcast_in_dim3A_4 = vector.broadcast %broadcast_in_dim3A_3 : i32 to vector<16xi32>
    %broadcast_in_dim3A_5 = arith.constant 3 : i32
    %broadcast_in_dim3A_6 = vector.broadcast %broadcast_in_dim3A_5 : i32 to vector<16xi32>
    %broadcast_in_dim3A_7 = arith.constant 4 : i32
    %broadcast_in_dim3A_8 = vector.broadcast %broadcast_in_dim3A_7 : i32 to vector<16xi32>
    %mul3A = arith.constant 2 : i32
    %mul3A_9 = arith.muli %arg1, %mul3A : i32
    %add3A = arith.addi %mul3A_9, %arg0 : i32
    "tpu.region"() ({
      %run_scoped3A = tpu.sem_alloc : memref<!tpu.dma_semaphore, #tpu.memory_space<semaphore_mem>>
      tpu.enqueue_dma source(%arg5 : memref<16384xf32, #tpu.memory_space<hbm>>) target(%arg20 : memref<16384xf32, #tpu.memory_space<vmem>>) target_semaphore(%run_scoped3A : memref<!tpu.dma_semaphore, #tpu.memory_space<semaphore_mem>>)
      tpu.wait_dma2 semaphore(%run_scoped3A : memref<!tpu.dma_semaphore, #tpu.memory_space<semaphore_mem>>) src(%arg5 : memref<16384xf32, #tpu.memory_space<hbm>>) dst(%arg20 : memref<16384xf32, #tpu.memory_space<vmem>>)
      tpu.yield
    }) : () -> ()
    "tpu.region"() ({
      %run_scoped3A = tpu.sem_alloc : memref<!tpu.dma_semaphore, #tpu.memory_space<semaphore_mem>>
      tpu.enqueue_dma source(%arg6 : memref<32768xf32, #tpu.memory_space<hbm>>) target(%arg21 : memref<32768xf32, #tpu.memory_space<vmem>>) target_semaphore(%run_scoped3A : memref<!tpu.dma_semaphore, #tpu.memory_space<semaphore_mem>>)
      tpu.wait_dma2 semaphore(%run_scoped3A : memref<!tpu.dma_semaphore, #tpu.memory_space<semaphore_mem>>) src(%arg6 : memref<32768xf32, #tpu.memory_space<hbm>>) dst(%arg21 : memref<32768xf32, #tpu.memory_space<vmem>>)
      tpu.yield
    }) : () -> ()
    "tpu.region"() ({
      %run_scoped3A = tpu.sem_alloc : memref<!tpu.dma_semaphore, #tpu.memory_space<semaphore_mem>>
      tpu.enqueue_dma source(%arg7 : memref<32768xf32, #tpu.memory_space<hbm>>) target(%arg22 : memref<32768xf32, #tpu.memory_space<vmem>>) target_semaphore(%run_scoped3A : memref<!tpu.dma_semaphore, #tpu.memory_space<semaphore_mem>>)
      tpu.wait_dma2 semaphore(%run_scoped3A : memref<!tpu.dma_semaphore, #tpu.memory_space<semaphore_mem>>) src(%arg7 : memref<32768xf32, #tpu.memory_space<hbm>>) dst(%arg22 : memref<32768xf32, #tpu.memory_space<vmem>>)
      tpu.yield
    }) : () -> ()
    %mul3A_10 = arith.constant 6256 : i32
    %mul3A_11 = arith.muli %arg1, %mul3A_10 : i32
    %mul3A_12 = arith.constant 6256 : i32
    %mul3A_13 = arith.muli %arg1, %mul3A_12 : i32
    "tpu.region"() ({
      %run_scoped3A = tpu.sem_alloc : memref<!tpu.dma_semaphore, #tpu.memory_space<semaphore_mem>>
      %dma_start3A = tpu.memref_slice %arg24[%mul3A_13] : memref<100096xf32, #tpu.memory_space<vmem_shared>> -> memref<6256xf32, #tpu.memory_space<vmem_shared>>
      %dma_start3A_54 = tpu.memref_slice %arg8[%mul3A_11] : memref<100096xf32, #tpu.memory_space<hbm>> -> memref<6256xf32, #tpu.memory_space<hbm>>
      tpu.enqueue_dma source(%dma_start3A_54 : memref<6256xf32, #tpu.memory_space<hbm>>) target(%dma_start3A : memref<6256xf32, #tpu.memory_space<vmem_shared>>) target_semaphore(%run_scoped3A : memref<!tpu.dma_semaphore, #tpu.memory_space<semaphore_mem>>)
      %dma_wait3A = tpu.memref_slice %arg24[%mul3A_13] : memref<100096xf32, #tpu.memory_space<vmem_shared>> -> memref<6256xf32, #tpu.memory_space<vmem_shared>>
      %dma_wait3A_55 = tpu.memref_slice %arg8[%mul3A_11] : memref<100096xf32, #tpu.memory_space<hbm>> -> memref<6256xf32, #tpu.memory_space<hbm>>
      tpu.wait_dma2 semaphore(%run_scoped3A : memref<!tpu.dma_semaphore, #tpu.memory_space<semaphore_mem>>) src(%dma_wait3A_55 : memref<6256xf32, #tpu.memory_space<hbm>>) dst(%dma_wait3A : memref<6256xf32, #tpu.memory_space<vmem_shared>>)
      tpu.yield
    }) : () -> ()
    %mul3A_14 = arith.constant 6256 : i32
    %mul3A_15 = arith.muli %arg1, %mul3A_14 : i32
    %mul3A_16 = arith.constant 6256 : i32
    %mul3A_17 = arith.muli %arg1, %mul3A_16 : i32
    "tpu.region"() ({
      %run_scoped3A = tpu.sem_alloc : memref<!tpu.dma_semaphore, #tpu.memory_space<semaphore_mem>>
      %dma_start3A = tpu.memref_slice %arg25[%mul3A_17] : memref<100096xf32, #tpu.memory_space<vmem_shared>> -> memref<6256xf32, #tpu.memory_space<vmem_shared>>
      %dma_start3A_54 = tpu.memref_slice %arg8[%mul3A_15] : memref<100096xf32, #tpu.memory_space<hbm>> -> memref<6256xf32, #tpu.memory_space<hbm>>
      tpu.enqueue_dma source(%dma_start3A_54 : memref<6256xf32, #tpu.memory_space<hbm>>) target(%dma_start3A : memref<6256xf32, #tpu.memory_space<vmem_shared>>) target_semaphore(%run_scoped3A : memref<!tpu.dma_semaphore, #tpu.memory_space<semaphore_mem>>)
      %dma_wait3A = tpu.memref_slice %arg25[%mul3A_17] : memref<100096xf32, #tpu.memory_space<vmem_shared>> -> memref<6256xf32, #tpu.memory_space<vmem_shared>>
      %dma_wait3A_55 = tpu.memref_slice %arg8[%mul3A_15] : memref<100096xf32, #tpu.memory_space<hbm>> -> memref<6256xf32, #tpu.memory_space<hbm>>
      tpu.wait_dma2 semaphore(%run_scoped3A : memref<!tpu.dma_semaphore, #tpu.memory_space<semaphore_mem>>) src(%dma_wait3A_55 : memref<6256xf32, #tpu.memory_space<hbm>>) dst(%dma_wait3A : memref<6256xf32, #tpu.memory_space<vmem_shared>>)
      tpu.yield
    }) : () -> ()
    %mul3A_18 = arith.constant 6256 : i32
    %mul3A_19 = arith.muli %arg1, %mul3A_18 : i32
    %mul3A_20 = arith.constant 6256 : i32
    %mul3A_21 = arith.muli %arg1, %mul3A_20 : i32
    "tpu.region"() ({
      %run_scoped3A = tpu.sem_alloc : memref<!tpu.dma_semaphore, #tpu.memory_space<semaphore_mem>>
      %dma_start3A = tpu.memref_slice %arg26[%mul3A_21] : memref<100096xf32, #tpu.memory_space<vmem_shared>> -> memref<6256xf32, #tpu.memory_space<vmem_shared>>
      %dma_start3A_54 = tpu.memref_slice %arg8[%mul3A_19] : memref<100096xf32, #tpu.memory_space<hbm>> -> memref<6256xf32, #tpu.memory_space<hbm>>
      tpu.enqueue_dma source(%dma_start3A_54 : memref<6256xf32, #tpu.memory_space<hbm>>) target(%dma_start3A : memref<6256xf32, #tpu.memory_space<vmem_shared>>) target_semaphore(%run_scoped3A : memref<!tpu.dma_semaphore, #tpu.memory_space<semaphore_mem>>)
      %dma_wait3A = tpu.memref_slice %arg26[%mul3A_21] : memref<100096xf32, #tpu.memory_space<vmem_shared>> -> memref<6256xf32, #tpu.memory_space<vmem_shared>>
      %dma_wait3A_55 = tpu.memref_slice %arg8[%mul3A_19] : memref<100096xf32, #tpu.memory_space<hbm>> -> memref<6256xf32, #tpu.memory_space<hbm>>
      tpu.wait_dma2 semaphore(%run_scoped3A : memref<!tpu.dma_semaphore, #tpu.memory_space<semaphore_mem>>) src(%dma_wait3A_55 : memref<6256xf32, #tpu.memory_space<hbm>>) dst(%dma_wait3A : memref<6256xf32, #tpu.memory_space<vmem_shared>>)
      tpu.yield
    }) : () -> ()
    %barrier3A = arith.constant 0 : index
    tpu.barrier barrier_id(%barrier3A)
    %broadcast_in_dim3A_22 = arith.constant 0.000000e+00 : f32
    %broadcast_in_dim3A_23 = vector.broadcast %broadcast_in_dim3A_22 : f32 to vector<16xf32>
    %scan3A = arith.constant 0 : i32
    %scan3A_24 = arith.constant 196 : i32
    %scan3A_25 = arith.addi %scan3A, %scan3A_24 : i32
    %scan3A_26 = arith.constant 1 : i32
    %scan3A_27 = scf.for %scan3A_54 = %scan3A to %scan3A_25 step %scan3A_26 iter_args(%scan3A_55 = %broadcast_in_dim3A_23) -> (vector<16xf32>)  : i32 {
      %mul3A_56 = arith.constant 784 : i32
      %mul3A_57 = arith.muli %add3A, %mul3A_56 : i32
      %mul3A_58 = arith.constant 4 : i32
      %mul3A_59 = arith.muli %scan3A_54, %mul3A_58 : i32
      %add3A_60 = arith.addi %mul3A_57, %mul3A_59 : i32
      "tpu.region"() ({
        %run_scoped3A_273 = tpu.sem_alloc : memref<!tpu.dma_semaphore, #tpu.memory_space<semaphore_mem>>
        %dma_start3A_274 = arith.constant 0 : i32
        %dma_start3A_275 = tpu.memref_slice %arg2[%add3A_60, %dma_start3A_274] : memref<25088x128xi32, #tpu.memory_space<hbm>> -> memref<4x128xi32, #tpu.memory_space<hbm>>
        %dma_start3A_276 = arith.constant 0 : i32
        %dma_start3A_277 = tpu.memref_slice %arg2[%add3A_60, %dma_start3A_276] : memref<25088x128xi32, #tpu.memory_space<hbm>> -> memref<4x128xi32, #tpu.memory_space<hbm>>
        tpu.enqueue_dma source(%dma_start3A_277 : memref<4x128xi32, #tpu.memory_space<hbm>>) target(%arg13 : memref<4x128xi32, #tpu.memory_space<vmem>>) target_semaphore(%run_scoped3A_273 : memref<!tpu.dma_semaphore, #tpu.memory_space<semaphore_mem>>)
        %dma_wait3A_278 = arith.constant 0 : i32
        %dma_wait3A_279 = tpu.memref_slice %arg2[%add3A_60, %dma_wait3A_278] : memref<25088x128xi32, #tpu.memory_space<hbm>> -> memref<4x128xi32, #tpu.memory_space<hbm>>
        %dma_wait3A_280 = arith.constant 0 : i32
        %dma_wait3A_281 = tpu.memref_slice %arg2[%add3A_60, %dma_wait3A_280] : memref<25088x128xi32, #tpu.memory_space<hbm>> -> memref<4x128xi32, #tpu.memory_space<hbm>>
        tpu.wait_dma2 semaphore(%run_scoped3A_273 : memref<!tpu.dma_semaphore, #tpu.memory_space<semaphore_mem>>) src(%dma_wait3A_281 : memref<4x128xi32, #tpu.memory_space<hbm>>) dst(%arg13 : memref<4x128xi32, #tpu.memory_space<vmem>>)
        tpu.yield
      }) : () -> ()
      "tpu.region"() ({
        %run_scoped3A_273 = tpu.sem_alloc : memref<!tpu.dma_semaphore, #tpu.memory_space<semaphore_mem>>
        %dma_start3A_274 = arith.constant 0 : i32
        %dma_start3A_275 = tpu.memref_slice %arg3[%add3A_60, %dma_start3A_274] : memref<25088x128xi32, #tpu.memory_space<hbm>> -> memref<4x128xi32, #tpu.memory_space<hbm>>
        %dma_start3A_276 = arith.constant 0 : i32
        %dma_start3A_277 = tpu.memref_slice %arg3[%add3A_60, %dma_start3A_276] : memref<25088x128xi32, #tpu.memory_space<hbm>> -> memref<4x128xi32, #tpu.memory_space<hbm>>
        tpu.enqueue_dma source(%dma_start3A_277 : memref<4x128xi32, #tpu.memory_space<hbm>>) target(%arg14 : memref<4x128xi32, #tpu.memory_space<vmem>>) target_semaphore(%run_scoped3A_273 : memref<!tpu.dma_semaphore, #tpu.memory_space<semaphore_mem>>)
        %dma_wait3A_278 = arith.constant 0 : i32
        %dma_wait3A_279 = tpu.memref_slice %arg3[%add3A_60, %dma_wait3A_278] : memref<25088x128xi32, #tpu.memory_space<hbm>> -> memref<4x128xi32, #tpu.memory_space<hbm>>
        %dma_wait3A_280 = arith.constant 0 : i32
        %dma_wait3A_281 = tpu.memref_slice %arg3[%add3A_60, %dma_wait3A_280] : memref<25088x128xi32, #tpu.memory_space<hbm>> -> memref<4x128xi32, #tpu.memory_space<hbm>>
        tpu.wait_dma2 semaphore(%run_scoped3A_273 : memref<!tpu.dma_semaphore, #tpu.memory_space<semaphore_mem>>) src(%dma_wait3A_281 : memref<4x128xi32, #tpu.memory_space<hbm>>) dst(%arg14 : memref<4x128xi32, #tpu.memory_space<vmem>>)
        tpu.yield
      }) : () -> ()
      %dma_start3A = arith.constant 0 : i32
      %dma_start3A_61 = arith.constant 0 : i32
      %dma_start3A_62 = arith.constant 0 : i32
      %dma_start3A_63 = arith.constant 0 : i32
      %dma_start3A_64 = tpu.memref_slice %arg15[%dma_start3A_61, %dma_start3A_62, %dma_start3A_63] : memref<4x128x16xf32, #tpu.memory_space<vmem>> -> memref<1x128x16xf32, #tpu.memory_space<vmem>>
      %dma_start3A_65 = tpu.memref_squeeze %dma_start3A_64 : memref<1x128x16xf32, #tpu.memory_space<vmem>> -> memref<128x16xf32, #tpu.memory_space<vmem>>
      %dma_start3A_66 = arith.constant 0 : i32
      %dma_start3A_67 = tpu.memref_slice %arg13[%dma_start3A, %dma_start3A_66] : memref<4x128xi32, #tpu.memory_space<vmem>> -> memref<1x128xi32, #tpu.memory_space<vmem>>
      %dma_start3A_68 = tpu.memref_squeeze %dma_start3A_67 : memref<1x128xi32, #tpu.memory_space<vmem>> -> memref<128xi32, #tpu.memory_space<vmem>>
      %dma_start3A_69 = arith.constant 0 : i32
      %dma_start3A_70 = arith.constant 0 : i32
      %dma_start3A_71 = tpu.memref_slice %arg4[%dma_start3A_69, %dma_start3A_70] : memref<100096x16xf32, #tpu.memory_space<hbm>> -> memref<100096x16xf32, #tpu.memory_space<hbm>>
      tpu.enqueue_indirect_dma source(%dma_start3A_71 : memref<100096x16xf32, #tpu.memory_space<hbm>>) target(%dma_start3A_65 : memref<128x16xf32, #tpu.memory_space<vmem>>) offsets(%dma_start3A_68 : memref<128xi32, #tpu.memory_space<vmem>>) semaphore(%arg27 : memref<!tpu.dma_semaphore, #tpu.memory_space<semaphore_mem>>)
      %dma_start3A_72 = arith.constant 0 : i32
      %dma_start3A_73 = arith.constant 0 : i32
      %dma_start3A_74 = arith.constant 0 : i32
      %dma_start3A_75 = arith.constant 0 : i32
      %dma_start3A_76 = tpu.memref_slice %arg16[%dma_start3A_73, %dma_start3A_74, %dma_start3A_75] : memref<4x128x16xf32, #tpu.memory_space<vmem>> -> memref<1x128x16xf32, #tpu.memory_space<vmem>>
      %dma_start3A_77 = tpu.memref_squeeze %dma_start3A_76 : memref<1x128x16xf32, #tpu.memory_space<vmem>> -> memref<128x16xf32, #tpu.memory_space<vmem>>
      %dma_start3A_78 = arith.constant 0 : i32
      %dma_start3A_79 = tpu.memref_slice %arg14[%dma_start3A_72, %dma_start3A_78] : memref<4x128xi32, #tpu.memory_space<vmem>> -> memref<1x128xi32, #tpu.memory_space<vmem>>
      %dma_start3A_80 = tpu.memref_squeeze %dma_start3A_79 : memref<1x128xi32, #tpu.memory_space<vmem>> -> memref<128xi32, #tpu.memory_space<vmem>>
      %dma_start3A_81 = arith.constant 0 : i32
      %dma_start3A_82 = arith.constant 0 : i32
      %dma_start3A_83 = tpu.memref_slice %arg4[%dma_start3A_81, %dma_start3A_82] : memref<100096x16xf32, #tpu.memory_space<hbm>> -> memref<100096x16xf32, #tpu.memory_space<hbm>>
      tpu.enqueue_indirect_dma source(%dma_start3A_83 : memref<100096x16xf32, #tpu.memory_space<hbm>>) target(%dma_start3A_77 : memref<128x16xf32, #tpu.memory_space<vmem>>) offsets(%dma_start3A_80 : memref<128xi32, #tpu.memory_space<vmem>>) semaphore(%arg27 : memref<!tpu.dma_semaphore, #tpu.memory_space<semaphore_mem>>)
      %dma_start3A_84 = arith.constant 1 : i32
      %dma_start3A_85 = arith.constant 1 : i32
      %dma_start3A_86 = arith.constant 0 : i32
      %dma_start3A_87 = arith.constant 0 : i32
      %dma_start3A_88 = tpu.memref_slice %arg15[%dma_start3A_85, %dma_start3A_86, %dma_start3A_87] : memref<4x128x16xf32, #tpu.memory_space<vmem>> -> memref<1x128x16xf32, #tpu.memory_space<vmem>>
      %dma_start3A_89 = tpu.memref_squeeze %dma_start3A_88 : memref<1x128x16xf32, #tpu.memory_space<vmem>> -> memref<128x16xf32, #tpu.memory_space<vmem>>
      %dma_start3A_90 = arith.constant 0 : i32
      %dma_start3A_91 = tpu.memref_slice %arg13[%dma_start3A_84, %dma_start3A_90] : memref<4x128xi32, #tpu.memory_space<vmem>> -> memref<1x128xi32, #tpu.memory_space<vmem>>
      %dma_start3A_92 = tpu.memref_squeeze %dma_start3A_91 : memref<1x128xi32, #tpu.memory_space<vmem>> -> memref<128xi32, #tpu.memory_space<vmem>>
      %dma_start3A_93 = arith.constant 0 : i32
      %dma_start3A_94 = arith.constant 0 : i32
      %dma_start3A_95 = tpu.memref_slice %arg4[%dma_start3A_93, %dma_start3A_94] : memref<100096x16xf32, #tpu.memory_space<hbm>> -> memref<100096x16xf32, #tpu.memory_space<hbm>>
      tpu.enqueue_indirect_dma source(%dma_start3A_95 : memref<100096x16xf32, #tpu.memory_space<hbm>>) target(%dma_start3A_89 : memref<128x16xf32, #tpu.memory_space<vmem>>) offsets(%dma_start3A_92 : memref<128xi32, #tpu.memory_space<vmem>>) semaphore(%arg27 : memref<!tpu.dma_semaphore, #tpu.memory_space<semaphore_mem>>)
      %dma_start3A_96 = arith.constant 1 : i32
      %dma_start3A_97 = arith.constant 1 : i32
      %dma_start3A_98 = arith.constant 0 : i32
      %dma_start3A_99 = arith.constant 0 : i32
      %dma_start3A_100 = tpu.memref_slice %arg16[%dma_start3A_97, %dma_start3A_98, %dma_start3A_99] : memref<4x128x16xf32, #tpu.memory_space<vmem>> -> memref<1x128x16xf32, #tpu.memory_space<vmem>>
      %dma_start3A_101 = tpu.memref_squeeze %dma_start3A_100 : memref<1x128x16xf32, #tpu.memory_space<vmem>> -> memref<128x16xf32, #tpu.memory_space<vmem>>
      %dma_start3A_102 = arith.constant 0 : i32
      %dma_start3A_103 = tpu.memref_slice %arg14[%dma_start3A_96, %dma_start3A_102] : memref<4x128xi32, #tpu.memory_space<vmem>> -> memref<1x128xi32, #tpu.memory_space<vmem>>
      %dma_start3A_104 = tpu.memref_squeeze %dma_start3A_103 : memref<1x128xi32, #tpu.memory_space<vmem>> -> memref<128xi32, #tpu.memory_space<vmem>>
      %dma_start3A_105 = arith.constant 0 : i32
      %dma_start3A_106 = arith.constant 0 : i32
      %dma_start3A_107 = tpu.memref_slice %arg4[%dma_start3A_105, %dma_start3A_106] : memref<100096x16xf32, #tpu.memory_space<hbm>> -> memref<100096x16xf32, #tpu.memory_space<hbm>>
      tpu.enqueue_indirect_dma source(%dma_start3A_107 : memref<100096x16xf32, #tpu.memory_space<hbm>>) target(%dma_start3A_101 : memref<128x16xf32, #tpu.memory_space<vmem>>) offsets(%dma_start3A_104 : memref<128xi32, #tpu.memory_space<vmem>>) semaphore(%arg27 : memref<!tpu.dma_semaphore, #tpu.memory_space<semaphore_mem>>)
      %dma_start3A_108 = arith.constant 2 : i32
      %dma_start3A_109 = arith.constant 2 : i32
      %dma_start3A_110 = arith.constant 0 : i32
      %dma_start3A_111 = arith.constant 0 : i32
      %dma_start3A_112 = tpu.memref_slice %arg15[%dma_start3A_109, %dma_start3A_110, %dma_start3A_111] : memref<4x128x16xf32, #tpu.memory_space<vmem>> -> memref<1x128x16xf32, #tpu.memory_space<vmem>>
      %dma_start3A_113 = tpu.memref_squeeze %dma_start3A_112 : memref<1x128x16xf32, #tpu.memory_space<vmem>> -> memref<128x16xf32, #tpu.memory_space<vmem>>
      %dma_start3A_114 = arith.constant 0 : i32
      %dma_start3A_115 = tpu.memref_slice %arg13[%dma_start3A_108, %dma_start3A_114] : memref<4x128xi32, #tpu.memory_space<vmem>> -> memref<1x128xi32, #tpu.memory_space<vmem>>
      %dma_start3A_116 = tpu.memref_squeeze %dma_start3A_115 : memref<1x128xi32, #tpu.memory_space<vmem>> -> memref<128xi32, #tpu.memory_space<vmem>>
      %dma_start3A_117 = arith.constant 0 : i32
      %dma_start3A_118 = arith.constant 0 : i32
      %dma_start3A_119 = tpu.memref_slice %arg4[%dma_start3A_117, %dma_start3A_118] : memref<100096x16xf32, #tpu.memory_space<hbm>> -> memref<100096x16xf32, #tpu.memory_space<hbm>>
      tpu.enqueue_indirect_dma source(%dma_start3A_119 : memref<100096x16xf32, #tpu.memory_space<hbm>>) target(%dma_start3A_113 : memref<128x16xf32, #tpu.memory_space<vmem>>) offsets(%dma_start3A_116 : memref<128xi32, #tpu.memory_space<vmem>>) semaphore(%arg27 : memref<!tpu.dma_semaphore, #tpu.memory_space<semaphore_mem>>)
      %dma_start3A_120 = arith.constant 2 : i32
      %dma_start3A_121 = arith.constant 2 : i32
      %dma_start3A_122 = arith.constant 0 : i32
      %dma_start3A_123 = arith.constant 0 : i32
      %dma_start3A_124 = tpu.memref_slice %arg16[%dma_start3A_121, %dma_start3A_122, %dma_start3A_123] : memref<4x128x16xf32, #tpu.memory_space<vmem>> -> memref<1x128x16xf32, #tpu.memory_space<vmem>>
      %dma_start3A_125 = tpu.memref_squeeze %dma_start3A_124 : memref<1x128x16xf32, #tpu.memory_space<vmem>> -> memref<128x16xf32, #tpu.memory_space<vmem>>
      %dma_start3A_126 = arith.constant 0 : i32
      %dma_start3A_127 = tpu.memref_slice %arg14[%dma_start3A_120, %dma_start3A_126] : memref<4x128xi32, #tpu.memory_space<vmem>> -> memref<1x128xi32, #tpu.memory_space<vmem>>
      %dma_start3A_128 = tpu.memref_squeeze %dma_start3A_127 : memref<1x128xi32, #tpu.memory_space<vmem>> -> memref<128xi32, #tpu.memory_space<vmem>>
      %dma_start3A_129 = arith.constant 0 : i32
      %dma_start3A_130 = arith.constant 0 : i32
      %dma_start3A_131 = tpu.memref_slice %arg4[%dma_start3A_129, %dma_start3A_130] : memref<100096x16xf32, #tpu.memory_space<hbm>> -> memref<100096x16xf32, #tpu.memory_space<hbm>>
      tpu.enqueue_indirect_dma source(%dma_start3A_131 : memref<100096x16xf32, #tpu.memory_space<hbm>>) target(%dma_start3A_125 : memref<128x16xf32, #tpu.memory_space<vmem>>) offsets(%dma_start3A_128 : memref<128xi32, #tpu.memory_space<vmem>>) semaphore(%arg27 : memref<!tpu.dma_semaphore, #tpu.memory_space<semaphore_mem>>)
      %dma_start3A_132 = arith.constant 3 : i32
      %dma_start3A_133 = arith.constant 3 : i32
      %dma_start3A_134 = arith.constant 0 : i32
      %dma_start3A_135 = arith.constant 0 : i32
      %dma_start3A_136 = tpu.memref_slice %arg15[%dma_start3A_133, %dma_start3A_134, %dma_start3A_135] : memref<4x128x16xf32, #tpu.memory_space<vmem>> -> memref<1x128x16xf32, #tpu.memory_space<vmem>>
      %dma_start3A_137 = tpu.memref_squeeze %dma_start3A_136 : memref<1x128x16xf32, #tpu.memory_space<vmem>> -> memref<128x16xf32, #tpu.memory_space<vmem>>
      %dma_start3A_138 = arith.constant 0 : i32
      %dma_start3A_139 = tpu.memref_slice %arg13[%dma_start3A_132, %dma_start3A_138] : memref<4x128xi32, #tpu.memory_space<vmem>> -> memref<1x128xi32, #tpu.memory_space<vmem>>
      %dma_start3A_140 = tpu.memref_squeeze %dma_start3A_139 : memref<1x128xi32, #tpu.memory_space<vmem>> -> memref<128xi32, #tpu.memory_space<vmem>>
      %dma_start3A_141 = arith.constant 0 : i32
      %dma_start3A_142 = arith.constant 0 : i32
      %dma_start3A_143 = tpu.memref_slice %arg4[%dma_start3A_141, %dma_start3A_142] : memref<100096x16xf32, #tpu.memory_space<hbm>> -> memref<100096x16xf32, #tpu.memory_space<hbm>>
      tpu.enqueue_indirect_dma source(%dma_start3A_143 : memref<100096x16xf32, #tpu.memory_space<hbm>>) target(%dma_start3A_137 : memref<128x16xf32, #tpu.memory_space<vmem>>) offsets(%dma_start3A_140 : memref<128xi32, #tpu.memory_space<vmem>>) semaphore(%arg27 : memref<!tpu.dma_semaphore, #tpu.memory_space<semaphore_mem>>)
      %dma_start3A_144 = arith.constant 3 : i32
      %dma_start3A_145 = arith.constant 3 : i32
      %dma_start3A_146 = arith.constant 0 : i32
      %dma_start3A_147 = arith.constant 0 : i32
      %dma_start3A_148 = tpu.memref_slice %arg16[%dma_start3A_145, %dma_start3A_146, %dma_start3A_147] : memref<4x128x16xf32, #tpu.memory_space<vmem>> -> memref<1x128x16xf32, #tpu.memory_space<vmem>>
      %dma_start3A_149 = tpu.memref_squeeze %dma_start3A_148 : memref<1x128x16xf32, #tpu.memory_space<vmem>> -> memref<128x16xf32, #tpu.memory_space<vmem>>
      %dma_start3A_150 = arith.constant 0 : i32
      %dma_start3A_151 = tpu.memref_slice %arg14[%dma_start3A_144, %dma_start3A_150] : memref<4x128xi32, #tpu.memory_space<vmem>> -> memref<1x128xi32, #tpu.memory_space<vmem>>
      %dma_start3A_152 = tpu.memref_squeeze %dma_start3A_151 : memref<1x128xi32, #tpu.memory_space<vmem>> -> memref<128xi32, #tpu.memory_space<vmem>>
      %dma_start3A_153 = arith.constant 0 : i32
      %dma_start3A_154 = arith.constant 0 : i32
      %dma_start3A_155 = tpu.memref_slice %arg4[%dma_start3A_153, %dma_start3A_154] : memref<100096x16xf32, #tpu.memory_space<hbm>> -> memref<100096x16xf32, #tpu.memory_space<hbm>>
      tpu.enqueue_indirect_dma source(%dma_start3A_155 : memref<100096x16xf32, #tpu.memory_space<hbm>>) target(%dma_start3A_149 : memref<128x16xf32, #tpu.memory_space<vmem>>) offsets(%dma_start3A_152 : memref<128xi32, #tpu.memory_space<vmem>>) semaphore(%arg27 : memref<!tpu.dma_semaphore, #tpu.memory_space<semaphore_mem>>)
      %dma_wait3A = arith.constant 0 : i32
      %dma_wait3A_156 = arith.constant 0 : i32
      %dma_wait3A_157 = arith.constant 0 : i32
      %dma_wait3A_158 = arith.constant 0 : i32
      %dma_wait3A_159 = tpu.memref_slice %arg15[%dma_wait3A_156, %dma_wait3A_157, %dma_wait3A_158] : memref<4x128x16xf32, #tpu.memory_space<vmem>> -> memref<1x128x16xf32, #tpu.memory_space<vmem>>
      %dma_wait3A_160 = tpu.memref_squeeze %dma_wait3A_159 : memref<1x128x16xf32, #tpu.memory_space<vmem>> -> memref<128x16xf32, #tpu.memory_space<vmem>>
      %dma_wait3A_161 = arith.constant 0 : i32
      %dma_wait3A_162 = tpu.memref_slice %arg13[%dma_wait3A, %dma_wait3A_161] : memref<4x128xi32, #tpu.memory_space<vmem>> -> memref<1x128xi32, #tpu.memory_space<vmem>>
      %dma_wait3A_163 = tpu.memref_squeeze %dma_wait3A_162 : memref<1x128xi32, #tpu.memory_space<vmem>> -> memref<128xi32, #tpu.memory_space<vmem>>
      %dma_wait3A_164 = arith.constant 0 : i32
      %dma_wait3A_165 = arith.constant 0 : i32
      %dma_wait3A_166 = tpu.memref_slice %arg4[%dma_wait3A_164, %dma_wait3A_165] : memref<100096x16xf32, #tpu.memory_space<hbm>> -> memref<100096x16xf32, #tpu.memory_space<hbm>>
      tpu.wait_indirect_dma semaphore(%arg27 : memref<!tpu.dma_semaphore, #tpu.memory_space<semaphore_mem>>) src(%dma_wait3A_166 : memref<100096x16xf32, #tpu.memory_space<hbm>>) dst(%dma_wait3A_160 : memref<128x16xf32, #tpu.memory_space<vmem>>)
      %dma_wait3A_167 = arith.constant 0 : i32
      %dma_wait3A_168 = arith.constant 0 : i32
      %dma_wait3A_169 = arith.constant 0 : i32
      %dma_wait3A_170 = arith.constant 0 : i32
      %dma_wait3A_171 = tpu.memref_slice %arg16[%dma_wait3A_168, %dma_wait3A_169, %dma_wait3A_170] : memref<4x128x16xf32, #tpu.memory_space<vmem>> -> memref<1x128x16xf32, #tpu.memory_space<vmem>>
      %dma_wait3A_172 = tpu.memref_squeeze %dma_wait3A_171 : memref<1x128x16xf32, #tpu.memory_space<vmem>> -> memref<128x16xf32, #tpu.memory_space<vmem>>
      %dma_wait3A_173 = arith.constant 0 : i32
      %dma_wait3A_174 = tpu.memref_slice %arg14[%dma_wait3A_167, %dma_wait3A_173] : memref<4x128xi32, #tpu.memory_space<vmem>> -> memref<1x128xi32, #tpu.memory_space<vmem>>
      %dma_wait3A_175 = tpu.memref_squeeze %dma_wait3A_174 : memref<1x128xi32, #tpu.memory_space<vmem>> -> memref<128xi32, #tpu.memory_space<vmem>>
      %dma_wait3A_176 = arith.constant 0 : i32
      %dma_wait3A_177 = arith.constant 0 : i32
      %dma_wait3A_178 = tpu.memref_slice %arg4[%dma_wait3A_176, %dma_wait3A_177] : memref<100096x16xf32, #tpu.memory_space<hbm>> -> memref<100096x16xf32, #tpu.memory_space<hbm>>
      tpu.wait_indirect_dma semaphore(%arg27 : memref<!tpu.dma_semaphore, #tpu.memory_space<semaphore_mem>>) src(%dma_wait3A_178 : memref<100096x16xf32, #tpu.memory_space<hbm>>) dst(%dma_wait3A_172 : memref<128x16xf32, #tpu.memory_space<vmem>>)
      %dma_wait3A_179 = arith.constant 1 : i32
      %dma_wait3A_180 = arith.constant 1 : i32
      %dma_wait3A_181 = arith.constant 0 : i32
      %dma_wait3A_182 = arith.constant 0 : i32
      %dma_wait3A_183 = tpu.memref_slice %arg15[%dma_wait3A_180, %dma_wait3A_181, %dma_wait3A_182] : memref<4x128x16xf32, #tpu.memory_space<vmem>> -> memref<1x128x16xf32, #tpu.memory_space<vmem>>
      %dma_wait3A_184 = tpu.memref_squeeze %dma_wait3A_183 : memref<1x128x16xf32, #tpu.memory_space<vmem>> -> memref<128x16xf32, #tpu.memory_space<vmem>>
      %dma_wait3A_185 = arith.constant 0 : i32
      %dma_wait3A_186 = tpu.memref_slice %arg13[%dma_wait3A_179, %dma_wait3A_185] : memref<4x128xi32, #tpu.memory_space<vmem>> -> memref<1x128xi32, #tpu.memory_space<vmem>>
      %dma_wait3A_187 = tpu.memref_squeeze %dma_wait3A_186 : memref<1x128xi32, #tpu.memory_space<vmem>> -> memref<128xi32, #tpu.memory_space<vmem>>
      %dma_wait3A_188 = arith.constant 0 : i32
      %dma_wait3A_189 = arith.constant 0 : i32
      %dma_wait3A_190 = tpu.memref_slice %arg4[%dma_wait3A_188, %dma_wait3A_189] : memref<100096x16xf32, #tpu.memory_space<hbm>> -> memref<100096x16xf32, #tpu.memory_space<hbm>>
      tpu.wait_indirect_dma semaphore(%arg27 : memref<!tpu.dma_semaphore, #tpu.memory_space<semaphore_mem>>) src(%dma_wait3A_190 : memref<100096x16xf32, #tpu.memory_space<hbm>>) dst(%dma_wait3A_184 : memref<128x16xf32, #tpu.memory_space<vmem>>)
      %dma_wait3A_191 = arith.constant 1 : i32
      %dma_wait3A_192 = arith.constant 1 : i32
      %dma_wait3A_193 = arith.constant 0 : i32
      %dma_wait3A_194 = arith.constant 0 : i32
      %dma_wait3A_195 = tpu.memref_slice %arg16[%dma_wait3A_192, %dma_wait3A_193, %dma_wait3A_194] : memref<4x128x16xf32, #tpu.memory_space<vmem>> -> memref<1x128x16xf32, #tpu.memory_space<vmem>>
      %dma_wait3A_196 = tpu.memref_squeeze %dma_wait3A_195 : memref<1x128x16xf32, #tpu.memory_space<vmem>> -> memref<128x16xf32, #tpu.memory_space<vmem>>
      %dma_wait3A_197 = arith.constant 0 : i32
      %dma_wait3A_198 = tpu.memref_slice %arg14[%dma_wait3A_191, %dma_wait3A_197] : memref<4x128xi32, #tpu.memory_space<vmem>> -> memref<1x128xi32, #tpu.memory_space<vmem>>
      %dma_wait3A_199 = tpu.memref_squeeze %dma_wait3A_198 : memref<1x128xi32, #tpu.memory_space<vmem>> -> memref<128xi32, #tpu.memory_space<vmem>>
      %dma_wait3A_200 = arith.constant 0 : i32
      %dma_wait3A_201 = arith.constant 0 : i32
      %dma_wait3A_202 = tpu.memref_slice %arg4[%dma_wait3A_200, %dma_wait3A_201] : memref<100096x16xf32, #tpu.memory_space<hbm>> -> memref<100096x16xf32, #tpu.memory_space<hbm>>
      tpu.wait_indirect_dma semaphore(%arg27 : memref<!tpu.dma_semaphore, #tpu.memory_space<semaphore_mem>>) src(%dma_wait3A_202 : memref<100096x16xf32, #tpu.memory_space<hbm>>) dst(%dma_wait3A_196 : memref<128x16xf32, #tpu.memory_space<vmem>>)
      %dma_wait3A_203 = arith.constant 2 : i32
      %dma_wait3A_204 = arith.constant 2 : i32
      %dma_wait3A_205 = arith.constant 0 : i32
      %dma_wait3A_206 = arith.constant 0 : i32
      %dma_wait3A_207 = tpu.memref_slice %arg15[%dma_wait3A_204, %dma_wait3A_205, %dma_wait3A_206] : memref<4x128x16xf32, #tpu.memory_space<vmem>> -> memref<1x128x16xf32, #tpu.memory_space<vmem>>
      %dma_wait3A_208 = tpu.memref_squeeze %dma_wait3A_207 : memref<1x128x16xf32, #tpu.memory_space<vmem>> -> memref<128x16xf32, #tpu.memory_space<vmem>>
      %dma_wait3A_209 = arith.constant 0 : i32
      %dma_wait3A_210 = tpu.memref_slice %arg13[%dma_wait3A_203, %dma_wait3A_209] : memref<4x128xi32, #tpu.memory_space<vmem>> -> memref<1x128xi32, #tpu.memory_space<vmem>>
      %dma_wait3A_211 = tpu.memref_squeeze %dma_wait3A_210 : memref<1x128xi32, #tpu.memory_space<vmem>> -> memref<128xi32, #tpu.memory_space<vmem>>
      %dma_wait3A_212 = arith.constant 0 : i32
      %dma_wait3A_213 = arith.constant 0 : i32
      %dma_wait3A_214 = tpu.memref_slice %arg4[%dma_wait3A_212, %dma_wait3A_213] : memref<100096x16xf32, #tpu.memory_space<hbm>> -> memref<100096x16xf32, #tpu.memory_space<hbm>>
      tpu.wait_indirect_dma semaphore(%arg27 : memref<!tpu.dma_semaphore, #tpu.memory_space<semaphore_mem>>) src(%dma_wait3A_214 : memref<100096x16xf32, #tpu.memory_space<hbm>>) dst(%dma_wait3A_208 : memref<128x16xf32, #tpu.memory_space<vmem>>)
      %dma_wait3A_215 = arith.constant 2 : i32
      %dma_wait3A_216 = arith.constant 2 : i32
      %dma_wait3A_217 = arith.constant 0 : i32
      %dma_wait3A_218 = arith.constant 0 : i32
      %dma_wait3A_219 = tpu.memref_slice %arg16[%dma_wait3A_216, %dma_wait3A_217, %dma_wait3A_218] : memref<4x128x16xf32, #tpu.memory_space<vmem>> -> memref<1x128x16xf32, #tpu.memory_space<vmem>>
      %dma_wait3A_220 = tpu.memref_squeeze %dma_wait3A_219 : memref<1x128x16xf32, #tpu.memory_space<vmem>> -> memref<128x16xf32, #tpu.memory_space<vmem>>
      %dma_wait3A_221 = arith.constant 0 : i32
      %dma_wait3A_222 = tpu.memref_slice %arg14[%dma_wait3A_215, %dma_wait3A_221] : memref<4x128xi32, #tpu.memory_space<vmem>> -> memref<1x128xi32, #tpu.memory_space<vmem>>
      %dma_wait3A_223 = tpu.memref_squeeze %dma_wait3A_222 : memref<1x128xi32, #tpu.memory_space<vmem>> -> memref<128xi32, #tpu.memory_space<vmem>>
      %dma_wait3A_224 = arith.constant 0 : i32
      %dma_wait3A_225 = arith.constant 0 : i32
      %dma_wait3A_226 = tpu.memref_slice %arg4[%dma_wait3A_224, %dma_wait3A_225] : memref<100096x16xf32, #tpu.memory_space<hbm>> -> memref<100096x16xf32, #tpu.memory_space<hbm>>
      tpu.wait_indirect_dma semaphore(%arg27 : memref<!tpu.dma_semaphore, #tpu.memory_space<semaphore_mem>>) src(%dma_wait3A_226 : memref<100096x16xf32, #tpu.memory_space<hbm>>) dst(%dma_wait3A_220 : memref<128x16xf32, #tpu.memory_space<vmem>>)
      %dma_wait3A_227 = arith.constant 3 : i32
      %dma_wait3A_228 = arith.constant 3 : i32
      %dma_wait3A_229 = arith.constant 0 : i32
      %dma_wait3A_230 = arith.constant 0 : i32
      %dma_wait3A_231 = tpu.memref_slice %arg15[%dma_wait3A_228, %dma_wait3A_229, %dma_wait3A_230] : memref<4x128x16xf32, #tpu.memory_space<vmem>> -> memref<1x128x16xf32, #tpu.memory_space<vmem>>
      %dma_wait3A_232 = tpu.memref_squeeze %dma_wait3A_231 : memref<1x128x16xf32, #tpu.memory_space<vmem>> -> memref<128x16xf32, #tpu.memory_space<vmem>>
      %dma_wait3A_233 = arith.constant 0 : i32
      %dma_wait3A_234 = tpu.memref_slice %arg13[%dma_wait3A_227, %dma_wait3A_233] : memref<4x128xi32, #tpu.memory_space<vmem>> -> memref<1x128xi32, #tpu.memory_space<vmem>>
      %dma_wait3A_235 = tpu.memref_squeeze %dma_wait3A_234 : memref<1x128xi32, #tpu.memory_space<vmem>> -> memref<128xi32, #tpu.memory_space<vmem>>
      %dma_wait3A_236 = arith.constant 0 : i32
      %dma_wait3A_237 = arith.constant 0 : i32
      %dma_wait3A_238 = tpu.memref_slice %arg4[%dma_wait3A_236, %dma_wait3A_237] : memref<100096x16xf32, #tpu.memory_space<hbm>> -> memref<100096x16xf32, #tpu.memory_space<hbm>>
      tpu.wait_indirect_dma semaphore(%arg27 : memref<!tpu.dma_semaphore, #tpu.memory_space<semaphore_mem>>) src(%dma_wait3A_238 : memref<100096x16xf32, #tpu.memory_space<hbm>>) dst(%dma_wait3A_232 : memref<128x16xf32, #tpu.memory_space<vmem>>)
      %dma_wait3A_239 = arith.constant 3 : i32
      %dma_wait3A_240 = arith.constant 3 : i32
      %dma_wait3A_241 = arith.constant 0 : i32
      %dma_wait3A_242 = arith.constant 0 : i32
      %dma_wait3A_243 = tpu.memref_slice %arg16[%dma_wait3A_240, %dma_wait3A_241, %dma_wait3A_242] : memref<4x128x16xf32, #tpu.memory_space<vmem>> -> memref<1x128x16xf32, #tpu.memory_space<vmem>>
      %dma_wait3A_244 = tpu.memref_squeeze %dma_wait3A_243 : memref<1x128x16xf32, #tpu.memory_space<vmem>> -> memref<128x16xf32, #tpu.memory_space<vmem>>
      %dma_wait3A_245 = arith.constant 0 : i32
      %dma_wait3A_246 = tpu.memref_slice %arg14[%dma_wait3A_239, %dma_wait3A_245] : memref<4x128xi32, #tpu.memory_space<vmem>> -> memref<1x128xi32, #tpu.memory_space<vmem>>
      %dma_wait3A_247 = tpu.memref_squeeze %dma_wait3A_246 : memref<1x128xi32, #tpu.memory_space<vmem>> -> memref<128xi32, #tpu.memory_space<vmem>>
      %dma_wait3A_248 = arith.constant 0 : i32
      %dma_wait3A_249 = arith.constant 0 : i32
      %dma_wait3A_250 = tpu.memref_slice %arg4[%dma_wait3A_248, %dma_wait3A_249] : memref<100096x16xf32, #tpu.memory_space<hbm>> -> memref<100096x16xf32, #tpu.memory_space<hbm>>
      tpu.wait_indirect_dma semaphore(%arg27 : memref<!tpu.dma_semaphore, #tpu.memory_space<semaphore_mem>>) src(%dma_wait3A_250 : memref<100096x16xf32, #tpu.memory_space<hbm>>) dst(%dma_wait3A_244 : memref<128x16xf32, #tpu.memory_space<vmem>>)
      %mul3A_251 = arith.constant 100352 : i32
      %mul3A_252 = arith.muli %add3A, %mul3A_251 : i32
      %mul3A_253 = arith.constant 512 : i32
      %mul3A_254 = arith.muli %scan3A_54, %mul3A_253 : i32
      %add3A_255 = arith.addi %mul3A_252, %mul3A_254 : i32
      %scan3A_256 = arith.constant 0 : i32
      %scan3A_257 = arith.constant 32 : i32
      %scan3A_258 = arith.addi %scan3A_256, %scan3A_257 : i32
      %scan3A_259 = arith.constant 1 : i32
      %scan3A_260 = scf.for %scan3A_273 = %scan3A_256 to %scan3A_258 step %scan3A_259 iter_args(%scan3A_274 = %scan3A_55) -> (vector<16xf32>)  : i32 {
        %jit3A = arith.constant 8 : i32
        %div3A = arith.divsi %scan3A_273, %jit3A : i32
        %sign3A = arith.constant 0 : i32
        %sign3A_275 = arith.cmpi sgt, %scan3A_273, %sign3A : i32
        %sign3A_276 = arith.extui %sign3A_275 : i1 to i32
        %sign3A_277 = arith.constant 0 : i32
        %sign3A_278 = arith.cmpi slt, %scan3A_273, %sign3A_277 : i32
        %sign3A_279 = arith.extui %sign3A_278 : i1 to i32
        %sign3A_280 = arith.subi %sign3A_276, %sign3A_279 : i32
        %sign3A_281 = arith.constant 0 : i32
        %sign3A_282 = arith.cmpi sgt, %jit3A, %sign3A_281 : i32
        %sign3A_283 = arith.extui %sign3A_282 : i1 to i32
        %sign3A_284 = arith.constant 0 : i32
        %sign3A_285 = arith.cmpi slt, %jit3A, %sign3A_284 : i32
        %sign3A_286 = arith.extui %sign3A_285 : i1 to i32
        %sign3A_287 = arith.subi %sign3A_283, %sign3A_286 : i32
        %ne3A = arith.cmpi ne, %sign3A_280, %sign3A_287 : i32
        %rem3A = arith.remsi %scan3A_273, %jit3A : i32
        %ne3A_288 = arith.constant 0 : i32
        %ne3A_289 = arith.cmpi ne, %rem3A, %ne3A_288 : i32
        %and3A = arith.andi %ne3A, %ne3A_289 : i1
        %sub3A = arith.constant 1 : i32
        %sub3A_290 = arith.subi %div3A, %sub3A : i32
        %select_n3A = arith.select %and3A, %sub3A_290, %div3A : i32
        %broadcast_in_dim3A_291 = vector.broadcast %select_n3A : i32 to vector<16xi32>
        %jit3A_292 = arith.constant 8 : i32
        %eq3A = arith.constant 0 : i32
        %eq3A_293 = arith.cmpi eq, %jit3A_292, %eq3A : i32
        %jit3A_294 = arith.constant 1 : i32
        %select_n3A_295 = arith.select %eq3A_293, %jit3A_294, %jit3A_292 : i32
        %rem3A_296 = arith.remsi %scan3A_273, %select_n3A_295 : i32
        %ne3A_297 = arith.constant 0 : i32
        %ne3A_298 = arith.cmpi ne, %rem3A_296, %ne3A_297 : i32
        %lt3A = arith.constant 0 : i32
        %lt3A_299 = arith.cmpi slt, %rem3A_296, %lt3A : i32
        %lt3A_300 = arith.constant 0 : i32
        %lt3A_301 = arith.cmpi slt, %select_n3A_295, %lt3A_300 : i32
        %ne3A_302 = arith.xori %lt3A_299, %lt3A_301 : i1
        %and3A_303 = arith.andi %ne3A_302, %ne3A_298 : i1
        %add3A_304 = arith.addi %rem3A_296, %select_n3A_295 : i32
        %select_n3A_305 = arith.select %and3A_303, %add3A_304, %rem3A_296 : i32
        %mul3A_306 = arith.constant 16 : i32
        %mul3A_307 = arith.muli %select_n3A_305, %mul3A_306 : i32
        %iota3A = tpu.iota {dimensions = array<i32: 0>} : vector<16xi32>
        %add3A_308 = vector.broadcast %mul3A_307 : i32 to vector<16xi32>
        %add3A_309 = arith.addi %add3A_308, %iota3A : vector<16xi32>
        %gather3A = tpu.vector_load_idx %arg15[%broadcast_in_dim3A_291, %add3A_309, %broadcast_in_dim3A_0] : memref<4x128x16xf32, #tpu.memory_space<vmem>>[vector<16xi32>, vector<16xi32>, vector<16xi32>], vector<16xf32>,
        %gather3A_310 = tpu.vector_load_idx %arg15[%broadcast_in_dim3A_291, %add3A_309, %broadcast_in_dim3A_2] : memref<4x128x16xf32, #tpu.memory_space<vmem>>[vector<16xi32>, vector<16xi32>, vector<16xi32>], vector<16xf32>,
        %gather3A_311 = tpu.vector_load_idx %arg15[%broadcast_in_dim3A_291, %add3A_309, %broadcast_in_dim3A_4] : memref<4x128x16xf32, #tpu.memory_space<vmem>>[vector<16xi32>, vector<16xi32>, vector<16xi32>], vector<16xf32>,
        %gather3A_312 = tpu.vector_load_idx %arg15[%broadcast_in_dim3A_291, %add3A_309, %broadcast_in_dim3A_6] : memref<4x128x16xf32, #tpu.memory_space<vmem>>[vector<16xi32>, vector<16xi32>, vector<16xi32>], vector<16xf32>,
        %gather3A_313 = tpu.vector_load_idx %arg15[%broadcast_in_dim3A_291, %add3A_309, %broadcast_in_dim3A_8] : memref<4x128x16xf32, #tpu.memory_space<vmem>>[vector<16xi32>, vector<16xi32>, vector<16xi32>], vector<16xf32>,
        %gather3A_314 = tpu.vector_load_idx %arg16[%broadcast_in_dim3A_291, %add3A_309, %broadcast_in_dim3A_0] : memref<4x128x16xf32, #tpu.memory_space<vmem>>[vector<16xi32>, vector<16xi32>, vector<16xi32>], vector<16xf32>,
        %gather3A_315 = tpu.vector_load_idx %arg16[%broadcast_in_dim3A_291, %add3A_309, %broadcast_in_dim3A_2] : memref<4x128x16xf32, #tpu.memory_space<vmem>>[vector<16xi32>, vector<16xi32>, vector<16xi32>], vector<16xf32>,
        %gather3A_316 = tpu.vector_load_idx %arg16[%broadcast_in_dim3A_291, %add3A_309, %broadcast_in_dim3A_4] : memref<4x128x16xf32, #tpu.memory_space<vmem>>[vector<16xi32>, vector<16xi32>, vector<16xi32>], vector<16xf32>,
        %gather3A_317 = tpu.vector_load_idx %arg16[%broadcast_in_dim3A_291, %add3A_309, %broadcast_in_dim3A_6] : memref<4x128x16xf32, #tpu.memory_space<vmem>>[vector<16xi32>, vector<16xi32>, vector<16xi32>], vector<16xf32>,
        %gather3A_318 = tpu.vector_load_idx %arg16[%broadcast_in_dim3A_291, %add3A_309, %broadcast_in_dim3A_8] : memref<4x128x16xf32, #tpu.memory_space<vmem>>[vector<16xi32>, vector<16xi32>, vector<16xi32>], vector<16xf32>,
        %sub3A_319 = arith.subf %gather3A_314, %gather3A : vector<16xf32>
        %sub3A_320 = arith.subf %gather3A_315, %gather3A_310 : vector<16xf32>
        %sub3A_321 = arith.subf %gather3A_316, %gather3A_311 : vector<16xf32>
        %mul3A_322 = arith.mulf %sub3A_319, %sub3A_319 : vector<16xf32>
        %mul3A_323 = arith.mulf %sub3A_320, %sub3A_320 : vector<16xf32>
        %add3A_324 = arith.addf %mul3A_322, %mul3A_323 : vector<16xf32>
        %mul3A_325 = arith.mulf %sub3A_321, %sub3A_321 : vector<16xf32>
        %add3A_326 = arith.addf %add3A_324, %mul3A_325 : vector<16xf32>
        %add3A_327 = arith.constant 9.99999996E-13 : f32
        %add3A_328 = vector.broadcast %add3A_327 : f32 to vector<16xf32>
        %add3A_329 = arith.addf %add3A_326, %add3A_328 : vector<16xf32>
        %bitcast_convert_type3A = tpu.bitcast %add3A_329 : vector<16xf32> -> vector<16xi32>
        %shift_right_arithmetic3A = arith.constant 1 : i32
        %shift_right_arithmetic3A_330 = vector.broadcast %shift_right_arithmetic3A : i32 to vector<16xi32>
        %shift_right_arithmetic3A_331 = arith.shrsi %bitcast_convert_type3A, %shift_right_arithmetic3A_330 : vector<16xi32>
        %sub3A_332 = arith.constant 1597463007 : i32
        %sub3A_333 = vector.broadcast %sub3A_332 : i32 to vector<16xi32>
        %sub3A_334 = arith.subi %sub3A_333, %shift_right_arithmetic3A_331 : vector<16xi32>
        %bitcast_convert_type3A_335 = tpu.bitcast %sub3A_334 : vector<16xi32> -> vector<16xf32>
        %mul3A_336 = arith.constant 5.000000e-01 : f32
        %mul3A_337 = vector.broadcast %mul3A_336 : f32 to vector<16xf32>
        %mul3A_338 = arith.mulf %mul3A_337, %add3A_329 : vector<16xf32>
        %mul3A_339 = arith.mulf %mul3A_338, %bitcast_convert_type3A_335 : vector<16xf32>
        %mul3A_340 = arith.mulf %mul3A_339, %bitcast_convert_type3A_335 : vector<16xf32>
        %sub3A_341 = arith.constant 1.500000e+00 : f32
        %sub3A_342 = vector.broadcast %sub3A_341 : f32 to vector<16xf32>
        %sub3A_343 = arith.subf %sub3A_342, %mul3A_340 : vector<16xf32>
        %mul3A_344 = arith.mulf %bitcast_convert_type3A_335, %sub3A_343 : vector<16xf32>
        %mul3A_345 = arith.mulf %mul3A_338, %mul3A_344 : vector<16xf32>
        %mul3A_346 = arith.mulf %mul3A_345, %mul3A_344 : vector<16xf32>
        %sub3A_347 = arith.constant 1.500000e+00 : f32
        %sub3A_348 = vector.broadcast %sub3A_347 : f32 to vector<16xf32>
        %sub3A_349 = arith.subf %sub3A_348, %mul3A_346 : vector<16xf32>
        %mul3A_350 = arith.mulf %mul3A_344, %sub3A_349 : vector<16xf32>
        %mul3A_351 = arith.mulf %mul3A_338, %mul3A_350 : vector<16xf32>
        %mul3A_352 = arith.mulf %mul3A_351, %mul3A_350 : vector<16xf32>
        %sub3A_353 = arith.constant 1.500000e+00 : f32
        %sub3A_354 = vector.broadcast %sub3A_353 : f32 to vector<16xf32>
        %sub3A_355 = arith.subf %sub3A_354, %mul3A_352 : vector<16xf32>
        %mul3A_356 = arith.mulf %mul3A_350, %sub3A_355 : vector<16xf32>
        %mul3A_357 = arith.mulf %add3A_329, %mul3A_356 : vector<16xf32>
        %min3A = arith.constant 5.99999952 : f32
        %min3A_358 = vector.broadcast %min3A : f32 to vector<16xf32>
        %min3A_359 = arith.minimumf %mul3A_357, %min3A_358 : vector<16xf32>
        %max3A = arith.constant 0.000000e+00 : f32
        %max3A_360 = vector.broadcast %max3A : f32 to vector<16xf32>
        %max3A_361 = arith.maximumf %min3A_359, %max3A_360 : vector<16xf32>
        %mul3A_362 = arith.constant 1365.16663 : f32
        %mul3A_363 = vector.broadcast %mul3A_362 : f32 to vector<16xf32>
        %mul3A_364 = arith.mulf %max3A_361, %mul3A_363 : vector<16xf32>
        %convert_element_type3A = arith.fptosi %mul3A_364 : vector<16xf32> to vector<16xi32>
        %convert_element_type3A_365 = arith.sitofp %convert_element_type3A : vector<16xi32> to vector<16xf32>
        %sub3A_366 = arith.subf %mul3A_364, %convert_element_type3A_365 : vector<16xf32>
        %add3A_367 = arith.constant 1 : i32
        %add3A_368 = vector.broadcast %add3A_367 : i32 to vector<16xi32>
        %add3A_369 = arith.addi %convert_element_type3A, %add3A_368 : vector<16xi32>
        %min3A_370 = arith.constant 8191 : i32
        %min3A_371 = vector.broadcast %min3A_370 : i32 to vector<16xi32>
        %min3A_372 = arith.minsi %add3A_369, %min3A_371 : vector<16xi32>
        %convert_element_type3A_373 = arith.fptosi %gather3A_312 : vector<16xf32> to vector<16xi32>
        %convert_element_type3A_374 = arith.fptosi %gather3A_317 : vector<16xf32> to vector<16xi32>
        %mul3A_375 = arith.constant 8192 : i32
        %mul3A_376 = vector.broadcast %mul3A_375 : i32 to vector<16xi32>
        %mul3A_377 = arith.muli %convert_element_type3A_373, %mul3A_376 : vector<16xi32>
        %mul3A_378 = arith.constant 8192 : i32
        %mul3A_379 = vector.broadcast %mul3A_378 : i32 to vector<16xi32>
        %mul3A_380 = arith.muli %convert_element_type3A_374, %mul3A_379 : vector<16xi32>
        %add3A_381 = arith.addi %mul3A_377, %convert_element_type3A : vector<16xi32>
        %add3A_382 = arith.addi %mul3A_377, %min3A_372 : vector<16xi32>
        %gather3A_383 = tpu.vector_load_idx %arg20[%add3A_381] : memref<16384xf32, #tpu.memory_space<vmem>>[vector<16xi32>], vector<16xf32>,
        %gather3A_384 = tpu.vector_load_idx %arg20[%add3A_382] : memref<16384xf32, #tpu.memory_space<vmem>>[vector<16xi32>], vector<16xf32>,
        %sub3A_385 = arith.subf %gather3A_384, %gather3A_383 : vector<16xf32>
        %mul3A_386 = arith.mulf %sub3A_366, %sub3A_385 : vector<16xf32>
        %add3A_387 = arith.addf %gather3A_383, %mul3A_386 : vector<16xf32>
        %add3A_388 = arith.addi %mul3A_380, %convert_element_type3A : vector<16xi32>
        %add3A_389 = arith.addi %mul3A_380, %min3A_372 : vector<16xi32>
        %gather3A_390 = tpu.vector_load_idx %arg20[%add3A_388] : memref<16384xf32, #tpu.memory_space<vmem>>[vector<16xi32>], vector<16xf32>,
        %gather3A_391 = tpu.vector_load_idx %arg20[%add3A_389] : memref<16384xf32, #tpu.memory_space<vmem>>[vector<16xi32>], vector<16xf32>,
        %sub3A_392 = arith.subf %gather3A_391, %gather3A_390 : vector<16xf32>
        %mul3A_393 = arith.mulf %sub3A_366, %sub3A_392 : vector<16xf32>
        %add3A_394 = arith.addf %gather3A_390, %mul3A_393 : vector<16xf32>
        %mul3A_395 = arith.constant 2 : i32
        %mul3A_396 = vector.broadcast %mul3A_395 : i32 to vector<16xi32>
        %mul3A_397 = arith.muli %convert_element_type3A_374, %mul3A_396 : vector<16xi32>
        %add3A_398 = arith.addi %mul3A_397, %convert_element_type3A_373 : vector<16xi32>
        %mul3A_399 = arith.constant 8192 : i32
        %mul3A_400 = vector.broadcast %mul3A_399 : i32 to vector<16xi32>
        %mul3A_401 = arith.muli %add3A_398, %mul3A_400 : vector<16xi32>
        %add3A_402 = arith.addi %mul3A_401, %convert_element_type3A : vector<16xi32>
        %add3A_403 = arith.addi %mul3A_401, %min3A_372 : vector<16xi32>
        %gather3A_404 = tpu.vector_load_idx %arg21[%add3A_402] : memref<32768xf32, #tpu.memory_space<vmem>>[vector<16xi32>], vector<16xf32>,
        %gather3A_405 = tpu.vector_load_idx %arg21[%add3A_403] : memref<32768xf32, #tpu.memory_space<vmem>>[vector<16xi32>], vector<16xf32>,
        %sub3A_406 = arith.subf %gather3A_405, %gather3A_404 : vector<16xf32>
        %mul3A_407 = arith.mulf %sub3A_366, %sub3A_406 : vector<16xf32>
        %add3A_408 = arith.addf %gather3A_404, %mul3A_407 : vector<16xf32>
        %add3A_409 = arith.addi %mul3A_401, %convert_element_type3A : vector<16xi32>
        %add3A_410 = arith.addi %mul3A_401, %min3A_372 : vector<16xi32>
        %gather3A_411 = tpu.vector_load_idx %arg22[%add3A_409] : memref<32768xf32, #tpu.memory_space<vmem>>[vector<16xi32>], vector<16xf32>,
        %gather3A_412 = tpu.vector_load_idx %arg22[%add3A_410] : memref<32768xf32, #tpu.memory_space<vmem>>[vector<16xi32>], vector<16xf32>,
        %sub3A_413 = arith.subf %gather3A_412, %gather3A_411 : vector<16xf32>
        %mul3A_414 = arith.mulf %sub3A_366, %sub3A_413 : vector<16xf32>
        %add3A_415 = arith.addf %gather3A_411, %mul3A_414 : vector<16xf32>
        %mul3A_416 = arith.mulf %gather3A_318, %add3A_387 : vector<16xf32>
        %mul3A_417 = arith.mulf %gather3A_313, %add3A_394 : vector<16xf32>
        %add3A_418 = arith.addf %mul3A_416, %mul3A_417 : vector<16xf32>
        %add3A_419 = arith.addf %add3A_418, %add3A_415 : vector<16xf32>
        %neg3A = arith.constant 0.000000e+00 : f32
        %neg3A_420 = vector.broadcast %neg3A : f32 to vector<16xf32>
        %neg3A_421 = arith.subf %neg3A_420, %add3A_419 : vector<16xf32>
        %mul3A_422 = arith.mulf %neg3A_421, %mul3A_356 : vector<16xf32>
        %mul3A_423 = arith.mulf %mul3A_422, %sub3A_319 : vector<16xf32>
        %mul3A_424 = arith.constant 16 : i32
        %mul3A_425 = arith.muli %scan3A_273, %mul3A_424 : i32
        %swap3A_426 = arith.index_cast %mul3A_425 : i32 to index
        %swap3A_427 = tpu.vector_load %arg17[%swap3A_426] {strides = array<i32>} : memref<512xf32, #tpu.memory_space<vmem>>, vector<16xf32>,
        tpu.vector_store %arg17[%swap3A_426], %mul3A_423 {strides = array<i32>} : memref<512xf32, #tpu.memory_space<vmem>>, vector<16xf32>,
        %mul3A_428 = arith.mulf %mul3A_422, %sub3A_320 : vector<16xf32>
        %mul3A_429 = arith.constant 16 : i32
        %mul3A_430 = arith.muli %scan3A_273, %mul3A_429 : i32
        %swap3A_431 = arith.index_cast %mul3A_430 : i32 to index
        %swap3A_432 = tpu.vector_load %arg18[%swap3A_431] {strides = array<i32>} : memref<512xf32, #tpu.memory_space<vmem>>, vector<16xf32>,
        tpu.vector_store %arg18[%swap3A_431], %mul3A_428 {strides = array<i32>} : memref<512xf32, #tpu.memory_space<vmem>>, vector<16xf32>,
        %mul3A_433 = arith.mulf %mul3A_422, %sub3A_321 : vector<16xf32>
        %mul3A_434 = arith.constant 16 : i32
        %mul3A_435 = arith.muli %scan3A_273, %mul3A_434 : i32
        %swap3A_436 = arith.index_cast %mul3A_435 : i32 to index
        %swap3A_437 = tpu.vector_load %arg19[%swap3A_436] {strides = array<i32>} : memref<512xf32, #tpu.memory_space<vmem>>, vector<16xf32>,
        tpu.vector_store %arg19[%swap3A_436], %mul3A_433 {strides = array<i32>} : memref<512xf32, #tpu.memory_space<vmem>>, vector<16xf32>,
        %mul3A_438 = arith.constant 16 : i32
        %mul3A_439 = arith.muli %scan3A_273, %mul3A_438 : i32
        %add3A_440 = arith.addi %add3A_255, %mul3A_439 : i32
        %iota3A_441 = tpu.iota {dimensions = array<i32: 0>} : vector<16xi32>
        %add3A_442 = vector.broadcast %add3A_440 : i32 to vector<16xi32>
        %add3A_443 = arith.addi %add3A_442, %iota3A_441 : vector<16xi32>
        %lt3A_444 = arith.constant 3200000 : i32
        %lt3A_445 = vector.broadcast %lt3A_444 : i32 to vector<16xi32>
        %lt3A_446 = arith.cmpi slt, %add3A_443, %lt3A_445 : vector<16xi32>
        %jit3A_447 = arith.constant 0.000000e+00 : f32
        %broadcast_in_dim3A_448 = vector.broadcast %jit3A_447 : f32 to vector<16xf32>
        %select_n3A_449 = arith.select %lt3A_446, %add3A_408, %broadcast_in_dim3A_448 : vector<16xi1>, vector<16xf32>
        %add3A_450 = arith.addf %scan3A_274, %select_n3A_449 : vector<16xf32>
        scf.yield %add3A_450 : vector<16xf32>
      }
      %scan3A_261 = arith.constant 32 : i32
      %run_scoped3A = arith.constant 0 : i32
      "tpu.region"() ({
        %run_scoped3A_273 = tpu.sem_alloc : memref<!tpu.dma_semaphore, #tpu.memory_space<semaphore_mem>>
        %dma_start3A_274 = arith.constant 0 : i32
        %dma_start3A_275 = tpu.memref_slice %arg17[%dma_start3A_274] : memref<512xf32, #tpu.memory_space<vmem>> -> memref<128xf32, #tpu.memory_space<vmem>>
        %dma_start3A_276 = arith.constant 0 : i32
        %dma_start3A_277 = tpu.memref_slice %arg14[%run_scoped3A, %dma_start3A_276] : memref<4x128xi32, #tpu.memory_space<vmem>> -> memref<1x128xi32, #tpu.memory_space<vmem>>
        %dma_start3A_278 = tpu.memref_squeeze %dma_start3A_277 : memref<1x128xi32, #tpu.memory_space<vmem>> -> memref<128xi32, #tpu.memory_space<vmem>>
        %dma_start3A_279 = arith.constant 0 : i32
        %dma_start3A_280 = tpu.memref_slice %arg24[%dma_start3A_279] : memref<100096xf32, #tpu.memory_space<vmem_shared>> -> memref<100096xf32, #tpu.memory_space<vmem_shared>>
        tpu.enqueue_indirect_dma source(%dma_start3A_275 : memref<128xf32, #tpu.memory_space<vmem>>) target(%dma_start3A_280 : memref<100096xf32, #tpu.memory_space<vmem_shared>>) offsets(%dma_start3A_278 : memref<128xi32, #tpu.memory_space<vmem>>) semaphore(%run_scoped3A_273 : memref<!tpu.dma_semaphore, #tpu.memory_space<semaphore_mem>>) {add = true}
        %dma_wait3A_281 = arith.constant 0 : i32
        %dma_wait3A_282 = tpu.memref_slice %arg17[%dma_wait3A_281] : memref<512xf32, #tpu.memory_space<vmem>> -> memref<128xf32, #tpu.memory_space<vmem>>
        %dma_wait3A_283 = arith.constant 0 : i32
        %dma_wait3A_284 = tpu.memref_slice %arg14[%run_scoped3A, %dma_wait3A_283] : memref<4x128xi32, #tpu.memory_space<vmem>> -> memref<1x128xi32, #tpu.memory_space<vmem>>
        %dma_wait3A_285 = tpu.memref_squeeze %dma_wait3A_284 : memref<1x128xi32, #tpu.memory_space<vmem>> -> memref<128xi32, #tpu.memory_space<vmem>>
        %dma_wait3A_286 = arith.constant 0 : i32
        %dma_wait3A_287 = tpu.memref_slice %arg24[%dma_wait3A_286] : memref<100096xf32, #tpu.memory_space<vmem_shared>> -> memref<100096xf32, #tpu.memory_space<vmem_shared>>
        tpu.wait_indirect_dma semaphore(%run_scoped3A_273 : memref<!tpu.dma_semaphore, #tpu.memory_space<semaphore_mem>>) src(%dma_wait3A_282 : memref<128xf32, #tpu.memory_space<vmem>>) dst(%dma_wait3A_287 : memref<100096xf32, #tpu.memory_space<vmem_shared>>)
        tpu.yield
      }) : () -> ()
      %run_scoped3A_262 = arith.constant 0 : i32
      "tpu.region"() ({
        %run_scoped3A_273 = tpu.sem_alloc : memref<!tpu.dma_semaphore, #tpu.memory_space<semaphore_mem>>
        %dma_start3A_274 = arith.constant 0 : i32
        %dma_start3A_275 = tpu.memref_slice %arg18[%dma_start3A_274] : memref<512xf32, #tpu.memory_space<vmem>> -> memref<128xf32, #tpu.memory_space<vmem>>
        %dma_start3A_276 = arith.constant 0 : i32
        %dma_start3A_277 = tpu.memref_slice %arg14[%run_scoped3A_262, %dma_start3A_276] : memref<4x128xi32, #tpu.memory_space<vmem>> -> memref<1x128xi32, #tpu.memory_space<vmem>>
        %dma_start3A_278 = tpu.memref_squeeze %dma_start3A_277 : memref<1x128xi32, #tpu.memory_space<vmem>> -> memref<128xi32, #tpu.memory_space<vmem>>
        %dma_start3A_279 = arith.constant 0 : i32
        %dma_start3A_280 = tpu.memref_slice %arg25[%dma_start3A_279] : memref<100096xf32, #tpu.memory_space<vmem_shared>> -> memref<100096xf32, #tpu.memory_space<vmem_shared>>
        tpu.enqueue_indirect_dma source(%dma_start3A_275 : memref<128xf32, #tpu.memory_space<vmem>>) target(%dma_start3A_280 : memref<100096xf32, #tpu.memory_space<vmem_shared>>) offsets(%dma_start3A_278 : memref<128xi32, #tpu.memory_space<vmem>>) semaphore(%run_scoped3A_273 : memref<!tpu.dma_semaphore, #tpu.memory_space<semaphore_mem>>) {add = true}
        %dma_wait3A_281 = arith.constant 0 : i32
        %dma_wait3A_282 = tpu.memref_slice %arg18[%dma_wait3A_281] : memref<512xf32, #tpu.memory_space<vmem>> -> memref<128xf32, #tpu.memory_space<vmem>>
        %dma_wait3A_283 = arith.constant 0 : i32
        %dma_wait3A_284 = tpu.memref_slice %arg14[%run_scoped3A_262, %dma_wait3A_283] : memref<4x128xi32, #tpu.memory_space<vmem>> -> memref<1x128xi32, #tpu.memory_space<vmem>>
        %dma_wait3A_285 = tpu.memref_squeeze %dma_wait3A_284 : memref<1x128xi32, #tpu.memory_space<vmem>> -> memref<128xi32, #tpu.memory_space<vmem>>
        %dma_wait3A_286 = arith.constant 0 : i32
        %dma_wait3A_287 = tpu.memref_slice %arg25[%dma_wait3A_286] : memref<100096xf32, #tpu.memory_space<vmem_shared>> -> memref<100096xf32, #tpu.memory_space<vmem_shared>>
        tpu.wait_indirect_dma semaphore(%run_scoped3A_273 : memref<!tpu.dma_semaphore, #tpu.memory_space<semaphore_mem>>) src(%dma_wait3A_282 : memref<128xf32, #tpu.memory_space<vmem>>) dst(%dma_wait3A_287 : memref<100096xf32, #tpu.memory_space<vmem_shared>>)
        tpu.yield
      }) : () -> ()
      %run_scoped3A_263 = arith.constant 0 : i32
      "tpu.region"() ({
        %run_scoped3A_273 = tpu.sem_alloc : memref<!tpu.dma_semaphore, #tpu.memory_space<semaphore_mem>>
        %dma_start3A_274 = arith.constant 0 : i32
        %dma_start3A_275 = tpu.memref_slice %arg19[%dma_start3A_274] : memref<512xf32, #tpu.memory_space<vmem>> -> memref<128xf32, #tpu.memory_space<vmem>>
        %dma_start3A_276 = arith.constant 0 : i32
        %dma_start3A_277 = tpu.memref_slice %arg14[%run_scoped3A_263, %dma_start3A_276] : memref<4x128xi32, #tpu.memory_space<vmem>> -> memref<1x128xi32, #tpu.memory_space<vmem>>
        %dma_start3A_278 = tpu.memref_squeeze %dma_start3A_277 : memref<1x128xi32, #tpu.memory_space<vmem>> -> memref<128xi32, #tpu.memory_space<vmem>>
        %dma_start3A_279 = arith.constant 0 : i32
        %dma_start3A_280 = tpu.memref_slice %arg26[%dma_start3A_279] : memref<100096xf32, #tpu.memory_space<vmem_shared>> -> memref<100096xf32, #tpu.memory_space<vmem_shared>>
        tpu.enqueue_indirect_dma source(%dma_start3A_275 : memref<128xf32, #tpu.memory_space<vmem>>) target(%dma_start3A_280 : memref<100096xf32, #tpu.memory_space<vmem_shared>>) offsets(%dma_start3A_278 : memref<128xi32, #tpu.memory_space<vmem>>) semaphore(%run_scoped3A_273 : memref<!tpu.dma_semaphore, #tpu.memory_space<semaphore_mem>>) {add = true}
        %dma_wait3A_281 = arith.constant 0 : i32
        %dma_wait3A_282 = tpu.memref_slice %arg19[%dma_wait3A_281] : memref<512xf32, #tpu.memory_space<vmem>> -> memref<128xf32, #tpu.memory_space<vmem>>
        %dma_wait3A_283 = arith.constant 0 : i32
        %dma_wait3A_284 = tpu.memref_slice %arg14[%run_scoped3A_263, %dma_wait3A_283] : memref<4x128xi32, #tpu.memory_space<vmem>> -> memref<1x128xi32, #tpu.memory_space<vmem>>
        %dma_wait3A_285 = tpu.memref_squeeze %dma_wait3A_284 : memref<1x128xi32, #tpu.memory_space<vmem>> -> memref<128xi32, #tpu.memory_space<vmem>>
        %dma_wait3A_286 = arith.constant 0 : i32
        %dma_wait3A_287 = tpu.memref_slice %arg26[%dma_wait3A_286] : memref<100096xf32, #tpu.memory_space<vmem_shared>> -> memref<100096xf32, #tpu.memory_space<vmem_shared>>
        tpu.wait_indirect_dma semaphore(%run_scoped3A_273 : memref<!tpu.dma_semaphore, #tpu.memory_space<semaphore_mem>>) src(%dma_wait3A_282 : memref<128xf32, #tpu.memory_space<vmem>>) dst(%dma_wait3A_287 : memref<100096xf32, #tpu.memory_space<vmem_shared>>)
        tpu.yield
      }) : () -> ()
      %run_scoped3A_264 = arith.constant 1 : i32
      "tpu.region"() ({
        %run_scoped3A_273 = tpu.sem_alloc : memref<!tpu.dma_semaphore, #tpu.memory_space<semaphore_mem>>
        %dma_start3A_274 = arith.constant 128 : i32
        %dma_start3A_275 = tpu.memref_slice %arg17[%dma_start3A_274] : memref<512xf32, #tpu.memory_space<vmem>> -> memref<128xf32, #tpu.memory_space<vmem>>
        %dma_start3A_276 = arith.constant 0 : i32
        %dma_start3A_277 = tpu.memref_slice %arg14[%run_scoped3A_264, %dma_start3A_276] : memref<4x128xi32, #tpu.memory_space<vmem>> -> memref<1x128xi32, #tpu.memory_space<vmem>>
        %dma_start3A_278 = tpu.memref_squeeze %dma_start3A_277 : memref<1x128xi32, #tpu.memory_space<vmem>> -> memref<128xi32, #tpu.memory_space<vmem>>
        %dma_start3A_279 = arith.constant 0 : i32
        %dma_start3A_280 = tpu.memref_slice %arg24[%dma_start3A_279] : memref<100096xf32, #tpu.memory_space<vmem_shared>> -> memref<100096xf32, #tpu.memory_space<vmem_shared>>
        tpu.enqueue_indirect_dma source(%dma_start3A_275 : memref<128xf32, #tpu.memory_space<vmem>>) target(%dma_start3A_280 : memref<100096xf32, #tpu.memory_space<vmem_shared>>) offsets(%dma_start3A_278 : memref<128xi32, #tpu.memory_space<vmem>>) semaphore(%run_scoped3A_273 : memref<!tpu.dma_semaphore, #tpu.memory_space<semaphore_mem>>) {add = true}
        %dma_wait3A_281 = arith.constant 128 : i32
        %dma_wait3A_282 = tpu.memref_slice %arg17[%dma_wait3A_281] : memref<512xf32, #tpu.memory_space<vmem>> -> memref<128xf32, #tpu.memory_space<vmem>>
        %dma_wait3A_283 = arith.constant 0 : i32
        %dma_wait3A_284 = tpu.memref_slice %arg14[%run_scoped3A_264, %dma_wait3A_283] : memref<4x128xi32, #tpu.memory_space<vmem>> -> memref<1x128xi32, #tpu.memory_space<vmem>>
        %dma_wait3A_285 = tpu.memref_squeeze %dma_wait3A_284 : memref<1x128xi32, #tpu.memory_space<vmem>> -> memref<128xi32, #tpu.memory_space<vmem>>
        %dma_wait3A_286 = arith.constant 0 : i32
        %dma_wait3A_287 = tpu.memref_slice %arg24[%dma_wait3A_286] : memref<100096xf32, #tpu.memory_space<vmem_shared>> -> memref<100096xf32, #tpu.memory_space<vmem_shared>>
        tpu.wait_indirect_dma semaphore(%run_scoped3A_273 : memref<!tpu.dma_semaphore, #tpu.memory_space<semaphore_mem>>) src(%dma_wait3A_282 : memref<128xf32, #tpu.memory_space<vmem>>) dst(%dma_wait3A_287 : memref<100096xf32, #tpu.memory_space<vmem_shared>>)
        tpu.yield
      }) : () -> ()
      %run_scoped3A_265 = arith.constant 1 : i32
      "tpu.region"() ({
        %run_scoped3A_273 = tpu.sem_alloc : memref<!tpu.dma_semaphore, #tpu.memory_space<semaphore_mem>>
        %dma_start3A_274 = arith.constant 128 : i32
        %dma_start3A_275 = tpu.memref_slice %arg18[%dma_start3A_274] : memref<512xf32, #tpu.memory_space<vmem>> -> memref<128xf32, #tpu.memory_space<vmem>>
        %dma_start3A_276 = arith.constant 0 : i32
        %dma_start3A_277 = tpu.memref_slice %arg14[%run_scoped3A_265, %dma_start3A_276] : memref<4x128xi32, #tpu.memory_space<vmem>> -> memref<1x128xi32, #tpu.memory_space<vmem>>
        %dma_start3A_278 = tpu.memref_squeeze %dma_start3A_277 : memref<1x128xi32, #tpu.memory_space<vmem>> -> memref<128xi32, #tpu.memory_space<vmem>>
        %dma_start3A_279 = arith.constant 0 : i32
        %dma_start3A_280 = tpu.memref_slice %arg25[%dma_start3A_279] : memref<100096xf32, #tpu.memory_space<vmem_shared>> -> memref<100096xf32, #tpu.memory_space<vmem_shared>>
        tpu.enqueue_indirect_dma source(%dma_start3A_275 : memref<128xf32, #tpu.memory_space<vmem>>) target(%dma_start3A_280 : memref<100096xf32, #tpu.memory_space<vmem_shared>>) offsets(%dma_start3A_278 : memref<128xi32, #tpu.memory_space<vmem>>) semaphore(%run_scoped3A_273 : memref<!tpu.dma_semaphore, #tpu.memory_space<semaphore_mem>>) {add = true}
        %dma_wait3A_281 = arith.constant 128 : i32
        %dma_wait3A_282 = tpu.memref_slice %arg18[%dma_wait3A_281] : memref<512xf32, #tpu.memory_space<vmem>> -> memref<128xf32, #tpu.memory_space<vmem>>
        %dma_wait3A_283 = arith.constant 0 : i32
        %dma_wait3A_284 = tpu.memref_slice %arg14[%run_scoped3A_265, %dma_wait3A_283] : memref<4x128xi32, #tpu.memory_space<vmem>> -> memref<1x128xi32, #tpu.memory_space<vmem>>
        %dma_wait3A_285 = tpu.memref_squeeze %dma_wait3A_284 : memref<1x128xi32, #tpu.memory_space<vmem>> -> memref<128xi32, #tpu.memory_space<vmem>>
        %dma_wait3A_286 = arith.constant 0 : i32
        %dma_wait3A_287 = tpu.memref_slice %arg25[%dma_wait3A_286] : memref<100096xf32, #tpu.memory_space<vmem_shared>> -> memref<100096xf32, #tpu.memory_space<vmem_shared>>
        tpu.wait_indirect_dma semaphore(%run_scoped3A_273 : memref<!tpu.dma_semaphore, #tpu.memory_space<semaphore_mem>>) src(%dma_wait3A_282 : memref<128xf32, #tpu.memory_space<vmem>>) dst(%dma_wait3A_287 : memref<100096xf32, #tpu.memory_space<vmem_shared>>)
        tpu.yield
      }) : () -> ()
      %run_scoped3A_266 = arith.constant 1 : i32
      "tpu.region"() ({
        %run_scoped3A_273 = tpu.sem_alloc : memref<!tpu.dma_semaphore, #tpu.memory_space<semaphore_mem>>
        %dma_start3A_274 = arith.constant 128 : i32
        %dma_start3A_275 = tpu.memref_slice %arg19[%dma_start3A_274] : memref<512xf32, #tpu.memory_space<vmem>> -> memref<128xf32, #tpu.memory_space<vmem>>
        %dma_start3A_276 = arith.constant 0 : i32
        %dma_start3A_277 = tpu.memref_slice %arg14[%run_scoped3A_266, %dma_start3A_276] : memref<4x128xi32, #tpu.memory_space<vmem>> -> memref<1x128xi32, #tpu.memory_space<vmem>>
        %dma_start3A_278 = tpu.memref_squeeze %dma_start3A_277 : memref<1x128xi32, #tpu.memory_space<vmem>> -> memref<128xi32, #tpu.memory_space<vmem>>
        %dma_start3A_279 = arith.constant 0 : i32
        %dma_start3A_280 = tpu.memref_slice %arg26[%dma_start3A_279] : memref<100096xf32, #tpu.memory_space<vmem_shared>> -> memref<100096xf32, #tpu.memory_space<vmem_shared>>
        tpu.enqueue_indirect_dma source(%dma_start3A_275 : memref<128xf32, #tpu.memory_space<vmem>>) target(%dma_start3A_280 : memref<100096xf32, #tpu.memory_space<vmem_shared>>) offsets(%dma_start3A_278 : memref<128xi32, #tpu.memory_space<vmem>>) semaphore(%run_scoped3A_273 : memref<!tpu.dma_semaphore, #tpu.memory_space<semaphore_mem>>) {add = true}
        %dma_wait3A_281 = arith.constant 128 : i32
        %dma_wait3A_282 = tpu.memref_slice %arg19[%dma_wait3A_281] : memref<512xf32, #tpu.memory_space<vmem>> -> memref<128xf32, #tpu.memory_space<vmem>>
        %dma_wait3A_283 = arith.constant 0 : i32
        %dma_wait3A_284 = tpu.memref_slice %arg14[%run_scoped3A_266, %dma_wait3A_283] : memref<4x128xi32, #tpu.memory_space<vmem>> -> memref<1x128xi32, #tpu.memory_space<vmem>>
        %dma_wait3A_285 = tpu.memref_squeeze %dma_wait3A_284 : memref<1x128xi32, #tpu.memory_space<vmem>> -> memref<128xi32, #tpu.memory_space<vmem>>
        %dma_wait3A_286 = arith.constant 0 : i32
        %dma_wait3A_287 = tpu.memref_slice %arg26[%dma_wait3A_286] : memref<100096xf32, #tpu.memory_space<vmem_shared>> -> memref<100096xf32, #tpu.memory_space<vmem_shared>>
        tpu.wait_indirect_dma semaphore(%run_scoped3A_273 : memref<!tpu.dma_semaphore, #tpu.memory_space<semaphore_mem>>) src(%dma_wait3A_282 : memref<128xf32, #tpu.memory_space<vmem>>) dst(%dma_wait3A_287 : memref<100096xf32, #tpu.memory_space<vmem_shared>>)
        tpu.yield
      }) : () -> ()
      %run_scoped3A_267 = arith.constant 2 : i32
      "tpu.region"() ({
        %run_scoped3A_273 = tpu.sem_alloc : memref<!tpu.dma_semaphore, #tpu.memory_space<semaphore_mem>>
        %dma_start3A_274 = arith.constant 256 : i32
        %dma_start3A_275 = tpu.memref_slice %arg17[%dma_start3A_274] : memref<512xf32, #tpu.memory_space<vmem>> -> memref<128xf32, #tpu.memory_space<vmem>>
        %dma_start3A_276 = arith.constant 0 : i32
        %dma_start3A_277 = tpu.memref_slice %arg14[%run_scoped3A_267, %dma_start3A_276] : memref<4x128xi32, #tpu.memory_space<vmem>> -> memref<1x128xi32, #tpu.memory_space<vmem>>
        %dma_start3A_278 = tpu.memref_squeeze %dma_start3A_277 : memref<1x128xi32, #tpu.memory_space<vmem>> -> memref<128xi32, #tpu.memory_space<vmem>>
        %dma_start3A_279 = arith.constant 0 : i32
        %dma_start3A_280 = tpu.memref_slice %arg24[%dma_start3A_279] : memref<100096xf32, #tpu.memory_space<vmem_shared>> -> memref<100096xf32, #tpu.memory_space<vmem_shared>>
        tpu.enqueue_indirect_dma source(%dma_start3A_275 : memref<128xf32, #tpu.memory_space<vmem>>) target(%dma_start3A_280 : memref<100096xf32, #tpu.memory_space<vmem_shared>>) offsets(%dma_start3A_278 : memref<128xi32, #tpu.memory_space<vmem>>) semaphore(%run_scoped3A_273 : memref<!tpu.dma_semaphore, #tpu.memory_space<semaphore_mem>>) {add = true}
        %dma_wait3A_281 = arith.constant 256 : i32
        %dma_wait3A_282 = tpu.memref_slice %arg17[%dma_wait3A_281] : memref<512xf32, #tpu.memory_space<vmem>> -> memref<128xf32, #tpu.memory_space<vmem>>
        %dma_wait3A_283 = arith.constant 0 : i32
        %dma_wait3A_284 = tpu.memref_slice %arg14[%run_scoped3A_267, %dma_wait3A_283] : memref<4x128xi32, #tpu.memory_space<vmem>> -> memref<1x128xi32, #tpu.memory_space<vmem>>
        %dma_wait3A_285 = tpu.memref_squeeze %dma_wait3A_284 : memref<1x128xi32, #tpu.memory_space<vmem>> -> memref<128xi32, #tpu.memory_space<vmem>>
        %dma_wait3A_286 = arith.constant 0 : i32
        %dma_wait3A_287 = tpu.memref_slice %arg24[%dma_wait3A_286] : memref<100096xf32, #tpu.memory_space<vmem_shared>> -> memref<100096xf32, #tpu.memory_space<vmem_shared>>
        tpu.wait_indirect_dma semaphore(%run_scoped3A_273 : memref<!tpu.dma_semaphore, #tpu.memory_space<semaphore_mem>>) src(%dma_wait3A_282 : memref<128xf32, #tpu.memory_space<vmem>>) dst(%dma_wait3A_287 : memref<100096xf32, #tpu.memory_space<vmem_shared>>)
        tpu.yield
      }) : () -> ()
      %run_scoped3A_268 = arith.constant 2 : i32
      "tpu.region"() ({
        %run_scoped3A_273 = tpu.sem_alloc : memref<!tpu.dma_semaphore, #tpu.memory_space<semaphore_mem>>
        %dma_start3A_274 = arith.constant 256 : i32
        %dma_start3A_275 = tpu.memref_slice %arg18[%dma_start3A_274] : memref<512xf32, #tpu.memory_space<vmem>> -> memref<128xf32, #tpu.memory_space<vmem>>
        %dma_start3A_276 = arith.constant 0 : i32
        %dma_start3A_277 = tpu.memref_slice %arg14[%run_scoped3A_268, %dma_start3A_276] : memref<4x128xi32, #tpu.memory_space<vmem>> -> memref<1x128xi32, #tpu.memory_space<vmem>>
        %dma_start3A_278 = tpu.memref_squeeze %dma_start3A_277 : memref<1x128xi32, #tpu.memory_space<vmem>> -> memref<128xi32, #tpu.memory_space<vmem>>
        %dma_start3A_279 = arith.constant 0 : i32
        %dma_start3A_280 = tpu.memref_slice %arg25[%dma_start3A_279] : memref<100096xf32, #tpu.memory_space<vmem_shared>> -> memref<100096xf32, #tpu.memory_space<vmem_shared>>
        tpu.enqueue_indirect_dma source(%dma_start3A_275 : memref<128xf32, #tpu.memory_space<vmem>>) target(%dma_start3A_280 : memref<100096xf32, #tpu.memory_space<vmem_shared>>) offsets(%dma_start3A_278 : memref<128xi32, #tpu.memory_space<vmem>>) semaphore(%run_scoped3A_273 : memref<!tpu.dma_semaphore, #tpu.memory_space<semaphore_mem>>) {add = true}
        %dma_wait3A_281 = arith.constant 256 : i32
        %dma_wait3A_282 = tpu.memref_slice %arg18[%dma_wait3A_281] : memref<512xf32, #tpu.memory_space<vmem>> -> memref<128xf32, #tpu.memory_space<vmem>>
        %dma_wait3A_283 = arith.constant 0 : i32
        %dma_wait3A_284 = tpu.memref_slice %arg14[%run_scoped3A_268, %dma_wait3A_283] : memref<4x128xi32, #tpu.memory_space<vmem>> -> memref<1x128xi32, #tpu.memory_space<vmem>>
        %dma_wait3A_285 = tpu.memref_squeeze %dma_wait3A_284 : memref<1x128xi32, #tpu.memory_space<vmem>> -> memref<128xi32, #tpu.memory_space<vmem>>
        %dma_wait3A_286 = arith.constant 0 : i32
        %dma_wait3A_287 = tpu.memref_slice %arg25[%dma_wait3A_286] : memref<100096xf32, #tpu.memory_space<vmem_shared>> -> memref<100096xf32, #tpu.memory_space<vmem_shared>>
        tpu.wait_indirect_dma semaphore(%run_scoped3A_273 : memref<!tpu.dma_semaphore, #tpu.memory_space<semaphore_mem>>) src(%dma_wait3A_282 : memref<128xf32, #tpu.memory_space<vmem>>) dst(%dma_wait3A_287 : memref<100096xf32, #tpu.memory_space<vmem_shared>>)
        tpu.yield
      }) : () -> ()
      %run_scoped3A_269 = arith.constant 2 : i32
      "tpu.region"() ({
        %run_scoped3A_273 = tpu.sem_alloc : memref<!tpu.dma_semaphore, #tpu.memory_space<semaphore_mem>>
        %dma_start3A_274 = arith.constant 256 : i32
        %dma_start3A_275 = tpu.memref_slice %arg19[%dma_start3A_274] : memref<512xf32, #tpu.memory_space<vmem>> -> memref<128xf32, #tpu.memory_space<vmem>>
        %dma_start3A_276 = arith.constant 0 : i32
        %dma_start3A_277 = tpu.memref_slice %arg14[%run_scoped3A_269, %dma_start3A_276] : memref<4x128xi32, #tpu.memory_space<vmem>> -> memref<1x128xi32, #tpu.memory_space<vmem>>
        %dma_start3A_278 = tpu.memref_squeeze %dma_start3A_277 : memref<1x128xi32, #tpu.memory_space<vmem>> -> memref<128xi32, #tpu.memory_space<vmem>>
        %dma_start3A_279 = arith.constant 0 : i32
        %dma_start3A_280 = tpu.memref_slice %arg26[%dma_start3A_279] : memref<100096xf32, #tpu.memory_space<vmem_shared>> -> memref<100096xf32, #tpu.memory_space<vmem_shared>>
        tpu.enqueue_indirect_dma source(%dma_start3A_275 : memref<128xf32, #tpu.memory_space<vmem>>) target(%dma_start3A_280 : memref<100096xf32, #tpu.memory_space<vmem_shared>>) offsets(%dma_start3A_278 : memref<128xi32, #tpu.memory_space<vmem>>) semaphore(%run_scoped3A_273 : memref<!tpu.dma_semaphore, #tpu.memory_space<semaphore_mem>>) {add = true}
        %dma_wait3A_281 = arith.constant 256 : i32
        %dma_wait3A_282 = tpu.memref_slice %arg19[%dma_wait3A_281] : memref<512xf32, #tpu.memory_space<vmem>> -> memref<128xf32, #tpu.memory_space<vmem>>
        %dma_wait3A_283 = arith.constant 0 : i32
        %dma_wait3A_284 = tpu.memref_slice %arg14[%run_scoped3A_269, %dma_wait3A_283] : memref<4x128xi32, #tpu.memory_space<vmem>> -> memref<1x128xi32, #tpu.memory_space<vmem>>
        %dma_wait3A_285 = tpu.memref_squeeze %dma_wait3A_284 : memref<1x128xi32, #tpu.memory_space<vmem>> -> memref<128xi32, #tpu.memory_space<vmem>>
        %dma_wait3A_286 = arith.constant 0 : i32
        %dma_wait3A_287 = tpu.memref_slice %arg26[%dma_wait3A_286] : memref<100096xf32, #tpu.memory_space<vmem_shared>> -> memref<100096xf32, #tpu.memory_space<vmem_shared>>
        tpu.wait_indirect_dma semaphore(%run_scoped3A_273 : memref<!tpu.dma_semaphore, #tpu.memory_space<semaphore_mem>>) src(%dma_wait3A_282 : memref<128xf32, #tpu.memory_space<vmem>>) dst(%dma_wait3A_287 : memref<100096xf32, #tpu.memory_space<vmem_shared>>)
        tpu.yield
      }) : () -> ()
      %run_scoped3A_270 = arith.constant 3 : i32
      "tpu.region"() ({
        %run_scoped3A_273 = tpu.sem_alloc : memref<!tpu.dma_semaphore, #tpu.memory_space<semaphore_mem>>
        %dma_start3A_274 = arith.constant 384 : i32
        %dma_start3A_275 = tpu.memref_slice %arg17[%dma_start3A_274] : memref<512xf32, #tpu.memory_space<vmem>> -> memref<128xf32, #tpu.memory_space<vmem>>
        %dma_start3A_276 = arith.constant 0 : i32
        %dma_start3A_277 = tpu.memref_slice %arg14[%run_scoped3A_270, %dma_start3A_276] : memref<4x128xi32, #tpu.memory_space<vmem>> -> memref<1x128xi32, #tpu.memory_space<vmem>>
        %dma_start3A_278 = tpu.memref_squeeze %dma_start3A_277 : memref<1x128xi32, #tpu.memory_space<vmem>> -> memref<128xi32, #tpu.memory_space<vmem>>
        %dma_start3A_279 = arith.constant 0 : i32
        %dma_start3A_280 = tpu.memref_slice %arg24[%dma_start3A_279] : memref<100096xf32, #tpu.memory_space<vmem_shared>> -> memref<100096xf32, #tpu.memory_space<vmem_shared>>
        tpu.enqueue_indirect_dma source(%dma_start3A_275 : memref<128xf32, #tpu.memory_space<vmem>>) target(%dma_start3A_280 : memref<100096xf32, #tpu.memory_space<vmem_shared>>) offsets(%dma_start3A_278 : memref<128xi32, #tpu.memory_space<vmem>>) semaphore(%run_scoped3A_273 : memref<!tpu.dma_semaphore, #tpu.memory_space<semaphore_mem>>) {add = true}
        %dma_wait3A_281 = arith.constant 384 : i32
        %dma_wait3A_282 = tpu.memref_slice %arg17[%dma_wait3A_281] : memref<512xf32, #tpu.memory_space<vmem>> -> memref<128xf32, #tpu.memory_space<vmem>>
        %dma_wait3A_283 = arith.constant 0 : i32
        %dma_wait3A_284 = tpu.memref_slice %arg14[%run_scoped3A_270, %dma_wait3A_283] : memref<4x128xi32, #tpu.memory_space<vmem>> -> memref<1x128xi32, #tpu.memory_space<vmem>>
        %dma_wait3A_285 = tpu.memref_squeeze %dma_wait3A_284 : memref<1x128xi32, #tpu.memory_space<vmem>> -> memref<128xi32, #tpu.memory_space<vmem>>
        %dma_wait3A_286 = arith.constant 0 : i32
        %dma_wait3A_287 = tpu.memref_slice %arg24[%dma_wait3A_286] : memref<100096xf32, #tpu.memory_space<vmem_shared>> -> memref<100096xf32, #tpu.memory_space<vmem_shared>>
        tpu.wait_indirect_dma semaphore(%run_scoped3A_273 : memref<!tpu.dma_semaphore, #tpu.memory_space<semaphore_mem>>) src(%dma_wait3A_282 : memref<128xf32, #tpu.memory_space<vmem>>) dst(%dma_wait3A_287 : memref<100096xf32, #tpu.memory_space<vmem_shared>>)
        tpu.yield
      }) : () -> ()
      %run_scoped3A_271 = arith.constant 3 : i32
      "tpu.region"() ({
        %run_scoped3A_273 = tpu.sem_alloc : memref<!tpu.dma_semaphore, #tpu.memory_space<semaphore_mem>>
        %dma_start3A_274 = arith.constant 384 : i32
        %dma_start3A_275 = tpu.memref_slice %arg18[%dma_start3A_274] : memref<512xf32, #tpu.memory_space<vmem>> -> memref<128xf32, #tpu.memory_space<vmem>>
        %dma_start3A_276 = arith.constant 0 : i32
        %dma_start3A_277 = tpu.memref_slice %arg14[%run_scoped3A_271, %dma_start3A_276] : memref<4x128xi32, #tpu.memory_space<vmem>> -> memref<1x128xi32, #tpu.memory_space<vmem>>
        %dma_start3A_278 = tpu.memref_squeeze %dma_start3A_277 : memref<1x128xi32, #tpu.memory_space<vmem>> -> memref<128xi32, #tpu.memory_space<vmem>>
        %dma_start3A_279 = arith.constant 0 : i32
        %dma_start3A_280 = tpu.memref_slice %arg25[%dma_start3A_279] : memref<100096xf32, #tpu.memory_space<vmem_shared>> -> memref<100096xf32, #tpu.memory_space<vmem_shared>>
        tpu.enqueue_indirect_dma source(%dma_start3A_275 : memref<128xf32, #tpu.memory_space<vmem>>) target(%dma_start3A_280 : memref<100096xf32, #tpu.memory_space<vmem_shared>>) offsets(%dma_start3A_278 : memref<128xi32, #tpu.memory_space<vmem>>) semaphore(%run_scoped3A_273 : memref<!tpu.dma_semaphore, #tpu.memory_space<semaphore_mem>>) {add = true}
        %dma_wait3A_281 = arith.constant 384 : i32
        %dma_wait3A_282 = tpu.memref_slice %arg18[%dma_wait3A_281] : memref<512xf32, #tpu.memory_space<vmem>> -> memref<128xf32, #tpu.memory_space<vmem>>
        %dma_wait3A_283 = arith.constant 0 : i32
        %dma_wait3A_284 = tpu.memref_slice %arg14[%run_scoped3A_271, %dma_wait3A_283] : memref<4x128xi32, #tpu.memory_space<vmem>> -> memref<1x128xi32, #tpu.memory_space<vmem>>
        %dma_wait3A_285 = tpu.memref_squeeze %dma_wait3A_284 : memref<1x128xi32, #tpu.memory_space<vmem>> -> memref<128xi32, #tpu.memory_space<vmem>>
        %dma_wait3A_286 = arith.constant 0 : i32
        %dma_wait3A_287 = tpu.memref_slice %arg25[%dma_wait3A_286] : memref<100096xf32, #tpu.memory_space<vmem_shared>> -> memref<100096xf32, #tpu.memory_space<vmem_shared>>
        tpu.wait_indirect_dma semaphore(%run_scoped3A_273 : memref<!tpu.dma_semaphore, #tpu.memory_space<semaphore_mem>>) src(%dma_wait3A_282 : memref<128xf32, #tpu.memory_space<vmem>>) dst(%dma_wait3A_287 : memref<100096xf32, #tpu.memory_space<vmem_shared>>)
        tpu.yield
      }) : () -> ()
      %run_scoped3A_272 = arith.constant 3 : i32
      "tpu.region"() ({
        %run_scoped3A_273 = tpu.sem_alloc : memref<!tpu.dma_semaphore, #tpu.memory_space<semaphore_mem>>
        %dma_start3A_274 = arith.constant 384 : i32
        %dma_start3A_275 = tpu.memref_slice %arg19[%dma_start3A_274] : memref<512xf32, #tpu.memory_space<vmem>> -> memref<128xf32, #tpu.memory_space<vmem>>
        %dma_start3A_276 = arith.constant 0 : i32
        %dma_start3A_277 = tpu.memref_slice %arg14[%run_scoped3A_272, %dma_start3A_276] : memref<4x128xi32, #tpu.memory_space<vmem>> -> memref<1x128xi32, #tpu.memory_space<vmem>>
        %dma_start3A_278 = tpu.memref_squeeze %dma_start3A_277 : memref<1x128xi32, #tpu.memory_space<vmem>> -> memref<128xi32, #tpu.memory_space<vmem>>
        %dma_start3A_279 = arith.constant 0 : i32
        %dma_start3A_280 = tpu.memref_slice %arg26[%dma_start3A_279] : memref<100096xf32, #tpu.memory_space<vmem_shared>> -> memref<100096xf32, #tpu.memory_space<vmem_shared>>
        tpu.enqueue_indirect_dma source(%dma_start3A_275 : memref<128xf32, #tpu.memory_space<vmem>>) target(%dma_start3A_280 : memref<100096xf32, #tpu.memory_space<vmem_shared>>) offsets(%dma_start3A_278 : memref<128xi32, #tpu.memory_space<vmem>>) semaphore(%run_scoped3A_273 : memref<!tpu.dma_semaphore, #tpu.memory_space<semaphore_mem>>) {add = true}
        %dma_wait3A_281 = arith.constant 384 : i32
        %dma_wait3A_282 = tpu.memref_slice %arg19[%dma_wait3A_281] : memref<512xf32, #tpu.memory_space<vmem>> -> memref<128xf32, #tpu.memory_space<vmem>>
        %dma_wait3A_283 = arith.constant 0 : i32
        %dma_wait3A_284 = tpu.memref_slice %arg14[%run_scoped3A_272, %dma_wait3A_283] : memref<4x128xi32, #tpu.memory_space<vmem>> -> memref<1x128xi32, #tpu.memory_space<vmem>>
        %dma_wait3A_285 = tpu.memref_squeeze %dma_wait3A_284 : memref<1x128xi32, #tpu.memory_space<vmem>> -> memref<128xi32, #tpu.memory_space<vmem>>
        %dma_wait3A_286 = arith.constant 0 : i32
        %dma_wait3A_287 = tpu.memref_slice %arg26[%dma_wait3A_286] : memref<100096xf32, #tpu.memory_space<vmem_shared>> -> memref<100096xf32, #tpu.memory_space<vmem_shared>>
        tpu.wait_indirect_dma semaphore(%run_scoped3A_273 : memref<!tpu.dma_semaphore, #tpu.memory_space<semaphore_mem>>) src(%dma_wait3A_282 : memref<128xf32, #tpu.memory_space<vmem>>) dst(%dma_wait3A_287 : memref<100096xf32, #tpu.memory_space<vmem_shared>>)
        tpu.yield
      }) : () -> ()
      scf.yield %scan3A_260 : vector<16xf32>
    }
    %scan3A_28 = arith.constant 196 : i32
    %swap3A = arith.constant 0 : index
    %swap3A_29 = tpu.vector_load %arg23[%swap3A] {strides = array<i32>} : memref<16xf32, #tpu.memory_space<vmem>>, vector<16xf32>,
    tpu.vector_store %arg23[%swap3A], %scan3A_27 {strides = array<i32>} : memref<16xf32, #tpu.memory_space<vmem>>, vector<16xf32>,
    %barrier3A_30 = arith.constant 0 : index
    tpu.barrier barrier_id(%barrier3A_30)
    %mul3A_31 = arith.constant 6256 : i32
    %mul3A_32 = arith.muli %arg1, %mul3A_31 : i32
    %mul3A_33 = arith.constant 100096 : i32
    %mul3A_34 = arith.muli %arg0, %mul3A_33 : i32
    %mul3A_35 = arith.constant 6256 : i32
    %mul3A_36 = arith.muli %arg1, %mul3A_35 : i32
    %add3A_37 = arith.addi %mul3A_34, %mul3A_36 : i32
    "tpu.region"() ({
      %run_scoped3A = tpu.sem_alloc : memref<!tpu.dma_semaphore, #tpu.memory_space<semaphore_mem>>
      %dma_start3A = tpu.memref_slice %arg9[%add3A_37] : memref<200192xf32, #tpu.memory_space<hbm>> -> memref<6256xf32, #tpu.memory_space<hbm>>
      %dma_start3A_54 = tpu.memref_slice %arg24[%mul3A_32] : memref<100096xf32, #tpu.memory_space<vmem_shared>> -> memref<6256xf32, #tpu.memory_space<vmem_shared>>
      tpu.enqueue_dma source(%dma_start3A_54 : memref<6256xf32, #tpu.memory_space<vmem_shared>>) target(%dma_start3A : memref<6256xf32, #tpu.memory_space<hbm>>) target_semaphore(%run_scoped3A : memref<!tpu.dma_semaphore, #tpu.memory_space<semaphore_mem>>)
      %dma_wait3A = tpu.memref_slice %arg9[%add3A_37] : memref<200192xf32, #tpu.memory_space<hbm>> -> memref<6256xf32, #tpu.memory_space<hbm>>
      %dma_wait3A_55 = tpu.memref_slice %arg24[%mul3A_32] : memref<100096xf32, #tpu.memory_space<vmem_shared>> -> memref<6256xf32, #tpu.memory_space<vmem_shared>>
      tpu.wait_dma2 semaphore(%run_scoped3A : memref<!tpu.dma_semaphore, #tpu.memory_space<semaphore_mem>>) src(%dma_wait3A_55 : memref<6256xf32, #tpu.memory_space<vmem_shared>>) dst(%dma_wait3A : memref<6256xf32, #tpu.memory_space<hbm>>)
      tpu.yield
    }) : () -> ()
    %mul3A_38 = arith.constant 6256 : i32
    %mul3A_39 = arith.muli %arg1, %mul3A_38 : i32
    %mul3A_40 = arith.constant 100096 : i32
    %mul3A_41 = arith.muli %arg0, %mul3A_40 : i32
    %mul3A_42 = arith.constant 6256 : i32
    %mul3A_43 = arith.muli %arg1, %mul3A_42 : i32
    %add3A_44 = arith.addi %mul3A_41, %mul3A_43 : i32
    "tpu.region"() ({
      %run_scoped3A = tpu.sem_alloc : memref<!tpu.dma_semaphore, #tpu.memory_space<semaphore_mem>>
      %dma_start3A = tpu.memref_slice %arg10[%add3A_44] : memref<200192xf32, #tpu.memory_space<hbm>> -> memref<6256xf32, #tpu.memory_space<hbm>>
      %dma_start3A_54 = tpu.memref_slice %arg25[%mul3A_39] : memref<100096xf32, #tpu.memory_space<vmem_shared>> -> memref<6256xf32, #tpu.memory_space<vmem_shared>>
      tpu.enqueue_dma source(%dma_start3A_54 : memref<6256xf32, #tpu.memory_space<vmem_shared>>) target(%dma_start3A : memref<6256xf32, #tpu.memory_space<hbm>>) target_semaphore(%run_scoped3A : memref<!tpu.dma_semaphore, #tpu.memory_space<semaphore_mem>>)
      %dma_wait3A = tpu.memref_slice %arg10[%add3A_44] : memref<200192xf32, #tpu.memory_space<hbm>> -> memref<6256xf32, #tpu.memory_space<hbm>>
      %dma_wait3A_55 = tpu.memref_slice %arg25[%mul3A_39] : memref<100096xf32, #tpu.memory_space<vmem_shared>> -> memref<6256xf32, #tpu.memory_space<vmem_shared>>
      tpu.wait_dma2 semaphore(%run_scoped3A : memref<!tpu.dma_semaphore, #tpu.memory_space<semaphore_mem>>) src(%dma_wait3A_55 : memref<6256xf32, #tpu.memory_space<vmem_shared>>) dst(%dma_wait3A : memref<6256xf32, #tpu.memory_space<hbm>>)
      tpu.yield
    }) : () -> ()
    %mul3A_45 = arith.constant 6256 : i32
    %mul3A_46 = arith.muli %arg1, %mul3A_45 : i32
    %mul3A_47 = arith.constant 100096 : i32
    %mul3A_48 = arith.muli %arg0, %mul3A_47 : i32
    %mul3A_49 = arith.constant 6256 : i32
    %mul3A_50 = arith.muli %arg1, %mul3A_49 : i32
    %add3A_51 = arith.addi %mul3A_48, %mul3A_50 : i32
    "tpu.region"() ({
      %run_scoped3A = tpu.sem_alloc : memref<!tpu.dma_semaphore, #tpu.memory_space<semaphore_mem>>
      %dma_start3A = tpu.memref_slice %arg11[%add3A_51] : memref<200192xf32, #tpu.memory_space<hbm>> -> memref<6256xf32, #tpu.memory_space<hbm>>
      %dma_start3A_54 = tpu.memref_slice %arg26[%mul3A_46] : memref<100096xf32, #tpu.memory_space<vmem_shared>> -> memref<6256xf32, #tpu.memory_space<vmem_shared>>
      tpu.enqueue_dma source(%dma_start3A_54 : memref<6256xf32, #tpu.memory_space<vmem_shared>>) target(%dma_start3A : memref<6256xf32, #tpu.memory_space<hbm>>) target_semaphore(%run_scoped3A : memref<!tpu.dma_semaphore, #tpu.memory_space<semaphore_mem>>)
      %dma_wait3A = tpu.memref_slice %arg11[%add3A_51] : memref<200192xf32, #tpu.memory_space<hbm>> -> memref<6256xf32, #tpu.memory_space<hbm>>
      %dma_wait3A_55 = tpu.memref_slice %arg26[%mul3A_46] : memref<100096xf32, #tpu.memory_space<vmem_shared>> -> memref<6256xf32, #tpu.memory_space<vmem_shared>>
      tpu.wait_dma2 semaphore(%run_scoped3A : memref<!tpu.dma_semaphore, #tpu.memory_space<semaphore_mem>>) src(%dma_wait3A_55 : memref<6256xf32, #tpu.memory_space<vmem_shared>>) dst(%dma_wait3A : memref<6256xf32, #tpu.memory_space<hbm>>)
      tpu.yield
    }) : () -> ()
    %mul3A_52 = arith.constant 16 : i32
    %mul3A_53 = arith.muli %add3A, %mul3A_52 : i32
    "tpu.region"() ({
      %run_scoped3A = tpu.sem_alloc : memref<!tpu.dma_semaphore, #tpu.memory_space<semaphore_mem>>
      %dma_start3A = tpu.memref_slice %arg12[%mul3A_53] : memref<512xf32, #tpu.memory_space<hbm>> -> memref<16xf32, #tpu.memory_space<hbm>>
      %dma_start3A_54 = tpu.memref_slice %arg12[%mul3A_53] : memref<512xf32, #tpu.memory_space<hbm>> -> memref<16xf32, #tpu.memory_space<hbm>>
      tpu.enqueue_dma source(%arg23 : memref<16xf32, #tpu.memory_space<vmem>>) target(%dma_start3A_54 : memref<16xf32, #tpu.memory_space<hbm>>) target_semaphore(%run_scoped3A : memref<!tpu.dma_semaphore, #tpu.memory_space<semaphore_mem>>)
      %dma_wait3A = tpu.memref_slice %arg12[%mul3A_53] : memref<512xf32, #tpu.memory_space<hbm>> -> memref<16xf32, #tpu.memory_space<hbm>>
      %dma_wait3A_55 = tpu.memref_slice %arg12[%mul3A_53] : memref<512xf32, #tpu.memory_space<hbm>> -> memref<16xf32, #tpu.memory_space<hbm>>
      tpu.wait_dma2 semaphore(%run_scoped3A : memref<!tpu.dma_semaphore, #tpu.memory_space<semaphore_mem>>) src(%arg23 : memref<16xf32, #tpu.memory_space<vmem>>) dst(%dma_wait3A_55 : memref<16xf32, #tpu.memory_space<hbm>>)
      tpu.yield
    }) : () -> ()
    return
  }
}

#map = affine_map<(d0, d1) -> (0)>
module attributes {stable_mosaic.version = 14 : i64} {
  func.func @b_body(%arg0: i32, %arg1: i32, %arg2: memref<200192xf32, #tpu.memory_space<hbm>>, %arg3: memref<100096xi32, #tpu.memory_space<hbm>>, %arg4: memref<8192xf32, #tpu.memory_space<hbm>>, %arg5: memref<8192xf32, #tpu.memory_space<hbm>>, %arg6: memref<100096xf32, #tpu.memory_space<hbm>>, %arg7: memref<512xf32, #tpu.memory_space<hbm>>, %arg8: memref<3128xf32, #tpu.memory_space<vmem>>, %arg9: memref<3128xf32, #tpu.memory_space<vmem>>, %arg10: memref<3128xi32, #tpu.memory_space<vmem>>, %arg11: memref<3128xf32, #tpu.memory_space<vmem>>, %arg12: memref<8192xf32, #tpu.memory_space<vmem>>, %arg13: memref<8192xf32, #tpu.memory_space<vmem>>, %arg14: memref<16xf32, #tpu.memory_space<vmem>>) attributes {dimension_semantics = [#tpu.dimension_semantics<core_parallel>, #tpu.dimension_semantics<subcore_parallel>], iteration_bounds = array<i64: 2, 16>, scalar_prefetch = 0 : i64, scratch_operands = 7 : i64, tpu.core_type = #tpu.core_type<sc_vector_subcore>, window_params = [{transform_indices = #map}, {transform_indices = #map}, {transform_indices = #map}, {transform_indices = #map}, {transform_indices = #map}, {transform_indices = #map}]} {
    %mul3A = arith.constant 2 : i32
    %mul3A_0 = arith.muli %arg1, %mul3A : i32
    %add3A = arith.addi %mul3A_0, %arg0 : i32
    %mul3A_1 = arith.constant 3128 : i32
    %mul3A_2 = arith.muli %add3A, %mul3A_1 : i32
    "tpu.region"() ({
      %run_scoped3A = tpu.sem_alloc : memref<!tpu.dma_semaphore, #tpu.memory_space<semaphore_mem>>
      tpu.enqueue_dma source(%arg4 : memref<8192xf32, #tpu.memory_space<hbm>>) target(%arg12 : memref<8192xf32, #tpu.memory_space<vmem>>) target_semaphore(%run_scoped3A : memref<!tpu.dma_semaphore, #tpu.memory_space<semaphore_mem>>)
      tpu.wait_dma2 semaphore(%run_scoped3A : memref<!tpu.dma_semaphore, #tpu.memory_space<semaphore_mem>>) src(%arg4 : memref<8192xf32, #tpu.memory_space<hbm>>) dst(%arg12 : memref<8192xf32, #tpu.memory_space<vmem>>)
      tpu.yield
    }) : () -> ()
    "tpu.region"() ({
      %run_scoped3A = tpu.sem_alloc : memref<!tpu.dma_semaphore, #tpu.memory_space<semaphore_mem>>
      tpu.enqueue_dma source(%arg5 : memref<8192xf32, #tpu.memory_space<hbm>>) target(%arg13 : memref<8192xf32, #tpu.memory_space<vmem>>) target_semaphore(%run_scoped3A : memref<!tpu.dma_semaphore, #tpu.memory_space<semaphore_mem>>)
      tpu.wait_dma2 semaphore(%run_scoped3A : memref<!tpu.dma_semaphore, #tpu.memory_space<semaphore_mem>>) src(%arg5 : memref<8192xf32, #tpu.memory_space<hbm>>) dst(%arg13 : memref<8192xf32, #tpu.memory_space<vmem>>)
      tpu.yield
    }) : () -> ()
    "tpu.region"() ({
      %run_scoped3A = tpu.sem_alloc : memref<!tpu.dma_semaphore, #tpu.memory_space<semaphore_mem>>
      %dma_start3A = tpu.memref_slice %arg2[%mul3A_2] : memref<200192xf32, #tpu.memory_space<hbm>> -> memref<3128xf32, #tpu.memory_space<hbm>>
      %dma_start3A_15 = tpu.memref_slice %arg2[%mul3A_2] : memref<200192xf32, #tpu.memory_space<hbm>> -> memref<3128xf32, #tpu.memory_space<hbm>>
      tpu.enqueue_dma source(%dma_start3A_15 : memref<3128xf32, #tpu.memory_space<hbm>>) target(%arg8 : memref<3128xf32, #tpu.memory_space<vmem>>) target_semaphore(%run_scoped3A : memref<!tpu.dma_semaphore, #tpu.memory_space<semaphore_mem>>)
      %dma_wait3A = tpu.memref_slice %arg2[%mul3A_2] : memref<200192xf32, #tpu.memory_space<hbm>> -> memref<3128xf32, #tpu.memory_space<hbm>>
      %dma_wait3A_16 = tpu.memref_slice %arg2[%mul3A_2] : memref<200192xf32, #tpu.memory_space<hbm>> -> memref<3128xf32, #tpu.memory_space<hbm>>
      tpu.wait_dma2 semaphore(%run_scoped3A : memref<!tpu.dma_semaphore, #tpu.memory_space<semaphore_mem>>) src(%dma_wait3A_16 : memref<3128xf32, #tpu.memory_space<hbm>>) dst(%arg8 : memref<3128xf32, #tpu.memory_space<vmem>>)
      tpu.yield
    }) : () -> ()
    %add3A_3 = arith.constant 100096 : i32
    %add3A_4 = arith.addi %add3A_3, %mul3A_2 : i32
    "tpu.region"() ({
      %run_scoped3A = tpu.sem_alloc : memref<!tpu.dma_semaphore, #tpu.memory_space<semaphore_mem>>
      %dma_start3A = tpu.memref_slice %arg2[%add3A_4] : memref<200192xf32, #tpu.memory_space<hbm>> -> memref<3128xf32, #tpu.memory_space<hbm>>
      %dma_start3A_15 = tpu.memref_slice %arg2[%add3A_4] : memref<200192xf32, #tpu.memory_space<hbm>> -> memref<3128xf32, #tpu.memory_space<hbm>>
      tpu.enqueue_dma source(%dma_start3A_15 : memref<3128xf32, #tpu.memory_space<hbm>>) target(%arg9 : memref<3128xf32, #tpu.memory_space<vmem>>) target_semaphore(%run_scoped3A : memref<!tpu.dma_semaphore, #tpu.memory_space<semaphore_mem>>)
      %dma_wait3A = tpu.memref_slice %arg2[%add3A_4] : memref<200192xf32, #tpu.memory_space<hbm>> -> memref<3128xf32, #tpu.memory_space<hbm>>
      %dma_wait3A_16 = tpu.memref_slice %arg2[%add3A_4] : memref<200192xf32, #tpu.memory_space<hbm>> -> memref<3128xf32, #tpu.memory_space<hbm>>
      tpu.wait_dma2 semaphore(%run_scoped3A : memref<!tpu.dma_semaphore, #tpu.memory_space<semaphore_mem>>) src(%dma_wait3A_16 : memref<3128xf32, #tpu.memory_space<hbm>>) dst(%arg9 : memref<3128xf32, #tpu.memory_space<vmem>>)
      tpu.yield
    }) : () -> ()
    "tpu.region"() ({
      %run_scoped3A = tpu.sem_alloc : memref<!tpu.dma_semaphore, #tpu.memory_space<semaphore_mem>>
      %dma_start3A = tpu.memref_slice %arg3[%mul3A_2] : memref<100096xi32, #tpu.memory_space<hbm>> -> memref<3128xi32, #tpu.memory_space<hbm>>
      %dma_start3A_15 = tpu.memref_slice %arg3[%mul3A_2] : memref<100096xi32, #tpu.memory_space<hbm>> -> memref<3128xi32, #tpu.memory_space<hbm>>
      tpu.enqueue_dma source(%dma_start3A_15 : memref<3128xi32, #tpu.memory_space<hbm>>) target(%arg10 : memref<3128xi32, #tpu.memory_space<vmem>>) target_semaphore(%run_scoped3A : memref<!tpu.dma_semaphore, #tpu.memory_space<semaphore_mem>>)
      %dma_wait3A = tpu.memref_slice %arg3[%mul3A_2] : memref<100096xi32, #tpu.memory_space<hbm>> -> memref<3128xi32, #tpu.memory_space<hbm>>
      %dma_wait3A_16 = tpu.memref_slice %arg3[%mul3A_2] : memref<100096xi32, #tpu.memory_space<hbm>> -> memref<3128xi32, #tpu.memory_space<hbm>>
      tpu.wait_dma2 semaphore(%run_scoped3A : memref<!tpu.dma_semaphore, #tpu.memory_space<semaphore_mem>>) src(%dma_wait3A_16 : memref<3128xi32, #tpu.memory_space<hbm>>) dst(%arg10 : memref<3128xi32, #tpu.memory_space<vmem>>)
      tpu.yield
    }) : () -> ()
    %broadcast_in_dim3A = arith.constant 0.000000e+00 : f32
    %broadcast_in_dim3A_5 = vector.broadcast %broadcast_in_dim3A : f32 to vector<16xf32>
    %scan3A = arith.constant 8.190000e+01 : f32
    %scan3A_6 = arith.constant 0 : i32
    %scan3A_7 = arith.constant 195 : i32
    %scan3A_8 = arith.addi %scan3A_6, %scan3A_7 : i32
    %scan3A_9 = arith.constant 1 : i32
    %scan3A_10 = scf.for %scan3A_15 = %scan3A_6 to %scan3A_8 step %scan3A_9 iter_args(%scan3A_16 = %broadcast_in_dim3A_5) -> (vector<16xf32>)  : i32 {
      %mul3A_17 = arith.constant 16 : i32
      %mul3A_18 = arith.muli %scan3A_15, %mul3A_17 : i32
      %get3A = arith.index_cast %mul3A_18 : i32 to index
      %get3A_19 = tpu.vector_load %arg8[%get3A] {strides = array<i32>} : memref<3128xf32, #tpu.memory_space<vmem>>, vector<16xf32>,
      %mul3A_20 = arith.constant 16 : i32
      %mul3A_21 = arith.muli %scan3A_15, %mul3A_20 : i32
      %get3A_22 = arith.index_cast %mul3A_21 : i32 to index
      %get3A_23 = tpu.vector_load %arg9[%get3A_22] {strides = array<i32>} : memref<3128xf32, #tpu.memory_space<vmem>>, vector<16xf32>,
      %add3A_24 = arith.addf %get3A_19, %get3A_23 : vector<16xf32>
      %max3A = arith.constant 0.000000e+00 : f32
      %max3A_25 = vector.broadcast %max3A : f32 to vector<16xf32>
      %max3A_26 = arith.maximumf %add3A_24, %max3A_25 : vector<16xf32>
      %min3A = arith.constant 49.9999962 : f32
      %min3A_27 = vector.broadcast %min3A : f32 to vector<16xf32>
      %min3A_28 = arith.minimumf %max3A_26, %min3A_27 : vector<16xf32>
      %mul3A_29 = vector.broadcast %scan3A : f32 to vector<16xf32>
      %mul3A_30 = arith.mulf %min3A_28, %mul3A_29 : vector<16xf32>
      %convert_element_type3A = arith.fptosi %mul3A_30 : vector<16xf32> to vector<16xi32>
      %convert_element_type3A_31 = arith.sitofp %convert_element_type3A : vector<16xi32> to vector<16xf32>
      %sub3A = arith.subf %mul3A_30, %convert_element_type3A_31 : vector<16xf32>
      %add3A_32 = arith.constant 1 : i32
      %add3A_33 = vector.broadcast %add3A_32 : i32 to vector<16xi32>
      %add3A_34 = arith.addi %convert_element_type3A, %add3A_33 : vector<16xi32>
      %min3A_35 = arith.constant 4095 : i32
      %min3A_36 = vector.broadcast %min3A_35 : i32 to vector<16xi32>
      %min3A_37 = arith.minsi %add3A_34, %min3A_36 : vector<16xi32>
      %mul3A_38 = arith.constant 16 : i32
      %mul3A_39 = arith.muli %scan3A_15, %mul3A_38 : i32
      %get3A_40 = arith.index_cast %mul3A_39 : i32 to index
      %get3A_41 = tpu.vector_load %arg10[%get3A_40] {strides = array<i32>} : memref<3128xi32, #tpu.memory_space<vmem>>, vector<16xi32>,
      %mul3A_42 = arith.constant 4096 : i32
      %mul3A_43 = vector.broadcast %mul3A_42 : i32 to vector<16xi32>
      %mul3A_44 = arith.muli %get3A_41, %mul3A_43 : vector<16xi32>
      %add3A_45 = arith.addi %mul3A_44, %convert_element_type3A : vector<16xi32>
      %add3A_46 = arith.addi %mul3A_44, %min3A_37 : vector<16xi32>
      %gather3A = tpu.vector_load_idx %arg12[%add3A_45] : memref<8192xf32, #tpu.memory_space<vmem>>[vector<16xi32>], vector<16xf32>,
      %gather3A_47 = tpu.vector_load_idx %arg12[%add3A_46] : memref<8192xf32, #tpu.memory_space<vmem>>[vector<16xi32>], vector<16xf32>,
      %sub3A_48 = arith.subf %gather3A_47, %gather3A : vector<16xf32>
      %mul3A_49 = arith.mulf %sub3A, %sub3A_48 : vector<16xf32>
      %add3A_50 = arith.addf %gather3A, %mul3A_49 : vector<16xf32>
      %add3A_51 = arith.addi %mul3A_44, %convert_element_type3A : vector<16xi32>
      %add3A_52 = arith.addi %mul3A_44, %min3A_37 : vector<16xi32>
      %gather3A_53 = tpu.vector_load_idx %arg13[%add3A_51] : memref<8192xf32, #tpu.memory_space<vmem>>[vector<16xi32>], vector<16xf32>,
      %gather3A_54 = tpu.vector_load_idx %arg13[%add3A_52] : memref<8192xf32, #tpu.memory_space<vmem>>[vector<16xi32>], vector<16xf32>,
      %sub3A_55 = arith.subf %gather3A_54, %gather3A_53 : vector<16xf32>
      %mul3A_56 = arith.mulf %sub3A, %sub3A_55 : vector<16xf32>
      %add3A_57 = arith.addf %gather3A_53, %mul3A_56 : vector<16xf32>
      %mul3A_58 = arith.constant 16 : i32
      %mul3A_59 = arith.muli %scan3A_15, %mul3A_58 : i32
      %swap3A_60 = arith.index_cast %mul3A_59 : i32 to index
      %swap3A_61 = tpu.vector_load %arg11[%swap3A_60] {strides = array<i32>} : memref<3128xf32, #tpu.memory_space<vmem>>, vector<16xf32>,
      tpu.vector_store %arg11[%swap3A_60], %add3A_57 {strides = array<i32>} : memref<3128xf32, #tpu.memory_space<vmem>>, vector<16xf32>,
      %mul3A_62 = arith.constant 16 : i32
      %mul3A_63 = arith.muli %scan3A_15, %mul3A_62 : i32
      %add3A_64 = arith.addi %mul3A_2, %mul3A_63 : i32
      %iota3A = tpu.iota {dimensions = array<i32: 0>} : vector<16xi32>
      %add3A_65 = vector.broadcast %add3A_64 : i32 to vector<16xi32>
      %add3A_66 = arith.addi %add3A_65, %iota3A : vector<16xi32>
      %lt3A = arith.constant 100000 : i32
      %lt3A_67 = vector.broadcast %lt3A : i32 to vector<16xi32>
      %lt3A_68 = arith.cmpi slt, %add3A_66, %lt3A_67 : vector<16xi32>
      %jit3A = arith.constant 0.000000e+00 : f32
      %broadcast_in_dim3A_69 = vector.broadcast %jit3A : f32 to vector<16xf32>
      %select_n3A = arith.select %lt3A_68, %add3A_50, %broadcast_in_dim3A_69 : vector<16xi1>, vector<16xf32>
      %add3A_70 = arith.addf %scan3A_16, %select_n3A : vector<16xf32>
      scf.yield %add3A_70 : vector<16xf32>
    }
    %scan3A_11 = arith.constant 195 : i32
    %swap3A = arith.constant 0 : index
    %swap3A_12 = tpu.vector_load %arg14[%swap3A] {strides = array<i32>} : memref<16xf32, #tpu.memory_space<vmem>>, vector<16xf32>,
    tpu.vector_store %arg14[%swap3A], %scan3A_10 {strides = array<i32>} : memref<16xf32, #tpu.memory_space<vmem>>, vector<16xf32>,
    "tpu.region"() ({
      %run_scoped3A = tpu.sem_alloc : memref<!tpu.dma_semaphore, #tpu.memory_space<semaphore_mem>>
      %dma_start3A = tpu.memref_slice %arg6[%mul3A_2] : memref<100096xf32, #tpu.memory_space<hbm>> -> memref<3128xf32, #tpu.memory_space<hbm>>
      %dma_start3A_15 = tpu.memref_slice %arg6[%mul3A_2] : memref<100096xf32, #tpu.memory_space<hbm>> -> memref<3128xf32, #tpu.memory_space<hbm>>
      tpu.enqueue_dma source(%arg11 : memref<3128xf32, #tpu.memory_space<vmem>>) target(%dma_start3A_15 : memref<3128xf32, #tpu.memory_space<hbm>>) target_semaphore(%run_scoped3A : memref<!tpu.dma_semaphore, #tpu.memory_space<semaphore_mem>>)
      %dma_wait3A = tpu.memref_slice %arg6[%mul3A_2] : memref<100096xf32, #tpu.memory_space<hbm>> -> memref<3128xf32, #tpu.memory_space<hbm>>
      %dma_wait3A_16 = tpu.memref_slice %arg6[%mul3A_2] : memref<100096xf32, #tpu.memory_space<hbm>> -> memref<3128xf32, #tpu.memory_space<hbm>>
      tpu.wait_dma2 semaphore(%run_scoped3A : memref<!tpu.dma_semaphore, #tpu.memory_space<semaphore_mem>>) src(%arg11 : memref<3128xf32, #tpu.memory_space<vmem>>) dst(%dma_wait3A_16 : memref<3128xf32, #tpu.memory_space<hbm>>)
      tpu.yield
    }) : () -> ()
    %mul3A_13 = arith.constant 16 : i32
    %mul3A_14 = arith.muli %add3A, %mul3A_13 : i32
    "tpu.region"() ({
      %run_scoped3A = tpu.sem_alloc : memref<!tpu.dma_semaphore, #tpu.memory_space<semaphore_mem>>
      %dma_start3A = tpu.memref_slice %arg7[%mul3A_14] : memref<512xf32, #tpu.memory_space<hbm>> -> memref<16xf32, #tpu.memory_space<hbm>>
      %dma_start3A_15 = tpu.memref_slice %arg7[%mul3A_14] : memref<512xf32, #tpu.memory_space<hbm>> -> memref<16xf32, #tpu.memory_space<hbm>>
      tpu.enqueue_dma source(%arg14 : memref<16xf32, #tpu.memory_space<vmem>>) target(%dma_start3A_15 : memref<16xf32, #tpu.memory_space<hbm>>) target_semaphore(%run_scoped3A : memref<!tpu.dma_semaphore, #tpu.memory_space<semaphore_mem>>)
      %dma_wait3A = tpu.memref_slice %arg7[%mul3A_14] : memref<512xf32, #tpu.memory_space<hbm>> -> memref<16xf32, #tpu.memory_space<hbm>>
      %dma_wait3A_16 = tpu.memref_slice %arg7[%mul3A_14] : memref<512xf32, #tpu.memory_space<hbm>> -> memref<16xf32, #tpu.memory_space<hbm>>
      tpu.wait_dma2 semaphore(%run_scoped3A : memref<!tpu.dma_semaphore, #tpu.memory_space<semaphore_mem>>) src(%arg14 : memref<16xf32, #tpu.memory_space<vmem>>) dst(%dma_wait3A_16 : memref<16xf32, #tpu.memory_space<hbm>>)
      tpu.yield
    }) : () -> ()
    return
  }
}

module attributes {stable_mosaic.version = 14 : i64} {
  func.func @d_body(%arg0: memref<2x100096xf32, #tpu.memory_space<vmem>>, %arg1: memref<2x100096xf32, #tpu.memory_space<vmem>>, %arg2: memref<2x100096xf32, #tpu.memory_space<vmem>>, %arg3: memref<4x128xf32, #tpu.memory_space<vmem>>, %arg4: memref<4x128xf32, #tpu.memory_space<vmem>>, %arg5: memref<3x100096xf32, #tpu.memory_space<vmem>>, %arg6: memref<1x1xf32, #tpu.memory_space<vmem>>) attributes {dimension_semantics = [], scalar_prefetch = 0 : i64, scratch_operands = 0 : i64, tpu.core_type = #tpu.core_type<tc>} {
    %get3A = arith.constant 0 : index
    %get3A_0 = arith.constant 0 : index
    %get3A_1 = vector.load %arg0[%get3A, %get3A_0] : memref<2x100096xf32, #tpu.memory_space<vmem>>, vector<1x100096xf32>
    %get3A_2 = arith.constant 1 : index
    %get3A_3 = arith.constant 0 : index
    %get3A_4 = vector.load %arg0[%get3A_2, %get3A_3] : memref<2x100096xf32, #tpu.memory_space<vmem>>, vector<1x100096xf32>
    %add3A = arith.addf %get3A_1, %get3A_4 : vector<1x100096xf32>
    %swap3A = arith.constant 0 : index
    %swap3A_5 = arith.constant 0 : index
    %swap3A_6 = vector.load %arg5[%swap3A, %swap3A_5] : memref<3x100096xf32, #tpu.memory_space<vmem>>, vector<1x100096xf32>
    tpu.vector_store %arg5[%swap3A, %swap3A_5], %add3A {strides = array<i32>} : memref<3x100096xf32, #tpu.memory_space<vmem>>, vector<1x100096xf32>,
    %get3A_7 = arith.constant 0 : index
    %get3A_8 = arith.constant 0 : index
    %get3A_9 = vector.load %arg1[%get3A_7, %get3A_8] : memref<2x100096xf32, #tpu.memory_space<vmem>>, vector<1x100096xf32>
    %get3A_10 = arith.constant 1 : index
    %get3A_11 = arith.constant 0 : index
    %get3A_12 = vector.load %arg1[%get3A_10, %get3A_11] : memref<2x100096xf32, #tpu.memory_space<vmem>>, vector<1x100096xf32>
    %add3A_13 = arith.addf %get3A_9, %get3A_12 : vector<1x100096xf32>
    %swap3A_14 = arith.constant 1 : index
    %swap3A_15 = arith.constant 0 : index
    %swap3A_16 = vector.load %arg5[%swap3A_14, %swap3A_15] : memref<3x100096xf32, #tpu.memory_space<vmem>>, vector<1x100096xf32>
    tpu.vector_store %arg5[%swap3A_14, %swap3A_15], %add3A_13 {strides = array<i32>} : memref<3x100096xf32, #tpu.memory_space<vmem>>, vector<1x100096xf32>,
    %get3A_17 = arith.constant 0 : index
    %get3A_18 = arith.constant 0 : index
    %get3A_19 = vector.load %arg2[%get3A_17, %get3A_18] : memref<2x100096xf32, #tpu.memory_space<vmem>>, vector<1x100096xf32>
    %get3A_20 = arith.constant 1 : index
    %get3A_21 = arith.constant 0 : index
    %get3A_22 = vector.load %arg2[%get3A_20, %get3A_21] : memref<2x100096xf32, #tpu.memory_space<vmem>>, vector<1x100096xf32>
    %add3A_23 = arith.addf %get3A_19, %get3A_22 : vector<1x100096xf32>
    %swap3A_24 = arith.constant 2 : index
    %swap3A_25 = arith.constant 0 : index
    %swap3A_26 = vector.load %arg5[%swap3A_24, %swap3A_25] : memref<3x100096xf32, #tpu.memory_space<vmem>>, vector<1x100096xf32>
    tpu.vector_store %arg5[%swap3A_24, %swap3A_25], %add3A_23 {strides = array<i32>} : memref<3x100096xf32, #tpu.memory_space<vmem>>, vector<1x100096xf32>,
    %get3A_27 = arith.constant 0 : index
    %get3A_28 = arith.constant 0 : index
    %get3A_29 = vector.load %arg3[%get3A_27, %get3A_28] : memref<4x128xf32, #tpu.memory_space<vmem>>, vector<4x128xf32>
    %reduce_sum3A = vector.shape_cast %get3A_29 : vector<4x128xf32> to vector<1x4x128xf32>
    %reduce_sum3A_30 = arith.constant dense<0.000000e+00> : vector<1xf32>
    %reduce_sum3A_31 = vector.multi_reduction <add>, %reduce_sum3A, %reduce_sum3A_30 [1, 2] : vector<1x4x128xf32> to vector<1xf32>
    %reduce_sum3A_32 = vector.shape_cast %reduce_sum3A_31 : vector<1xf32> to vector<1x1x1xf32>
    %reduce_sum3A_33 = vector.extract %reduce_sum3A_32[0, 0, 0] : f32 from vector<1x1x1xf32>
    %get3A_34 = arith.constant 0 : index
    %get3A_35 = arith.constant 0 : index
    %get3A_36 = vector.load %arg4[%get3A_34, %get3A_35] : memref<4x128xf32, #tpu.memory_space<vmem>>, vector<4x128xf32>
    %reduce_sum3A_37 = vector.shape_cast %get3A_36 : vector<4x128xf32> to vector<1x4x128xf32>
    %reduce_sum3A_38 = arith.constant dense<0.000000e+00> : vector<1xf32>
    %reduce_sum3A_39 = vector.multi_reduction <add>, %reduce_sum3A_37, %reduce_sum3A_38 [1, 2] : vector<1x4x128xf32> to vector<1xf32>
    %reduce_sum3A_40 = vector.shape_cast %reduce_sum3A_39 : vector<1xf32> to vector<1x1x1xf32>
    %reduce_sum3A_41 = vector.extract %reduce_sum3A_40[0, 0, 0] : f32 from vector<1x1x1xf32>
    %mul3A = arith.constant 5.000000e-01 : f32
    %mul3A_42 = arith.mulf %mul3A, %reduce_sum3A_41 : f32
    %add3A_43 = arith.addf %reduce_sum3A_33, %mul3A_42 : f32
    %reshape3A = vector.broadcast %add3A_43 : f32 to vector<1x1xf32>
    %swap3A_44 = arith.constant 0 : index
    %swap3A_45 = arith.constant 0 : index
    %swap3A_46 = vector.load %arg6[%swap3A_44, %swap3A_45] : memref<1x1xf32, #tpu.memory_space<vmem>>, vector<1x1xf32>
    tpu.vector_store %arg6[%swap3A_44, %swap3A_45], %reshape3A {strides = array<i32>} : memref<1x1xf32, #tpu.memory_space<vmem>>, vector<1x1xf32>,
    return
  }
}

</mosaic_0001>

<sc_bundles>
// kernel: kernel.12.cloned.1.call-start
scs
__scs_entry_jumppad:
0x0: {  	(pc) =	sbr.rel $0x88, $3  }
0x1: {  	(tag) =	ssettag $0x0;
	lr =	simm.s32 $0x1  }
0x2: {  	[smem:$0x3F98] =	sst lr;
	_ =	strace $0xD0000000  }
0x3: {  	_ = 	snop  }
0x4: {  	_ = 	snop  }
0x5: {  	_ = 	snop  }
0x6: {  	_ = 	snop  }
0x7: {  	_ = 	snop  }
__scs_overlays_trampoline_lowered:
0x8: {  	[smem:$0x3FA7] =	sst s0  }
0x9: {  	[smem:$0x3FA8] =	sst s1  }
0xa: {  	[smem:$0x3FA9] =	sst s2  }
0xb: {  	[smem:$0x3FAA] =	sst s3  }
0xc: {  	[smem:$0x3FAB] =	sst s4  }
0xd: {  	[smem:$0x3FAC] =	sst s5  }
0xe: {  	[smem:$0x3FAD] =	sst s6  }
0xf: {  	[smem:$0x3FAE] =	sst s7  }
0x10: {  	[smem:$0x3FAF] =	sst s8  }
0x11: {  	[smem:$0x3FB0] =	sst s9;
	s0 =	simm.s32 @!p0 $0x0  }
0x12: {  	s1 =	sld [smem:$0x3F96];
	s0 =	simm.s32 @p0 $0x1  }
0x13: {  	[smem:$0x3FB1] =	sst s0;
	s0 =	simm.s32 @!p1 $0x0  }
0x14: {  	s2 =	sld [smem:$0x3F95];
	s0 =	simm.s32 @p1 $0x1  }
0x15: {  	[smem:$0x3FB2] =	sst s0;
	s0 =	simm.s32 @!p2 $0x0  }
0x16: {  	s3 =	sld [smem:$0x3FDB];
	s0 =	simm.s32 @p2 $0x1  }
0x17: {  	s4 =	simm.s32 $0x1BF5;
	[smem:$0x3FB4] =	sst s0  }
0x18: {  	s0 =	sld [smem:$0x3F97];
	_ =	swait.ge [sflag:s4], $0x0  }
0x19: {  	s7 =	sld [smem:$0x3F98]  }
0x1a: {  	s8 =	sadd.s32 $0xFFFFE003, lr  }
0x1b: {  	s9 =	sadd.s32 $0xFFFFFEF7, lr;
	s5 =	simm.s32 $0xFFFFFFFF;
	p2 =	slt.u32 s8, $0xFFFFF086  }
0x1c: {  	p1 =	slt.u32 s9, $0xF7A;
	s5 =	simm.s32 @!p2 $0x0  }
0x1d: {  	s5 =	simm.s32 @p1 $0x1;
	p0 =	seq.s32 s7, s2  }
0x1e: {  	s7 =	smul.u32 @!p0 $0xF7A, s2;
	p2 =	seq.s32 @!p0 s5, $0x0  }
0x1f: {  	s9 =	smul.u32 $0xF7A, s1;
	s8 =	simm.s32 @!p0 $0x1BF5;
	p2 =	por !p2, p0  }
0x20: {  	[sflag:s8] =	ssyncset.s32 @!p0 $0xFFFFF086;
	s6 =	sadd.s32 @!p0 s3, s7;
	s7 =	simm.s32 @!p0 $0x108  }
0x21: {  	s3 =	sadd.s32 s3, s9;
	s6 =	sadd.s32 @!p0 $0x88, s6;
	s7 =	simm.s32 @p2 $0x1082  }
0x22: {  	[simem:s7], [sflag:s8] =	dma.local @!p0 [hbm:s6], $0xF7A  }
0x23: {  	s9 =	sor.u32 $0xD0000000, s2;
	s6 =	simm.s32 $0x108;
	_ =	swait.ge @!p0 [sflag:s8], $0x0  }
0x24: {  	s3 =	sadd.s32 $0x88, s3;
	s6 =	simm.s32 @!p1 $0x1082;
	[sflag:s4] =	ssyncset.s32 $0xFFFFF086  }
0x25: {  	[simem:s6], [sflag:s4] =	dma.local [hbm:s3], $0xF7A  }
0x26: {  	[smem:$0x3F98] =	sst s1;
	(tag) =	ssettag s2;
	_ =	strace s9  }
0x27: {  	s1 =	sld [smem:$0x3FA8]  }
0x28: {  	s2 =	sld [smem:$0x3FA9]  }
0x29: {  	s4 =	sld [smem:$0x3FAB]  }
0x2a: {  	p0 =	seq.s32 s5, $0x0;
	s5 =	sld [smem:$0x3FAC]  }
0x2b: {  	s6 =	sld [smem:$0x3FAD]  }
0x2c: {  	s7 =	sld [smem:$0x3FAE]  }
0x2d: {  	s3 =	simm.s32 $0x108;
	s8 =	sld [smem:$0x3FAF]  }
0x2e: {  	s3 =	simm.s32 @!p0 $0x1082;
	s9 =	sld [smem:$0x3FB0]  }
0x2f: {  	lr =	sadd.s32 s0, s3;
	s0 =	sld [smem:$0x3FA7]  }
0x30: {  	s3 =	sld [smem:$0x3FAA]  }
0x31: {  	[smem:$0x3FB3] =	sst s10  }
0x32: {  	s10 =	sld [smem:$0x3FB1];
	_ =	sdelay $0x3  }
0x33: {  	p0 =	seq.s32 s10, $0x1;
	s10 =	sld [smem:$0x3FB3];
	_ =	sdelay $0x3  }
0x34: {  	[smem:$0x3FB3] =	sst s10  }
0x35: {  	s10 =	sld [smem:$0x3FB2];
	_ =	sdelay $0x3  }
0x36: {  	p1 =	seq.s32 s10, $0x1;
	s10 =	sld [smem:$0x3FB3];
	_ =	sdelay $0x3  }
0x37: {  	[smem:$0x3FB3] =	sst s10  }
0x38: {  	s10 =	sld [smem:$0x3FB4]  }
0x39: {  	_ = 	snop;
	(pc) =	sbr.ind lr, $3  }
0x3a: {  	_ = 	snop  }
0x3b: {  	_ = 	snop  }
0x3c: {  	p2 =	seq.s32 s10, $0x1;
	s10 =	sld [smem:$0x3FB3]  }
0x3d: {  	_ =	shalt  }
0x3e: {  	_ =	shalt  }
0x3f: {  	_ =	shalt  }
0x40: {  	_ =	shalt  }
0x41: {  	_ =	shalt  }
0x42: {  	_ =	shalt  }
0x43: {  	_ =	shalt  }
0x44: {  	_ =	shalt  }
0x45: {  	_ =	shalt  }
0x46: {  	_ =	shalt  }
0x47: {  	_ =	shalt  }
0x48: {  	_ =	shalt  }
0x49: {  	_ =	shalt  }
0x4a: {  	_ =	shalt  }
0x4b: {  	_ =	shalt  }
0x4c: {  	_ =	shalt  }
0x4d: {  	_ =	shalt  }
0x4e: {  	_ =	shalt  }
0x4f: {  	_ =	shalt  }
0x50: {  	_ =	shalt  }
0x51: {  	_ =	shalt  }
0x52: {  	_ =	shalt  }
0x53: {  	_ =	shalt  }
0x54: {  	_ =	shalt  }
0x55: {  	_ =	shalt  }
0x56: {  	_ =	shalt  }
0x57: {  	_ =	shalt  }
0x58: {  	_ =	shalt  }
0x59: {  	_ =	shalt  }
0x5a: {  	_ =	shalt  }
0x5b: {  	_ =	shalt  }
0x5c: {  	_ =	shalt  }
0x5d: {  	_ =	shalt  }
0x5e: {  	_ =	shalt  }
0x5f: {  	_ =	shalt  }
0x60: {  	_ =	shalt  }
0x61: {  	_ =	shalt  }
0x62: {  	_ =	shalt  }
0x63: {  	_ =	shalt  }
0x64: {  	_ =	shalt  }
0x65: {  	_ =	shalt  }
0x66: {  	_ =	shalt  }
0x67: {  	_ =	shalt  }
0x68: {  	_ =	shalt  }
0x69: {  	_ =	shalt  }
0x6a: {  	_ =	shalt  }
0x6b: {  	_ =	shalt  }
0x6c: {  	_ =	shalt  }
0x6d: {  	_ =	shalt  }
0x6e: {  	_ =	shalt  }
0x6f: {  	_ =	shalt  }
0x70: {  	_ =	shalt  }
0x71: {  	_ =	shalt  }
0x72: {  	_ =	shalt  }
0x73: {  	_ =	shalt  }
0x74: {  	_ =	shalt  }
0x75: {  	_ =	shalt  }
0x76: {  	_ =	shalt  }
0x77: {  	_ =	shalt  }
0x78: {  	_ =	shalt  }
0x79: {  	_ =	shalt  }
0x7a: {  	_ =	shalt  }
0x7b: {  	_ =	shalt  }
0x7c: {  	_ =	shalt  }
0x7d: {  	_ =	shalt  }
0x7e: {  	_ =	shalt  }
0x7f: {  	_ =	shalt  }
0x80: {  	_ =	shalt  }
0x81: {  	_ =	shalt  }
0x82: {  	_ =	shalt  }
0x83: {  	_ =	shalt  }
0x84: {  	_ =	shalt  }
0x85: {  	_ =	shalt  }
0x86: {  	_ =	shalt  }
0x87: {  	_ =	shalt  }
.Lfunc_end0:
.L_simem_size_0:
called_computation.2_lowered:
.L_overlay_start_0:
0x88: {  	s2 =	sld [smem:$0x3FD9]  }
0x89: {  	s3 =	sld [smem:$0x3FFE];
	_ =	sdelay $0x1  }
0x8a: {  	s1 =	srdreg.scid  }
0x8b: {  	s0 =	sand.u32 $0x1, s1  }
0x8c: {  	s14 =	sshll.u32 s0, $0xA;
	s2 =	sadd.s32 s3, s2  }
0x8d: {  	s2 =	sadd.s32 s2, s14  }
0x8e: {  	[smem:$0x3FBF] =	sst s2  }
0x8f: {  	_ = 	snop  }
0x90: {  	s2 =	sld [smem:$0x3FD0];
	_ =	sdelay $0x2  }
0x91: {  	s15 =	simm.s32 $0xA;
	s4 =	simm.s32 $0x10  }
0x92: {  	[smem:s4], [sflag:s15] =	dma.local [hbm:s2], $0x1  }
0x93: {  	_ =	swait.eq [sflag:s15], $0x1  }
0x94: {  	[sflag:s15] =	ssyncset.done $0x0  }
0x95: {  	[sflag:s15] =	ssyncadd.s32 $0xFFFFFFFF  }
0x96: {  	s16 =	sld [smem:$0x11];
	(tm) =	ssettm $0x1  }
0x97: {  	s17 =	sld [smem:$0x3FFB];
	_ =	sdelay $0x3  }
0x98: {  	_ =	strace s17  }
0x99: {  	s3 =	sld [smem:$0x3FFC];
	_ =	sdelay $0x3  }
0x9a: {  	_ =	strace s3  }
0x9b: {  	s3 =	sld [smem:$0x3FFD];
	_ =	sdelay $0x3  }
0x9c: {  	_ =	strace s3  }
0x9d: {  	_ =	strace $0x8FFFFFFF  }
0x9e: {  	s18 =	sld [smem:$0x3FDB];
	_ =	sdelay $0x1  }
0x9f: {  	s19 =	simm.s32 $_scs_section_size  }
0xa0: {  	s5 =	simm.s32 $_size__tile_overlayer_lowered;
	s6 =	simm.s32 $_tile_overlayer_lowered  }
0xa1: {  	s22 =	simm.s32 $0x1BFF;
	s21 =	sshll.u32 s6, $0x1;
	s3 =	sadd.s32 s19, s18  }
0xa2: {  	s7 =	simm.s32 $0x0;
	s20 =	sshll.u32 s5, $0x1;
	s5 =	sadd.s32 s21, s3  }
0xa3: {  	[timem:s7], [sflag:s22] =	dma.local [hbm:s5], s20  }
0xa4: {  	_ =	swait.ge [sflag:s22], s20  }
0xa5: {  	s4 =	ssub.s32 $0x0, s20;
	[sflag:s22] =	ssyncset.done $0x0  }
0xa6: {  	[sflag:s22] =	ssyncadd.s32 s4;
	_ =	sdelay $0x1  }
0xa7: {  	s23 =	simm.s32 $0x1B8B  }
0xa8: {  	_ =	swait.ge [sflag:s23], $0x1  }
0xa9: {  	[sflag:s23] =	ssyncset.done $0x0  }
0xaa: {  	s25 =	simm.s32 $0x1B8E;
	s24 =	sld [smem:$0x3FFE];
	[sflag:s23] =	ssyncadd.s32 $0xFFFFFFFF  }
0xab: {  	s26 =	simm.s32 $execute0_lowered;
	[smem:$0x3FD2] =	sst s25  }
0xac: {  	s5 =	sshll.u32 s26, $0x1;
	_ =	strace $0x8000004C;
	[dreg:$0x1] =	wrdreg $0xFFFFFFFF  }
0xad: {  	s28 =	simm.s32 $_size_execute0_lowered;
	s3 =	sadd.s32 s3, s5;
	[dreg:$0x0] =	wrdreg $0x0  }
0xae: {  	s5 =	sshll.u32 s28, $0x1;
	[dreg:$0x2] =	wrdreg s3  }
0xaf: {  	[dreg:$0x3] =	wrdreg s5  }
0xb0: {  	[dreg:$0x4] =	wrdreg $0xC0  }
0xb1: {  	_ =	task [dreg:s7], $0x5FFFF  }
0xb2: {  	[dreg:$0x1] =	wrdreg $0xFFFFFFFF  }
0xb3: {  	[dreg:$0x0] =	wrdreg $0x60  }
0xb4: {  	[dreg:$0x2] =	wrdreg s24  }
0xb5: {  	[dreg:$0x3] =	wrdreg s16  }
0xb6: {  	[dreg:$0x4] =	wrdreg $0x18A100  }
0xb7: {  	[dreg:$0x5] =	wrdreg $0x1A2800  }
0xb8: {  	[dreg:$0x6] =	wrdreg $0x1BAF00  }
0xb9: {  	[dreg:$0x7] =	wrdreg $0x9  }
0xba: {  	_ =	task.clear_ibuf [dreg:s7], $0x8FFFF;
	_ =	strace $0x9000004C  }
0xbb: {  	s29 =	simm.s32 $0x9;
	_ =	strace $0x8000004E  }
0xbc: {  	_ =	swait.ge [sflag:s29], $0x1  }
0xbd: {  	[sflag:s29] =	ssyncadd.s32 $0xFFFFFFFF  }
0xbe: {  	_ =	strace $0x9000004E  }
0xbf: {  	_ =	sfence  }
0xc0: {  	s30 =	sld [smem:$0x0];
	_ =	sdelay $0x2  }
0xc1: {  	s31 =	sshll.u32 s1, $0xD;
	s1 =	sshrl.u32 s1, $0x2  }
0xc2: {  	s3 =	sand.u32 $0x4000, s31;
	s1 =	sadd.s32 s1, s30  }
0xc3: {  	s0 =	sor.u32 s3, s0;
	s1 =	sshll.u32 s1, $0x11  }
0xc4: {  	s0 =	sor.u32 s1, s0  }
0xc5: {  	s0 =	sadd.s32 $0x8F2B, s0  }
0xc6: {  	[sflag:s0] =	ssyncadd.remote.s32 $0x1  }
0xc7: {  	_ =	sfence.sel $0xFFFF  }
0xc8: {  	[dreg:$0x0] =	wrdreg $0xFFFFFFFF;
	(pc) =	sbr.abs _section_cstart, $3  }
0xc9: {  	[dreg:$0x1] =	wrdreg $0xFFFFFFFF  }
0xca: {  	_ =	task.clear_ibuf [dreg:s7], $0x2FFFF;
	_ =	strace $0x9FFFFFFF  }
0xcb: {  	(tm) =	ssettm $0x7FFFFFFF  }
tec
execute0_lowered:
.L_overlay_start_1:
0x0: {  	(tag) =	ssettag $0x1  }
0x1: {  	s0 =	rddreg [dreg:$0x0]  }
0x2: {  	s4 =	rddreg [dreg:$0x1]  }
0x3: {  	s1 =	rddreg [dreg:$0x2]  }
0x4: {  	s2 =	rddreg [dreg:$0x3]  }
0x5: {  	s3 =	rddreg [dreg:$0x4];
	s15 =	simm.s32 $0x0  }
0x6: {  	s16 =	stileid.u32;
	s25 =	srdreg.scid;
	s28 =	simm.s32 $0x200  }
0x7: {  	s29 =	simm.s32 $0x80;
	s30 =	simm.s32 $0x400;
	s31 =	simm.s32 $0x2400  }
0x8: {  	[smem:$0x7FF] =	sst s15;
	s5 =	sadd.s32 $0x64C00, s0;
	s24 =	sadd.s32 $0x2C00, s0  }
0x9: {  	s6 =	sadd.s32 $0x259C00, s0;
	_ =	strace $0x8000004D;
	[dreg:$0x6] =	wrdreg s5  }
0xa: {  	s26 =	smul.u32 $0x1870, s16;
	s9 =	sadd.s32 $0xC6C00, s0;
	[dreg:$0x7] =	wrdreg s24  }
0xb: {  	s7 =	sadd.s32 $0x258C00, s0;
	s8 =	sadd.s32 $0x257C00, s0;
	[dreg:$0x8] =	wrdreg s6  }
0xc: {  	s21 =	smul.u32 $0x31000, s16;
	s5 =	sand.u32 $0x1, s25;
	[dreg:$0x9] =	wrdreg s7  }
0xd: {  	s10 =	sshll.u32 s16, $0x1;
	[dreg:$0xa] =	wrdreg s8;
	s14 =	smul.u32 $0x18700, s5  }
0xe: {  	s17 =	sshrl.u32 s26, $0x3;
	s10 =	sor.u32 s5, s10;
	s12 =	ssub.s32 $0x2, s5  }
0xf: {  	s19 =	sadd.s32 s26, s1;
	s20 =	sadd.s32 s26, s2;
	s6 =	sadd.s32 s26, s3  }
0x10: {  	s22 =	smul.u32 $0x18800, s5;
	s5 =	simm.s32 $0x280;
	[dreg:$0xb] =	wrdreg s19  }
0x11: {  	s8 =	sadd.s32 s17, s0;
	s11 =	sshll.u32 s10, $0x1;
	[dreg:$0xd] =	wrdreg s20  }
0x12: {  	s18 =	sshrl.u32 s12, $0x1;
	s13 =	smul.u32 $0x18800, s10;
	[dreg:$0xe] =	wrdreg s6  }
0x13: {  	s20 =	simm.s32 $0x1;
	s7 =	sadd.s32 s26, s14;
	s8 =	sadd.s32 $0x24DE00, s8  }
0x14: {  	s26 =	sadd.s32 s22, s21;
	s7 =	sshrl.u32 s7, $0x3;
	[dreg:$0xc] =	wrdreg s8  }
0x15: {  	[dreg:$0x14] =	wrdreg s26;
	s14 =	sadd.s32 s7, s0;
	s4 =	sadd.s32 s4, s7  }
0x16: {  	s26 =	simm.s32 $0x10A00;
	[dreg:$0xf] =	wrdreg s4;
	s23 =	sadd.s32 $0x251000, s14  }
0x17: {  	s0 =	sadd.s32 s11, s0;
	s24 =	sadd.s32 $0xF7A00, s14;
	[dreg:$0x10] =	wrdreg s23  }
0x18: {  	s11 =	ssub.s32 s12, s18;
	s0 =	sadd.s32 $0x24D800, s0;
	[dreg:$0x11] =	wrdreg s24  }
0x19: {  	s12 =	simm.s32 $0x300;
	s25 =	smax.u32 s11, $0x1;
	[dreg:$0x12] =	wrdreg s0  }
0x1a: {  	v0 =	vlaneseq.u32;
	s18 =	simm.s32 $0x380;
	s4 =	simm.s32 $0x0;
	[dreg:$0x13] =	wrdreg s25  }
0x1b: {  	v0 =	vmul.u32 $0x10, v0;
	s23 =	simm.s32 $0x4A00;
	s24 =	simm.s32 $0x2;
	s25 =	simm.s32 $0x8A00  }
.LBB2_1:
0x1c: {  	[dreg:$0x15] =	wrdreg s4  }
0x1d: {  	s0 =	rddreg [dreg:$0x8]  }
0x1e: {  	[tilespmem:s23], [sflag:$0x2] =	stream.linear.gather [hbm4b:s0+s15], $0x4000, $0x38;
	[tilespmem:$0x1D360] =	vst v63  }
0x1f: {  	_ =	swait.ge [sflag:s24], $0x4000  }
0x20: {  	[sflag:s24] =	ssyncset.done $0x0  }
0x21: {  	s11 =	rddreg [dreg:$0x9];
	[sflag:s24] =	ssyncadd.s32 $0xFFFFC000  }
0x22: {  	[tilespmem:s25], [sflag:$0x2] =	stream.linear.gather [hbm4b:s11+s15], $0x8000, $0x38;
	[tilespmem:$0x1D360] =	vst v63  }
0x23: {  	_ =	swait.ge [sflag:s24], $0x8000  }
0x24: {  	[sflag:s24] =	ssyncset.done $0x0  }
0x25: {  	s14 =	rddreg [dreg:$0xa];
	[sflag:s24] =	ssyncadd.s32 $0xFFFF8000  }
0x26: {  	[tilespmem:s26], [sflag:$0x2] =	stream.linear.gather [hbm4b:s14+s15], $0x8000, $0x38;
	[tilespmem:$0x1D360] =	vst v63  }
0x27: {  	s15 =	stileid.u32;
	_ =	swait.ge [sflag:s24], $0x8000  }
0x28: {  	s0 =	sshll.u32 s15, $0x6;
	s16 =	rddreg [dreg:$0xb]  }
0x29: {  	[sflag:s24] =	ssyncset.done $0x0;
	s19 =	rddreg [dreg:$0xc];
	s17 =	sshrl.u32 s16, $0x3  }
0x2a: {  	s6 =	sor.u32 $0x1C02, s0;
	[sflag:s24] =	ssyncadd.s32 $0xFFFF8000;
	[dreg:$0x17] =	wrdreg s17  }
0x2b: {  	[spmem:s17], [sflag:s6] =	dma.local [hbm:s19], $0x30E  }
0x2c: {  	_ =	swait.ge [sflag:s24], $0x30E  }
0x2d: {  	s21 =	rddreg [dreg:$0xd]  }
0x2e: {  	[sflag:s24] =	ssyncset.done $0x0;
	s4 =	sshrl.u32 s21, $0x3  }
0x2f: {  	[sflag:s24] =	ssyncadd.s32 $0xFFFFFCF2;
	[dreg:$0x18] =	wrdreg s4  }
0x30: {  	[spmem:s4], [sflag:s6] =	dma.local [hbm:s19], $0x30E  }
0x31: {  	_ =	swait.ge [sflag:s24], $0x30E  }
0x32: {  	s22 =	rddreg [dreg:$0xe]  }
0x33: {  	[dreg:$0x16] =	wrdreg s6;
	[sflag:s24] =	ssyncset.done $0x0;
	s4 =	sshrl.u32 s22, $0x3  }
0x34: {  	[sflag:s24] =	ssyncadd.s32 $0xFFFFFCF2;
	[dreg:$0x19] =	wrdreg s4  }
0x35: {  	[spmem:s4], [sflag:s6] =	dma.local [hbm:s19], $0x30E  }
0x36: {  	_ =	swait.ge [sflag:s24], $0x30E  }
0x37: {  	[sflag:s24] =	ssyncset.done $0x0  }
0x38: {  	[sflag:s24] =	ssyncadd.s32 $0xFFFFFCF2  }
0x39: {  	[bflag:$0x0] =	sbarrier.arrive $0xFFFF  }
0x3a: {  	v1 =	vimm.f32 $0.0e+00;
	s22 =	simm.s32 $0x0;
	s21 =	rddreg [dreg:$0x14]  }
.LBB2_2:
0x3b: {  	s0 =	sshll.u32 s22, $0x9  }
0x3c: {  	s0 =	sadd.s32 s13, s0  }
0x3d: {  	s4 =	rddreg [dreg:$0x6];
	s0 =	sshrl.u32 s0, $0x3  }
0x3e: {  	s6 =	simm.s32 $0x0;
	s4 =	sadd.s32 s4, s0  }
0x3f: {  	[tilespmem:s6], [sflag:$0x2] =	stream.linear.gather [hbm4b:s4+s6], $0x200, $0x38;
	[tilespmem:$0x1D360] =	vst v63  }
0x40: {  	_ =	swait.ge [sflag:s24], $0x200  }
0x41: {  	[sflag:s24] =	ssyncset.done $0x0;
	s14 =	rddreg [dreg:$0x7]  }
0x42: {  	[sflag:s24] =	ssyncadd.s32 $0xFFFFFE00;
	s0 =	sadd.s32 s14, s0  }
0x43: {  	[tilespmem:s28], [sflag:$0x2] =	stream.linear.gather [hbm4b:s0+s6], $0x200, $0x38;
	[tilespmem:$0x1D360] =	vst v63  }
0x44: {  	_ =	swait.ge [sflag:s24], $0x200  }
0x45: {  	[sflag:s24] =	ssyncset.done $0x0  }
0x46: {  	[sflag:s24] =	ssyncadd.s32 $0xFFFFFE00  }
0x47: {  	[tilespmem:s30], [sflag:$0x1] =	stream.indirect.gather [hbm4b:s9+s29], $0x10, s6, s29, $0xb8;
	[tilespmem:$0x1D360] =	vst v63  }
0x48: {  	_ = 	snop  }
0x49: {  	[tilespmem:s31], [sflag:$0x1] =	stream.indirect.gather [hbm4b:s9+s29], $0x10, s28, s29, $0xb8;
	[tilespmem:$0x1D360] =	vst v63  }
0x4a: {  	s15 =	simm.s32 $0xC00  }
0x4b: {  	[tilespmem:s15], [sflag:$0x1] =	stream.indirect.gather [hbm4b:s9+s29], $0x10, s29, s29, $0xb8;
	[tilespmem:$0x1D360] =	vst v63  }
0x4c: {  	s16 =	simm.s32 $0x2C00  }
0x4d: {  	[tilespmem:s16], [sflag:$0x1] =	stream.indirect.gather [hbm4b:s9+s29], $0x10, s5, s29, $0xb8;
	[tilespmem:$0x1D360] =	vst v63  }
0x4e: {  	s17 =	simm.s32 $0x100;
	s19 =	simm.s32 $0x1400  }
0x4f: {  	[tilespmem:s19], [sflag:$0x1] =	stream.indirect.gather [hbm4b:s9+s29], $0x10, s17, s29, $0xb8;
	[tilespmem:$0x1D360] =	vst v63  }
0x50: {  	s4 =	simm.s32 $0x3400  }
0x51: {  	[tilespmem:s4], [sflag:$0x1] =	stream.indirect.gather [hbm4b:s9+s29], $0x10, s12, s29, $0xb8;
	[tilespmem:$0x1D360] =	vst v63  }
0x52: {  	s7 =	simm.s32 $0x180;
	s8 =	simm.s32 $0x1C00  }
0x53: {  	[tilespmem:s8], [sflag:$0x1] =	stream.indirect.gather [hbm4b:s9+s29], $0x10, s7, s29, $0xb8;
	[tilespmem:$0x1D360] =	vst v63  }
0x54: {  	s10 =	simm.s32 $0x3C00  }
0x55: {  	[tilespmem:s10], [sflag:$0x1] =	stream.indirect.gather [hbm4b:s9+s29], $0x10, s18, s29, $0xb8;
	[tilespmem:$0x1D360] =	vst v63  }
0x56: {  	_ =	swait.ge [sflag:s20], $0x800  }
0x57: {  	[sflag:s20] =	ssyncset.done $0x0  }
0x58: {  	[sflag:s20] =	ssyncadd.s32 $0xFFFFF800  }
0x59: {  	_ =	swait.ge [sflag:s20], $0x800  }
0x5a: {  	[sflag:s20] =	ssyncset.done $0x0  }
0x5b: {  	[sflag:s20] =	ssyncadd.s32 $0xFFFFF800  }
0x5c: {  	_ =	swait.ge [sflag:s20], $0x800  }
0x5d: {  	[sflag:s20] =	ssyncset.done $0x0  }
0x5e: {  	[sflag:s20] =	ssyncadd.s32 $0xFFFFF800  }
0x5f: {  	_ =	swait.ge [sflag:s20], $0x800  }
0x60: {  	[sflag:s20] =	ssyncset.done $0x0  }
0x61: {  	[sflag:s20] =	ssyncadd.s32 $0xFFFFF800  }
0x62: {  	_ =	swait.ge [sflag:s20], $0x800  }
0x63: {  	[sflag:s20] =	ssyncset.done $0x0  }
0x64: {  	[sflag:s20] =	ssyncadd.s32 $0xFFFFF800  }
0x65: {  	s11 =	sand.u32 $0x70, s6;
	_ =	swait.ge [sflag:s20], $0x800  }
0x66: {  	v2 =	vmov s11;
	[sflag:s20] =	ssyncset.done $0x0  }
0x67: {  	v2 =	vshll.u32 v2, $0x4;
	s14 =	simm.s32 $0x0;
	[sflag:s20] =	ssyncadd.s32 $0xFFFFF800  }
0x68: {  	v2 =	vor.u32 v0, v2;
	s0 =	sand.u32 $0xFFFFF800, s14;
	_ =	swait.ge [sflag:s20], $0x800  }
0x69: {  	v5 =	vor.u32 s0, v2;
	[sflag:s20] =	ssyncset.done $0x0  }
0x6a: {  	[sflag:s20] =	ssyncadd.s32 $0xFFFFF800  }
0x6b: {  	v2 =	vor.u32 $0x1, v5;
	_ =	swait.ge [sflag:s20], $0x800  }
0x6c: {  	[sflag:s20] =	ssyncset.done $0x0  }
0x6d: {  	v3 =	vor.u32 $0x2, v5;
	[sflag:s20] =	ssyncadd.s32 $0xFFFFF800  }
0x6e: {  	v4 =	vld.idx.msk [tilespmem:v5+s30+$0x0], $0xffff  }
0x6f: {  	v6 =	vld.idx.msk [tilespmem:v5+s31+$0x0], $0xffff  }
0x70: {  	v7 =	vld.idx.msk [tilespmem:v2+s30+$0x0], $0xffff  }
0x71: {  	v2 =	vld.idx.msk [tilespmem:v2+s31+$0x0], $0xffff  }
0x72: {  	v8 =	vld.idx.msk [tilespmem:v3+s30+$0x0], $0xffff  }
0x73: {  	v9 =	vld.idx.msk [tilespmem:v3+s31+$0x0], $0xffff;
	_ =	sdelay $0x2  }
0x74: {  	v4 =	vsub.f32 v6, v4;
	v3 =	vsub.f32 v2, v7;
	_ =	sdelay $0x1  }
0x75: {  	v2 =	vsub.f32 v9, v8;
	v6 =	vmul.f32 v4, v4;
	v7 =	vmul.f32 v3, v3;
	_ =	sdelay $0x1  }
0x76: {  	v6 =	vadd.f32 v7, v6;
	v7 =	vmul.f32 v2, v2;
	_ =	sdelay $0x1  }
0x77: {  	v6 =	vadd.f32 v7, v6;
	_ =	sdelay $0x1  }
0x78: {  	v6 =	vadd.f32 $9.999999960e-13, v6;
	_ =	sdelay $0x1  }
0x79: {  	v7 =	vshra.s32 v6, $0x1;
	v8 =	vmul.f32 $5.000000000e-01, v6  }
0x7a: {  	v7 =	vsub.s32 $0x5F3759DF, v7  }
0x7b: {  	v9 =	vmul.f32 v7, v8;
	_ =	sdelay $0x1  }
0x7c: {  	v9 =	vmul.f32 v7, v9;
	_ =	sdelay $0x1  }
0x7d: {  	v9 =	vsub.f32 $1.500000000e+00, v9;
	_ =	sdelay $0x1  }
0x7e: {  	v7 =	vmul.f32 v7, v9;
	_ =	sdelay $0x1  }
0x7f: {  	v9 =	vmul.f32 v7, v8;
	_ =	sdelay $0x1  }
0x80: {  	v9 =	vmul.f32 v9, v7;
	_ =	sdelay $0x1  }
0x81: {  	v9 =	vsub.f32 $1.500000000e+00, v9;
	_ =	sdelay $0x1  }
0x82: {  	v7 =	vmul.f32 v9, v7;
	_ =	sdelay $0x1  }
0x83: {  	v8 =	vmul.f32 v7, v8;
	_ =	sdelay $0x1  }
0x84: {  	v9 =	vor.u32 $0x3, v5;
	v8 =	vmul.f32 v8, v7;
	_ =	sdelay $0x1  }
0x85: {  	v8 =	vsub.f32 $1.500000000e+00, v8;
	_ =	sdelay $0x1  }
0x86: {  	v10 =	vmul.f32 v8, v7  }
0x87: {  	v7 =	vld.idx.msk [tilespmem:v9+s31+$0x0], $0xffff  }
0x88: {  	v8 =	vld.idx.msk [tilespmem:v9+s30+$0x0], $0xffff;
	v6 =	vmul.f32 v10, v6;
	_ =	sdelay $0x1  }
0x89: {  	v6 =	vclamp.gez.f32 v6, $5.999999520e+00  }
0x8a: {  	v6 =	vmul.f32 $1.365166630e+03, v6  }
0x8b: {  	v7 =	vtrunc.f32 v7  }
0x8c: {  	v8 =	vtrunc.f32 v8;
	v9 =	vtrunc.f32 v6  }
0x8d: {  	v7 =	vcvt.f32.s32 v7;
	v9 =	vcvt.f32.s32 v9  }
0x8e: {  	v8 =	vcvt.f32.s32 v8  }
0x8f: {  	v11 =	vshll.u32 v7, $0xD;
	v12 =	vadd.s32 $0x1, v9  }
0x90: {  	v8 =	vshll.u32 v8, $0xD;
	v13 =	vadd.s32 v9, v11;
	vm0 =	vlt.s32 v12, $0x1FFF  }
0x91: {  	v14 =	vadd.s32 v9, v8;
	v12 =	vnsel vm0, $0x1FFF, v12  }
0x92: {  	v15 =	vadd.s32 v8, v12  }
0x93: {  	v11 =	vadd.s32 v11, v12  }
0x94: {  	v7 =	vshll.u32 v7, $0xE  }
0x95: {  	v7 =	vadd.s32 v8, v7;
	v8 =	vld.idx.msk [tilespmem:v13+s23+$0x0], $0xffff  }
0x96: {  	v62 =	vadd.s32 v9, v7;
	v14 =	vld.idx.msk [tilespmem:v14+s23+$0x0], $0xffff  }
0x97: {  	v12 =	vadd.s32 v7, v12;
	v7 =	vld.idx.msk [tilespmem:v15+s23+$0x0], $0xffff  }
0x98: {  	v63 =	vor.u32 $0x4, v5;
	v11 =	vld.idx.msk [tilespmem:v11+s23+$0x0], $0xffff;
	_ =	sdelay $0x1  }
0x99: {  	v5 =	vcvt.s32.f32 v9  }
0x9a: {  	v9 =	vld.idx.msk [tilespmem:v62+s26+$0x0], $0xffff  }
0x9b: {  	v5 =	vsub.f32 v6, v5;
	v16 =	vld.idx.msk [tilespmem:v12+s26+$0x0], $0xffff;
	v6 =	vsub.f32 v7, v14  }
0x9c: {  	v7 =	vld.idx.msk [tilespmem:v63+s31+$0x0], $0xffff;
	v11 =	vsub.f32 v11, v8  }
0x9d: {  	v15 =	vld.idx.msk [tilespmem:v63+s30+$0x0], $0xffff;
	v6 =	vmul.f32 v5, v6  }
0x9e: {  	v11 =	vmul.f32 v5, v11  }
0x9f: {  	v6 =	vadd.f32 v6, v14  }
0xa0: {  	v8 =	vadd.f32 v11, v8;
	v11 =	vsub.f32 v16, v9  }
0xa1: {  	v6 =	vmul.f32 v6, v7  }
0xa2: {  	v11 =	vmul.f32 v5, v11;
	v8 =	vmul.f32 v8, v15;
	_ =	sdelay $0x1  }
0xa3: {  	v7 =	vld.idx.msk [tilespmem:v62+s25+$0x0], $0xffff;
	v9 =	vadd.f32 v11, v9;
	v6 =	vadd.f32 v8, v6  }
0xa4: {  	s10 =	simm.s32 $0x10;
	v8 =	vld.idx.msk [tilespmem:v12+s25+$0x0], $0xffff  }
0xa5: {  	s15 =	sand.u32 $0x70, s10;
	v6 =	vadd.f32 v6, v9  }
0xa6: {  	s11 =	simm.s32 $0x4400;
	s16 =	simm.s32 $0x100;
	v9 =	vmov s15  }
0xa7: {  	s14 =	simm.s32 $0x4800;
	s0 =	simm.s32 $0x4600;
	s6 =	sand.u32 $0xFFFFF800, s16;
	v9 =	vshll.u32 v9, $0x4;
	v6 =	vsub.f32 $0.0e+00, v6  }
0xa8: {  	s16 =	simm.s32 $0x4800;
	s19 =	simm.s32 $0x2;
	s17 =	sadd.s32 $0x10, s21;
	v11 =	vor.u32 v0, v9  }
0xa9: {  	s4 =	sadd.s32 $0x0, s21;
	s8 =	simm.s32 $0x4410;
	s15 =	simm.s32 $0x4600;
	v8 =	vsub.f32 v8, v7;
	v9 =	vmul.f32 v6, v10;
	v6 =	vor.u32 s6, v11  }
.LBB2_3:
0xaa: {  	s14 =	sadd.s32 $0x10, s14  }
0xab: {  	v10 =	vor.u32 $0x1, v6;
	v5 =	vmul.f32 v5, v8;
	v4 =	vmul.f32 v9, v4;
	s0 =	sadd.s32 $0x10, s0;
	s6 =	smov.u32 s19;
	s7 =	sadd.s32 $0x1, s19  }
0xac: {  	p0 =	sne.s32 s19, $0x1F;
	v3 =	vmul.f32 v9, v3  }
0xad: {  	v2 =	vmul.f32 v9, v2;
	v5 =	vadd.f32 v5, v7;
	[tilespmem:s11+$0x0] =	vst v4;
	s11 =	smov.u32 s8  }
0xae: {  	p1 =	slt.u32 s4, $0x30D400;
	s4 =	smov.u32 s17;
	[tilespmem:s15+$0x0] =	vst v3;
	s15 =	smov.u32 s0  }
0xaf: {  	v3 =	vor.u32 $0x2, v6;
	[tilespmem:s16+$0x0] =	vst v2;
	v2 =	vpsel !p1, $0x0, v5;
	s16 =	smov.u32 s14  }
0xb0: {  	v4 =	vld.idx.msk [tilespmem:v6+s30+$0x0], $0xffff;
	v1 =	vadd.f32 v2, v1  }
0xb1: {  	v2 =	vld.idx.msk [tilespmem:v6+s31+$0x0], $0xffff  }
0xb2: {  	v5 =	vld.idx.msk [tilespmem:v10+s30+$0x0], $0xffff  }
0xb3: {  	v7 =	vld.idx.msk [tilespmem:v10+s31+$0x0], $0xffff  }
0xb4: {  	v8 =	vld.idx.msk [tilespmem:v3+s30+$0x0], $0xffff  }
0xb5: {  	v9 =	vld.idx.msk [tilespmem:v3+s31+$0x0], $0xffff;
	_ =	sdelay $0x1  }
0xb6: {  	v4 =	vsub.f32 v2, v4;
	_ =	sdelay $0x1  }
0xb7: {  	v3 =	vsub.f32 v7, v5;
	_ =	sdelay $0x1  }
0xb8: {  	v5 =	vmul.f32 v4, v4;
	v2 =	vsub.f32 v9, v8;
	v7 =	vmul.f32 v3, v3;
	_ =	sdelay $0x1  }
0xb9: {  	v5 =	vadd.f32 v7, v5;
	v7 =	vmul.f32 v2, v2;
	_ =	sdelay $0x1  }
0xba: {  	v5 =	vadd.f32 v7, v5;
	_ =	sdelay $0x1  }
0xbb: {  	v5 =	vadd.f32 $9.999999960e-13, v5;
	_ =	sdelay $0x1  }
0xbc: {  	v7 =	vshra.s32 v5, $0x1;
	v8 =	vmul.f32 $5.000000000e-01, v5  }
0xbd: {  	v7 =	vsub.s32 $0x5F3759DF, v7  }
0xbe: {  	v9 =	vmul.f32 v7, v8;
	_ =	sdelay $0x1  }
0xbf: {  	v9 =	vmul.f32 v7, v9;
	_ =	sdelay $0x1  }
0xc0: {  	v9 =	vsub.f32 $1.500000000e+00, v9;
	_ =	sdelay $0x1  }
0xc1: {  	v7 =	vmul.f32 v7, v9;
	_ =	sdelay $0x1  }
0xc2: {  	v9 =	vmul.f32 v7, v8;
	_ =	sdelay $0x1  }
0xc3: {  	v9 =	vmul.f32 v9, v7;
	_ =	sdelay $0x1  }
0xc4: {  	v9 =	vsub.f32 $1.500000000e+00, v9;
	_ =	sdelay $0x1  }
0xc5: {  	v7 =	vmul.f32 v9, v7;
	_ =	sdelay $0x1  }
0xc6: {  	v9 =	vor.u32 $0x3, v6;
	v8 =	vmul.f32 v7, v8;
	_ =	sdelay $0x1  }
0xc7: {  	v8 =	vmul.f32 v8, v7;
	_ =	sdelay $0x1  }
0xc8: {  	v8 =	vsub.f32 $1.500000000e+00, v8  }
0xc9: {  	v10 =	vld.idx.msk [tilespmem:v9+s31+$0x0], $0xffff  }
0xca: {  	v11 =	vmul.f32 v8, v7;
	v9 =	vld.idx.msk [tilespmem:v9+s30+$0x0], $0xffff;
	_ =	sdelay $0x1  }
0xcb: {  	v5 =	vmul.f32 v11, v5;
	_ =	sdelay $0x1  }
0xcc: {  	v5 =	vclamp.gez.f32 v5, $5.999999520e+00  }
0xcd: {  	v5 =	vmul.f32 $1.365166630e+03, v5;
	v7 =	vtrunc.f32 v10  }
0xce: {  	v8 =	vtrunc.f32 v9;
	v7 =	vcvt.f32.s32 v7  }
0xcf: {  	v9 =	vtrunc.f32 v5;
	v8 =	vcvt.f32.s32 v8  }
0xd0: {  	v9 =	vcvt.f32.s32 v9;
	v10 =	vshll.u32 v7, $0xE  }
0xd1: {  	v7 =	vshll.u32 v7, $0xD;
	v8 =	vshll.u32 v8, $0xD  }
0xd2: {  	v12 =	vadd.s32 $0x1, v9;
	v13 =	vadd.s32 v9, v8;
	v14 =	vadd.s32 v9, v7  }
0xd3: {  	v10 =	vadd.s32 v8, v10;
	vm0 =	vlt.s32 v12, $0x1FFF  }
0xd4: {  	v15 =	vadd.s32 v9, v10;
	v12 =	vnsel vm0, $0x1FFF, v12  }
0xd5: {  	v8 =	vadd.s32 v8, v12;
	v7 =	vadd.s32 v7, v12;
	v10 =	vadd.s32 v10, v12;
	_ =	sdelay $0x1  }
0xd6: {  	v12 =	vld.idx.msk [tilespmem:v14+s23+$0x0], $0xffff;
	_ =	sdelay $0x1  }
0xd7: {  	v13 =	vld.idx.msk [tilespmem:v13+s23+$0x0], $0xffff  }
0xd8: {  	v8 =	vld.idx.msk [tilespmem:v8+s23+$0x0], $0xffff  }
0xd9: {  	v6 =	vor.u32 $0x4, v6;
	v7 =	vld.idx.msk [tilespmem:v7+s23+$0x0], $0xffff;
	_ =	sdelay $0x2  }
0xda: {  	v9 =	vcvt.s32.f32 v9;
	v14 =	vld.idx.msk [tilespmem:v15+s26+$0x0], $0xffff  }
0xdb: {  	v16 =	vld.idx.msk [tilespmem:v10+s26+$0x0], $0xffff  }
0xdc: {  	v5 =	vsub.f32 v5, v9;
	v8 =	vsub.f32 v8, v13;
	v17 =	vld.idx.msk [tilespmem:v6+s31+$0x0], $0xffff  }
0xdd: {  	v7 =	vsub.f32 v7, v12;
	v6 =	vld.idx.msk [tilespmem:v6+s30+$0x0], $0xffff  }
0xde: {  	v8 =	vmul.f32 v5, v8  }
0xdf: {  	v7 =	vmul.f32 v5, v7  }
0xe0: {  	v8 =	vadd.f32 v8, v13  }
0xe1: {  	v7 =	vadd.f32 v7, v12;
	v9 =	vsub.f32 v16, v14  }
0xe2: {  	v8 =	vmul.f32 v8, v17  }
0xe3: {  	v9 =	vmul.f32 v5, v9;
	v6 =	vmul.f32 v7, v6  }
0xe4: {  	v7 =	vld.idx.msk [tilespmem:v15+s25+$0x0], $0xffff  }
0xe5: {  	v9 =	vadd.f32 v9, v14;
	v6 =	vadd.f32 v6, v8;
	v10 =	vld.idx.msk [tilespmem:v10+s25+$0x0], $0xffff;
	_ =	sdelay $0x1  }
0xe6: {  	s10 =	sadd.s32 $0x10, s10;
	v6 =	vadd.f32 v6, v9  }
.Ltmp0:
0xe7: {  	s19 =	sand.u32 $0x70, s10;
	s17 =	sadd.s32 s10, s21;
	(pc) =	sbr.rel @p0 .LBB2_3-.Ltmp0, $4  }
0xe8: {  	v8 =	vmov s19;
	v6 =	vsub.f32 $0.0e+00, v6  }
0xe9: {  	s6 =	sshll.u32 s6, $0x8;
	v8 =	vshll.u32 v8, $0x4  }
0xea: {  	s6 =	sand.u32 $0xFFFFF800, s6;
	v12 =	vor.u32 v0, v8;
	v8 =	vsub.f32 v10, v7;
	v9 =	vmul.f32 v6, v11  }
0xeb: {  	s8 =	sadd.s32 $0x10, s8;
	s19 =	smov.u32 s7;
	v6 =	vor.u32 s6, v12  }
0xec: {  	v4 =	vmul.f32 v9, v4  }
0xed: {  	v3 =	vmul.f32 v9, v3  }
0xee: {  	v47 =	vor.u32 $0x1, v6;
	v2 =	vmul.f32 v9, v2;
	[tilespmem:s11+$0x0] =	vst v4  }
0xef: {  	[tilespmem:s15+$0x0] =	vst v3  }
0xf0: {  	[tilespmem:s16+$0x0] =	vst v2;
	v2 =	vor.u32 $0x2, v6  }
0xf1: {  	v3 =	vld.idx.msk [tilespmem:v6+s30+$0x0], $0xffff  }
0xf2: {  	v48 =	vld.idx.msk [tilespmem:v6+s31+$0x0], $0xffff  }
0xf3: {  	v10 =	vld.idx.msk [tilespmem:v47+s30+$0x0], $0xffff  }
0xf4: {  	v4 =	vld.idx.msk [tilespmem:v47+s31+$0x0], $0xffff  }
0xf5: {  	v11 =	vld.idx.msk [tilespmem:v2+s30+$0x0], $0xffff  }
0xf6: {  	v2 =	vld.idx.msk [tilespmem:v2+s31+$0x0], $0xffff;
	_ =	sdelay $0x2  }
0xf7: {  	v3 =	vsub.f32 v48, v3;
	v4 =	vsub.f32 v4, v10;
	_ =	sdelay $0x1  }
0xf8: {  	v9 =	vmul.f32 v3, v3;
	v10 =	vmul.f32 v4, v4;
	v2 =	vsub.f32 v2, v11;
	_ =	sdelay $0x1  }
0xf9: {  	v9 =	vadd.f32 v10, v9;
	v49 =	vmul.f32 v2, v2;
	_ =	sdelay $0x1  }
0xfa: {  	v9 =	vadd.f32 v49, v9;
	_ =	sdelay $0x1  }
0xfb: {  	v9 =	vadd.f32 $9.999999960e-13, v9;
	_ =	sdelay $0x1  }
0xfc: {  	v50 =	vshra.s32 v9, $0x1;
	v51 =	vmul.f32 $5.000000000e-01, v9  }
0xfd: {  	v10 =	vsub.s32 $0x5F3759DF, v50  }
0xfe: {  	v12 =	vmul.f32 v10, v51;
	_ =	sdelay $0x1  }
0xff: {  	v12 =	vmul.f32 v10, v12;
	_ =	sdelay $0x1  }
0x100: {  	v12 =	vsub.f32 $1.500000000e+00, v12;
	_ =	sdelay $0x1  }
0x101: {  	v10 =	vmul.f32 v10, v12;
	_ =	sdelay $0x1  }
0x102: {  	v12 =	vmul.f32 v10, v51;
	_ =	sdelay $0x1  }
0x103: {  	v12 =	vmul.f32 v12, v10;
	_ =	sdelay $0x1  }
0x104: {  	v12 =	vsub.f32 $1.500000000e+00, v12;
	_ =	sdelay $0x1  }
0x105: {  	v10 =	vmul.f32 v12, v10;
	_ =	sdelay $0x1  }
0x106: {  	v11 =	vmul.f32 v10, v51;
	_ =	sdelay $0x1  }
0x107: {  	v52 =	vor.u32 $0x3, v6;
	v11 =	vmul.f32 v11, v10;
	_ =	sdelay $0x1  }
0x108: {  	v11 =	vsub.f32 $1.500000000e+00, v11;
	_ =	sdelay $0x1  }
0x109: {  	v10 =	vmul.f32 v11, v10  }
0x10a: {  	v12 =	vld.idx.msk [tilespmem:v52+s30+$0x0], $0xffff  }
0x10b: {  	v53 =	vld.idx.msk [tilespmem:v52+s31+$0x0], $0xffff;
	v9 =	vmul.f32 v10, v9;
	_ =	sdelay $0x1  }
0x10c: {  	v9 =	vclamp.gez.f32 v9, $5.999999520e+00  }
0x10d: {  	v9 =	vmul.f32 $1.365166630e+03, v9  }
0x10e: {  	v12 =	vtrunc.f32 v12  }
0x10f: {  	v11 =	vtrunc.f32 v53;
	v13 =	vtrunc.f32 v9  }
0x110: {  	v11 =	vcvt.f32.s32 v11;
	v13 =	vcvt.f32.s32 v13  }
0x111: {  	v12 =	vcvt.f32.s32 v12  }
0x112: {  	v14 =	vshll.u32 v11, $0xD;
	v15 =	vadd.s32 $0x1, v13  }
0x113: {  	v12 =	vshll.u32 v12, $0xD;
	v16 =	vadd.s32 v13, v14;
	vm0 =	vlt.s32 v15, $0x1FFF  }
0x114: {  	v17 =	vadd.s32 v13, v12;
	v15 =	vnsel vm0, $0x1FFF, v15  }
0x115: {  	v18 =	vadd.s32 v12, v15  }
0x116: {  	v11 =	vshll.u32 v11, $0xE;
	v14 =	vadd.s32 v14, v15  }
0x117: {  	v11 =	vadd.s32 v12, v11  }
0x118: {  	v55 =	vadd.s32 v13, v11;
	v54 =	vld.idx.msk [tilespmem:v16+s23+$0x0], $0xffff  }
0x119: {  	v11 =	vadd.s32 v11, v15;
	v17 =	vld.idx.msk [tilespmem:v17+s23+$0x0], $0xffff  }
0x11a: {  	v56 =	vld.idx.msk [tilespmem:v18+s23+$0x0], $0xffff  }
0x11b: {  	v57 =	vor.u32 $0x4, v6;
	v14 =	vld.idx.msk [tilespmem:v14+s23+$0x0], $0xffff;
	_ =	sdelay $0x1  }
0x11c: {  	v13 =	vcvt.s32.f32 v13;
	v58 =	vld.idx.msk [tilespmem:v55+s26+$0x0], $0xffff  }
0x11d: {  	v19 =	vld.idx.msk [tilespmem:v11+s26+$0x0], $0xffff  }
0x11e: {  	v9 =	vsub.f32 v9, v13  }
0x11f: {  	v60 =	vld.idx.msk [tilespmem:v57+s31+$0x0], $0xffff;
	v59 =	vsub.f32 v56, v17;
	v14 =	vsub.f32 v14, v54  }
0x120: {  	v6 =	vld.idx.msk [tilespmem:v57+s30+$0x0], $0xffff  }
0x121: {  	v13 =	vmul.f32 v9, v59;
	v14 =	vmul.f32 v9, v14  }
0x122: {  	v61 =	vsub.f32 v19, v58  }
0x123: {  	v13 =	vadd.f32 v13, v17;
	v12 =	vadd.f32 v14, v54  }
0x124: {  	v14 =	vmul.f32 v9, v61  }
0x125: {  	v13 =	vmul.f32 v13, v60;
	v6 =	vmul.f32 v12, v6;
	_ =	sdelay $0x1  }
0x126: {  	v62 =	vadd.f32 v14, v58;
	v6 =	vadd.f32 v6, v13;
	_ =	sdelay $0x1  }
0x127: {  	v6 =	vadd.f32 v6, v62;
	_ =	sdelay $0x1  }
0x128: {  	v6 =	vsub.f32 $0.0e+00, v6;
	_ =	sdelay $0x1  }
0x129: {  	v6 =	vmul.f32 v6, v10;
	_ =	sdelay $0x1  }
0x12a: {  	v3 =	vmul.f32 v6, v3  }
0x12b: {  	v63 =	vld.idx.msk [tilespmem:v55+s25+$0x0], $0xffff;
	v4 =	vmul.f32 v6, v4  }
0x12c: {  	s0 =	sadd.s32 $0x10, s0;
	v11 =	vld.idx.msk [tilespmem:v11+s25+$0x0], $0xffff;
	v2 =	vmul.f32 v6, v2;
	[tilespmem:s8+$0x0] =	vst v3  }
0x12d: {  	s14 =	sadd.s32 $0x10, s14;
	[tilespmem:s0+$0x0] =	vst v4  }
0x12e: {  	s15 =	simm.s32 $0x4400;
	[tilespmem:s14+$0x0] =	vst v2  }
0x12f: {  	[spmem:s1] =	stream.indirect.scatter.add.f32 [tilespmem:s15], [sflag:$0x2], $0x1, s28, s29, $0xb8;
	[tilespmem:$0x1D360] =	vst v63  }
0x130: {  	_ =	swait.ge [sflag:s24], $0x80  }
0x131: {  	[sflag:s24] =	ssyncset.done $0x0  }
0x132: {  	s16 =	simm.s32 $0x4600;
	[sflag:s24] =	ssyncadd.s32 $0xFFFFFF80  }
0x133: {  	[spmem:s2] =	stream.indirect.scatter.add.f32 [tilespmem:s16], [sflag:$0x2], $0x1, s28, s29, $0xb8;
	[tilespmem:$0x1D360] =	vst v63  }
0x134: {  	_ =	swait.ge [sflag:s24], $0x80  }
0x135: {  	[sflag:s24] =	ssyncset.done $0x0  }
0x136: {  	s19 =	simm.s32 $0x4800;
	[sflag:s24] =	ssyncadd.s32 $0xFFFFFF80  }
0x137: {  	[spmem:s3] =	stream.indirect.scatter.add.f32 [tilespmem:s19], [sflag:$0x2], $0x1, s28, s29, $0xb8;
	[tilespmem:$0x1D360] =	vst v63  }
0x138: {  	_ =	swait.ge [sflag:s24], $0x80  }
0x139: {  	[sflag:s24] =	ssyncset.done $0x0  }
0x13a: {  	s6 =	simm.s32 $0x4480;
	[sflag:s24] =	ssyncadd.s32 $0xFFFFFF80  }
0x13b: {  	[spmem:s1] =	stream.indirect.scatter.add.f32 [tilespmem:s6], [sflag:$0x2], $0x1, s5, s29, $0xb8;
	[tilespmem:$0x1D360] =	vst v63  }
0x13c: {  	_ =	swait.ge [sflag:s24], $0x80  }
0x13d: {  	[sflag:s24] =	ssyncset.done $0x0  }
0x13e: {  	s7 =	simm.s32 $0x4680;
	[sflag:s24] =	ssyncadd.s32 $0xFFFFFF80  }
0x13f: {  	[spmem:s2] =	stream.indirect.scatter.add.f32 [tilespmem:s7], [sflag:$0x2], $0x1, s5, s29, $0xb8;
	[tilespmem:$0x1D360] =	vst v63  }
0x140: {  	_ =	swait.ge [sflag:s24], $0x80  }
0x141: {  	[sflag:s24] =	ssyncset.done $0x0  }
0x142: {  	s8 =	simm.s32 $0x4880;
	[sflag:s24] =	ssyncadd.s32 $0xFFFFFF80  }
0x143: {  	[spmem:s3] =	stream.indirect.scatter.add.f32 [tilespmem:s8], [sflag:$0x2], $0x1, s5, s29, $0xb8;
	[tilespmem:$0x1D360] =	vst v63  }
0x144: {  	_ =	swait.ge [sflag:s24], $0x80  }
0x145: {  	[sflag:s24] =	ssyncset.done $0x0  }
0x146: {  	s10 =	simm.s32 $0x4500;
	[sflag:s24] =	ssyncadd.s32 $0xFFFFFF80  }
0x147: {  	[spmem:s1] =	stream.indirect.scatter.add.f32 [tilespmem:s10], [sflag:$0x2], $0x1, s12, s29, $0xb8;
	[tilespmem:$0x1D360] =	vst v63  }
0x148: {  	_ =	swait.ge [sflag:s24], $0x80  }
0x149: {  	[sflag:s24] =	ssyncset.done $0x0  }
0x14a: {  	s11 =	simm.s32 $0x4700;
	[sflag:s24] =	ssyncadd.s32 $0xFFFFFF80  }
0x14b: {  	[spmem:s2] =	stream.indirect.scatter.add.f32 [tilespmem:s11], [sflag:$0x2], $0x1, s12, s29, $0xb8;
	[tilespmem:$0x1D360] =	vst v63  }
0x14c: {  	_ =	swait.ge [sflag:s24], $0x80  }
0x14d: {  	[sflag:s24] =	ssyncset.done $0x0  }
0x14e: {  	s14 =	simm.s32 $0x4900;
	[sflag:s24] =	ssyncadd.s32 $0xFFFFFF80  }
0x14f: {  	[spmem:s3] =	stream.indirect.scatter.add.f32 [tilespmem:s14], [sflag:$0x2], $0x1, s12, s29, $0xb8;
	[tilespmem:$0x1D360] =	vst v63  }
0x150: {  	_ =	swait.ge [sflag:s24], $0x80  }
0x151: {  	[sflag:s24] =	ssyncset.done $0x0  }
0x152: {  	s15 =	simm.s32 $0x4580;
	[sflag:s24] =	ssyncadd.s32 $0xFFFFFF80  }
0x153: {  	[spmem:s1] =	stream.indirect.scatter.add.f32 [tilespmem:s15], [sflag:$0x2], $0x1, s18, s29, $0xb8;
	[tilespmem:$0x1D360] =	vst v63  }
0x154: {  	_ =	swait.ge [sflag:s24], $0x80  }
0x155: {  	v2 =	vmul.f32 v5, v8;
	[sflag:s24] =	ssyncset.done $0x0  }
0x156: {  	s16 =	simm.s32 $0x4780;
	[sflag:s24] =	ssyncadd.s32 $0xFFFFFF80  }
0x157: {  	v3 =	vsub.f32 v11, v63;
	v2 =	vadd.f32 v2, v7;
	[spmem:s2] =	stream.indirect.scatter.add.f32 [tilespmem:s16], [sflag:$0x2], $0x1, s18, s29, $0xb8;
	[tilespmem:$0x1D360] =	vst v63  }
0x158: {  	p0 =	slt.u32 s4, $0x30D400;
	s22 =	sadd.s32 $0x1, s22;
	_ =	swait.ge [sflag:s24], $0x80  }
0x159: {  	v3 =	vmul.f32 v9, v3;
	v2 =	vpsel !p0, $0x0, v2;
	p0 =	sne.s32 s22, $0xC4;
	[sflag:s24] =	ssyncset.done $0x0  }
.Ltmp1:
0x15a: {  	s19 =	simm.s32 $0x4980;
	[sflag:s24] =	ssyncadd.s32 $0xFFFFFF80;
	(pc) =	sbr.rel @p0 .LBB2_2-.Ltmp1, $4  }
0x15b: {  	v3 =	vadd.f32 v3, v63;
	[spmem:s3] =	stream.indirect.scatter.add.f32 [tilespmem:s19], [sflag:$0x2], $0x1, s18, s29, $0xb8;
	[tilespmem:$0x1D360] =	vst v63  }
0x15c: {  	p6 =	slt.u32 s17, $0x30D400;
	v1 =	vadd.f32 v2, v1;
	_ =	swait.ge [sflag:s24], $0x80  }
0x15d: {  	v2 =	vpsel !p6, $0x0, v3;
	[sflag:s24] =	ssyncset.done $0x0  }
0x15e: {  	s21 =	sadd.s32 $0x200, s21;
	v1 =	vadd.f32 v2, v1;
	[sflag:s24] =	ssyncadd.s32 $0xFFFFFF80  }
0x15f: {  	_ = 	snop  }
0x160: {  	[tilespmem:$0x18A00] =	vst v1  }
0x161: {  	[bflag:$0x0] =	sbarrier.arrive $0xFFFF  }
0x162: {  	s0 =	rddreg [dreg:$0xf]  }
0x163: {  	s4 =	rddreg [dreg:$0x16]  }
0x164: {  	s6 =	rddreg [dreg:$0x17]  }
0x165: {  	[hbm:s0], [sflag:s4] =	dma.local [spmem:s6], $0x30E  }
0x166: {  	_ =	swait.ge [sflag:s24], $0x30E  }
0x167: {  	[sflag:s24] =	ssyncset.done $0x0;
	s11 =	rddreg [dreg:$0x10]  }
0x168: {  	s14 =	rddreg [dreg:$0x18];
	[sflag:s24] =	ssyncadd.s32 $0xFFFFFCF2  }
0x169: {  	[hbm:s11], [sflag:s4] =	dma.local [spmem:s14], $0x30E  }
0x16a: {  	_ =	swait.ge [sflag:s24], $0x30E  }
0x16b: {  	[sflag:s24] =	ssyncset.done $0x0;
	s15 =	rddreg [dreg:$0x11]  }
0x16c: {  	s16 =	rddreg [dreg:$0x19];
	[sflag:s24] =	ssyncadd.s32 $0xFFFFFCF2  }
0x16d: {  	[hbm:s15], [sflag:s4] =	dma.local [spmem:s16], $0x30E  }
0x16e: {  	_ =	swait.ge [sflag:s24], $0x30E  }
0x16f: {  	s19 =	simm.s32 $0x18A00;
	[sflag:s24] =	ssyncset.done $0x0  }
0x170: {  	s15 =	simm.s32 $0x0;
	s17 =	rddreg [dreg:$0x12];
	[sflag:s24] =	ssyncadd.s32 $0xFFFFFCF2  }
0x171: {  	[hbm4b:s17+s15] =	stream.linear.scatter [tilespmem:s19], [sflag:$0x2], $0x10, $0x38;
	[tilespmem:$0x1D360] =	vst v63  }
0x172: {  	_ =	swait.ge [sflag:s24], $0x10  }
0x173: {  	s21 =	rddreg [dreg:$0x15]  }
0x174: {  	s22 =	rddreg [dreg:$0x13];
	s4 =	sadd.s32 $0x1, s21  }
0x175: {  	p0 =	sne.s32 s4, s22  }
.Ltmp2:
0x176: {  	_ = 	snop;
	(pc) =	sbr.rel @p0 .LBB2_1-.Ltmp2, $3  }
0x177: {  	_ =	sdelay $0x1  }
0x178: {  	[sflag:s24] =	ssyncset.done $0x0  }
0x179: {  	[sflag:s24] =	ssyncadd.s32 $0xFFFFFFF0  }
0x17a: {  	_ =	sfence.sel $0x180000  }
0x17b: {  	[bflag:$0x0] =	sbarrier.arrive $0xFFFF  }
0x17c: {  	_ =	strace $0x9000004D  }
0x17d: {  	s0 =	stileid.u32;
	[bflag:$0x2] =	sbarrier.arrive $0xFFFF  }
0x17e: {  	p0 =	sne.s32 s0, $0x0;
	s0 =	rddreg [dreg:$0x5]  }
0x17f: {  	s0 =	sadd.s32 @!p0 $0x100000, s0  }
0x180: {  	[sflag:s0] =	ssyncadd.tile.s32 @!p0 $0x1;
	_ =	shalt  }
.Lfunc_end2:
_tile_overlayer_lowered:
.L_overlay_start_2:
0x181: {  	(tag) =	ssettag $0x2  }
0x182: {  	s0 =	rddreg [dreg:$0x0];
	s2 =	stileid.u32  }
0x183: {  	s1 =	rddreg [dreg:$0x1];
	p0 =	sne.s32 s2, $0x0  }
0x184: {  	s3 =	rddreg [dreg:$0x2];
	[bflag:$0x3] =	sbarrier.arrive $0xFFFF;
	s2 =	simm.s32 @!p0 $0x1C02  }
0x185: {  	[timem:s3], [sflag:s2] =	dma.local @!p0 [hbm:s0], s1  }
0x186: {  	s0 =	simm.s32 @!p0 $0x2  }
0x187: {  	_ =	swait.ge @!p0 [sflag:s0], s1  }
0x188: {  	s1 =	ssub.s32 @!p0 $0x0, s1;
	[sflag:s0] =	ssyncset.done @!p0 $0x0  }
0x189: {  	[sflag:s0] =	ssyncadd.s32 @!p0 s1  }
0x18a: {  	[bflag:$0x3] =	sbarrier.arrive $0xFFFF  }
0x18b: {  	_ =	shalt  }

// kernel: kernel.6.cloned.1.call-start
scs
__scs_entry_jumppad:
0x0: {  	(pc) =	sbr.rel $0x88, $3  }
0x1: {  	(tag) =	ssettag $0x0;
	lr =	simm.s32 $0x1  }
0x2: {  	[smem:$0x3F98] =	sst lr;
	_ =	strace $0xD0000000  }
0x3: {  	_ = 	snop  }
0x4: {  	_ = 	snop  }
0x5: {  	_ = 	snop  }
0x6: {  	_ = 	snop  }
0x7: {  	_ = 	snop  }
__scs_overlays_trampoline_lowered:
0x8: {  	[smem:$0x3FA7] =	sst s0  }
0x9: {  	[smem:$0x3FA8] =	sst s1  }
0xa: {  	[smem:$0x3FA9] =	sst s2  }
0xb: {  	[smem:$0x3FAA] =	sst s3  }
0xc: {  	[smem:$0x3FAB] =	sst s4  }
0xd: {  	[smem:$0x3FAC] =	sst s5  }
0xe: {  	[smem:$0x3FAD] =	sst s6  }
0xf: {  	[smem:$0x3FAE] =	sst s7  }
0x10: {  	[smem:$0x3FAF] =	sst s8  }
0x11: {  	[smem:$0x3FB0] =	sst s9;
	s0 =	simm.s32 @!p0 $0x0  }
0x12: {  	s1 =	sld [smem:$0x3F96];
	s0 =	simm.s32 @p0 $0x1  }
0x13: {  	[smem:$0x3FB1] =	sst s0;
	s0 =	simm.s32 @!p1 $0x0  }
0x14: {  	s2 =	sld [smem:$0x3F95];
	s0 =	simm.s32 @p1 $0x1  }
0x15: {  	[smem:$0x3FB2] =	sst s0;
	s0 =	simm.s32 @!p2 $0x0  }
0x16: {  	s3 =	sld [smem:$0x3FDB];
	s0 =	simm.s32 @p2 $0x1  }
0x17: {  	s4 =	simm.s32 $0x1BF5;
	[smem:$0x3FB4] =	sst s0  }
0x18: {  	s0 =	sld [smem:$0x3F97];
	_ =	swait.ge [sflag:s4], $0x0  }
0x19: {  	s7 =	sld [smem:$0x3F98]  }
0x1a: {  	s8 =	sadd.s32 $0xFFFFE003, lr  }
0x1b: {  	s9 =	sadd.s32 $0xFFFFFEF7, lr;
	s5 =	simm.s32 $0xFFFFFFFF;
	p2 =	slt.u32 s8, $0xFFFFF086  }
0x1c: {  	p1 =	slt.u32 s9, $0xF7A;
	s5 =	simm.s32 @!p2 $0x0  }
0x1d: {  	s5 =	simm.s32 @p1 $0x1;
	p0 =	seq.s32 s7, s2  }
0x1e: {  	s7 =	smul.u32 @!p0 $0xF7A, s2;
	p2 =	seq.s32 @!p0 s5, $0x0  }
0x1f: {  	s9 =	smul.u32 $0xF7A, s1;
	s8 =	simm.s32 @!p0 $0x1BF5;
	p2 =	por !p2, p0  }
0x20: {  	[sflag:s8] =	ssyncset.s32 @!p0 $0xFFFFF086;
	s6 =	sadd.s32 @!p0 s3, s7;
	s7 =	simm.s32 @!p0 $0x108  }
0x21: {  	s3 =	sadd.s32 s3, s9;
	s6 =	sadd.s32 @!p0 $0x88, s6;
	s7 =	simm.s32 @p2 $0x1082  }
0x22: {  	[simem:s7], [sflag:s8] =	dma.local @!p0 [hbm:s6], $0xF7A  }
0x23: {  	s9 =	sor.u32 $0xD0000000, s2;
	s6 =	simm.s32 $0x108;
	_ =	swait.ge @!p0 [sflag:s8], $0x0  }
0x24: {  	s3 =	sadd.s32 $0x88, s3;
	s6 =	simm.s32 @!p1 $0x1082;
	[sflag:s4] =	ssyncset.s32 $0xFFFFF086  }
0x25: {  	[simem:s6], [sflag:s4] =	dma.local [hbm:s3], $0xF7A  }
0x26: {  	[smem:$0x3F98] =	sst s1;
	(tag) =	ssettag s2;
	_ =	strace s9  }
0x27: {  	s1 =	sld [smem:$0x3FA8]  }
0x28: {  	s2 =	sld [smem:$0x3FA9]  }
0x29: {  	s4 =	sld [smem:$0x3FAB]  }
0x2a: {  	p0 =	seq.s32 s5, $0x0;
	s5 =	sld [smem:$0x3FAC]  }
0x2b: {  	s6 =	sld [smem:$0x3FAD]  }
0x2c: {  	s7 =	sld [smem:$0x3FAE]  }
0x2d: {  	s3 =	simm.s32 $0x108;
	s8 =	sld [smem:$0x3FAF]  }
0x2e: {  	s3 =	simm.s32 @!p0 $0x1082;
	s9 =	sld [smem:$0x3FB0]  }
0x2f: {  	lr =	sadd.s32 s0, s3;
	s0 =	sld [smem:$0x3FA7]  }
0x30: {  	s3 =	sld [smem:$0x3FAA]  }
0x31: {  	[smem:$0x3FB3] =	sst s10  }
0x32: {  	s10 =	sld [smem:$0x3FB1];
	_ =	sdelay $0x3  }
0x33: {  	p0 =	seq.s32 s10, $0x1;
	s10 =	sld [smem:$0x3FB3];
	_ =	sdelay $0x3  }
0x34: {  	[smem:$0x3FB3] =	sst s10  }
0x35: {  	s10 =	sld [smem:$0x3FB2];
	_ =	sdelay $0x3  }
0x36: {  	p1 =	seq.s32 s10, $0x1;
	s10 =	sld [smem:$0x3FB3];
	_ =	sdelay $0x3  }
0x37: {  	[smem:$0x3FB3] =	sst s10  }
0x38: {  	s10 =	sld [smem:$0x3FB4]  }
0x39: {  	_ = 	snop;
	(pc) =	sbr.ind lr, $3  }
0x3a: {  	_ = 	snop  }
0x3b: {  	_ = 	snop  }
0x3c: {  	p2 =	seq.s32 s10, $0x1;
	s10 =	sld [smem:$0x3FB3]  }
0x3d: {  	_ =	shalt  }
0x3e: {  	_ =	shalt  }
0x3f: {  	_ =	shalt  }
0x40: {  	_ =	shalt  }
0x41: {  	_ =	shalt  }
0x42: {  	_ =	shalt  }
0x43: {  	_ =	shalt  }
0x44: {  	_ =	shalt  }
0x45: {  	_ =	shalt  }
0x46: {  	_ =	shalt  }
0x47: {  	_ =	shalt  }
0x48: {  	_ =	shalt  }
0x49: {  	_ =	shalt  }
0x4a: {  	_ =	shalt  }
0x4b: {  	_ =	shalt  }
0x4c: {  	_ =	shalt  }
0x4d: {  	_ =	shalt  }
0x4e: {  	_ =	shalt  }
0x4f: {  	_ =	shalt  }
0x50: {  	_ =	shalt  }
0x51: {  	_ =	shalt  }
0x52: {  	_ =	shalt  }
0x53: {  	_ =	shalt  }
0x54: {  	_ =	shalt  }
0x55: {  	_ =	shalt  }
0x56: {  	_ =	shalt  }
0x57: {  	_ =	shalt  }
0x58: {  	_ =	shalt  }
0x59: {  	_ =	shalt  }
0x5a: {  	_ =	shalt  }
0x5b: {  	_ =	shalt  }
0x5c: {  	_ =	shalt  }
0x5d: {  	_ =	shalt  }
0x5e: {  	_ =	shalt  }
0x5f: {  	_ =	shalt  }
0x60: {  	_ =	shalt  }
0x61: {  	_ =	shalt  }
0x62: {  	_ =	shalt  }
0x63: {  	_ =	shalt  }
0x64: {  	_ =	shalt  }
0x65: {  	_ =	shalt  }
0x66: {  	_ =	shalt  }
0x67: {  	_ =	shalt  }
0x68: {  	_ =	shalt  }
0x69: {  	_ =	shalt  }
0x6a: {  	_ =	shalt  }
0x6b: {  	_ =	shalt  }
0x6c: {  	_ =	shalt  }
0x6d: {  	_ =	shalt  }
0x6e: {  	_ =	shalt  }
0x6f: {  	_ =	shalt  }
0x70: {  	_ =	shalt  }
0x71: {  	_ =	shalt  }
0x72: {  	_ =	shalt  }
0x73: {  	_ =	shalt  }
0x74: {  	_ =	shalt  }
0x75: {  	_ =	shalt  }
0x76: {  	_ =	shalt  }
0x77: {  	_ =	shalt  }
0x78: {  	_ =	shalt  }
0x79: {  	_ =	shalt  }
0x7a: {  	_ =	shalt  }
0x7b: {  	_ =	shalt  }
0x7c: {  	_ =	shalt  }
0x7d: {  	_ =	shalt  }
0x7e: {  	_ =	shalt  }
0x7f: {  	_ =	shalt  }
0x80: {  	_ =	shalt  }
0x81: {  	_ =	shalt  }
0x82: {  	_ =	shalt  }
0x83: {  	_ =	shalt  }
0x84: {  	_ =	shalt  }
0x85: {  	_ =	shalt  }
0x86: {  	_ =	shalt  }
0x87: {  	_ =	shalt  }
.Lfunc_end0:
.L_simem_size_0:
called_computation_lowered:
.L_overlay_start_0:
0x88: {  	s2 =	sld [smem:$0x3FD9]  }
0x89: {  	s3 =	sld [smem:$0x3FFE];
	_ =	sdelay $0x1  }
0x8a: {  	s1 =	srdreg.scid  }
0x8b: {  	s0 =	sand.u32 $0x1, s1  }
0x8c: {  	s14 =	sshll.u32 s0, $0xA;
	s2 =	sadd.s32 s3, s2  }
0x8d: {  	s2 =	sadd.s32 s2, s14  }
0x8e: {  	[smem:$0x3FBF] =	sst s2  }
0x8f: {  	_ = 	snop  }
0x90: {  	s2 =	sld [smem:$0x3FD0];
	_ =	sdelay $0x2  }
0x91: {  	s15 =	simm.s32 $0xA;
	s4 =	simm.s32 $0x10  }
0x92: {  	[smem:s4], [sflag:s15] =	dma.local [hbm:s2], $0x1  }
0x93: {  	_ =	swait.eq [sflag:s15], $0x1  }
0x94: {  	[sflag:s15] =	ssyncset.done $0x0  }
0x95: {  	[sflag:s15] =	ssyncadd.s32 $0xFFFFFFFF  }
0x96: {  	s16 =	sld [smem:$0x11];
	(tm) =	ssettm $0x1  }
0x97: {  	s17 =	sld [smem:$0x3FFB];
	_ =	sdelay $0x3  }
0x98: {  	_ =	strace s17  }
0x99: {  	s3 =	sld [smem:$0x3FFC];
	_ =	sdelay $0x3  }
0x9a: {  	_ =	strace s3  }
0x9b: {  	s3 =	sld [smem:$0x3FFD];
	_ =	sdelay $0x3  }
0x9c: {  	_ =	strace s3  }
0x9d: {  	_ =	strace $0x8FFFFFFF  }
0x9e: {  	s18 =	sld [smem:$0x3FDB];
	_ =	sdelay $0x1  }
0x9f: {  	s19 =	simm.s32 $_scs_section_size  }
0xa0: {  	s5 =	simm.s32 $_size__tile_overlayer_lowered;
	s6 =	simm.s32 $_tile_overlayer_lowered  }
0xa1: {  	s22 =	simm.s32 $0x1BFF;
	s21 =	sshll.u32 s6, $0x1;
	s3 =	sadd.s32 s19, s18  }
0xa2: {  	s7 =	simm.s32 $0x0;
	s20 =	sshll.u32 s5, $0x1;
	s5 =	sadd.s32 s21, s3  }
0xa3: {  	[timem:s7], [sflag:s22] =	dma.local [hbm:s5], s20  }
0xa4: {  	_ =	swait.ge [sflag:s22], s20  }
0xa5: {  	s4 =	ssub.s32 $0x0, s20;
	[sflag:s22] =	ssyncset.done $0x0  }
0xa6: {  	[sflag:s22] =	ssyncadd.s32 s4;
	_ =	sdelay $0x1  }
0xa7: {  	s23 =	simm.s32 $0x1B8B  }
0xa8: {  	_ =	swait.ge [sflag:s23], $0x1  }
0xa9: {  	[sflag:s23] =	ssyncset.done $0x0  }
0xaa: {  	s25 =	simm.s32 $0x1B8E;
	s24 =	sld [smem:$0x3FFE];
	[sflag:s23] =	ssyncadd.s32 $0xFFFFFFFF  }
0xab: {  	s26 =	simm.s32 $execute0_lowered;
	[smem:$0x3FD2] =	sst s25  }
0xac: {  	s5 =	sshll.u32 s26, $0x1;
	_ =	strace $0x80000046;
	[dreg:$0x1] =	wrdreg $0xFFFFFFFF  }
0xad: {  	s28 =	simm.s32 $_size_execute0_lowered;
	s3 =	sadd.s32 s3, s5;
	[dreg:$0x0] =	wrdreg $0x0  }
0xae: {  	s5 =	sshll.u32 s28, $0x1;
	[dreg:$0x2] =	wrdreg s3  }
0xaf: {  	[dreg:$0x3] =	wrdreg s5  }
0xb0: {  	[dreg:$0x4] =	wrdreg $0xC0  }
0xb1: {  	_ =	task [dreg:s7], $0x5FFFF  }
0xb2: {  	[dreg:$0x1] =	wrdreg $0xFFFFFFFF  }
0xb3: {  	[dreg:$0x0] =	wrdreg $0x60  }
0xb4: {  	[dreg:$0x2] =	wrdreg s24  }
0xb5: {  	[dreg:$0x3] =	wrdreg s16  }
0xb6: {  	[dreg:$0x4] =	wrdreg $0xCC000  }
0xb7: {  	[dreg:$0x5] =	wrdreg $0x9  }
0xb8: {  	_ =	task.clear_ibuf [dreg:s7], $0x6FFFF;
	_ =	strace $0x90000046  }
0xb9: {  	s29 =	simm.s32 $0x9;
	_ =	strace $0x80000048  }
0xba: {  	_ =	swait.ge [sflag:s29], $0x1  }
0xbb: {  	[sflag:s29] =	ssyncadd.s32 $0xFFFFFFFF  }
0xbc: {  	_ =	strace $0x90000048  }
0xbd: {  	_ =	sfence  }
0xbe: {  	s30 =	sld [smem:$0x0];
	_ =	sdelay $0x2  }
0xbf: {  	s31 =	sshll.u32 s1, $0xD;
	s1 =	sshrl.u32 s1, $0x2  }
0xc0: {  	s3 =	sand.u32 $0x4000, s31;
	s1 =	sadd.s32 s1, s30  }
0xc1: {  	s0 =	sor.u32 s3, s0;
	s1 =	sshll.u32 s1, $0x11  }
0xc2: {  	s0 =	sor.u32 s1, s0  }
0xc3: {  	s0 =	sadd.s32 $0x8F2B, s0  }
0xc4: {  	[sflag:s0] =	ssyncadd.remote.s32 $0x1  }
0xc5: {  	_ =	sfence.sel $0xFFFF  }
0xc6: {  	[dreg:$0x0] =	wrdreg $0xFFFFFFFF;
	(pc) =	sbr.abs _section_cstart, $3  }
0xc7: {  	[dreg:$0x1] =	wrdreg $0xFFFFFFFF  }
0xc8: {  	_ =	task.clear_ibuf [dreg:s7], $0x2FFFF;
	_ =	strace $0x9FFFFFFF  }
0xc9: {  	(tm) =	ssettm $0x7FFFFFFF  }
tec
execute0_lowered:
.L_overlay_start_1:
0x0: {  	(tag) =	ssettag $0x1  }
0x1: {  	s0 =	rddreg [dreg:$0x0]  }
0x2: {  	s2 =	rddreg [dreg:$0x1]  }
0x3: {  	s1 =	rddreg [dreg:$0x2]  }
0x4: {  	s3 =	simm.s32 $0x0;
	s12 =	stileid.u32;
	s20 =	srdreg.scid  }
0x5: {  	s13 =	simm.s32 $0x2;
	s16 =	simm.s32 $0x400;
	s17 =	simm.s32 $0x80  }
0x6: {  	s18 =	simm.s32 $0x800;
	s19 =	simm.s32 $0x4800;
	s30 =	simm.s32 $0x580  }
0x7: {  	s28 =	simm.s32 $0x780;
	s31 =	simm.s32 $0x1;
	s14 =	simm.s32 $0x8A80  }
0x8: {  	s15 =	simm.s32 $0x8B00;
	[smem:$0x7FF] =	sst s3;
	s4 =	sadd.s32 $0x64C00, s0  }
0x9: {  	s5 =	sadd.s32 $0x2C00, s0;
	s7 =	smul.u32 $0x1870, s12;
	s3 =	sand.u32 $0x1, s20  }
0xa: {  	s6 =	sadd.s32 $0x3D4600, s0;
	s8 =	sadd.s32 $0x24D600, s0;
	s22 =	sshll.u32 s12, $0x1  }
0xb: {  	s29 =	sshll.u32 s12, $0x6;
	s12 =	simm.s32 $0x8C00;
	s20 =	simm.s32 $0x8B80  }
0xc: {  	_ =	strace $0x80000047;
	[dreg:$0x4] =	wrdreg s8;
	s21 =	ssub.s32 $0x2, s3  }
0xd: {  	s11 =	smul.u32 $0x18700, s3;
	s3 =	sor.u32 s3, s22;
	s24 =	sor.u32 $0x1C02, s29  }
0xe: {  	s22 =	simm.s32 $0x700;
	s9 =	sshrl.u32 s7, $0x3;
	s10 =	sshrl.u32 s21, $0x1  }
0xf: {  	s23 =	sadd.s32 s7, s1;
	[dreg:$0x8] =	wrdreg s24;
	s0 =	sadd.s32 s9, s0  }
0x10: {  	s8 =	ssub.s32 s21, s10;
	s7 =	sadd.s32 s7, s11;
	s9 =	smul.u32 $0x18800, s3  }
0x11: {  	s21 =	simm.s32 $0x480;
	s3 =	simm.s32 $0x600;
	s11 =	simm.s32 $0x680  }
0x12: {  	s10 =	simm.s32 $0x8A00;
	s0 =	sadd.s32 $0x24DE00, s0;
	s25 =	sshrl.u32 s7, $0x3  }
0x13: {  	s26 =	smax.u32 s8, $0x1;
	s7 =	simm.s32 $0x8900;
	[dreg:$0x5] =	wrdreg s0  }
0x14: {  	s8 =	simm.s32 $0x8980;
	s0 =	sadd.s32 s2, s25;
	[dreg:$0x7] =	wrdreg s26  }
0x15: {  	v0 =	vlaneseq.u32;
	s26 =	sshrl.u32 s23, $0x3;
	s25 =	simm.s32 $0x500;
	[dreg:$0x6] =	wrdreg s0  }
0x16: {  	v0 =	vmul.u32 $0x10, v0;
	s2 =	simm.s32 $0x8880;
	s23 =	simm.s32 $0x0;
	[dreg:$0x9] =	wrdreg s26  }
.LBB2_1:
0x17: {  	[dreg:$0xa] =	wrdreg s23  }
0x18: {  	s0 =	simm.s32 $0x0;
	s29 =	rddreg [dreg:$0x4]  }
0x19: {  	[tilespmem:s12], [sflag:$0x2] =	stream.linear.gather [hbm4b:s29+s0], $0x4000, $0x38;
	[tilespmem:$0xE470] =	vst v63  }
0x1a: {  	_ =	swait.ge [sflag:s13], $0x4000  }
0x1b: {  	[sflag:s13] =	ssyncset.done $0x0  }
0x1c: {  	s29 =	rddreg [dreg:$0x5];
	[sflag:s13] =	ssyncadd.s32 $0xFFFFC000  }
0x1d: {  	[spmem:s26], [sflag:s24] =	dma.local [hbm:s29], $0x30E  }
0x1e: {  	_ =	swait.ge [sflag:s13], $0x30E  }
0x1f: {  	[sflag:s13] =	ssyncset.done $0x0  }
0x20: {  	[sflag:s13] =	ssyncadd.s32 $0xFFFFFCF2  }
0x21: {  	s23 =	simm.s32 $0x0;
	[bflag:$0x0] =	sbarrier.arrive $0xFFFF  }
.LBB2_2:
0x22: {  	s0 =	sshll.u32 s23, $0xA  }
0x23: {  	s0 =	sadd.s32 s9, s0  }
0x24: {  	s0 =	sshrl.u32 s0, $0x3  }
0x25: {  	s24 =	simm.s32 $0x0;
	s26 =	sadd.s32 s4, s0  }
0x26: {  	[tilespmem:s24], [sflag:$0x2] =	stream.linear.gather [hbm4b:s26+s24], $0x400, $0x38;
	[tilespmem:$0xE470] =	vst v63  }
0x27: {  	_ =	swait.ge [sflag:s13], $0x400  }
0x28: {  	[sflag:s13] =	ssyncset.done $0x0  }
0x29: {  	s0 =	sadd.s32 s5, s0;
	[sflag:s13] =	ssyncadd.s32 $0xFFFFFC00  }
0x2a: {  	[tilespmem:s16], [sflag:$0x2] =	stream.linear.gather [hbm4b:s0+s24], $0x400, $0x38;
	[tilespmem:$0xE470] =	vst v63  }
0x2b: {  	_ =	swait.ge [sflag:s13], $0x400  }
0x2c: {  	[sflag:s13] =	ssyncset.done $0x0  }
0x2d: {  	[sflag:s13] =	ssyncadd.s32 $0xFFFFFC00  }
0x2e: {  	[tilespmem:s18], [sflag:$0x1] =	stream.indirect.gather [hbm4b:s6+s17], $0x10, s24, s17, $0xb8;
	[tilespmem:$0xE470] =	vst v63  }
0x2f: {  	_ = 	snop  }
0x30: {  	[tilespmem:s19], [sflag:$0x1] =	stream.indirect.gather [hbm4b:s6+s17], $0x10, s16, s17, $0xb8;
	[tilespmem:$0xE470] =	vst v63  }
0x31: {  	s26 =	simm.s32 $0x1000  }
0x32: {  	[tilespmem:s26], [sflag:$0x1] =	stream.indirect.gather [hbm4b:s6+s17], $0x10, s17, s17, $0xb8;
	[tilespmem:$0xE470] =	vst v63  }
0x33: {  	s26 =	simm.s32 $0x5000  }
0x34: {  	[tilespmem:s26], [sflag:$0x1] =	stream.indirect.gather [hbm4b:s6+s17], $0x10, s21, s17, $0xb8;
	[tilespmem:$0xE470] =	vst v63  }
0x35: {  	s0 =	simm.s32 $0x100;
	s26 =	simm.s32 $0x1800  }
0x36: {  	[tilespmem:s26], [sflag:$0x1] =	stream.indirect.gather [hbm4b:s6+s17], $0x10, s0, s17, $0xb8;
	[tilespmem:$0xE470] =	vst v63  }
0x37: {  	s26 =	simm.s32 $0x5800  }
0x38: {  	[tilespmem:s26], [sflag:$0x1] =	stream.indirect.gather [hbm4b:s6+s17], $0x10, s25, s17, $0xb8;
	[tilespmem:$0xE470] =	vst v63  }
0x39: {  	s0 =	simm.s32 $0x180;
	s26 =	simm.s32 $0x2000  }
0x3a: {  	[tilespmem:s26], [sflag:$0x1] =	stream.indirect.gather [hbm4b:s6+s17], $0x10, s0, s17, $0xb8;
	[tilespmem:$0xE470] =	vst v63  }
0x3b: {  	s26 =	simm.s32 $0x6000  }
0x3c: {  	[tilespmem:s26], [sflag:$0x1] =	stream.indirect.gather [hbm4b:s6+s17], $0x10, s30, s17, $0xb8;
	[tilespmem:$0xE470] =	vst v63  }
0x3d: {  	s0 =	simm.s32 $0x200;
	s26 =	simm.s32 $0x2800  }
0x3e: {  	[tilespmem:s26], [sflag:$0x1] =	stream.indirect.gather [hbm4b:s6+s17], $0x10, s0, s17, $0xb8;
	[tilespmem:$0xE470] =	vst v63  }
0x3f: {  	s26 =	simm.s32 $0x6800  }
0x40: {  	[tilespmem:s26], [sflag:$0x1] =	stream.indirect.gather [hbm4b:s6+s17], $0x10, s3, s17, $0xb8;
	[tilespmem:$0xE470] =	vst v63  }
0x41: {  	s0 =	simm.s32 $0x280;
	s26 =	simm.s32 $0x3000  }
0x42: {  	[tilespmem:s26], [sflag:$0x1] =	stream.indirect.gather [hbm4b:s6+s17], $0x10, s0, s17, $0xb8;
	[tilespmem:$0xE470] =	vst v63  }
0x43: {  	s26 =	simm.s32 $0x7000  }
0x44: {  	[tilespmem:s26], [sflag:$0x1] =	stream.indirect.gather [hbm4b:s6+s17], $0x10, s11, s17, $0xb8;
	[tilespmem:$0xE470] =	vst v63  }
0x45: {  	s0 =	simm.s32 $0x300;
	s26 =	simm.s32 $0x3800  }
0x46: {  	[tilespmem:s26], [sflag:$0x1] =	stream.indirect.gather [hbm4b:s6+s17], $0x10, s0, s17, $0xb8;
	[tilespmem:$0xE470] =	vst v63  }
0x47: {  	s26 =	simm.s32 $0x7800  }
0x48: {  	[tilespmem:s26], [sflag:$0x1] =	stream.indirect.gather [hbm4b:s6+s17], $0x10, s22, s17, $0xb8;
	[tilespmem:$0xE470] =	vst v63  }
0x49: {  	s0 =	simm.s32 $0x380;
	s26 =	simm.s32 $0x4000  }
0x4a: {  	[tilespmem:s26], [sflag:$0x1] =	stream.indirect.gather [hbm4b:s6+s17], $0x10, s0, s17, $0xb8;
	[tilespmem:$0xE470] =	vst v63  }
0x4b: {  	s26 =	simm.s32 $0x8000  }
0x4c: {  	[tilespmem:s26], [sflag:$0x1] =	stream.indirect.gather [hbm4b:s6+s17], $0x10, s28, s17, $0xb8;
	[tilespmem:$0xE470] =	vst v63  }
0x4d: {  	_ =	swait.ge [sflag:s31], $0x800  }
0x4e: {  	[sflag:s31] =	ssyncset.done $0x0  }
0x4f: {  	[sflag:s31] =	ssyncadd.s32 $0xFFFFF800  }
0x50: {  	_ =	swait.ge [sflag:s31], $0x800  }
0x51: {  	[sflag:s31] =	ssyncset.done $0x0  }
0x52: {  	[sflag:s31] =	ssyncadd.s32 $0xFFFFF800  }
0x53: {  	_ =	swait.ge [sflag:s31], $0x800  }
0x54: {  	[sflag:s31] =	ssyncset.done $0x0  }
0x55: {  	[sflag:s31] =	ssyncadd.s32 $0xFFFFF800  }
0x56: {  	_ =	swait.ge [sflag:s31], $0x800  }
0x57: {  	[sflag:s31] =	ssyncset.done $0x0  }
0x58: {  	[sflag:s31] =	ssyncadd.s32 $0xFFFFF800  }
0x59: {  	_ =	swait.ge [sflag:s31], $0x800  }
0x5a: {  	[sflag:s31] =	ssyncset.done $0x0  }
0x5b: {  	[sflag:s31] =	ssyncadd.s32 $0xFFFFF800  }
0x5c: {  	_ =	swait.ge [sflag:s31], $0x800  }
0x5d: {  	[sflag:s31] =	ssyncset.done $0x0  }
0x5e: {  	[sflag:s31] =	ssyncadd.s32 $0xFFFFF800  }
0x5f: {  	_ =	swait.ge [sflag:s31], $0x800  }
0x60: {  	[sflag:s31] =	ssyncset.done $0x0  }
0x61: {  	[sflag:s31] =	ssyncadd.s32 $0xFFFFF800  }
0x62: {  	_ =	swait.ge [sflag:s31], $0x800  }
0x63: {  	[sflag:s31] =	ssyncset.done $0x0  }
0x64: {  	[sflag:s31] =	ssyncadd.s32 $0xFFFFF800  }
0x65: {  	_ =	swait.ge [sflag:s31], $0x800  }
0x66: {  	[sflag:s31] =	ssyncset.done $0x0  }
0x67: {  	[sflag:s31] =	ssyncadd.s32 $0xFFFFF800  }
0x68: {  	_ =	swait.ge [sflag:s31], $0x800  }
0x69: {  	[sflag:s31] =	ssyncset.done $0x0  }
0x6a: {  	[sflag:s31] =	ssyncadd.s32 $0xFFFFF800  }
0x6b: {  	_ =	swait.ge [sflag:s31], $0x800  }
0x6c: {  	[sflag:s31] =	ssyncset.done $0x0  }
0x6d: {  	[sflag:s31] =	ssyncadd.s32 $0xFFFFF800  }
0x6e: {  	_ =	swait.ge [sflag:s31], $0x800  }
0x6f: {  	[sflag:s31] =	ssyncset.done $0x0  }
0x70: {  	[sflag:s31] =	ssyncadd.s32 $0xFFFFF800  }
0x71: {  	_ =	swait.ge [sflag:s31], $0x800  }
0x72: {  	[sflag:s31] =	ssyncset.done $0x0  }
0x73: {  	s24 =	sand.u32 $0x70, s24;
	[sflag:s31] =	ssyncadd.s32 $0xFFFFF800  }
0x74: {  	v1 =	vmov s24;
	_ =	swait.ge [sflag:s31], $0x800  }
0x75: {  	v1 =	vshll.u32 v1, $0x4;
	s26 =	simm.s32 $0x0;
	[sflag:s31] =	ssyncset.done $0x0  }
0x76: {  	v1 =	vor.u32 v0, v1;
	s0 =	sand.u32 $0xFFFFF800, s26;
	[sflag:s31] =	ssyncadd.s32 $0xFFFFF800  }
0x77: {  	v1 =	vor.u32 s0, v1;
	_ =	swait.ge [sflag:s31], $0x800  }
0x78: {  	v2 =	vor.u32 $0x1, v1;
	[sflag:s31] =	ssyncset.done $0x0  }
0x79: {  	[sflag:s31] =	ssyncadd.s32 $0xFFFFF800  }
0x7a: {  	_ =	swait.ge [sflag:s31], $0x800  }
0x7b: {  	[sflag:s31] =	ssyncset.done $0x0  }
0x7c: {  	v3 =	vor.u32 $0x2, v1;
	[sflag:s31] =	ssyncadd.s32 $0xFFFFF800  }
0x7d: {  	v4 =	vld.idx.msk [tilespmem:v2+s19+$0x0], $0xffff  }
0x7e: {  	v2 =	vld.idx.msk [tilespmem:v2+s18+$0x0], $0xffff  }
0x7f: {  	v5 =	vld.idx.msk [tilespmem:v1+s19+$0x0], $0xffff  }
0x80: {  	v6 =	vld.idx.msk [tilespmem:v1+s18+$0x0], $0xffff  }
0x81: {  	v7 =	vld.idx.msk [tilespmem:v3+s19+$0x0], $0xffff  }
0x82: {  	v3 =	vld.idx.msk [tilespmem:v3+s18+$0x0], $0xffff;
	_ =	sdelay $0x2  }
0x83: {  	v5 =	vsub.f32 v5, v6;
	v2 =	vsub.f32 v4, v2;
	_ =	sdelay $0x1  }
0x84: {  	v3 =	vsub.f32 v7, v3;
	v4 =	vmul.f32 v5, v5;
	v2 =	vmul.f32 v2, v2;
	_ =	sdelay $0x1  }
0x85: {  	v3 =	vmul.f32 v3, v3;
	v2 =	vadd.f32 v2, v4;
	_ =	sdelay $0x1  }
0x86: {  	v2 =	vadd.f32 v3, v2;
	_ =	sdelay $0x1  }
0x87: {  	v2 =	vadd.f32 $9.999999960e-13, v2;
	_ =	sdelay $0x1  }
0x88: {  	v3 =	vshra.s32 v2, $0x1;
	v4 =	vmul.f32 $5.000000000e-01, v2  }
0x89: {  	v3 =	vsub.s32 $0x5F3759DF, v3  }
0x8a: {  	v5 =	vmul.f32 v3, v4;
	_ =	sdelay $0x1  }
0x8b: {  	v5 =	vmul.f32 v3, v5;
	_ =	sdelay $0x1  }
0x8c: {  	v5 =	vsub.f32 $1.500000000e+00, v5;
	_ =	sdelay $0x1  }
0x8d: {  	v3 =	vmul.f32 v3, v5;
	_ =	sdelay $0x1  }
0x8e: {  	v5 =	vmul.f32 v3, v4;
	_ =	sdelay $0x1  }
0x8f: {  	v5 =	vmul.f32 v5, v3;
	_ =	sdelay $0x1  }
0x90: {  	v5 =	vsub.f32 $1.500000000e+00, v5;
	_ =	sdelay $0x1  }
0x91: {  	v3 =	vmul.f32 v5, v3;
	_ =	sdelay $0x1  }
0x92: {  	v4 =	vmul.f32 v3, v4;
	_ =	sdelay $0x1  }
0x93: {  	v4 =	vmul.f32 v4, v3;
	_ =	sdelay $0x1  }
0x94: {  	v1 =	vor.u32 $0x3, v1;
	v4 =	vsub.f32 $1.500000000e+00, v4;
	_ =	sdelay $0x1  }
0x95: {  	v3 =	vmul.f32 v4, v3;
	_ =	sdelay $0x1  }
0x96: {  	v2 =	vmul.f32 v3, v2  }
0x97: {  	v1 =	vld.idx.msk [tilespmem:v1+s18+$0x0], $0xffff  }
0x98: {  	v2 =	vclamp.gez.f32 v2, $5.999999520e+00  }
0x99: {  	v2 =	vmul.f32 $1.365166630e+03, v2;
	_ =	sdelay $0x1  }
0x9a: {  	v3 =	vtrunc.f32 v2  }
0x9b: {  	v1 =	vtrunc.f32 v1;
	v3 =	vcvt.f32.s32 v3  }
0x9c: {  	v1 =	vcvt.f32.s32 v1  }
0x9d: {  	v4 =	vadd.s32 $0x1, v3  }
0x9e: {  	v1 =	vshll.u32 v1, $0xD;
	vm0 =	vlt.s32 v4, $0x1FFF  }
0x9f: {  	v5 =	vadd.s32 v3, v1;
	v4 =	vnsel vm0, $0x1FFF, v4  }
0xa0: {  	v1 =	vadd.s32 v1, v4;
	_ =	sdelay $0x3  }
0xa1: {  	v4 =	vld.idx.msk [tilespmem:v5+s12+$0x0], $0xffff  }
0xa2: {  	v1 =	vld.idx.msk [tilespmem:v1+s12+$0x0], $0xffff  }
0xa3: {  	s24 =	simm.s32 $0x10  }
0xa4: {  	s0 =	sand.u32 $0x70, s24  }
0xa5: {  	v3 =	vcvt.s32.f32 v3;
	v5 =	vmov s0  }
0xa6: {  	s26 =	simm.s32 $0x100;
	v5 =	vshll.u32 v5, $0x4  }
0xa7: {  	v2 =	vsub.f32 v2, v3;
	s0 =	sand.u32 $0xFFFFF800, s26;
	v5 =	vor.u32 v0, v5;
	v1 =	vsub.f32 v1, v4  }
0xa8: {  	v3 =	vor.u32 s0, v5  }
0xa9: {  	v5 =	vor.u32 $0x1, v3;
	v1 =	vmul.f32 v2, v1;
	_ =	sdelay $0x1  }
0xaa: {  	v1 =	vadd.f32 v1, v4  }
0xab: {  	s24 =	simm.s32 $0x8800  }
0xac: {  	v2 =	vor.u32 $0x2, v3;
	[tilespmem:s24+$0x0] =	vst v1  }
0xad: {  	v1 =	vld.idx.msk [tilespmem:v5+s19+$0x0], $0xffff  }
0xae: {  	v4 =	vld.idx.msk [tilespmem:v5+s18+$0x0], $0xffff  }
0xaf: {  	v5 =	vld.idx.msk [tilespmem:v3+s19+$0x0], $0xffff  }
0xb0: {  	v6 =	vld.idx.msk [tilespmem:v3+s18+$0x0], $0xffff  }
0xb1: {  	v7 =	vld.idx.msk [tilespmem:v2+s19+$0x0], $0xffff  }
0xb2: {  	v2 =	vld.idx.msk [tilespmem:v2+s18+$0x0], $0xffff;
	_ =	sdelay $0x2  }
0xb3: {  	v5 =	vsub.f32 v5, v6;
	v1 =	vsub.f32 v1, v4;
	_ =	sdelay $0x1  }
0xb4: {  	v2 =	vsub.f32 v7, v2;
	v4 =	vmul.f32 v5, v5;
	v1 =	vmul.f32 v1, v1;
	_ =	sdelay $0x1  }
0xb5: {  	v2 =	vmul.f32 v2, v2;
	v1 =	vadd.f32 v1, v4;
	_ =	sdelay $0x1  }
0xb6: {  	v1 =	vadd.f32 v2, v1;
	_ =	sdelay $0x1  }
0xb7: {  	v1 =	vadd.f32 $9.999999960e-13, v1;
	_ =	sdelay $0x1  }
0xb8: {  	v2 =	vshra.s32 v1, $0x1;
	v4 =	vmul.f32 $5.000000000e-01, v1  }
0xb9: {  	v2 =	vsub.s32 $0x5F3759DF, v2  }
0xba: {  	v5 =	vmul.f32 v2, v4;
	_ =	sdelay $0x1  }
0xbb: {  	v5 =	vmul.f32 v2, v5;
	_ =	sdelay $0x1  }
0xbc: {  	v5 =	vsub.f32 $1.500000000e+00, v5;
	_ =	sdelay $0x1  }
0xbd: {  	v2 =	vmul.f32 v2, v5;
	_ =	sdelay $0x1  }
0xbe: {  	v5 =	vmul.f32 v2, v4;
	_ =	sdelay $0x1  }
0xbf: {  	v5 =	vmul.f32 v5, v2;
	_ =	sdelay $0x1  }
0xc0: {  	v5 =	vsub.f32 $1.500000000e+00, v5;
	_ =	sdelay $0x1  }
0xc1: {  	v2 =	vmul.f32 v5, v2;
	_ =	sdelay $0x1  }
0xc2: {  	v4 =	vmul.f32 v2, v4;
	_ =	sdelay $0x1  }
0xc3: {  	v4 =	vmul.f32 v4, v2;
	_ =	sdelay $0x1  }
0xc4: {  	v3 =	vor.u32 $0x3, v3;
	v4 =	vsub.f32 $1.500000000e+00, v4;
	_ =	sdelay $0x1  }
0xc5: {  	v2 =	vmul.f32 v4, v2;
	_ =	sdelay $0x1  }
0xc6: {  	v1 =	vmul.f32 v2, v1  }
0xc7: {  	v2 =	vld.idx.msk [tilespmem:v3+s18+$0x0], $0xffff  }
0xc8: {  	v1 =	vclamp.gez.f32 v1, $5.999999520e+00  }
0xc9: {  	v4 =	vmul.f32 $1.365166630e+03, v1;
	_ =	sdelay $0x1  }
0xca: {  	v1 =	vtrunc.f32 v4  }
0xcb: {  	v3 =	vcvt.f32.s32 v1;
	v1 =	vtrunc.f32 v2  }
0xcc: {  	v1 =	vcvt.f32.s32 v1  }
0xcd: {  	v2 =	vadd.s32 $0x1, v3  }
0xce: {  	vm15 =	vlt.s32 v2, $0x1FFF;
	v1 =	vshll.u32 v1, $0xD  }
0xcf: {  	v2 =	vnsel vm15, $0x1FFF, v2;
	v5 =	vadd.s32 v3, v1  }
0xd0: {  	v2 =	vadd.s32 v1, v2;
	_ =	sdelay $0x3  }
0xd1: {  	v1 =	vld.idx.msk [tilespmem:v5+s12+$0x0], $0xffff  }
0xd2: {  	v5 =	vld.idx.msk [tilespmem:v2+s12+$0x0], $0xffff  }
0xd3: {  	s26 =	simm.s32 $0x20  }
0xd4: {  	s0 =	sand.u32 $0x70, s26  }
0xd5: {  	v6 =	vcvt.s32.f32 v3;
	v2 =	vmov s0  }
0xd6: {  	s0 =	simm.s32 $0x200;
	v2 =	vshll.u32 v2, $0x4  }
0xd7: {  	s29 =	simm.s32 $0x3;
	s0 =	sand.u32 $0xFFFFF800, s0;
	v3 =	vor.u32 v0, v2;
	v2 =	vsub.f32 v4, v6;
	v4 =	vsub.f32 v5, v1  }
.LBB2_3:
0xd8: {  	p0 =	sne.s32 s29, $0x3F;
	v3 =	vor.u32 s0, v3  }
0xd9: {  	v5 =	vor.u32 $0x1, v3;
	v2 =	vmul.f32 v2, v4;
	_ =	sdelay $0x1  }
0xda: {  	v1 =	vadd.f32 v2, v1  }
0xdb: {  	s24 =	sadd.s32 $0x10, s24  }
0xdc: {  	v2 =	vor.u32 $0x2, v3;
	[tilespmem:s24+$0x0] =	vst v1  }
0xdd: {  	v1 =	vld.idx.msk [tilespmem:v5+s19+$0x0], $0xffff  }
0xde: {  	v4 =	vld.idx.msk [tilespmem:v5+s18+$0x0], $0xffff  }
0xdf: {  	v5 =	vld.idx.msk [tilespmem:v3+s19+$0x0], $0xffff  }
0xe0: {  	v6 =	vld.idx.msk [tilespmem:v3+s18+$0x0], $0xffff  }
0xe1: {  	v7 =	vld.idx.msk [tilespmem:v2+s19+$0x0], $0xffff  }
0xe2: {  	v2 =	vld.idx.msk [tilespmem:v2+s18+$0x0], $0xffff;
	_ =	sdelay $0x3  }
0xe3: {  	v1 =	vsub.f32 v1, v4;
	v5 =	vsub.f32 v5, v6;
	_ =	sdelay $0x1  }
0xe4: {  	v1 =	vmul.f32 v1, v1;
	v2 =	vsub.f32 v7, v2;
	v4 =	vmul.f32 v5, v5;
	_ =	sdelay $0x1  }
0xe5: {  	v1 =	vadd.f32 v1, v4;
	v2 =	vmul.f32 v2, v2;
	_ =	sdelay $0x1  }
0xe6: {  	v1 =	vadd.f32 v2, v1;
	_ =	sdelay $0x1  }
0xe7: {  	v1 =	vadd.f32 $9.999999960e-13, v1;
	_ =	sdelay $0x1  }
0xe8: {  	v2 =	vshra.s32 v1, $0x1;
	v4 =	vmul.f32 $5.000000000e-01, v1  }
0xe9: {  	v2 =	vsub.s32 $0x5F3759DF, v2  }
0xea: {  	v5 =	vmul.f32 v2, v4;
	_ =	sdelay $0x1  }
0xeb: {  	v5 =	vmul.f32 v2, v5;
	_ =	sdelay $0x1  }
0xec: {  	v5 =	vsub.f32 $1.500000000e+00, v5;
	_ =	sdelay $0x1  }
0xed: {  	v2 =	vmul.f32 v2, v5;
	_ =	sdelay $0x1  }
0xee: {  	v5 =	vmul.f32 v2, v4;
	_ =	sdelay $0x1  }
0xef: {  	v5 =	vmul.f32 v5, v2;
	_ =	sdelay $0x1  }
0xf0: {  	v5 =	vsub.f32 $1.500000000e+00, v5;
	_ =	sdelay $0x1  }
0xf1: {  	v2 =	vmul.f32 v5, v2;
	_ =	sdelay $0x1  }
0xf2: {  	v4 =	vmul.f32 v2, v4;
	_ =	sdelay $0x1  }
0xf3: {  	v4 =	vmul.f32 v4, v2  }
0xf4: {  	v3 =	vor.u32 $0x3, v3  }
0xf5: {  	v4 =	vsub.f32 $1.500000000e+00, v4;
	_ =	sdelay $0x1  }
0xf6: {  	v2 =	vmul.f32 v4, v2;
	_ =	sdelay $0x1  }
0xf7: {  	v1 =	vmul.f32 v2, v1;
	v3 =	vld.idx.msk [tilespmem:v3+s18+$0x0], $0xffff;
	_ =	sdelay $0x1  }
0xf8: {  	v1 =	vclamp.gez.f32 v1, $5.999999520e+00  }
0xf9: {  	v2 =	vmul.f32 $1.365166630e+03, v1;
	_ =	sdelay $0x1  }
0xfa: {  	v1 =	vtrunc.f32 v2  }
0xfb: {  	v4 =	vcvt.f32.s32 v1;
	v1 =	vtrunc.f32 v3  }
0xfc: {  	v1 =	vcvt.f32.s32 v1  }
0xfd: {  	v3 =	vadd.s32 $0x1, v4  }
0xfe: {  	vm0 =	vlt.s32 v3, $0x1FFF;
	v1 =	vshll.u32 v1, $0xD  }
0xff: {  	v3 =	vnsel vm0, $0x1FFF, v3;
	v5 =	vadd.s32 v4, v1  }
0x100: {  	v3 =	vadd.s32 v1, v3;
	_ =	sdelay $0x3  }
0x101: {  	v1 =	vld.idx.msk [tilespmem:v5+s12+$0x0], $0xffff  }
0x102: {  	v5 =	vld.idx.msk [tilespmem:v3+s12+$0x0], $0xffff;
	_ =	sdelay $0x1  }
.Ltmp0:
0x103: {  	s26 =	sadd.s32 $0x10, s26;
	(pc) =	sbr.rel @p0 .LBB2_3-.Ltmp0, $4  }
0x104: {  	s0 =	sand.u32 $0x70, s26  }
0x105: {  	v4 =	vcvt.s32.f32 v4;
	v3 =	vmov s0  }
0x106: {  	s0 =	sshll.u32 s29, $0x8;
	v3 =	vshll.u32 v3, $0x4  }
0x107: {  	v2 =	vsub.f32 v2, v4;
	s29 =	sadd.s32 $0x1, s29;
	s0 =	sand.u32 $0xFFFFF800, s0;
	v3 =	vor.u32 v0, v3;
	v4 =	vsub.f32 v5, v1  }
0x108: {  	v3 =	vor.u32 s0, v3  }
0x109: {  	v5 =	vor.u32 $0x1, v3;
	v2 =	vmul.f32 v2, v4;
	_ =	sdelay $0x1  }
0x10a: {  	v1 =	vadd.f32 v2, v1  }
0x10b: {  	s26 =	sadd.s32 $0x10, s24  }
0x10c: {  	v2 =	vor.u32 $0x2, v3;
	[tilespmem:s26+$0x0] =	vst v1  }
0x10d: {  	v1 =	vld.idx.msk [tilespmem:v5+s19+$0x0], $0xffff  }
0x10e: {  	v56 =	vld.idx.msk [tilespmem:v5+s18+$0x0], $0xffff  }
0x10f: {  	v57 =	vld.idx.msk [tilespmem:v3+s19+$0x0], $0xffff  }
0x110: {  	v6 =	vld.idx.msk [tilespmem:v3+s18+$0x0], $0xffff  }
0x111: {  	v7 =	vld.idx.msk [tilespmem:v2+s19+$0x0], $0xffff  }
0x112: {  	v2 =	vld.idx.msk [tilespmem:v2+s18+$0x0], $0xffff;
	_ =	sdelay $0x2  }
0x113: {  	v5 =	vsub.f32 v57, v6;
	v1 =	vsub.f32 v1, v56;
	_ =	sdelay $0x1  }
0x114: {  	v2 =	vsub.f32 v7, v2;
	v58 =	vmul.f32 v5, v5;
	v1 =	vmul.f32 v1, v1;
	_ =	sdelay $0x1  }
0x115: {  	v1 =	vadd.f32 v1, v58;
	v2 =	vmul.f32 v2, v2;
	_ =	sdelay $0x1  }
0x116: {  	v1 =	vadd.f32 v2, v1;
	_ =	sdelay $0x1  }
0x117: {  	v1 =	vadd.f32 $9.999999960e-13, v1;
	_ =	sdelay $0x1  }
0x118: {  	v2 =	vshra.s32 v1, $0x1;
	v59 =	vmul.f32 $5.000000000e-01, v1  }
0x119: {  	v2 =	vsub.s32 $0x5F3759DF, v2  }
0x11a: {  	v60 =	vmul.f32 v2, v59;
	_ =	sdelay $0x1  }
0x11b: {  	v5 =	vmul.f32 v2, v60;
	_ =	sdelay $0x1  }
0x11c: {  	v5 =	vsub.f32 $1.500000000e+00, v5;
	_ =	sdelay $0x1  }
0x11d: {  	v2 =	vmul.f32 v2, v5;
	_ =	sdelay $0x1  }
0x11e: {  	v5 =	vmul.f32 v2, v59;
	_ =	sdelay $0x1  }
0x11f: {  	v5 =	vmul.f32 v5, v2;
	_ =	sdelay $0x1  }
0x120: {  	v5 =	vsub.f32 $1.500000000e+00, v5;
	_ =	sdelay $0x1  }
0x121: {  	v2 =	vmul.f32 v5, v2;
	_ =	sdelay $0x1  }
0x122: {  	v4 =	vmul.f32 v2, v59;
	_ =	sdelay $0x1  }
0x123: {  	v4 =	vmul.f32 v4, v2;
	_ =	sdelay $0x1  }
0x124: {  	v3 =	vor.u32 $0x3, v3;
	v4 =	vsub.f32 $1.500000000e+00, v4;
	_ =	sdelay $0x1  }
0x125: {  	v2 =	vmul.f32 v4, v2;
	_ =	sdelay $0x1  }
0x126: {  	v1 =	vmul.f32 v2, v1  }
0x127: {  	v2 =	vld.idx.msk [tilespmem:v3+s18+$0x0], $0xffff  }
0x128: {  	v1 =	vclamp.gez.f32 v1, $5.999999520e+00  }
0x129: {  	v1 =	vmul.f32 $1.365166630e+03, v1;
	_ =	sdelay $0x1  }
0x12a: {  	v3 =	vtrunc.f32 v1  }
0x12b: {  	v2 =	vtrunc.f32 v2;
	v3 =	vcvt.f32.s32 v3  }
0x12c: {  	v2 =	vcvt.f32.s32 v2  }
0x12d: {  	v61 =	vadd.s32 $0x1, v3  }
0x12e: {  	v2 =	vshll.u32 v2, $0xD;
	vm0 =	vlt.s32 v61, $0x1FFF  }
0x12f: {  	v62 =	vadd.s32 v3, v2;
	v4 =	vnsel vm0, $0x1FFF, v61  }
0x130: {  	v2 =	vadd.s32 v2, v4;
	_ =	sdelay $0x3  }
0x131: {  	v63 =	vld.idx.msk [tilespmem:v62+s12+$0x0], $0xffff  }
0x132: {  	v2 =	vld.idx.msk [tilespmem:v2+s12+$0x0], $0xffff;
	_ =	sdelay $0x2  }
0x133: {  	v3 =	vcvt.s32.f32 v3;
	_ =	sdelay $0x1  }
0x134: {  	v1 =	vsub.f32 v1, v3;
	v2 =	vsub.f32 v2, v63;
	_ =	sdelay $0x1  }
0x135: {  	v1 =	vmul.f32 v1, v2;
	_ =	sdelay $0x1  }
0x136: {  	v1 =	vadd.f32 v1, v63  }
0x137: {  	s0 =	sadd.s32 $0x10, s26  }
0x138: {  	s29 =	simm.s32 $0x8800;
	[tilespmem:s0+$0x0] =	vst v1  }
0x139: {  	[spmem:s1] =	stream.indirect.scatter.add.f32 [tilespmem:s29], [sflag:$0x2], $0x1, s16, s17, $0xb8;
	[tilespmem:$0xE470] =	vst v63  }
0x13a: {  	_ =	swait.ge [sflag:s13], $0x80  }
0x13b: {  	[sflag:s13] =	ssyncset.done $0x0  }
0x13c: {  	[sflag:s13] =	ssyncadd.s32 $0xFFFFFF80  }
0x13d: {  	[spmem:s1] =	stream.indirect.scatter.add.f32 [tilespmem:s2], [sflag:$0x2], $0x1, s21, s17, $0xb8;
	[tilespmem:$0xE470] =	vst v63  }
0x13e: {  	_ =	swait.ge [sflag:s13], $0x80  }
0x13f: {  	[sflag:s13] =	ssyncset.done $0x0  }
0x140: {  	[sflag:s13] =	ssyncadd.s32 $0xFFFFFF80  }
0x141: {  	[spmem:s1] =	stream.indirect.scatter.add.f32 [tilespmem:s7], [sflag:$0x2], $0x1, s25, s17, $0xb8;
	[tilespmem:$0xE470] =	vst v63  }
0x142: {  	_ =	swait.ge [sflag:s13], $0x80  }
0x143: {  	[sflag:s13] =	ssyncset.done $0x0  }
0x144: {  	[sflag:s13] =	ssyncadd.s32 $0xFFFFFF80  }
0x145: {  	[spmem:s1] =	stream.indirect.scatter.add.f32 [tilespmem:s8], [sflag:$0x2], $0x1, s30, s17, $0xb8;
	[tilespmem:$0xE470] =	vst v63  }
0x146: {  	_ =	swait.ge [sflag:s13], $0x80  }
0x147: {  	[sflag:s13] =	ssyncset.done $0x0  }
0x148: {  	[sflag:s13] =	ssyncadd.s32 $0xFFFFFF80  }
0x149: {  	[spmem:s1] =	stream.indirect.scatter.add.f32 [tilespmem:s10], [sflag:$0x2], $0x1, s3, s17, $0xb8;
	[tilespmem:$0xE470] =	vst v63  }
0x14a: {  	_ =	swait.ge [sflag:s13], $0x80  }
0x14b: {  	[sflag:s13] =	ssyncset.done $0x0  }
0x14c: {  	[sflag:s13] =	ssyncadd.s32 $0xFFFFFF80  }
0x14d: {  	[spmem:s1] =	stream.indirect.scatter.add.f32 [tilespmem:s14], [sflag:$0x2], $0x1, s11, s17, $0xb8;
	[tilespmem:$0xE470] =	vst v63  }
0x14e: {  	_ =	swait.ge [sflag:s13], $0x80  }
0x14f: {  	[sflag:s13] =	ssyncset.done $0x0  }
0x150: {  	[sflag:s13] =	ssyncadd.s32 $0xFFFFFF80  }
0x151: {  	[spmem:s1] =	stream.indirect.scatter.add.f32 [tilespmem:s15], [sflag:$0x2], $0x1, s22, s17, $0xb8;
	[tilespmem:$0xE470] =	vst v63  }
0x152: {  	s23 =	sadd.s32 $0x1, s23;
	_ =	swait.ge [sflag:s13], $0x80  }
0x153: {  	p0 =	sne.s32 s23, $0x62;
	[sflag:s13] =	ssyncset.done $0x0  }
.Ltmp1:
0x154: {  	[sflag:s13] =	ssyncadd.s32 $0xFFFFFF80;
	(pc) =	sbr.rel @p0 .LBB2_2-.Ltmp1, $4  }
0x155: {  	[spmem:s1] =	stream.indirect.scatter.add.f32 [tilespmem:s20], [sflag:$0x2], $0x1, s28, s17, $0xb8;
	[tilespmem:$0xE470] =	vst v63  }
0x156: {  	_ =	swait.ge [sflag:s13], $0x80  }
0x157: {  	[sflag:s13] =	ssyncset.done $0x0  }
0x158: {  	[sflag:s13] =	ssyncadd.s32 $0xFFFFFF80  }
0x159: {  	[bflag:$0x0] =	sbarrier.arrive $0xFFFF  }
0x15a: {  	s0 =	rddreg [dreg:$0x6]  }
0x15b: {  	s24 =	rddreg [dreg:$0x8]  }
0x15c: {  	s26 =	rddreg [dreg:$0x9]  }
0x15d: {  	[hbm:s0], [sflag:s24] =	dma.local [spmem:s26], $0x30E  }
0x15e: {  	_ =	swait.ge [sflag:s13], $0x30E  }
0x15f: {  	s23 =	rddreg [dreg:$0xa]  }
0x160: {  	s29 =	rddreg [dreg:$0x7];
	s23 =	sadd.s32 $0x1, s23  }
0x161: {  	p0 =	sne.s32 s23, s29  }
.Ltmp2:
0x162: {  	_ = 	snop;
	(pc) =	sbr.rel @p0 .LBB2_1-.Ltmp2, $3  }
0x163: {  	_ =	sdelay $0x1  }
0x164: {  	[sflag:s13] =	ssyncset.done $0x0  }
0x165: {  	[sflag:s13] =	ssyncadd.s32 $0xFFFFFCF2  }
0x166: {  	_ =	sfence.sel $0x180000  }
0x167: {  	[bflag:$0x0] =	sbarrier.arrive $0xFFFF  }
0x168: {  	_ =	strace $0x90000047  }
0x169: {  	s0 =	stileid.u32;
	[bflag:$0x2] =	sbarrier.arrive $0xFFFF  }
0x16a: {  	p0 =	sne.s32 s0, $0x0;
	s0 =	rddreg [dreg:$0x3]  }
0x16b: {  	s0 =	sadd.s32 @!p0 $0x100000, s0  }
0x16c: {  	[sflag:s0] =	ssyncadd.tile.s32 @!p0 $0x1;
	_ =	shalt  }
.Lfunc_end2:
_tile_overlayer_lowered:
.L_overlay_start_2:
0x16d: {  	(tag) =	ssettag $0x2  }
0x16e: {  	s0 =	rddreg [dreg:$0x0];
	s2 =	stileid.u32  }
0x16f: {  	s1 =	rddreg [dreg:$0x1];
	p0 =	sne.s32 s2, $0x0  }
0x170: {  	s3 =	rddreg [dreg:$0x2];
	[bflag:$0x3] =	sbarrier.arrive $0xFFFF;
	s2 =	simm.s32 @!p0 $0x1C02  }
0x171: {  	[timem:s3], [sflag:s2] =	dma.local @!p0 [hbm:s0], s1  }
0x172: {  	s0 =	simm.s32 @!p0 $0x2  }
0x173: {  	_ =	swait.ge @!p0 [sflag:s0], s1  }
0x174: {  	s1 =	ssub.s32 @!p0 $0x0, s1;
	[sflag:s0] =	ssyncset.done @!p0 $0x0  }
0x175: {  	[sflag:s0] =	ssyncadd.s32 @!p0 s1  }
0x176: {  	[bflag:$0x3] =	sbarrier.arrive $0xFFFF  }
0x177: {  	_ =	shalt  }

// kernel: kernel.9.cloned.1.call-start
scs
__scs_entry_jumppad:
0x0: {  	(pc) =	sbr.rel $0x88, $3  }
0x1: {  	(tag) =	ssettag $0x0;
	lr =	simm.s32 $0x1  }
0x2: {  	[smem:$0x3F98] =	sst lr;
	_ =	strace $0xD0000000  }
0x3: {  	_ = 	snop  }
0x4: {  	_ = 	snop  }
0x5: {  	_ = 	snop  }
0x6: {  	_ = 	snop  }
0x7: {  	_ = 	snop  }
__scs_overlays_trampoline_lowered:
0x8: {  	[smem:$0x3FA7] =	sst s0  }
0x9: {  	[smem:$0x3FA8] =	sst s1  }
0xa: {  	[smem:$0x3FA9] =	sst s2  }
0xb: {  	[smem:$0x3FAA] =	sst s3  }
0xc: {  	[smem:$0x3FAB] =	sst s4  }
0xd: {  	[smem:$0x3FAC] =	sst s5  }
0xe: {  	[smem:$0x3FAD] =	sst s6  }
0xf: {  	[smem:$0x3FAE] =	sst s7  }
0x10: {  	[smem:$0x3FAF] =	sst s8  }
0x11: {  	[smem:$0x3FB0] =	sst s9;
	s0 =	simm.s32 @!p0 $0x0  }
0x12: {  	s1 =	sld [smem:$0x3F96];
	s0 =	simm.s32 @p0 $0x1  }
0x13: {  	[smem:$0x3FB1] =	sst s0;
	s0 =	simm.s32 @!p1 $0x0  }
0x14: {  	s2 =	sld [smem:$0x3F95];
	s0 =	simm.s32 @p1 $0x1  }
0x15: {  	[smem:$0x3FB2] =	sst s0;
	s0 =	simm.s32 @!p2 $0x0  }
0x16: {  	s3 =	sld [smem:$0x3FDB];
	s0 =	simm.s32 @p2 $0x1  }
0x17: {  	s4 =	simm.s32 $0x1BF5;
	[smem:$0x3FB4] =	sst s0  }
0x18: {  	s0 =	sld [smem:$0x3F97];
	_ =	swait.ge [sflag:s4], $0x0  }
0x19: {  	s7 =	sld [smem:$0x3F98]  }
0x1a: {  	s8 =	sadd.s32 $0xFFFFE003, lr  }
0x1b: {  	s9 =	sadd.s32 $0xFFFFFEF7, lr;
	s5 =	simm.s32 $0xFFFFFFFF;
	p2 =	slt.u32 s8, $0xFFFFF086  }
0x1c: {  	p1 =	slt.u32 s9, $0xF7A;
	s5 =	simm.s32 @!p2 $0x0  }
0x1d: {  	s5 =	simm.s32 @p1 $0x1;
	p0 =	seq.s32 s7, s2  }
0x1e: {  	s7 =	smul.u32 @!p0 $0xF7A, s2;
	p2 =	seq.s32 @!p0 s5, $0x0  }
0x1f: {  	s9 =	smul.u32 $0xF7A, s1;
	s8 =	simm.s32 @!p0 $0x1BF5;
	p2 =	por !p2, p0  }
0x20: {  	[sflag:s8] =	ssyncset.s32 @!p0 $0xFFFFF086;
	s6 =	sadd.s32 @!p0 s3, s7;
	s7 =	simm.s32 @!p0 $0x108  }
0x21: {  	s3 =	sadd.s32 s3, s9;
	s6 =	sadd.s32 @!p0 $0x88, s6;
	s7 =	simm.s32 @p2 $0x1082  }
0x22: {  	[simem:s7], [sflag:s8] =	dma.local @!p0 [hbm:s6], $0xF7A  }
0x23: {  	s9 =	sor.u32 $0xD0000000, s2;
	s6 =	simm.s32 $0x108;
	_ =	swait.ge @!p0 [sflag:s8], $0x0  }
0x24: {  	s3 =	sadd.s32 $0x88, s3;
	s6 =	simm.s32 @!p1 $0x1082;
	[sflag:s4] =	ssyncset.s32 $0xFFFFF086  }
0x25: {  	[simem:s6], [sflag:s4] =	dma.local [hbm:s3], $0xF7A  }
0x26: {  	[smem:$0x3F98] =	sst s1;
	(tag) =	ssettag s2;
	_ =	strace s9  }
0x27: {  	s1 =	sld [smem:$0x3FA8]  }
0x28: {  	s2 =	sld [smem:$0x3FA9]  }
0x29: {  	s4 =	sld [smem:$0x3FAB]  }
0x2a: {  	p0 =	seq.s32 s5, $0x0;
	s5 =	sld [smem:$0x3FAC]  }
0x2b: {  	s6 =	sld [smem:$0x3FAD]  }
0x2c: {  	s7 =	sld [smem:$0x3FAE]  }
0x2d: {  	s3 =	simm.s32 $0x108;
	s8 =	sld [smem:$0x3FAF]  }
0x2e: {  	s3 =	simm.s32 @!p0 $0x1082;
	s9 =	sld [smem:$0x3FB0]  }
0x2f: {  	lr =	sadd.s32 s0, s3;
	s0 =	sld [smem:$0x3FA7]  }
0x30: {  	s3 =	sld [smem:$0x3FAA]  }
0x31: {  	[smem:$0x3FB3] =	sst s10  }
0x32: {  	s10 =	sld [smem:$0x3FB1];
	_ =	sdelay $0x3  }
0x33: {  	p0 =	seq.s32 s10, $0x1;
	s10 =	sld [smem:$0x3FB3];
	_ =	sdelay $0x3  }
0x34: {  	[smem:$0x3FB3] =	sst s10  }
0x35: {  	s10 =	sld [smem:$0x3FB2];
	_ =	sdelay $0x3  }
0x36: {  	p1 =	seq.s32 s10, $0x1;
	s10 =	sld [smem:$0x3FB3];
	_ =	sdelay $0x3  }
0x37: {  	[smem:$0x3FB3] =	sst s10  }
0x38: {  	s10 =	sld [smem:$0x3FB4]  }
0x39: {  	_ = 	snop;
	(pc) =	sbr.ind lr, $3  }
0x3a: {  	_ = 	snop  }
0x3b: {  	_ = 	snop  }
0x3c: {  	p2 =	seq.s32 s10, $0x1;
	s10 =	sld [smem:$0x3FB3]  }
0x3d: {  	_ =	shalt  }
0x3e: {  	_ =	shalt  }
0x3f: {  	_ =	shalt  }
0x40: {  	_ =	shalt  }
0x41: {  	_ =	shalt  }
0x42: {  	_ =	shalt  }
0x43: {  	_ =	shalt  }
0x44: {  	_ =	shalt  }
0x45: {  	_ =	shalt  }
0x46: {  	_ =	shalt  }
0x47: {  	_ =	shalt  }
0x48: {  	_ =	shalt  }
0x49: {  	_ =	shalt  }
0x4a: {  	_ =	shalt  }
0x4b: {  	_ =	shalt  }
0x4c: {  	_ =	shalt  }
0x4d: {  	_ =	shalt  }
0x4e: {  	_ =	shalt  }
0x4f: {  	_ =	shalt  }
0x50: {  	_ =	shalt  }
0x51: {  	_ =	shalt  }
0x52: {  	_ =	shalt  }
0x53: {  	_ =	shalt  }
0x54: {  	_ =	shalt  }
0x55: {  	_ =	shalt  }
0x56: {  	_ =	shalt  }
0x57: {  	_ =	shalt  }
0x58: {  	_ =	shalt  }
0x59: {  	_ =	shalt  }
0x5a: {  	_ =	shalt  }
0x5b: {  	_ =	shalt  }
0x5c: {  	_ =	shalt  }
0x5d: {  	_ =	shalt  }
0x5e: {  	_ =	shalt  }
0x5f: {  	_ =	shalt  }
0x60: {  	_ =	shalt  }
0x61: {  	_ =	shalt  }
0x62: {  	_ =	shalt  }
0x63: {  	_ =	shalt  }
0x64: {  	_ =	shalt  }
0x65: {  	_ =	shalt  }
0x66: {  	_ =	shalt  }
0x67: {  	_ =	shalt  }
0x68: {  	_ =	shalt  }
0x69: {  	_ =	shalt  }
0x6a: {  	_ =	shalt  }
0x6b: {  	_ =	shalt  }
0x6c: {  	_ =	shalt  }
0x6d: {  	_ =	shalt  }
0x6e: {  	_ =	shalt  }
0x6f: {  	_ =	shalt  }
0x70: {  	_ =	shalt  }
0x71: {  	_ =	shalt  }
0x72: {  	_ =	shalt  }
0x73: {  	_ =	shalt  }
0x74: {  	_ =	shalt  }
0x75: {  	_ =	shalt  }
0x76: {  	_ =	shalt  }
0x77: {  	_ =	shalt  }
0x78: {  	_ =	shalt  }
0x79: {  	_ =	shalt  }
0x7a: {  	_ =	shalt  }
0x7b: {  	_ =	shalt  }
0x7c: {  	_ =	shalt  }
0x7d: {  	_ =	shalt  }
0x7e: {  	_ =	shalt  }
0x7f: {  	_ =	shalt  }
0x80: {  	_ =	shalt  }
0x81: {  	_ =	shalt  }
0x82: {  	_ =	shalt  }
0x83: {  	_ =	shalt  }
0x84: {  	_ =	shalt  }
0x85: {  	_ =	shalt  }
0x86: {  	_ =	shalt  }
0x87: {  	_ =	shalt  }
.Lfunc_end0:
.L_simem_size_0:
called_computation.1_lowered:
.L_overlay_start_0:
0x88: {  	s2 =	sld [smem:$0x3FD9]  }
0x89: {  	s3 =	sld [smem:$0x3FFE];
	_ =	sdelay $0x1  }
0x8a: {  	s1 =	srdreg.scid  }
0x8b: {  	s0 =	sand.u32 $0x1, s1  }
0x8c: {  	s14 =	sshll.u32 s0, $0xA;
	s2 =	sadd.s32 s3, s2  }
0x8d: {  	s2 =	sadd.s32 s2, s14  }
0x8e: {  	[smem:$0x3FBF] =	sst s2  }
0x8f: {  	_ = 	snop  }
0x90: {  	s2 =	sld [smem:$0x3FD0];
	_ =	sdelay $0x2  }
0x91: {  	s15 =	simm.s32 $0xA;
	s4 =	simm.s32 $0x10  }
0x92: {  	[smem:s4], [sflag:s15] =	dma.local [hbm:s2], $0x1  }
0x93: {  	_ =	swait.eq [sflag:s15], $0x1  }
0x94: {  	[sflag:s15] =	ssyncset.done $0x0  }
0x95: {  	[sflag:s15] =	ssyncadd.s32 $0xFFFFFFFF  }
0x96: {  	s16 =	sld [smem:$0x11];
	(tm) =	ssettm $0x1  }
0x97: {  	s17 =	sld [smem:$0x3FFB];
	_ =	sdelay $0x3  }
0x98: {  	_ =	strace s17  }
0x99: {  	s3 =	sld [smem:$0x3FFC];
	_ =	sdelay $0x3  }
0x9a: {  	_ =	strace s3  }
0x9b: {  	s3 =	sld [smem:$0x3FFD];
	_ =	sdelay $0x3  }
0x9c: {  	_ =	strace s3  }
0x9d: {  	_ =	strace $0x8FFFFFFF  }
0x9e: {  	s18 =	sld [smem:$0x3FDB];
	_ =	sdelay $0x1  }
0x9f: {  	s19 =	simm.s32 $_scs_section_size  }
0xa0: {  	s5 =	simm.s32 $_size__tile_overlayer_lowered;
	s6 =	simm.s32 $_tile_overlayer_lowered  }
0xa1: {  	s22 =	simm.s32 $0x1BFF;
	s21 =	sshll.u32 s6, $0x1;
	s3 =	sadd.s32 s19, s18  }
0xa2: {  	s7 =	simm.s32 $0x0;
	s20 =	sshll.u32 s5, $0x1;
	s5 =	sadd.s32 s21, s3  }
0xa3: {  	[timem:s7], [sflag:s22] =	dma.local [hbm:s5], s20  }
0xa4: {  	_ =	swait.ge [sflag:s22], s20  }
0xa5: {  	s4 =	ssub.s32 $0x0, s20;
	[sflag:s22] =	ssyncset.done $0x0  }
0xa6: {  	[sflag:s22] =	ssyncadd.s32 s4;
	_ =	sdelay $0x1  }
0xa7: {  	s23 =	simm.s32 $0x1B8B  }
0xa8: {  	_ =	swait.ge [sflag:s23], $0x1  }
0xa9: {  	[sflag:s23] =	ssyncset.done $0x0  }
0xaa: {  	s25 =	simm.s32 $0x1B8E;
	s24 =	sld [smem:$0x3FFE];
	[sflag:s23] =	ssyncadd.s32 $0xFFFFFFFF  }
0xab: {  	s26 =	simm.s32 $execute0_lowered;
	[smem:$0x3FD2] =	sst s25  }
0xac: {  	s5 =	sshll.u32 s26, $0x1;
	_ =	strace $0x80000049;
	[dreg:$0x1] =	wrdreg $0xFFFFFFFF  }
0xad: {  	s28 =	simm.s32 $_size_execute0_lowered;
	s3 =	sadd.s32 s3, s5;
	[dreg:$0x0] =	wrdreg $0x0  }
0xae: {  	s5 =	sshll.u32 s28, $0x1;
	[dreg:$0x2] =	wrdreg s3  }
0xaf: {  	[dreg:$0x3] =	wrdreg s5  }
0xb0: {  	[dreg:$0x4] =	wrdreg $0xC0  }
0xb1: {  	_ =	task [dreg:s7], $0x5FFFF  }
0xb2: {  	[dreg:$0x1] =	wrdreg $0xFFFFFFFF  }
0xb3: {  	[dreg:$0x0] =	wrdreg $0x60  }
0xb4: {  	[dreg:$0x2] =	wrdreg s16  }
0xb5: {  	[dreg:$0x3] =	wrdreg s24  }
0xb6: {  	[dreg:$0x4] =	wrdreg $0x9  }
0xb7: {  	_ =	task.clear_ibuf [dreg:s7], $0x5FFFF;
	_ =	strace $0x90000049  }
0xb8: {  	s29 =	simm.s32 $0x9;
	_ =	strace $0x8000004B  }
0xb9: {  	_ =	swait.ge [sflag:s29], $0x1  }
0xba: {  	[sflag:s29] =	ssyncadd.s32 $0xFFFFFFFF  }
0xbb: {  	_ =	strace $0x9000004B  }
0xbc: {  	_ =	sfence  }
0xbd: {  	s30 =	sld [smem:$0x0];
	_ =	sdelay $0x2  }
0xbe: {  	s31 =	sshll.u32 s1, $0xD;
	s1 =	sshrl.u32 s1, $0x2  }
0xbf: {  	s3 =	sand.u32 $0x4000, s31;
	s1 =	sadd.s32 s1, s30  }
0xc0: {  	s0 =	sor.u32 s3, s0;
	s1 =	sshll.u32 s1, $0x11  }
0xc1: {  	s0 =	sor.u32 s1, s0  }
0xc2: {  	s0 =	sadd.s32 $0x8F2B, s0  }
0xc3: {  	[sflag:s0] =	ssyncadd.remote.s32 $0x1  }
0xc4: {  	_ =	sfence.sel $0xFFFF  }
0xc5: {  	[dreg:$0x0] =	wrdreg $0xFFFFFFFF;
	(pc) =	sbr.abs _section_cstart, $3  }
0xc6: {  	[dreg:$0x1] =	wrdreg $0xFFFFFFFF  }
0xc7: {  	_ =	task.clear_ibuf [dreg:s7], $0x2FFFF;
	_ =	strace $0x9FFFFFFF  }
0xc8: {  	(tm) =	ssettm $0x7FFFFFFF  }
0xc9: {  	_ =	shalt  }
tec
execute0_lowered:
.L_overlay_start_1:
0x0: {  	(tag) =	ssettag $0x1  }
0x1: {  	s5 =	rddreg [dreg:$0x0]  }
0x2: {  	s6 =	rddreg [dreg:$0x1]  }
0x3: {  	s0 =	rddreg [dreg:$0x2]  }
0x4: {  	s3 =	srdreg.scid;
	s1 =	stileid.u32  }
0x5: {  	s2 =	simm.s32 $0x0;
	s15 =	simm.s32 $0xC38;
	s16 =	simm.s32 $0x1870  }
0x6: {  	s17 =	simm.s32 $0x24A8;
	s18 =	simm.s32 $0x70E0;
	s19 =	simm.s32 $0x0  }
0x7: {  	s8 =	sand.u32 $0x1, s3;
	s30 =	sshll.u32 s1, $0x1;
	[smem:$0x7FF] =	sst s2  }
0x8: {  	s3 =	sadd.s32 $0x254600, s6;
	s13 =	smul.u32 $0x1870, s1;
	s7 =	sor.u32 s8, s30  }
0x9: {  	s4 =	sadd.s32 $0x254200, s6;
	s10 =	ssub.s32 $0x2, s8;
	s9 =	smul.u32 $0xC38, s7  }
0xa: {  	_ =	strace $0x8000004A;
	s14 =	smul.u32 $0xC38, s8;
	s31 =	sshrl.u32 s10, $0x1  }
0xb: {  	s7 =	sshll.u32 s7, $0x1;
	s10 =	ssub.s32 s10, s31;
	s9 =	sshrl.u32 s9, $0x3  }
0xc: {  	v0 =	vlaneseq.u32;
	s12 =	sadd.s32 s7, s6;
	s10 =	smax.u32 s10, $0x1;
	s11 =	sadd.s32 s9, s6  }
0xd: {  	v0 =	vmul.u32 $0xFFFFFFFF, v0;
	s5 =	sadd.s32 s5, s9;
	s9 =	sadd.s32 $0x24D600, s12;
	s12 =	simm.s32 $0x30E0  }
0xe: {  	s6 =	sadd.s32 $0x30E0, s5;
	s7 =	sadd.s32 $0x251000, s11;
	s8 =	sadd.s32 $0x254A00, s11  }
0xf: {  	v0 =	vadd.s32 $0x186A0, v0;
	s11 =	sadd.s32 s14, s13;
	s13 =	simm.s32 $0x1;
	s14 =	simm.s32 $0x50E0  }
.LBB2_1:
0x10: {  	[tilespmem:s12], [sflag:$0x1] =	stream.linear.gather [hbm4b:s3+s2], $0x2000, $0x38;
	[tilespmem:$0x70F0] =	vst v63  }
0x11: {  	_ =	swait.ge [sflag:s13], $0x2000  }
0x12: {  	[sflag:s13] =	ssyncset.done $0x0  }
0x13: {  	[sflag:s13] =	ssyncadd.s32 $0xFFFFE000  }
0x14: {  	[tilespmem:s14], [sflag:$0x1] =	stream.linear.gather [hbm4b:s4+s2], $0x2000, $0x38;
	[tilespmem:$0x70F0] =	vst v63  }
0x15: {  	_ =	swait.ge [sflag:s13], $0x2000  }
0x16: {  	[sflag:s13] =	ssyncset.done $0x0  }
0x17: {  	[sflag:s13] =	ssyncadd.s32 $0xFFFFE000  }
0x18: {  	[tilespmem:s2], [sflag:$0x1] =	stream.linear.gather [hbm4b:s5+s2], $0xC38, $0x38;
	[tilespmem:$0x70F0] =	vst v63  }
0x19: {  	_ =	swait.ge [sflag:s13], $0xC38  }
0x1a: {  	[sflag:s13] =	ssyncset.done $0x0  }
0x1b: {  	[sflag:s13] =	ssyncadd.s32 $0xFFFFF3C8  }
0x1c: {  	[tilespmem:s15], [sflag:$0x1] =	stream.linear.gather [hbm4b:s6+s2], $0xC38, $0x38;
	[tilespmem:$0x70F0] =	vst v63  }
0x1d: {  	_ =	swait.ge [sflag:s13], $0xC38  }
0x1e: {  	[sflag:s13] =	ssyncset.done $0x0  }
0x1f: {  	[sflag:s13] =	ssyncadd.s32 $0xFFFFF3C8  }
0x20: {  	[tilespmem:s16], [sflag:$0x1] =	stream.linear.gather [hbm4b:s7+s2], $0xC38, $0x38;
	[tilespmem:$0x70F0] =	vst v63  }
0x21: {  	_ =	swait.ge [sflag:s13], $0xC38  }
0x22: {  	[sflag:s13] =	ssyncset.done $0x0  }
0x23: {  	s21 =	simm.s32 $0x0;
	[sflag:s13] =	ssyncadd.s32 $0xFFFFF3C8  }
0x24: {  	v1 =	vld [tilespmem:s21+$0x0]  }
0x25: {  	v2 =	vld [tilespmem:s21+$0xC38];
	_ =	sdelay $0x4  }
0x26: {  	v1 =	vadd.f32 v2, v1;
	_ =	sdelay $0x1  }
0x27: {  	v1 =	vmax.f32 v1, $0.0e+00  }
0x28: {  	v1 =	vmin.f32 v1, $4.999999620e+01  }
0x29: {  	v1 =	vmul.f32 $8.190000150e+01, v1  }
0x2a: {  	v2 =	vld [tilespmem:s21+$0x1870]  }
0x2b: {  	s22 =	simm.s32 $0x10;
	v3 =	vtrunc.f32 v1  }
0x2c: {  	v4 =	vld [tilespmem:s22+$0x0];
	v3 =	vcvt.f32.s32 v3  }
0x2d: {  	v5 =	vld [tilespmem:s22+$0xC38]  }
0x2e: {  	v6 =	vadd.s32 $0x1, v3  }
0x2f: {  	v2 =	vshll.u32 v2, $0xC;
	vm0 =	vlt.s32 v6, $0xFFF  }
0x30: {  	v7 =	vadd.s32 v3, v2;
	v6 =	vnsel vm0, $0xFFF, v6  }
0x31: {  	v2 =	vadd.s32 v2, v6  }
0x32: {  	v4 =	vadd.f32 v5, v4;
	_ =	sdelay $0x1  }
0x33: {  	v4 =	vmax.f32 v4, $0.0e+00  }
0x34: {  	v4 =	vmin.f32 v4, $4.999999620e+01;
	v5 =	vld.idx.msk [tilespmem:v7+s14+$0x0], $0xffff  }
0x35: {  	v8 =	vmul.f32 $8.190000150e+01, v4;
	v6 =	vld.idx.msk [tilespmem:v2+s14+$0x0], $0xffff  }
0x36: {  	v4 =	vld [tilespmem:s22+$0x1870]  }
0x37: {  	s20 =	simm.s32 $0x20;
	v9 =	vtrunc.f32 v8  }
0x38: {  	v10 =	vld [tilespmem:s20+$0x0];
	v9 =	vcvt.f32.s32 v9;
	v3 =	vcvt.s32.f32 v3  }
0x39: {  	v11 =	vld [tilespmem:s20+$0xC38]  }
0x3a: {  	v12 =	vadd.s32 $0x1, v9;
	v1 =	vsub.f32 v1, v3;
	v3 =	vsub.f32 v6, v5  }
0x3b: {  	v4 =	vshll.u32 v4, $0xC;
	vm13 =	vlt.s32 v12, $0xFFF  }
0x3c: {  	v6 =	vnsel vm13, $0xFFF, v12;
	v12 =	vadd.s32 v9, v4;
	v3 =	vmul.f32 v1, v3  }
0x3d: {  	v13 =	vadd.s32 v4, v6  }
0x3e: {  	v4 =	vadd.f32 v11, v10;
	v3 =	vadd.f32 v3, v5  }
0x3f: {  	v7 =	vld.idx.msk [tilespmem:v7+s12+$0x0], $0xffff  }
0x40: {  	v5 =	vld.idx.msk [tilespmem:v2+s12+$0x0], $0xffff;
	v2 =	vmax.f32 v4, $0.0e+00;
	[tilespmem:s21+$0x24A8] =	vst v3  }
0x41: {  	v2 =	vmin.f32 v2, $4.999999620e+01;
	v3 =	vld.idx.msk [tilespmem:v12+s14+$0x0], $0xffff  }
0x42: {  	v4 =	vmul.f32 $8.190000150e+01, v2;
	v6 =	vld.idx.msk [tilespmem:v13+s14+$0x0], $0xffff  }
0x43: {  	v10 =	vld [tilespmem:s20+$0x1870]  }
0x44: {  	s21 =	simm.s32 $0x30;
	v2 =	vtrunc.f32 v4  }
0x45: {  	v11 =	vld [tilespmem:s21+$0x0];
	v14 =	vcvt.f32.s32 v2;
	v2 =	vcvt.s32.f32 v9  }
0x46: {  	v15 =	vld [tilespmem:s21+$0xC38]  }
0x47: {  	v9 =	vadd.s32 $0x1, v14;
	v2 =	vsub.f32 v8, v2;
	v6 =	vsub.f32 v6, v3  }
0x48: {  	v8 =	vsub.f32 v5, v7;
	vm14 =	vlt.s32 v9, $0xFFF;
	v10 =	vshll.u32 v10, $0xC  }
0x49: {  	v9 =	vnsel vm14, $0xFFF, v9;
	v5 =	vadd.s32 v14, v10;
	v16 =	vmul.f32 v2, v6  }
0x4a: {  	v6 =	vadd.s32 v10, v9  }
0x4b: {  	v11 =	vadd.f32 v15, v11;
	v1 =	vmul.f32 v1, v8;
	v8 =	vadd.f32 v16, v3  }
0x4c: {  	v10 =	vld.idx.msk [tilespmem:v13+s12+$0x0], $0xffff  }
0x4d: {  	v9 =	vmax.f32 v11, $0.0e+00;
	v3 =	vld.idx.msk [tilespmem:v12+s12+$0x0], $0xffff;
	[tilespmem:s22+$0x24A8] =	vst v8  }
0x4e: {  	v1 =	vadd.f32 v1, v7;
	v7 =	vmov s11;
	v9 =	vmin.f32 v9, $4.999999620e+01;
	v8 =	vld.idx.msk [tilespmem:v5+s14+$0x0], $0xffff  }
0x4f: {  	vm15 =	vlt.u32 v7, v0;
	v9 =	vmul.f32 $8.190000150e+01, v9;
	v11 =	vld.idx.msk [tilespmem:v6+s14+$0x0], $0xffff  }
0x50: {  	v7 =	vimm.f32 $0.0e+00;
	v1 =	vnsel vm15, $0x0, v1;
	v12 =	vld [tilespmem:s21+$0x1870]  }
0x51: {  	v1 =	vadd.f32 v1, v7;
	v7 =	vtrunc.f32 v9  }
0x52: {  	s24 =	simm.s32 $0x140;
	s23 =	smov.u32 s11;
	v13 =	vcvt.s32.f32 v14;
	s22 =	simm.s32 $0x40;
	v7 =	vcvt.f32.s32 v7;
	v10 =	vsub.f32 v10, v3  }
.LBB2_2:
0x53: {  	p0 =	sne.s32 s24, $0x3080;
	v14 =	vld [tilespmem:s22+$0x0]  }
0x54: {  	v11 =	vsub.f32 v11, v8;
	v15 =	vld [tilespmem:s22+$0xC38];
	v16 =	vadd.s32 $0x1, v7;
	v13 =	vsub.f32 v4, v13;
	v4 =	vmovc v9  }
0x55: {  	v10 =	vmul.f32 v2, v10;
	vm0 =	vlt.s32 v16, $0xFFF;
	v9 =	vshll.u32 v12, $0xC  }
0x56: {  	s23 =	sadd.s32 $0x10, s23;
	v12 =	vnsel vm0, $0xFFF, v16;
	v16 =	vadd.s32 v7, v9;
	v11 =	vmul.f32 v13, v11;
	v2 =	vmovc v13  }
0x57: {  	v3 =	vadd.f32 v10, v3;
	v10 =	vmov s23;
	v9 =	vadd.s32 v9, v12  }
0x58: {  	vm0 =	vlt.u32 v10, v0;
	v8 =	vadd.f32 v11, v8  }
0x59: {  	v11 =	vnsel vm0, $0x0, v3;
	v10 =	vadd.f32 v15, v14;
	v14 =	vld.idx.msk [tilespmem:v6+s12+$0x0], $0xffff;
	v6 =	vmov v9  }
0x5a: {  	v1 =	vadd.f32 v11, v1;
	v3 =	vld.idx.msk [tilespmem:v5+s12+$0x0], $0xffff;
	[tilespmem:s20+$0x24A8] =	vst v8;
	v5 =	vmov v16;
	s20 =	smov.u32 s21;
	s21 =	smov.u32 s22  }
0x5b: {  	v10 =	vmax.f32 v10, $0.0e+00;
	v8 =	vld.idx.msk [tilespmem:v16+s14+$0x0], $0xffff  }
.Ltmp0:
0x5c: {  	v10 =	vmin.f32 v10, $4.999999620e+01;
	v11 =	vld.idx.msk [tilespmem:v9+s14+$0x0], $0xffff;
	(pc) =	sbr.rel @p0 .LBB2_2-.Ltmp0, $4  }
0x5d: {  	v9 =	vmul.f32 $8.190000150e+01, v10  }
0x5e: {  	v12 =	vld [tilespmem:s21+$0x1870]  }
0x5f: {  	v10 =	vtrunc.f32 v9  }
0x60: {  	v13 =	vcvt.s32.f32 v7;
	s22 =	sshra.s32 s24, $0x2;
	s24 =	sadd.s32 $0x40, s24;
	v7 =	vcvt.f32.s32 v10;
	v10 =	vsub.f32 v14, v3  }
0x61: {  	v14 =	vld [tilespmem:s22+$0x0]  }
0x62: {  	v15 =	vld [tilespmem:s22+$0xC38]  }
0x63: {  	v11 =	vsub.f32 v11, v8;
	v16 =	vadd.s32 $0x1, v7;
	v4 =	vsub.f32 v4, v13  }
0x64: {  	vm0 =	vlt.s32 v16, $0xFFF;
	v12 =	vshll.u32 v12, $0xC  }
0x65: {  	v39 =	vnsel vm0, $0xFFF, v16;
	v40 =	vadd.s32 v7, v12;
	v11 =	vmul.f32 v4, v11  }
0x66: {  	v12 =	vadd.s32 v12, v39  }
0x67: {  	v41 =	vadd.f32 v11, v8;
	v42 =	vadd.f32 v15, v14  }
0x68: {  	v6 =	vld.idx.msk [tilespmem:v6+s12+$0x0], $0xffff  }
0x69: {  	v5 =	vld.idx.msk [tilespmem:v5+s12+$0x0], $0xffff;
	[tilespmem:s20+$0x24A8] =	vst v41;
	v43 =	vmax.f32 v42, $0.0e+00  }
0x6a: {  	v44 =	vld.idx.msk [tilespmem:v40+s14+$0x0], $0xffff;
	v8 =	vmin.f32 v43, $4.999999620e+01  }
0x6b: {  	v13 =	vld.idx.msk [tilespmem:v12+s14+$0x0], $0xffff;
	v8 =	vmul.f32 $8.190000150e+01, v8  }
0x6c: {  	v45 =	vld [tilespmem:s22+$0x1870]  }
0x6d: {  	v46 =	vtrunc.f32 v8  }
0x6e: {  	v47 =	vcvt.s32.f32 v7;
	v15 =	vcvt.f32.s32 v46;
	_ =	sdelay $0x1  }
0x6f: {  	v7 =	vsub.f32 v9, v47;
	v17 =	vadd.s32 $0x1, v15;
	v48 =	vsub.f32 v13, v44  }
0x70: {  	v49 =	vshll.u32 v45, $0xC;
	vm11 =	vlt.s32 v17, $0xFFF  }
0x71: {  	v51 =	vadd.s32 v15, v49;
	v50 =	vnsel vm11, $0xFFF, v17;
	v9 =	vmul.f32 v7, v48  }
0x72: {  	v13 =	vadd.s32 v49, v50  }
0x73: {  	v9 =	vadd.f32 v9, v44  }
0x74: {  	v53 =	vld.idx.msk [tilespmem:v40+s12+$0x0], $0xffff  }
0x75: {  	v52 =	vld.idx.msk [tilespmem:v12+s12+$0x0], $0xffff;
	[tilespmem:s21+$0x24A8] =	vst v9  }
0x76: {  	v54 =	vld.idx.msk [tilespmem:v51+s12+$0x0], $0xffff  }
0x77: {  	s31 =	sadd.s32 $0x10, s23;
	v2 =	vmul.f32 v2, v10;
	v6 =	vsub.f32 v6, v5;
	v14 =	vld.idx.msk [tilespmem:v13+s12+$0x0], $0xffff  }
0x78: {  	v55 =	vmov s31;
	v9 =	vld.idx.msk [tilespmem:v51+s14+$0x0], $0xffff  }
0x79: {  	vm12 =	vlt.u32 v55, v0;
	v2 =	vadd.f32 v2, v3;
	v3 =	vmul.f32 v4, v6;
	s20 =	sadd.s32 $0x10, s31;
	v13 =	vld.idx.msk [tilespmem:v13+s14+$0x0], $0xffff  }
0x7a: {  	v56 =	vmov s20;
	v57 =	vcvt.s32.f32 v15;
	v11 =	vsub.f32 v52, v53  }
0x7b: {  	v2 =	vnsel vm12, $0x0, v2;
	v3 =	vadd.f32 v3, v5;
	vm13 =	vlt.u32 v56, v0  }
0x7c: {  	s20 =	sadd.s32 $0x10, s20;
	v58 =	vsub.f32 v8, v57;
	v59 =	vmul.f32 v7, v11;
	v60 =	vsub.f32 v14, v54  }
0x7d: {  	v1 =	vadd.f32 v2, v1;
	v61 =	vmov s20;
	v2 =	vnsel vm13, $0x0, v3  }
0x7e: {  	s20 =	sadd.s32 $0x10, s20;
	v5 =	vadd.f32 v59, v53;
	v3 =	vsub.f32 v13, v9;
	v6 =	vmul.f32 v58, v60  }
0x7f: {  	vm14 =	vlt.u32 v61, v0;
	v63 =	vmov s20;
	v1 =	vadd.f32 v2, v1  }
0x80: {  	v2 =	vmul.f32 v58, v3;
	v3 =	vnsel vm14, $0x0, v5;
	v62 =	vadd.f32 v6, v54  }
0x81: {  	vm15 =	vlt.u32 v63, v0;
	v1 =	vadd.f32 v3, v1  }
0x82: {  	v2 =	vadd.f32 v2, v9;
	v3 =	vnsel vm15, $0x0, v62  }
0x83: {  	v1 =	vadd.f32 v3, v1  }
0x84: {  	[tilespmem:s22+$0x24A8] =	vst v2  }
0x85: {  	[tilespmem:$0x70E0] =	vst v1  }
0x86: {  	[hbm4b:s8+s2] =	stream.linear.scatter [tilespmem:s17], [sflag:$0x1], $0xC38, $0x38;
	[tilespmem:$0x70F0] =	vst v63  }
0x87: {  	s19 =	sadd.s32 $0x1, s19;
	_ =	swait.ge [sflag:s13], $0xC38  }
0x88: {  	p0 =	sne.s32 s19, s10;
	[sflag:s13] =	ssyncset.done $0x0  }
.Ltmp1:
0x89: {  	[sflag:s13] =	ssyncadd.s32 $0xFFFFF3C8;
	(pc) =	sbr.rel @p0 .LBB2_1-.Ltmp1, $4  }
0x8a: {  	[hbm4b:s9+s2] =	stream.linear.scatter [tilespmem:s18], [sflag:$0x1], $0x10, $0x38;
	[tilespmem:$0x70F0] =	vst v63  }
0x8b: {  	_ =	swait.ge [sflag:s13], $0x10  }
0x8c: {  	[sflag:s13] =	ssyncset.done $0x0  }
0x8d: {  	[sflag:s13] =	ssyncadd.s32 $0xFFFFFFF0  }
0x8e: {  	_ =	sfence.sel $0x180000  }
0x8f: {  	[bflag:$0x0] =	sbarrier.arrive $0xFFFF  }
0x90: {  	p0 =	sne.s32 s1, $0x0;
	_ =	strace $0x9000004A  }
0x91: {  	s0 =	sadd.s32 @!p0 $0x100000, s0;
	[bflag:$0x2] =	sbarrier.arrive $0xFFFF  }
0x92: {  	[sflag:s0] =	ssyncadd.tile.s32 @!p0 $0x1;
	_ =	shalt  }
.Lfunc_end2:
_tile_overlayer_lowered:
.L_overlay_start_2:
0x93: {  	(tag) =	ssettag $0x2  }
0x94: {  	s0 =	rddreg [dreg:$0x0];
	s2 =	stileid.u32  }
0x95: {  	s1 =	rddreg [dreg:$0x1];
	p0 =	sne.s32 s2, $0x0  }
0x96: {  	s3 =	rddreg [dreg:$0x2];
	[bflag:$0x3] =	sbarrier.arrive $0xFFFF;
	s2 =	simm.s32 @!p0 $0x1C01  }
0x97: {  	[timem:s3], [sflag:s2] =	dma.local @!p0 [hbm:s0], s1  }
0x98: {  	s0 =	simm.s32 @!p0 $0x1  }
0x99: {  	_ =	swait.ge @!p0 [sflag:s0], s1  }
0x9a: {  	s1 =	ssub.s32 @!p0 $0x0, s1;
	[sflag:s0] =	ssyncset.done @!p0 $0x0  }
0x9b: {  	[sflag:s0] =	ssyncadd.s32 @!p0 s1  }
0x9c: {  	[bflag:$0x3] =	sbarrier.arrive $0xFFFF  }
0x9d: {  	_ =	shalt  }

</sc_bundles>
